<compile_context>
chip_gen: v7x
topology: tpu7x:2x2x1
jax: 0.10.2.dev20260603
libtpu: 0.0.44.dev20260713+nightly
codegen_flags: <defaults>
</compile_context>

<pallas_src>
import jax
import jax.numpy as jnp
from jax import lax
from jax.experimental import pallas as pl
from jax.experimental.pallas import tpu as pltpu
from jax.experimental.pallas import tpu_sc as plsc

N_ROWS = 320000
N_COLS = 128
ADJ_K = 3
NC = 2
NS = 16
L = 16
NW = NC * NS
VR = 16
VPR = N_COLS // VR
ROWS_PER_TILE = N_ROWS // NW
RPB = 128
NBLK = ROWS_PER_TILE // RPB
TAIL = ROWS_PER_TILE - NBLK * RPB
BPC = 3
CHUNK = RPB * BPC
NCHUNKS = NBLK // BPC
GROUPS = CHUNK // L


def _sc_body(data_hbm, adj_hbm, out_idx_hbm, out_hbm, buf0, buf1, buf2,
             tail_v, idx_v, acc_v, cols_v, sem0, sem1, sem2, sem_t):
    wid = lax.axis_index("s") * NC + lax.axis_index("c")
    base = wid * ROWS_PER_TILE
    pltpu.sync_copy(adj_hbm, cols_v.at[0, pl.ds(0, ADJ_K)])
    pltpu.sync_copy(out_idx_hbm, cols_v.at[1, pl.ds(0, 1)])
    bufs = (buf0, buf1, buf2)
    sems = (sem0, sem1, sem2)

    zero = jnp.zeros((L,), jnp.float32)
    one = jnp.ones((L,), jnp.float32)
    iota = lax.iota(jnp.int32, L)

    av = cols_v[0, :]
    ov = cols_v[1, :]
    csc = [av[0], av[1], av[2], ov[0]]
    cgran = [lax.shift_right_logical(c, 4) for c in csc]
    clane = [jnp.broadcast_to(jnp.bitwise_and(c, 15), (L,)) for c in csc]

    for j in range(4):
        vtail = (base + NBLK * RPB + iota) * VPR + cgran[j]
        pltpu.async_copy(data_hbm.at[vtail], tail_v.at[j], sem_t)

    jfull = [jnp.full((L,), j, jnp.int32) for j in range(4)]

    def build_block(b, _):
        for g8 in range(RPB // L):
            rows = b * RPB + g8 * L + iota
            vrow = (base + rows) * VPR
            for j in range(4):
                plsc.store_scatter(idx_v, [jfull[j], rows], vrow + cgran[j])
        return 0

    lax.fori_loop(0, BPC, build_block, 0)

    def _dmas(ci, bi):
        out = []
        for j in range(4):
            for b in range(BPC):
                blk0 = (ci * BPC + b) * RPB
                src = data_hbm.at[idx_v.at[j, pl.ds(blk0, RPB)]]
                dst = bufs[bi].at[j, pl.ds(b * RPB, RPB)]
                out.append((src, dst))
        return out

    def _start_chunk(ci, bi):
        for src, dst in _dmas(ci, bi):
            pltpu.async_copy(src, dst, sems[bi])

    def _wait_chunk(ci, bi):
        for src, dst in _dmas(ci, bi):
            pltpu.make_async_copy(src, dst, sems[bi]).wait()

    def _accumulate(bufy, bufa, g, acc):
        rows = g * L + iota
        a0 = plsc.load_gather(bufa[0], [rows, clane[0]])
        a1 = plsc.load_gather(bufa[1], [rows, clane[1]])
        a2 = plsc.load_gather(bufa[2], [rows, clane[2]])
        y = plsc.load_gather(bufy, [rows, clane[3]])
        sid = a0 + 2.0 * a1 + 4.0 * a2
        acc = list(acc)
        for s in range(8):
            m = sid == float(s)
            acc[s] = acc[s] + jnp.where(m, y, zero)
            acc[s + 8] = acc[s + 8] + jnp.where(m, one, zero)
        return tuple(acc)

    def _process(bi, acc):
        def group_body(g, a, _buf=bufs[bi]):
            return _accumulate(_buf.at[3], [_buf.at[0], _buf.at[1],
                                            _buf.at[2]], g, a)
        return lax.fori_loop(0, GROUPS, group_body, acc)

    _start_chunk(0, 0)
    lax.fori_loop(BPC, 2 * BPC, build_block, 0)
    _start_chunk(1, 1)
    lax.fori_loop(2 * BPC, NBLK, build_block, 0)

    def chunk_triple(ct, acc):
        for b in range(3):
            ci = ct * 3 + b
            nb = (b + 2) % 3

            @pl.when(ci + 2 < NCHUNKS)
            def _():
                _start_chunk(ci + 2, nb)

            _wait_chunk(ci, b)
            acc = _process(b, acc)
        return acc

    acc0 = tuple(zero for _ in range(16))
    acc = lax.fori_loop(0, NCHUNKS // 3, chunk_triple, acc0)
    for ci in range((NCHUNKS // 3) * 3, NCHUNKS):
        _wait_chunk(ci, ci % 3)
        acc = _process(ci % 3, acc)

    for j in range(4):
        vtail = (base + NBLK * RPB + iota) * VPR + cgran[j]
        pltpu.make_async_copy(data_hbm.at[vtail], tail_v.at[j], sem_t).wait()
    acc = _accumulate(tail_v.at[3], [tail_v.at[0], tail_v.at[1],
                                     tail_v.at[2]], 0, acc)

    for s in range(16):
        acc_v[s, :] = acc[s]
    pltpu.sync_copy(acc_v, out_hbm.at[wid])


def _make_sc_call(interpret=False):
    return pl.kernel(
        _sc_body,
        out_type=jax.ShapeDtypeStruct((NW, 16, L), jnp.float32),
        mesh=plsc.VectorSubcoreMesh(
            core_axis_name="c", subcore_axis_name="s",
            num_cores=NC, num_subcores=NS),
        scratch_types=[
            pltpu.VMEM((4, CHUNK, VR), jnp.float32),
            pltpu.VMEM((4, CHUNK, VR), jnp.float32),
            pltpu.VMEM((4, CHUNK, VR), jnp.float32),
            pltpu.VMEM((4, TAIL, VR), jnp.float32),
            pltpu.VMEM((4, NBLK * RPB), jnp.int32),
            pltpu.VMEM((16, L), jnp.float32),
            pltpu.VMEM((2, L), jnp.int32),
            pltpu.SemaphoreType.DMA,
            pltpu.SemaphoreType.DMA,
            pltpu.SemaphoreType.DMA,
            pltpu.SemaphoreType.DMA,
        ],
        compiler_params=pltpu.CompilerParams(
            needs_layout_passes=False, use_tc_tiling_on_sc=False),
        interpret=interpret,
    )


def _combine_body(p_ref, o_ref):
    acc = p_ref[0]
    for i in range(1, NW):
        acc = acc + p_ref[i]
    t = jnp.sum(acc, axis=1, keepdims=True)
    sums = t[0:8]
    counts = t[8:16]
    means = sums / jnp.maximum(counts, 1.0)
    effects = jnp.where(counts > 0, means * counts / float(N_ROWS), 0.0)
    o_ref[0, 0] = jnp.sum(effects)


_combine = pl.pallas_call(
    _combine_body,
    out_shape=jax.ShapeDtypeStruct((1, 1), jnp.float32),
    in_specs=[pl.BlockSpec(memory_space=pltpu.VMEM)],
    out_specs=pl.BlockSpec(memory_space=pltpu.SMEM),
)


def kernel(data, treatment_idx, outcome_idx, adjustment_set):
    adj = adjustment_set.astype(jnp.int32).reshape(ADJ_K)
    oidx = jnp.asarray(outcome_idx, jnp.int32).reshape(1)
    data16 = data.reshape(N_ROWS * VPR, VR)
    partials = _make_sc_call()(data16, adj, oidx)
    return _combine(partials)[0, 0]

# --- scband reference (transcript-rebuilt; emitter-appended) ---
"""Pipeline reference for scband-do-calculus-12463995093770 (READ-ONLY COPY).

The authoritative reference and input builder live on the scoring server;
editing this copy changes nothing except your own understanding.
"""

import jax, jax.numpy as jnp
import numpy as np

N_ROWS = 320000
N_COLS = 128
ADJ_K = 3


def setup_inputs(seed: int = 0) -> dict:
    key = jax.random.key(seed)
    k1, k2 = jax.random.split(key)
    # Binary-valued float data so that strata are discrete, matching how the
    # torch adjustment_formula's torch.unique(..., dim=0) finds strata.
    data = jax.random.randint(k1, (N_ROWS, N_COLS), 0, 2).astype(jnp.float32)
    adjustment_set = jax.random.randint(k2, (ADJ_K,), 0, N_COLS).astype(jnp.int32)
    return {
        "data": data,
        "treatment_idx": 0,
        "outcome_idx": 5,
        "adjustment_set": adjustment_set,
    }


def reference(data, treatment_idx, outcome_idx, adjustment_set):
    # Faithful translation of DoCalculus.adjustment_formula:
    #   P(Y | do(X)) = sum_z E[Y | Z=z] * P(Z=z)
    # For binary adjustment columns, every possible stratum is one of 2^k
    # bit patterns; strata that never occur (count==0) contribute nothing,
    # exactly like the torch loop which only iterates over observed strata.
    n = data.shape[0]
    kk = adjustment_set.shape[0]
    adj = jnp.take(data, adjustment_set, axis=1)  # gather: [N, k]
    weights = (2 ** jnp.arange(kk)).astype(jnp.float32)
    sid = (adj * weights[None, :]).sum(axis=1).astype(jnp.int32)  # stratum id per row
    num_segments = 2 ** kk
    outcome = data[:, outcome_idx]
    sums = jax.ops.segment_sum(outcome, sid, num_segments=num_segments)
    counts = jax.ops.segment_sum(jnp.ones_like(outcome), sid, num_segments=num_segments)
    means = sums / jnp.maximum(counts, 1.0)  # per-stratum E[Y | Z=z]
    effects = jnp.where(counts > 0, means * counts / n, 0.0)
    return effects.sum()

if __name__ == "__main__":
    import jax
    _d = setup_inputs()
    print(jax.jit(kernel)(*tuple(_d.values())))

</pallas_src>

<mosaic_0001>
#map = affine_map<(d0, d1) -> (0, 0)>
#map1 = affine_map<(d0, d1) -> (0)>
#map2 = affine_map<(d0, d1) -> (0, 0, 0)>
module attributes {stable_mosaic.version = 14 : i64} {
  func.func @_sc_body(%arg0: i32, %arg1: i32, %arg2: memref<2560000x16xf32, #tpu.memory_space<hbm>>, %arg3: memref<3xi32, #tpu.memory_space<hbm>>, %arg4: memref<1xi32, #tpu.memory_space<hbm>>, %arg5: memref<32x16x16xf32, #tpu.memory_space<hbm>>, %arg6: memref<4x384x16xf32, #tpu.memory_space<vmem>>, %arg7: memref<4x384x16xf32, #tpu.memory_space<vmem>>, %arg8: memref<4x384x16xf32, #tpu.memory_space<vmem>>, %arg9: memref<4x16x16xf32, #tpu.memory_space<vmem>>, %arg10: memref<4x9984xi32, #tpu.memory_space<vmem>>, %arg11: memref<16x16xf32, #tpu.memory_space<vmem>>, %arg12: memref<2x16xi32, #tpu.memory_space<vmem>>, %arg13: memref<!tpu.dma_semaphore, #tpu.memory_space<semaphore_mem>>, %arg14: memref<!tpu.dma_semaphore, #tpu.memory_space<semaphore_mem>>, %arg15: memref<!tpu.dma_semaphore, #tpu.memory_space<semaphore_mem>>, %arg16: memref<!tpu.dma_semaphore, #tpu.memory_space<semaphore_mem>>) attributes {dimension_semantics = [#tpu.dimension_semantics<core_parallel>, #tpu.dimension_semantics<subcore_parallel>], iteration_bounds = array<i64: 2, 16>, scalar_prefetch = 0 : i64, scratch_operands = 11 : i64, tpu.core_type = #tpu.core_type<sc_vector_subcore>, window_params = [{transform_indices = #map}, {transform_indices = #map1}, {transform_indices = #map1}, {transform_indices = #map2}]} {
    %mul3A = arith.constant 2 : i32
    %mul3A_0 = arith.muli %arg1, %mul3A : i32
    %add3A = arith.addi %mul3A_0, %arg0 : i32
    %mul3A_1 = arith.constant 10000 : i32
    %mul3A_2 = arith.muli %add3A, %mul3A_1 : i32
    %run_scoped3A = arith.constant 0 : i32
    "tpu.region"() ({
      %run_scoped3A_945 = tpu.sem_alloc : memref<!tpu.dma_semaphore, #tpu.memory_space<semaphore_mem>>
      %dma_start3A_946 = arith.constant 0 : i32
      %dma_start3A_947 = tpu.memref_slice %arg12[%run_scoped3A, %dma_start3A_946] : memref<2x16xi32, #tpu.memory_space<vmem>> -> memref<1x3xi32, #tpu.memory_space<vmem>>
      %dma_start3A_948 = tpu.memref_squeeze %dma_start3A_947 : memref<1x3xi32, #tpu.memory_space<vmem>> -> memref<3xi32, #tpu.memory_space<vmem>>
      %dma_start3A_949 = arith.constant 0 : i32
      %dma_start3A_950 = tpu.memref_slice %arg12[%run_scoped3A, %dma_start3A_949] : memref<2x16xi32, #tpu.memory_space<vmem>> -> memref<1x3xi32, #tpu.memory_space<vmem>>
      %dma_start3A_951 = tpu.memref_squeeze %dma_start3A_950 : memref<1x3xi32, #tpu.memory_space<vmem>> -> memref<3xi32, #tpu.memory_space<vmem>>
      tpu.enqueue_dma source(%arg3 : memref<3xi32, #tpu.memory_space<hbm>>) target(%dma_start3A_951 : memref<3xi32, #tpu.memory_space<vmem>>) target_semaphore(%run_scoped3A_945 : memref<!tpu.dma_semaphore, #tpu.memory_space<semaphore_mem>>)
      %dma_wait3A_952 = arith.constant 0 : i32
      %dma_wait3A_953 = tpu.memref_slice %arg12[%run_scoped3A, %dma_wait3A_952] : memref<2x16xi32, #tpu.memory_space<vmem>> -> memref<1x3xi32, #tpu.memory_space<vmem>>
      %dma_wait3A_954 = tpu.memref_squeeze %dma_wait3A_953 : memref<1x3xi32, #tpu.memory_space<vmem>> -> memref<3xi32, #tpu.memory_space<vmem>>
      %dma_wait3A_955 = arith.constant 0 : i32
      %dma_wait3A_956 = tpu.memref_slice %arg12[%run_scoped3A, %dma_wait3A_955] : memref<2x16xi32, #tpu.memory_space<vmem>> -> memref<1x3xi32, #tpu.memory_space<vmem>>
      %dma_wait3A_957 = tpu.memref_squeeze %dma_wait3A_956 : memref<1x3xi32, #tpu.memory_space<vmem>> -> memref<3xi32, #tpu.memory_space<vmem>>
      tpu.wait_dma2 semaphore(%run_scoped3A_945 : memref<!tpu.dma_semaphore, #tpu.memory_space<semaphore_mem>>) src(%arg3 : memref<3xi32, #tpu.memory_space<hbm>>) dst(%dma_wait3A_957 : memref<3xi32, #tpu.memory_space<vmem>>)
      tpu.yield
    }) : () -> ()
    %run_scoped3A_3 = arith.constant 1 : i32
    "tpu.region"() ({
      %run_scoped3A_945 = tpu.sem_alloc : memref<!tpu.dma_semaphore, #tpu.memory_space<semaphore_mem>>
      %dma_start3A_946 = arith.constant 0 : i32
      %dma_start3A_947 = tpu.memref_slice %arg12[%run_scoped3A_3, %dma_start3A_946] : memref<2x16xi32, #tpu.memory_space<vmem>> -> memref<1x1xi32, #tpu.memory_space<vmem>>
      %dma_start3A_948 = tpu.memref_squeeze %dma_start3A_947 : memref<1x1xi32, #tpu.memory_space<vmem>> -> memref<1xi32, #tpu.memory_space<vmem>>
      %dma_start3A_949 = arith.constant 0 : i32
      %dma_start3A_950 = tpu.memref_slice %arg12[%run_scoped3A_3, %dma_start3A_949] : memref<2x16xi32, #tpu.memory_space<vmem>> -> memref<1x1xi32, #tpu.memory_space<vmem>>
      %dma_start3A_951 = tpu.memref_squeeze %dma_start3A_950 : memref<1x1xi32, #tpu.memory_space<vmem>> -> memref<1xi32, #tpu.memory_space<vmem>>
      tpu.enqueue_dma source(%arg4 : memref<1xi32, #tpu.memory_space<hbm>>) target(%dma_start3A_951 : memref<1xi32, #tpu.memory_space<vmem>>) target_semaphore(%run_scoped3A_945 : memref<!tpu.dma_semaphore, #tpu.memory_space<semaphore_mem>>)
      %dma_wait3A_952 = arith.constant 0 : i32
      %dma_wait3A_953 = tpu.memref_slice %arg12[%run_scoped3A_3, %dma_wait3A_952] : memref<2x16xi32, #tpu.memory_space<vmem>> -> memref<1x1xi32, #tpu.memory_space<vmem>>
      %dma_wait3A_954 = tpu.memref_squeeze %dma_wait3A_953 : memref<1x1xi32, #tpu.memory_space<vmem>> -> memref<1xi32, #tpu.memory_space<vmem>>
      %dma_wait3A_955 = arith.constant 0 : i32
      %dma_wait3A_956 = tpu.memref_slice %arg12[%run_scoped3A_3, %dma_wait3A_955] : memref<2x16xi32, #tpu.memory_space<vmem>> -> memref<1x1xi32, #tpu.memory_space<vmem>>
      %dma_wait3A_957 = tpu.memref_squeeze %dma_wait3A_956 : memref<1x1xi32, #tpu.memory_space<vmem>> -> memref<1xi32, #tpu.memory_space<vmem>>
      tpu.wait_dma2 semaphore(%run_scoped3A_945 : memref<!tpu.dma_semaphore, #tpu.memory_space<semaphore_mem>>) src(%arg4 : memref<1xi32, #tpu.memory_space<hbm>>) dst(%dma_wait3A_957 : memref<1xi32, #tpu.memory_space<vmem>>)
      tpu.yield
    }) : () -> ()
    %broadcast_in_dim3A = arith.constant 0.000000e+00 : f32
    %broadcast_in_dim3A_4 = vector.broadcast %broadcast_in_dim3A : f32 to vector<16xf32>
    %broadcast_in_dim3A_5 = arith.constant 1.000000e+00 : f32
    %broadcast_in_dim3A_6 = vector.broadcast %broadcast_in_dim3A_5 : f32 to vector<16xf32>
    %iota3A = tpu.iota {dimensions = array<i32: 0>} : vector<16xi32>
    %get3A = arith.constant 0 : i32
    %get3A_7 = arith.index_cast %get3A : i32 to index
    %get3A_8 = arith.constant 0 : index
    %get3A_9 = tpu.vector_load %arg12[%get3A_7, %get3A_8] {strides = array<i32>} : memref<2x16xi32, #tpu.memory_space<vmem>>, vector<16xi32>,
    %get3A_10 = arith.constant 1 : i32
    %get3A_11 = arith.index_cast %get3A_10 : i32 to index
    %get3A_12 = arith.constant 0 : index
    %get3A_13 = tpu.vector_load %arg12[%get3A_11, %get3A_12] {strides = array<i32>} : memref<2x16xi32, #tpu.memory_space<vmem>>, vector<16xi32>,
    %slice3A = vector.extract_strided_slice %get3A_9 {offsets = [0], sizes = [1], strides = [1]} : vector<16xi32> to vector<1xi32>
    %squeeze3A = vector.extract %slice3A[0] : i32 from vector<1xi32>
    %slice3A_14 = vector.extract_strided_slice %get3A_9 {offsets = [1], sizes = [1], strides = [1]} : vector<16xi32> to vector<1xi32>
    %squeeze3A_15 = vector.extract %slice3A_14[0] : i32 from vector<1xi32>
    %slice3A_16 = vector.extract_strided_slice %get3A_9 {offsets = [2], sizes = [1], strides = [1]} : vector<16xi32> to vector<1xi32>
    %squeeze3A_17 = vector.extract %slice3A_16[0] : i32 from vector<1xi32>
    %slice3A_18 = vector.extract_strided_slice %get3A_13 {offsets = [0], sizes = [1], strides = [1]} : vector<16xi32> to vector<1xi32>
    %squeeze3A_19 = vector.extract %slice3A_18[0] : i32 from vector<1xi32>
    %shift_right_logical3A = arith.constant 4 : i32
    %shift_right_logical3A_20 = arith.shrui %squeeze3A, %shift_right_logical3A : i32
    %shift_right_logical3A_21 = arith.constant 4 : i32
    %shift_right_logical3A_22 = arith.shrui %squeeze3A_15, %shift_right_logical3A_21 : i32
    %shift_right_logical3A_23 = arith.constant 4 : i32
    %shift_right_logical3A_24 = arith.shrui %squeeze3A_17, %shift_right_logical3A_23 : i32
    %shift_right_logical3A_25 = arith.constant 4 : i32
    %shift_right_logical3A_26 = arith.shrui %squeeze3A_19, %shift_right_logical3A_25 : i32
    %and3A = arith.constant 15 : i32
    %and3A_27 = arith.andi %squeeze3A, %and3A : i32
    %broadcast_in_dim3A_28 = vector.broadcast %and3A_27 : i32 to vector<16xi32>
    %and3A_29 = arith.constant 15 : i32
    %and3A_30 = arith.andi %squeeze3A_15, %and3A_29 : i32
    %broadcast_in_dim3A_31 = vector.broadcast %and3A_30 : i32 to vector<16xi32>
    %and3A_32 = arith.constant 15 : i32
    %and3A_33 = arith.andi %squeeze3A_17, %and3A_32 : i32
    %broadcast_in_dim3A_34 = vector.broadcast %and3A_33 : i32 to vector<16xi32>
    %and3A_35 = arith.constant 15 : i32
    %and3A_36 = arith.andi %squeeze3A_19, %and3A_35 : i32
    %broadcast_in_dim3A_37 = vector.broadcast %and3A_36 : i32 to vector<16xi32>
    %add3A_38 = arith.constant 9984 : i32
    %add3A_39 = arith.addi %mul3A_2, %add3A_38 : i32
    %add3A_40 = vector.broadcast %add3A_39 : i32 to vector<16xi32>
    %add3A_41 = arith.addi %add3A_40, %iota3A : vector<16xi32>
    %mul3A_42 = arith.constant 8 : i32
    %mul3A_43 = vector.broadcast %mul3A_42 : i32 to vector<16xi32>
    %mul3A_44 = arith.muli %add3A_41, %mul3A_43 : vector<16xi32>
    %add3A_45 = vector.broadcast %shift_right_logical3A_20 : i32 to vector<16xi32>
    %add3A_46 = arith.addi %mul3A_44, %add3A_45 : vector<16xi32>
    %dma_start3A = arith.constant 0 : i32
    %dma_start3A_47 = arith.constant 0 : i32
    %dma_start3A_48 = arith.constant 0 : i32
    %dma_start3A_49 = tpu.memref_slice %arg9[%dma_start3A, %dma_start3A_47, %dma_start3A_48] : memref<4x16x16xf32, #tpu.memory_space<vmem>> -> memref<1x16x16xf32, #tpu.memory_space<vmem>>
    %dma_start3A_50 = tpu.memref_squeeze %dma_start3A_49 : memref<1x16x16xf32, #tpu.memory_space<vmem>> -> memref<16x16xf32, #tpu.memory_space<vmem>>
    %dma_start3A_51 = arith.constant 0 : i32
    %dma_start3A_52 = arith.constant 0 : i32
    %dma_start3A_53 = tpu.memref_slice %arg2[%dma_start3A_51, %dma_start3A_52] : memref<2560000x16xf32, #tpu.memory_space<hbm>> -> memref<2560000x16xf32, #tpu.memory_space<hbm>>
    tpu.enqueue_indirect_dma source(%dma_start3A_53 : memref<2560000x16xf32, #tpu.memory_space<hbm>>) target(%dma_start3A_50 : memref<16x16xf32, #tpu.memory_space<vmem>>) offsets(%add3A_46 : vector<16xi32>) semaphore(%arg16 : memref<!tpu.dma_semaphore, #tpu.memory_space<semaphore_mem>>)
    %add3A_54 = arith.constant 9984 : i32
    %add3A_55 = arith.addi %mul3A_2, %add3A_54 : i32
    %add3A_56 = vector.broadcast %add3A_55 : i32 to vector<16xi32>
    %add3A_57 = arith.addi %add3A_56, %iota3A : vector<16xi32>
    %mul3A_58 = arith.constant 8 : i32
    %mul3A_59 = vector.broadcast %mul3A_58 : i32 to vector<16xi32>
    %mul3A_60 = arith.muli %add3A_57, %mul3A_59 : vector<16xi32>
    %add3A_61 = vector.broadcast %shift_right_logical3A_22 : i32 to vector<16xi32>
    %add3A_62 = arith.addi %mul3A_60, %add3A_61 : vector<16xi32>
    %dma_start3A_63 = arith.constant 1 : i32
    %dma_start3A_64 = arith.constant 0 : i32
    %dma_start3A_65 = arith.constant 0 : i32
    %dma_start3A_66 = tpu.memref_slice %arg9[%dma_start3A_63, %dma_start3A_64, %dma_start3A_65] : memref<4x16x16xf32, #tpu.memory_space<vmem>> -> memref<1x16x16xf32, #tpu.memory_space<vmem>>
    %dma_start3A_67 = tpu.memref_squeeze %dma_start3A_66 : memref<1x16x16xf32, #tpu.memory_space<vmem>> -> memref<16x16xf32, #tpu.memory_space<vmem>>
    %dma_start3A_68 = arith.constant 0 : i32
    %dma_start3A_69 = arith.constant 0 : i32
    %dma_start3A_70 = tpu.memref_slice %arg2[%dma_start3A_68, %dma_start3A_69] : memref<2560000x16xf32, #tpu.memory_space<hbm>> -> memref<2560000x16xf32, #tpu.memory_space<hbm>>
    tpu.enqueue_indirect_dma source(%dma_start3A_70 : memref<2560000x16xf32, #tpu.memory_space<hbm>>) target(%dma_start3A_67 : memref<16x16xf32, #tpu.memory_space<vmem>>) offsets(%add3A_62 : vector<16xi32>) semaphore(%arg16 : memref<!tpu.dma_semaphore, #tpu.memory_space<semaphore_mem>>)
    %add3A_71 = arith.constant 9984 : i32
    %add3A_72 = arith.addi %mul3A_2, %add3A_71 : i32
    %add3A_73 = vector.broadcast %add3A_72 : i32 to vector<16xi32>
    %add3A_74 = arith.addi %add3A_73, %iota3A : vector<16xi32>
    %mul3A_75 = arith.constant 8 : i32
    %mul3A_76 = vector.broadcast %mul3A_75 : i32 to vector<16xi32>
    %mul3A_77 = arith.muli %add3A_74, %mul3A_76 : vector<16xi32>
    %add3A_78 = vector.broadcast %shift_right_logical3A_24 : i32 to vector<16xi32>
    %add3A_79 = arith.addi %mul3A_77, %add3A_78 : vector<16xi32>
    %dma_start3A_80 = arith.constant 2 : i32
    %dma_start3A_81 = arith.constant 0 : i32
    %dma_start3A_82 = arith.constant 0 : i32
    %dma_start3A_83 = tpu.memref_slice %arg9[%dma_start3A_80, %dma_start3A_81, %dma_start3A_82] : memref<4x16x16xf32, #tpu.memory_space<vmem>> -> memref<1x16x16xf32, #tpu.memory_space<vmem>>
    %dma_start3A_84 = tpu.memref_squeeze %dma_start3A_83 : memref<1x16x16xf32, #tpu.memory_space<vmem>> -> memref<16x16xf32, #tpu.memory_space<vmem>>
    %dma_start3A_85 = arith.constant 0 : i32
    %dma_start3A_86 = arith.constant 0 : i32
    %dma_start3A_87 = tpu.memref_slice %arg2[%dma_start3A_85, %dma_start3A_86] : memref<2560000x16xf32, #tpu.memory_space<hbm>> -> memref<2560000x16xf32, #tpu.memory_space<hbm>>
    tpu.enqueue_indirect_dma source(%dma_start3A_87 : memref<2560000x16xf32, #tpu.memory_space<hbm>>) target(%dma_start3A_84 : memref<16x16xf32, #tpu.memory_space<vmem>>) offsets(%add3A_79 : vector<16xi32>) semaphore(%arg16 : memref<!tpu.dma_semaphore, #tpu.memory_space<semaphore_mem>>)
    %add3A_88 = arith.constant 9984 : i32
    %add3A_89 = arith.addi %mul3A_2, %add3A_88 : i32
    %add3A_90 = vector.broadcast %add3A_89 : i32 to vector<16xi32>
    %add3A_91 = arith.addi %add3A_90, %iota3A : vector<16xi32>
    %mul3A_92 = arith.constant 8 : i32
    %mul3A_93 = vector.broadcast %mul3A_92 : i32 to vector<16xi32>
    %mul3A_94 = arith.muli %add3A_91, %mul3A_93 : vector<16xi32>
    %add3A_95 = vector.broadcast %shift_right_logical3A_26 : i32 to vector<16xi32>
    %add3A_96 = arith.addi %mul3A_94, %add3A_95 : vector<16xi32>
    %dma_start3A_97 = arith.constant 3 : i32
    %dma_start3A_98 = arith.constant 0 : i32
    %dma_start3A_99 = arith.constant 0 : i32
    %dma_start3A_100 = tpu.memref_slice %arg9[%dma_start3A_97, %dma_start3A_98, %dma_start3A_99] : memref<4x16x16xf32, #tpu.memory_space<vmem>> -> memref<1x16x16xf32, #tpu.memory_space<vmem>>
    %dma_start3A_101 = tpu.memref_squeeze %dma_start3A_100 : memref<1x16x16xf32, #tpu.memory_space<vmem>> -> memref<16x16xf32, #tpu.memory_space<vmem>>
    %dma_start3A_102 = arith.constant 0 : i32
    %dma_start3A_103 = arith.constant 0 : i32
    %dma_start3A_104 = tpu.memref_slice %arg2[%dma_start3A_102, %dma_start3A_103] : memref<2560000x16xf32, #tpu.memory_space<hbm>> -> memref<2560000x16xf32, #tpu.memory_space<hbm>>
    tpu.enqueue_indirect_dma source(%dma_start3A_104 : memref<2560000x16xf32, #tpu.memory_space<hbm>>) target(%dma_start3A_101 : memref<16x16xf32, #tpu.memory_space<vmem>>) offsets(%add3A_96 : vector<16xi32>) semaphore(%arg16 : memref<!tpu.dma_semaphore, #tpu.memory_space<semaphore_mem>>)
    %broadcast_in_dim3A_105 = arith.constant 0 : i32
    %broadcast_in_dim3A_106 = vector.broadcast %broadcast_in_dim3A_105 : i32 to vector<16xi32>
    %broadcast_in_dim3A_107 = arith.constant 1 : i32
    %broadcast_in_dim3A_108 = vector.broadcast %broadcast_in_dim3A_107 : i32 to vector<16xi32>
    %broadcast_in_dim3A_109 = arith.constant 2 : i32
    %broadcast_in_dim3A_110 = vector.broadcast %broadcast_in_dim3A_109 : i32 to vector<16xi32>
    %broadcast_in_dim3A_111 = arith.constant 3 : i32
    %broadcast_in_dim3A_112 = vector.broadcast %broadcast_in_dim3A_111 : i32 to vector<16xi32>
    %scan3A = arith.constant 0 : i32
    %scan3A_113 = arith.constant 0 : i32
    %scan3A_114 = arith.constant 3 : i32
    %scan3A_115 = arith.addi %scan3A_113, %scan3A_114 : i32
    %scan3A_116 = arith.constant 1 : i32
    %scan3A_117 = scf.for %scan3A_945 = %scan3A_113 to %scan3A_115 step %scan3A_116 iter_args(%scan3A_946 = %scan3A) -> (i32)  : i32 {
      %mul3A_947 = arith.constant 128 : i32
      %mul3A_948 = arith.muli %scan3A_945, %mul3A_947 : i32
      %add3A_949 = arith.constant 0 : i32
      %add3A_950 = arith.addi %mul3A_948, %add3A_949 : i32
      %add3A_951 = vector.broadcast %add3A_950 : i32 to vector<16xi32>
      %add3A_952 = arith.addi %add3A_951, %iota3A : vector<16xi32>
      %add3A_953 = vector.broadcast %mul3A_2 : i32 to vector<16xi32>
      %add3A_954 = arith.addi %add3A_953, %add3A_952 : vector<16xi32>
      %mul3A_955 = arith.constant 8 : i32
      %mul3A_956 = vector.broadcast %mul3A_955 : i32 to vector<16xi32>
      %mul3A_957 = arith.muli %add3A_954, %mul3A_956 : vector<16xi32>
      %add3A_958 = vector.broadcast %shift_right_logical3A_20 : i32 to vector<16xi32>
      %add3A_959 = arith.addi %mul3A_957, %add3A_958 : vector<16xi32>
      tpu.vector_store_idx %arg10[%broadcast_in_dim3A_106, %add3A_952], %add3A_959 : memref<4x9984xi32, #tpu.memory_space<vmem>>[vector<16xi32>, vector<16xi32>], vector<16xi32>,
      %add3A_960 = vector.broadcast %shift_right_logical3A_22 : i32 to vector<16xi32>
      %add3A_961 = arith.addi %mul3A_957, %add3A_960 : vector<16xi32>
      tpu.vector_store_idx %arg10[%broadcast_in_dim3A_108, %add3A_952], %add3A_961 : memref<4x9984xi32, #tpu.memory_space<vmem>>[vector<16xi32>, vector<16xi32>], vector<16xi32>,
      %add3A_962 = vector.broadcast %shift_right_logical3A_24 : i32 to vector<16xi32>
      %add3A_963 = arith.addi %mul3A_957, %add3A_962 : vector<16xi32>
      tpu.vector_store_idx %arg10[%broadcast_in_dim3A_110, %add3A_952], %add3A_963 : memref<4x9984xi32, #tpu.memory_space<vmem>>[vector<16xi32>, vector<16xi32>], vector<16xi32>,
      %add3A_964 = vector.broadcast %shift_right_logical3A_26 : i32 to vector<16xi32>
      %add3A_965 = arith.addi %mul3A_957, %add3A_964 : vector<16xi32>
      tpu.vector_store_idx %arg10[%broadcast_in_dim3A_112, %add3A_952], %add3A_965 : memref<4x9984xi32, #tpu.memory_space<vmem>>[vector<16xi32>, vector<16xi32>], vector<16xi32>,
      %mul3A_966 = arith.constant 128 : i32
      %mul3A_967 = arith.muli %scan3A_945, %mul3A_966 : i32
      %add3A_968 = arith.constant 16 : i32
      %add3A_969 = arith.addi %mul3A_967, %add3A_968 : i32
      %add3A_970 = vector.broadcast %add3A_969 : i32 to vector<16xi32>
      %add3A_971 = arith.addi %add3A_970, %iota3A : vector<16xi32>
      %add3A_972 = vector.broadcast %mul3A_2 : i32 to vector<16xi32>
      %add3A_973 = arith.addi %add3A_972, %add3A_971 : vector<16xi32>
      %mul3A_974 = arith.constant 8 : i32
      %mul3A_975 = vector.broadcast %mul3A_974 : i32 to vector<16xi32>
      %mul3A_976 = arith.muli %add3A_973, %mul3A_975 : vector<16xi32>
      %add3A_977 = vector.broadcast %shift_right_logical3A_20 : i32 to vector<16xi32>
      %add3A_978 = arith.addi %mul3A_976, %add3A_977 : vector<16xi32>
      tpu.vector_store_idx %arg10[%broadcast_in_dim3A_106, %add3A_971], %add3A_978 : memref<4x9984xi32, #tpu.memory_space<vmem>>[vector<16xi32>, vector<16xi32>], vector<16xi32>,
      %add3A_979 = vector.broadcast %shift_right_logical3A_22 : i32 to vector<16xi32>
      %add3A_980 = arith.addi %mul3A_976, %add3A_979 : vector<16xi32>
      tpu.vector_store_idx %arg10[%broadcast_in_dim3A_108, %add3A_971], %add3A_980 : memref<4x9984xi32, #tpu.memory_space<vmem>>[vector<16xi32>, vector<16xi32>], vector<16xi32>,
      %add3A_981 = vector.broadcast %shift_right_logical3A_24 : i32 to vector<16xi32>
      %add3A_982 = arith.addi %mul3A_976, %add3A_981 : vector<16xi32>
      tpu.vector_store_idx %arg10[%broadcast_in_dim3A_110, %add3A_971], %add3A_982 : memref<4x9984xi32, #tpu.memory_space<vmem>>[vector<16xi32>, vector<16xi32>], vector<16xi32>,
      %add3A_983 = vector.broadcast %shift_right_logical3A_26 : i32 to vector<16xi32>
      %add3A_984 = arith.addi %mul3A_976, %add3A_983 : vector<16xi32>
      tpu.vector_store_idx %arg10[%broadcast_in_dim3A_112, %add3A_971], %add3A_984 : memref<4x9984xi32, #tpu.memory_space<vmem>>[vector<16xi32>, vector<16xi32>], vector<16xi32>,
      %mul3A_985 = arith.constant 128 : i32
      %mul3A_986 = arith.muli %scan3A_945, %mul3A_985 : i32
      %add3A_987 = arith.constant 32 : i32
      %add3A_988 = arith.addi %mul3A_986, %add3A_987 : i32
      %add3A_989 = vector.broadcast %add3A_988 : i32 to vector<16xi32>
      %add3A_990 = arith.addi %add3A_989, %iota3A : vector<16xi32>
      %add3A_991 = vector.broadcast %mul3A_2 : i32 to vector<16xi32>
      %add3A_992 = arith.addi %add3A_991, %add3A_990 : vector<16xi32>
      %mul3A_993 = arith.constant 8 : i32
      %mul3A_994 = vector.broadcast %mul3A_993 : i32 to vector<16xi32>
      %mul3A_995 = arith.muli %add3A_992, %mul3A_994 : vector<16xi32>
      %add3A_996 = vector.broadcast %shift_right_logical3A_20 : i32 to vector<16xi32>
      %add3A_997 = arith.addi %mul3A_995, %add3A_996 : vector<16xi32>
      tpu.vector_store_idx %arg10[%broadcast_in_dim3A_106, %add3A_990], %add3A_997 : memref<4x9984xi32, #tpu.memory_space<vmem>>[vector<16xi32>, vector<16xi32>], vector<16xi32>,
      %add3A_998 = vector.broadcast %shift_right_logical3A_22 : i32 to vector<16xi32>
      %add3A_999 = arith.addi %mul3A_995, %add3A_998 : vector<16xi32>
      tpu.vector_store_idx %arg10[%broadcast_in_dim3A_108, %add3A_990], %add3A_999 : memref<4x9984xi32, #tpu.memory_space<vmem>>[vector<16xi32>, vector<16xi32>], vector<16xi32>,
      %add3A_1000 = vector.broadcast %shift_right_logical3A_24 : i32 to vector<16xi32>
      %add3A_1001 = arith.addi %mul3A_995, %add3A_1000 : vector<16xi32>
      tpu.vector_store_idx %arg10[%broadcast_in_dim3A_110, %add3A_990], %add3A_1001 : memref<4x9984xi32, #tpu.memory_space<vmem>>[vector<16xi32>, vector<16xi32>], vector<16xi32>,
      %add3A_1002 = vector.broadcast %shift_right_logical3A_26 : i32 to vector<16xi32>
      %add3A_1003 = arith.addi %mul3A_995, %add3A_1002 : vector<16xi32>
      tpu.vector_store_idx %arg10[%broadcast_in_dim3A_112, %add3A_990], %add3A_1003 : memref<4x9984xi32, #tpu.memory_space<vmem>>[vector<16xi32>, vector<16xi32>], vector<16xi32>,
      %mul3A_1004 = arith.constant 128 : i32
      %mul3A_1005 = arith.muli %scan3A_945, %mul3A_1004 : i32
      %add3A_1006 = arith.constant 48 : i32
      %add3A_1007 = arith.addi %mul3A_1005, %add3A_1006 : i32
      %add3A_1008 = vector.broadcast %add3A_1007 : i32 to vector<16xi32>
      %add3A_1009 = arith.addi %add3A_1008, %iota3A : vector<16xi32>
      %add3A_1010 = vector.broadcast %mul3A_2 : i32 to vector<16xi32>
      %add3A_1011 = arith.addi %add3A_1010, %add3A_1009 : vector<16xi32>
      %mul3A_1012 = arith.constant 8 : i32
      %mul3A_1013 = vector.broadcast %mul3A_1012 : i32 to vector<16xi32>
      %mul3A_1014 = arith.muli %add3A_1011, %mul3A_1013 : vector<16xi32>
      %add3A_1015 = vector.broadcast %shift_right_logical3A_20 : i32 to vector<16xi32>
      %add3A_1016 = arith.addi %mul3A_1014, %add3A_1015 : vector<16xi32>
      tpu.vector_store_idx %arg10[%broadcast_in_dim3A_106, %add3A_1009], %add3A_1016 : memref<4x9984xi32, #tpu.memory_space<vmem>>[vector<16xi32>, vector<16xi32>], vector<16xi32>,
      %add3A_1017 = vector.broadcast %shift_right_logical3A_22 : i32 to vector<16xi32>
      %add3A_1018 = arith.addi %mul3A_1014, %add3A_1017 : vector<16xi32>
      tpu.vector_store_idx %arg10[%broadcast_in_dim3A_108, %add3A_1009], %add3A_1018 : memref<4x9984xi32, #tpu.memory_space<vmem>>[vector<16xi32>, vector<16xi32>], vector<16xi32>,
      %add3A_1019 = vector.broadcast %shift_right_logical3A_24 : i32 to vector<16xi32>
      %add3A_1020 = arith.addi %mul3A_1014, %add3A_1019 : vector<16xi32>
      tpu.vector_store_idx %arg10[%broadcast_in_dim3A_110, %add3A_1009], %add3A_1020 : memref<4x9984xi32, #tpu.memory_space<vmem>>[vector<16xi32>, vector<16xi32>], vector<16xi32>,
      %add3A_1021 = vector.broadcast %shift_right_logical3A_26 : i32 to vector<16xi32>
      %add3A_1022 = arith.addi %mul3A_1014, %add3A_1021 : vector<16xi32>
      tpu.vector_store_idx %arg10[%broadcast_in_dim3A_112, %add3A_1009], %add3A_1022 : memref<4x9984xi32, #tpu.memory_space<vmem>>[vector<16xi32>, vector<16xi32>], vector<16xi32>,
      %mul3A_1023 = arith.constant 128 : i32
      %mul3A_1024 = arith.muli %scan3A_945, %mul3A_1023 : i32
      %add3A_1025 = arith.constant 64 : i32
      %add3A_1026 = arith.addi %mul3A_1024, %add3A_1025 : i32
      %add3A_1027 = vector.broadcast %add3A_1026 : i32 to vector<16xi32>
      %add3A_1028 = arith.addi %add3A_1027, %iota3A : vector<16xi32>
      %add3A_1029 = vector.broadcast %mul3A_2 : i32 to vector<16xi32>
      %add3A_1030 = arith.addi %add3A_1029, %add3A_1028 : vector<16xi32>
      %mul3A_1031 = arith.constant 8 : i32
      %mul3A_1032 = vector.broadcast %mul3A_1031 : i32 to vector<16xi32>
      %mul3A_1033 = arith.muli %add3A_1030, %mul3A_1032 : vector<16xi32>
      %add3A_1034 = vector.broadcast %shift_right_logical3A_20 : i32 to vector<16xi32>
      %add3A_1035 = arith.addi %mul3A_1033, %add3A_1034 : vector<16xi32>
      tpu.vector_store_idx %arg10[%broadcast_in_dim3A_106, %add3A_1028], %add3A_1035 : memref<4x9984xi32, #tpu.memory_space<vmem>>[vector<16xi32>, vector<16xi32>], vector<16xi32>,
      %add3A_1036 = vector.broadcast %shift_right_logical3A_22 : i32 to vector<16xi32>
      %add3A_1037 = arith.addi %mul3A_1033, %add3A_1036 : vector<16xi32>
      tpu.vector_store_idx %arg10[%broadcast_in_dim3A_108, %add3A_1028], %add3A_1037 : memref<4x9984xi32, #tpu.memory_space<vmem>>[vector<16xi32>, vector<16xi32>], vector<16xi32>,
      %add3A_1038 = vector.broadcast %shift_right_logical3A_24 : i32 to vector<16xi32>
      %add3A_1039 = arith.addi %mul3A_1033, %add3A_1038 : vector<16xi32>
      tpu.vector_store_idx %arg10[%broadcast_in_dim3A_110, %add3A_1028], %add3A_1039 : memref<4x9984xi32, #tpu.memory_space<vmem>>[vector<16xi32>, vector<16xi32>], vector<16xi32>,
      %add3A_1040 = vector.broadcast %shift_right_logical3A_26 : i32 to vector<16xi32>
      %add3A_1041 = arith.addi %mul3A_1033, %add3A_1040 : vector<16xi32>
      tpu.vector_store_idx %arg10[%broadcast_in_dim3A_112, %add3A_1028], %add3A_1041 : memref<4x9984xi32, #tpu.memory_space<vmem>>[vector<16xi32>, vector<16xi32>], vector<16xi32>,
      %mul3A_1042 = arith.constant 128 : i32
      %mul3A_1043 = arith.muli %scan3A_945, %mul3A_1042 : i32
      %add3A_1044 = arith.constant 80 : i32
      %add3A_1045 = arith.addi %mul3A_1043, %add3A_1044 : i32
      %add3A_1046 = vector.broadcast %add3A_1045 : i32 to vector<16xi32>
      %add3A_1047 = arith.addi %add3A_1046, %iota3A : vector<16xi32>
      %add3A_1048 = vector.broadcast %mul3A_2 : i32 to vector<16xi32>
      %add3A_1049 = arith.addi %add3A_1048, %add3A_1047 : vector<16xi32>
      %mul3A_1050 = arith.constant 8 : i32
      %mul3A_1051 = vector.broadcast %mul3A_1050 : i32 to vector<16xi32>
      %mul3A_1052 = arith.muli %add3A_1049, %mul3A_1051 : vector<16xi32>
      %add3A_1053 = vector.broadcast %shift_right_logical3A_20 : i32 to vector<16xi32>
      %add3A_1054 = arith.addi %mul3A_1052, %add3A_1053 : vector<16xi32>
      tpu.vector_store_idx %arg10[%broadcast_in_dim3A_106, %add3A_1047], %add3A_1054 : memref<4x9984xi32, #tpu.memory_space<vmem>>[vector<16xi32>, vector<16xi32>], vector<16xi32>,
      %add3A_1055 = vector.broadcast %shift_right_logical3A_22 : i32 to vector<16xi32>
      %add3A_1056 = arith.addi %mul3A_1052, %add3A_1055 : vector<16xi32>
      tpu.vector_store_idx %arg10[%broadcast_in_dim3A_108, %add3A_1047], %add3A_1056 : memref<4x9984xi32, #tpu.memory_space<vmem>>[vector<16xi32>, vector<16xi32>], vector<16xi32>,
      %add3A_1057 = vector.broadcast %shift_right_logical3A_24 : i32 to vector<16xi32>
      %add3A_1058 = arith.addi %mul3A_1052, %add3A_1057 : vector<16xi32>
      tpu.vector_store_idx %arg10[%broadcast_in_dim3A_110, %add3A_1047], %add3A_1058 : memref<4x9984xi32, #tpu.memory_space<vmem>>[vector<16xi32>, vector<16xi32>], vector<16xi32>,
      %add3A_1059 = vector.broadcast %shift_right_logical3A_26 : i32 to vector<16xi32>
      %add3A_1060 = arith.addi %mul3A_1052, %add3A_1059 : vector<16xi32>
      tpu.vector_store_idx %arg10[%broadcast_in_dim3A_112, %add3A_1047], %add3A_1060 : memref<4x9984xi32, #tpu.memory_space<vmem>>[vector<16xi32>, vector<16xi32>], vector<16xi32>,
      %mul3A_1061 = arith.constant 128 : i32
      %mul3A_1062 = arith.muli %scan3A_945, %mul3A_1061 : i32
      %add3A_1063 = arith.constant 96 : i32
      %add3A_1064 = arith.addi %mul3A_1062, %add3A_1063 : i32
      %add3A_1065 = vector.broadcast %add3A_1064 : i32 to vector<16xi32>
      %add3A_1066 = arith.addi %add3A_1065, %iota3A : vector<16xi32>
      %add3A_1067 = vector.broadcast %mul3A_2 : i32 to vector<16xi32>
      %add3A_1068 = arith.addi %add3A_1067, %add3A_1066 : vector<16xi32>
      %mul3A_1069 = arith.constant 8 : i32
      %mul3A_1070 = vector.broadcast %mul3A_1069 : i32 to vector<16xi32>
      %mul3A_1071 = arith.muli %add3A_1068, %mul3A_1070 : vector<16xi32>
      %add3A_1072 = vector.broadcast %shift_right_logical3A_20 : i32 to vector<16xi32>
      %add3A_1073 = arith.addi %mul3A_1071, %add3A_1072 : vector<16xi32>
      tpu.vector_store_idx %arg10[%broadcast_in_dim3A_106, %add3A_1066], %add3A_1073 : memref<4x9984xi32, #tpu.memory_space<vmem>>[vector<16xi32>, vector<16xi32>], vector<16xi32>,
      %add3A_1074 = vector.broadcast %shift_right_logical3A_22 : i32 to vector<16xi32>
      %add3A_1075 = arith.addi %mul3A_1071, %add3A_1074 : vector<16xi32>
      tpu.vector_store_idx %arg10[%broadcast_in_dim3A_108, %add3A_1066], %add3A_1075 : memref<4x9984xi32, #tpu.memory_space<vmem>>[vector<16xi32>, vector<16xi32>], vector<16xi32>,
      %add3A_1076 = vector.broadcast %shift_right_logical3A_24 : i32 to vector<16xi32>
      %add3A_1077 = arith.addi %mul3A_1071, %add3A_1076 : vector<16xi32>
      tpu.vector_store_idx %arg10[%broadcast_in_dim3A_110, %add3A_1066], %add3A_1077 : memref<4x9984xi32, #tpu.memory_space<vmem>>[vector<16xi32>, vector<16xi32>], vector<16xi32>,
      %add3A_1078 = vector.broadcast %shift_right_logical3A_26 : i32 to vector<16xi32>
      %add3A_1079 = arith.addi %mul3A_1071, %add3A_1078 : vector<16xi32>
      tpu.vector_store_idx %arg10[%broadcast_in_dim3A_112, %add3A_1066], %add3A_1079 : memref<4x9984xi32, #tpu.memory_space<vmem>>[vector<16xi32>, vector<16xi32>], vector<16xi32>,
      %mul3A_1080 = arith.constant 128 : i32
      %mul3A_1081 = arith.muli %scan3A_945, %mul3A_1080 : i32
      %add3A_1082 = arith.constant 112 : i32
      %add3A_1083 = arith.addi %mul3A_1081, %add3A_1082 : i32
      %add3A_1084 = vector.broadcast %add3A_1083 : i32 to vector<16xi32>
      %add3A_1085 = arith.addi %add3A_1084, %iota3A : vector<16xi32>
      %add3A_1086 = vector.broadcast %mul3A_2 : i32 to vector<16xi32>
      %add3A_1087 = arith.addi %add3A_1086, %add3A_1085 : vector<16xi32>
      %mul3A_1088 = arith.constant 8 : i32
      %mul3A_1089 = vector.broadcast %mul3A_1088 : i32 to vector<16xi32>
      %mul3A_1090 = arith.muli %add3A_1087, %mul3A_1089 : vector<16xi32>
      %add3A_1091 = vector.broadcast %shift_right_logical3A_20 : i32 to vector<16xi32>
      %add3A_1092 = arith.addi %mul3A_1090, %add3A_1091 : vector<16xi32>
      tpu.vector_store_idx %arg10[%broadcast_in_dim3A_106, %add3A_1085], %add3A_1092 : memref<4x9984xi32, #tpu.memory_space<vmem>>[vector<16xi32>, vector<16xi32>], vector<16xi32>,
      %add3A_1093 = vector.broadcast %shift_right_logical3A_22 : i32 to vector<16xi32>
      %add3A_1094 = arith.addi %mul3A_1090, %add3A_1093 : vector<16xi32>
      tpu.vector_store_idx %arg10[%broadcast_in_dim3A_108, %add3A_1085], %add3A_1094 : memref<4x9984xi32, #tpu.memory_space<vmem>>[vector<16xi32>, vector<16xi32>], vector<16xi32>,
      %add3A_1095 = vector.broadcast %shift_right_logical3A_24 : i32 to vector<16xi32>
      %add3A_1096 = arith.addi %mul3A_1090, %add3A_1095 : vector<16xi32>
      tpu.vector_store_idx %arg10[%broadcast_in_dim3A_110, %add3A_1085], %add3A_1096 : memref<4x9984xi32, #tpu.memory_space<vmem>>[vector<16xi32>, vector<16xi32>], vector<16xi32>,
      %add3A_1097 = vector.broadcast %shift_right_logical3A_26 : i32 to vector<16xi32>
      %add3A_1098 = arith.addi %mul3A_1090, %add3A_1097 : vector<16xi32>
      tpu.vector_store_idx %arg10[%broadcast_in_dim3A_112, %add3A_1085], %add3A_1098 : memref<4x9984xi32, #tpu.memory_space<vmem>>[vector<16xi32>, vector<16xi32>], vector<16xi32>,
      %scan3A_1099 = arith.constant 0 : i32
      scf.yield %scan3A_1099 : i32
    }
    %scan3A_118 = arith.constant 3 : i32
    %dma_start3A_119 = arith.constant 0 : i32
    %dma_start3A_120 = arith.constant 0 : i32
    %dma_start3A_121 = arith.constant 0 : i32
    %dma_start3A_122 = arith.constant 0 : i32
    %dma_start3A_123 = tpu.memref_slice %arg6[%dma_start3A_120, %dma_start3A_121, %dma_start3A_122] : memref<4x384x16xf32, #tpu.memory_space<vmem>> -> memref<1x128x16xf32, #tpu.memory_space<vmem>>
    %dma_start3A_124 = tpu.memref_squeeze %dma_start3A_123 : memref<1x128x16xf32, #tpu.memory_space<vmem>> -> memref<128x16xf32, #tpu.memory_space<vmem>>
    %dma_start3A_125 = arith.constant 0 : i32
    %dma_start3A_126 = tpu.memref_slice %arg10[%dma_start3A_119, %dma_start3A_125] : memref<4x9984xi32, #tpu.memory_space<vmem>> -> memref<1x128xi32, #tpu.memory_space<vmem>>
    %dma_start3A_127 = tpu.memref_squeeze %dma_start3A_126 : memref<1x128xi32, #tpu.memory_space<vmem>> -> memref<128xi32, #tpu.memory_space<vmem>>
    %dma_start3A_128 = arith.constant 0 : i32
    %dma_start3A_129 = arith.constant 0 : i32
    %dma_start3A_130 = tpu.memref_slice %arg2[%dma_start3A_128, %dma_start3A_129] : memref<2560000x16xf32, #tpu.memory_space<hbm>> -> memref<2560000x16xf32, #tpu.memory_space<hbm>>
    tpu.enqueue_indirect_dma source(%dma_start3A_130 : memref<2560000x16xf32, #tpu.memory_space<hbm>>) target(%dma_start3A_124 : memref<128x16xf32, #tpu.memory_space<vmem>>) offsets(%dma_start3A_127 : memref<128xi32, #tpu.memory_space<vmem>>) semaphore(%arg13 : memref<!tpu.dma_semaphore, #tpu.memory_space<semaphore_mem>>)
    %dma_start3A_131 = arith.constant 0 : i32
    %dma_start3A_132 = arith.constant 0 : i32
    %dma_start3A_133 = arith.constant 128 : i32
    %dma_start3A_134 = arith.constant 0 : i32
    %dma_start3A_135 = tpu.memref_slice %arg6[%dma_start3A_132, %dma_start3A_133, %dma_start3A_134] : memref<4x384x16xf32, #tpu.memory_space<vmem>> -> memref<1x128x16xf32, #tpu.memory_space<vmem>>
    %dma_start3A_136 = tpu.memref_squeeze %dma_start3A_135 : memref<1x128x16xf32, #tpu.memory_space<vmem>> -> memref<128x16xf32, #tpu.memory_space<vmem>>
    %dma_start3A_137 = arith.constant 128 : i32
    %dma_start3A_138 = tpu.memref_slice %arg10[%dma_start3A_131, %dma_start3A_137] : memref<4x9984xi32, #tpu.memory_space<vmem>> -> memref<1x128xi32, #tpu.memory_space<vmem>>
    %dma_start3A_139 = tpu.memref_squeeze %dma_start3A_138 : memref<1x128xi32, #tpu.memory_space<vmem>> -> memref<128xi32, #tpu.memory_space<vmem>>
    %dma_start3A_140 = arith.constant 0 : i32
    %dma_start3A_141 = arith.constant 0 : i32
    %dma_start3A_142 = tpu.memref_slice %arg2[%dma_start3A_140, %dma_start3A_141] : memref<2560000x16xf32, #tpu.memory_space<hbm>> -> memref<2560000x16xf32, #tpu.memory_space<hbm>>
    tpu.enqueue_indirect_dma source(%dma_start3A_142 : memref<2560000x16xf32, #tpu.memory_space<hbm>>) target(%dma_start3A_136 : memref<128x16xf32, #tpu.memory_space<vmem>>) offsets(%dma_start3A_139 : memref<128xi32, #tpu.memory_space<vmem>>) semaphore(%arg13 : memref<!tpu.dma_semaphore, #tpu.memory_space<semaphore_mem>>)
    %dma_start3A_143 = arith.constant 0 : i32
    %dma_start3A_144 = arith.constant 0 : i32
    %dma_start3A_145 = arith.constant 256 : i32
    %dma_start3A_146 = arith.constant 0 : i32
    %dma_start3A_147 = tpu.memref_slice %arg6[%dma_start3A_144, %dma_start3A_145, %dma_start3A_146] : memref<4x384x16xf32, #tpu.memory_space<vmem>> -> memref<1x128x16xf32, #tpu.memory_space<vmem>>
    %dma_start3A_148 = tpu.memref_squeeze %dma_start3A_147 : memref<1x128x16xf32, #tpu.memory_space<vmem>> -> memref<128x16xf32, #tpu.memory_space<vmem>>
    %dma_start3A_149 = arith.constant 256 : i32
    %dma_start3A_150 = tpu.memref_slice %arg10[%dma_start3A_143, %dma_start3A_149] : memref<4x9984xi32, #tpu.memory_space<vmem>> -> memref<1x128xi32, #tpu.memory_space<vmem>>
    %dma_start3A_151 = tpu.memref_squeeze %dma_start3A_150 : memref<1x128xi32, #tpu.memory_space<vmem>> -> memref<128xi32, #tpu.memory_space<vmem>>
    %dma_start3A_152 = arith.constant 0 : i32
    %dma_start3A_153 = arith.constant 0 : i32
    %dma_start3A_154 = tpu.memref_slice %arg2[%dma_start3A_152, %dma_start3A_153] : memref<2560000x16xf32, #tpu.memory_space<hbm>> -> memref<2560000x16xf32, #tpu.memory_space<hbm>>
    tpu.enqueue_indirect_dma source(%dma_start3A_154 : memref<2560000x16xf32, #tpu.memory_space<hbm>>) target(%dma_start3A_148 : memref<128x16xf32, #tpu.memory_space<vmem>>) offsets(%dma_start3A_151 : memref<128xi32, #tpu.memory_space<vmem>>) semaphore(%arg13 : memref<!tpu.dma_semaphore, #tpu.memory_space<semaphore_mem>>)
    %dma_start3A_155 = arith.constant 1 : i32
    %dma_start3A_156 = arith.constant 1 : i32
    %dma_start3A_157 = arith.constant 0 : i32
    %dma_start3A_158 = arith.constant 0 : i32
    %dma_start3A_159 = tpu.memref_slice %arg6[%dma_start3A_156, %dma_start3A_157, %dma_start3A_158] : memref<4x384x16xf32, #tpu.memory_space<vmem>> -> memref<1x128x16xf32, #tpu.memory_space<vmem>>
    %dma_start3A_160 = tpu.memref_squeeze %dma_start3A_159 : memref<1x128x16xf32, #tpu.memory_space<vmem>> -> memref<128x16xf32, #tpu.memory_space<vmem>>
    %dma_start3A_161 = arith.constant 0 : i32
    %dma_start3A_162 = tpu.memref_slice %arg10[%dma_start3A_155, %dma_start3A_161] : memref<4x9984xi32, #tpu.memory_space<vmem>> -> memref<1x128xi32, #tpu.memory_space<vmem>>
    %dma_start3A_163 = tpu.memref_squeeze %dma_start3A_162 : memref<1x128xi32, #tpu.memory_space<vmem>> -> memref<128xi32, #tpu.memory_space<vmem>>
    %dma_start3A_164 = arith.constant 0 : i32
    %dma_start3A_165 = arith.constant 0 : i32
    %dma_start3A_166 = tpu.memref_slice %arg2[%dma_start3A_164, %dma_start3A_165] : memref<2560000x16xf32, #tpu.memory_space<hbm>> -> memref<2560000x16xf32, #tpu.memory_space<hbm>>
    tpu.enqueue_indirect_dma source(%dma_start3A_166 : memref<2560000x16xf32, #tpu.memory_space<hbm>>) target(%dma_start3A_160 : memref<128x16xf32, #tpu.memory_space<vmem>>) offsets(%dma_start3A_163 : memref<128xi32, #tpu.memory_space<vmem>>) semaphore(%arg13 : memref<!tpu.dma_semaphore, #tpu.memory_space<semaphore_mem>>)
    %dma_start3A_167 = arith.constant 1 : i32
    %dma_start3A_168 = arith.constant 1 : i32
    %dma_start3A_169 = arith.constant 128 : i32
    %dma_start3A_170 = arith.constant 0 : i32
    %dma_start3A_171 = tpu.memref_slice %arg6[%dma_start3A_168, %dma_start3A_169, %dma_start3A_170] : memref<4x384x16xf32, #tpu.memory_space<vmem>> -> memref<1x128x16xf32, #tpu.memory_space<vmem>>
    %dma_start3A_172 = tpu.memref_squeeze %dma_start3A_171 : memref<1x128x16xf32, #tpu.memory_space<vmem>> -> memref<128x16xf32, #tpu.memory_space<vmem>>
    %dma_start3A_173 = arith.constant 128 : i32
    %dma_start3A_174 = tpu.memref_slice %arg10[%dma_start3A_167, %dma_start3A_173] : memref<4x9984xi32, #tpu.memory_space<vmem>> -> memref<1x128xi32, #tpu.memory_space<vmem>>
    %dma_start3A_175 = tpu.memref_squeeze %dma_start3A_174 : memref<1x128xi32, #tpu.memory_space<vmem>> -> memref<128xi32, #tpu.memory_space<vmem>>
    %dma_start3A_176 = arith.constant 0 : i32
    %dma_start3A_177 = arith.constant 0 : i32
    %dma_start3A_178 = tpu.memref_slice %arg2[%dma_start3A_176, %dma_start3A_177] : memref<2560000x16xf32, #tpu.memory_space<hbm>> -> memref<2560000x16xf32, #tpu.memory_space<hbm>>
    tpu.enqueue_indirect_dma source(%dma_start3A_178 : memref<2560000x16xf32, #tpu.memory_space<hbm>>) target(%dma_start3A_172 : memref<128x16xf32, #tpu.memory_space<vmem>>) offsets(%dma_start3A_175 : memref<128xi32, #tpu.memory_space<vmem>>) semaphore(%arg13 : memref<!tpu.dma_semaphore, #tpu.memory_space<semaphore_mem>>)
    %dma_start3A_179 = arith.constant 1 : i32
    %dma_start3A_180 = arith.constant 1 : i32
    %dma_start3A_181 = arith.constant 256 : i32
    %dma_start3A_182 = arith.constant 0 : i32
    %dma_start3A_183 = tpu.memref_slice %arg6[%dma_start3A_180, %dma_start3A_181, %dma_start3A_182] : memref<4x384x16xf32, #tpu.memory_space<vmem>> -> memref<1x128x16xf32, #tpu.memory_space<vmem>>
    %dma_start3A_184 = tpu.memref_squeeze %dma_start3A_183 : memref<1x128x16xf32, #tpu.memory_space<vmem>> -> memref<128x16xf32, #tpu.memory_space<vmem>>
    %dma_start3A_185 = arith.constant 256 : i32
    %dma_start3A_186 = tpu.memref_slice %arg10[%dma_start3A_179, %dma_start3A_185] : memref<4x9984xi32, #tpu.memory_space<vmem>> -> memref<1x128xi32, #tpu.memory_space<vmem>>
    %dma_start3A_187 = tpu.memref_squeeze %dma_start3A_186 : memref<1x128xi32, #tpu.memory_space<vmem>> -> memref<128xi32, #tpu.memory_space<vmem>>
    %dma_start3A_188 = arith.constant 0 : i32
    %dma_start3A_189 = arith.constant 0 : i32
    %dma_start3A_190 = tpu.memref_slice %arg2[%dma_start3A_188, %dma_start3A_189] : memref<2560000x16xf32, #tpu.memory_space<hbm>> -> memref<2560000x16xf32, #tpu.memory_space<hbm>>
    tpu.enqueue_indirect_dma source(%dma_start3A_190 : memref<2560000x16xf32, #tpu.memory_space<hbm>>) target(%dma_start3A_184 : memref<128x16xf32, #tpu.memory_space<vmem>>) offsets(%dma_start3A_187 : memref<128xi32, #tpu.memory_space<vmem>>) semaphore(%arg13 : memref<!tpu.dma_semaphore, #tpu.memory_space<semaphore_mem>>)
    %dma_start3A_191 = arith.constant 2 : i32
    %dma_start3A_192 = arith.constant 2 : i32
    %dma_start3A_193 = arith.constant 0 : i32
    %dma_start3A_194 = arith.constant 0 : i32
    %dma_start3A_195 = tpu.memref_slice %arg6[%dma_start3A_192, %dma_start3A_193, %dma_start3A_194] : memref<4x384x16xf32, #tpu.memory_space<vmem>> -> memref<1x128x16xf32, #tpu.memory_space<vmem>>
    %dma_start3A_196 = tpu.memref_squeeze %dma_start3A_195 : memref<1x128x16xf32, #tpu.memory_space<vmem>> -> memref<128x16xf32, #tpu.memory_space<vmem>>
    %dma_start3A_197 = arith.constant 0 : i32
    %dma_start3A_198 = tpu.memref_slice %arg10[%dma_start3A_191, %dma_start3A_197] : memref<4x9984xi32, #tpu.memory_space<vmem>> -> memref<1x128xi32, #tpu.memory_space<vmem>>
    %dma_start3A_199 = tpu.memref_squeeze %dma_start3A_198 : memref<1x128xi32, #tpu.memory_space<vmem>> -> memref<128xi32, #tpu.memory_space<vmem>>
    %dma_start3A_200 = arith.constant 0 : i32
    %dma_start3A_201 = arith.constant 0 : i32
    %dma_start3A_202 = tpu.memref_slice %arg2[%dma_start3A_200, %dma_start3A_201] : memref<2560000x16xf32, #tpu.memory_space<hbm>> -> memref<2560000x16xf32, #tpu.memory_space<hbm>>
    tpu.enqueue_indirect_dma source(%dma_start3A_202 : memref<2560000x16xf32, #tpu.memory_space<hbm>>) target(%dma_start3A_196 : memref<128x16xf32, #tpu.memory_space<vmem>>) offsets(%dma_start3A_199 : memref<128xi32, #tpu.memory_space<vmem>>) semaphore(%arg13 : memref<!tpu.dma_semaphore, #tpu.memory_space<semaphore_mem>>)
    %dma_start3A_203 = arith.constant 2 : i32
    %dma_start3A_204 = arith.constant 2 : i32
    %dma_start3A_205 = arith.constant 128 : i32
    %dma_start3A_206 = arith.constant 0 : i32
    %dma_start3A_207 = tpu.memref_slice %arg6[%dma_start3A_204, %dma_start3A_205, %dma_start3A_206] : memref<4x384x16xf32, #tpu.memory_space<vmem>> -> memref<1x128x16xf32, #tpu.memory_space<vmem>>
    %dma_start3A_208 = tpu.memref_squeeze %dma_start3A_207 : memref<1x128x16xf32, #tpu.memory_space<vmem>> -> memref<128x16xf32, #tpu.memory_space<vmem>>
    %dma_start3A_209 = arith.constant 128 : i32
    %dma_start3A_210 = tpu.memref_slice %arg10[%dma_start3A_203, %dma_start3A_209] : memref<4x9984xi32, #tpu.memory_space<vmem>> -> memref<1x128xi32, #tpu.memory_space<vmem>>
    %dma_start3A_211 = tpu.memref_squeeze %dma_start3A_210 : memref<1x128xi32, #tpu.memory_space<vmem>> -> memref<128xi32, #tpu.memory_space<vmem>>
    %dma_start3A_212 = arith.constant 0 : i32
    %dma_start3A_213 = arith.constant 0 : i32
    %dma_start3A_214 = tpu.memref_slice %arg2[%dma_start3A_212, %dma_start3A_213] : memref<2560000x16xf32, #tpu.memory_space<hbm>> -> memref<2560000x16xf32, #tpu.memory_space<hbm>>
    tpu.enqueue_indirect_dma source(%dma_start3A_214 : memref<2560000x16xf32, #tpu.memory_space<hbm>>) target(%dma_start3A_208 : memref<128x16xf32, #tpu.memory_space<vmem>>) offsets(%dma_start3A_211 : memref<128xi32, #tpu.memory_space<vmem>>) semaphore(%arg13 : memref<!tpu.dma_semaphore, #tpu.memory_space<semaphore_mem>>)
    %dma_start3A_215 = arith.constant 2 : i32
    %dma_start3A_216 = arith.constant 2 : i32
    %dma_start3A_217 = arith.constant 256 : i32
    %dma_start3A_218 = arith.constant 0 : i32
    %dma_start3A_219 = tpu.memref_slice %arg6[%dma_start3A_216, %dma_start3A_217, %dma_start3A_218] : memref<4x384x16xf32, #tpu.memory_space<vmem>> -> memref<1x128x16xf32, #tpu.memory_space<vmem>>
    %dma_start3A_220 = tpu.memref_squeeze %dma_start3A_219 : memref<1x128x16xf32, #tpu.memory_space<vmem>> -> memref<128x16xf32, #tpu.memory_space<vmem>>
    %dma_start3A_221 = arith.constant 256 : i32
    %dma_start3A_222 = tpu.memref_slice %arg10[%dma_start3A_215, %dma_start3A_221] : memref<4x9984xi32, #tpu.memory_space<vmem>> -> memref<1x128xi32, #tpu.memory_space<vmem>>
    %dma_start3A_223 = tpu.memref_squeeze %dma_start3A_222 : memref<1x128xi32, #tpu.memory_space<vmem>> -> memref<128xi32, #tpu.memory_space<vmem>>
    %dma_start3A_224 = arith.constant 0 : i32
    %dma_start3A_225 = arith.constant 0 : i32
    %dma_start3A_226 = tpu.memref_slice %arg2[%dma_start3A_224, %dma_start3A_225] : memref<2560000x16xf32, #tpu.memory_space<hbm>> -> memref<2560000x16xf32, #tpu.memory_space<hbm>>
    tpu.enqueue_indirect_dma source(%dma_start3A_226 : memref<2560000x16xf32, #tpu.memory_space<hbm>>) target(%dma_start3A_220 : memref<128x16xf32, #tpu.memory_space<vmem>>) offsets(%dma_start3A_223 : memref<128xi32, #tpu.memory_space<vmem>>) semaphore(%arg13 : memref<!tpu.dma_semaphore, #tpu.memory_space<semaphore_mem>>)
    %dma_start3A_227 = arith.constant 3 : i32
    %dma_start3A_228 = arith.constant 3 : i32
    %dma_start3A_229 = arith.constant 0 : i32
    %dma_start3A_230 = arith.constant 0 : i32
    %dma_start3A_231 = tpu.memref_slice %arg6[%dma_start3A_228, %dma_start3A_229, %dma_start3A_230] : memref<4x384x16xf32, #tpu.memory_space<vmem>> -> memref<1x128x16xf32, #tpu.memory_space<vmem>>
    %dma_start3A_232 = tpu.memref_squeeze %dma_start3A_231 : memref<1x128x16xf32, #tpu.memory_space<vmem>> -> memref<128x16xf32, #tpu.memory_space<vmem>>
    %dma_start3A_233 = arith.constant 0 : i32
    %dma_start3A_234 = tpu.memref_slice %arg10[%dma_start3A_227, %dma_start3A_233] : memref<4x9984xi32, #tpu.memory_space<vmem>> -> memref<1x128xi32, #tpu.memory_space<vmem>>
    %dma_start3A_235 = tpu.memref_squeeze %dma_start3A_234 : memref<1x128xi32, #tpu.memory_space<vmem>> -> memref<128xi32, #tpu.memory_space<vmem>>
    %dma_start3A_236 = arith.constant 0 : i32
    %dma_start3A_237 = arith.constant 0 : i32
    %dma_start3A_238 = tpu.memref_slice %arg2[%dma_start3A_236, %dma_start3A_237] : memref<2560000x16xf32, #tpu.memory_space<hbm>> -> memref<2560000x16xf32, #tpu.memory_space<hbm>>
    tpu.enqueue_indirect_dma source(%dma_start3A_238 : memref<2560000x16xf32, #tpu.memory_space<hbm>>) target(%dma_start3A_232 : memref<128x16xf32, #tpu.memory_space<vmem>>) offsets(%dma_start3A_235 : memref<128xi32, #tpu.memory_space<vmem>>) semaphore(%arg13 : memref<!tpu.dma_semaphore, #tpu.memory_space<semaphore_mem>>)
    %dma_start3A_239 = arith.constant 3 : i32
    %dma_start3A_240 = arith.constant 3 : i32
    %dma_start3A_241 = arith.constant 128 : i32
    %dma_start3A_242 = arith.constant 0 : i32
    %dma_start3A_243 = tpu.memref_slice %arg6[%dma_start3A_240, %dma_start3A_241, %dma_start3A_242] : memref<4x384x16xf32, #tpu.memory_space<vmem>> -> memref<1x128x16xf32, #tpu.memory_space<vmem>>
    %dma_start3A_244 = tpu.memref_squeeze %dma_start3A_243 : memref<1x128x16xf32, #tpu.memory_space<vmem>> -> memref<128x16xf32, #tpu.memory_space<vmem>>
    %dma_start3A_245 = arith.constant 128 : i32
    %dma_start3A_246 = tpu.memref_slice %arg10[%dma_start3A_239, %dma_start3A_245] : memref<4x9984xi32, #tpu.memory_space<vmem>> -> memref<1x128xi32, #tpu.memory_space<vmem>>
    %dma_start3A_247 = tpu.memref_squeeze %dma_start3A_246 : memref<1x128xi32, #tpu.memory_space<vmem>> -> memref<128xi32, #tpu.memory_space<vmem>>
    %dma_start3A_248 = arith.constant 0 : i32
    %dma_start3A_249 = arith.constant 0 : i32
    %dma_start3A_250 = tpu.memref_slice %arg2[%dma_start3A_248, %dma_start3A_249] : memref<2560000x16xf32, #tpu.memory_space<hbm>> -> memref<2560000x16xf32, #tpu.memory_space<hbm>>
    tpu.enqueue_indirect_dma source(%dma_start3A_250 : memref<2560000x16xf32, #tpu.memory_space<hbm>>) target(%dma_start3A_244 : memref<128x16xf32, #tpu.memory_space<vmem>>) offsets(%dma_start3A_247 : memref<128xi32, #tpu.memory_space<vmem>>) semaphore(%arg13 : memref<!tpu.dma_semaphore, #tpu.memory_space<semaphore_mem>>)
    %dma_start3A_251 = arith.constant 3 : i32
    %dma_start3A_252 = arith.constant 3 : i32
    %dma_start3A_253 = arith.constant 256 : i32
    %dma_start3A_254 = arith.constant 0 : i32
    %dma_start3A_255 = tpu.memref_slice %arg6[%dma_start3A_252, %dma_start3A_253, %dma_start3A_254] : memref<4x384x16xf32, #tpu.memory_space<vmem>> -> memref<1x128x16xf32, #tpu.memory_space<vmem>>
    %dma_start3A_256 = tpu.memref_squeeze %dma_start3A_255 : memref<1x128x16xf32, #tpu.memory_space<vmem>> -> memref<128x16xf32, #tpu.memory_space<vmem>>
    %dma_start3A_257 = arith.constant 256 : i32
    %dma_start3A_258 = tpu.memref_slice %arg10[%dma_start3A_251, %dma_start3A_257] : memref<4x9984xi32, #tpu.memory_space<vmem>> -> memref<1x128xi32, #tpu.memory_space<vmem>>
    %dma_start3A_259 = tpu.memref_squeeze %dma_start3A_258 : memref<1x128xi32, #tpu.memory_space<vmem>> -> memref<128xi32, #tpu.memory_space<vmem>>
    %dma_start3A_260 = arith.constant 0 : i32
    %dma_start3A_261 = arith.constant 0 : i32
    %dma_start3A_262 = tpu.memref_slice %arg2[%dma_start3A_260, %dma_start3A_261] : memref<2560000x16xf32, #tpu.memory_space<hbm>> -> memref<2560000x16xf32, #tpu.memory_space<hbm>>
    tpu.enqueue_indirect_dma source(%dma_start3A_262 : memref<2560000x16xf32, #tpu.memory_space<hbm>>) target(%dma_start3A_256 : memref<128x16xf32, #tpu.memory_space<vmem>>) offsets(%dma_start3A_259 : memref<128xi32, #tpu.memory_space<vmem>>) semaphore(%arg13 : memref<!tpu.dma_semaphore, #tpu.memory_space<semaphore_mem>>)
    %scan3A_263 = arith.constant 0 : i32
    %scan3A_264 = arith.constant 3 : i32
    %scan3A_265 = arith.constant 3 : i32
    %scan3A_266 = arith.addi %scan3A_264, %scan3A_265 : i32
    %scan3A_267 = arith.constant 1 : i32
    %scan3A_268 = scf.for %scan3A_945 = %scan3A_264 to %scan3A_266 step %scan3A_267 iter_args(%scan3A_946 = %scan3A_263) -> (i32)  : i32 {
      %mul3A_947 = arith.constant 128 : i32
      %mul3A_948 = arith.muli %scan3A_945, %mul3A_947 : i32
      %add3A_949 = arith.constant 0 : i32
      %add3A_950 = arith.addi %mul3A_948, %add3A_949 : i32
      %add3A_951 = vector.broadcast %add3A_950 : i32 to vector<16xi32>
      %add3A_952 = arith.addi %add3A_951, %iota3A : vector<16xi32>
      %add3A_953 = vector.broadcast %mul3A_2 : i32 to vector<16xi32>
      %add3A_954 = arith.addi %add3A_953, %add3A_952 : vector<16xi32>
      %mul3A_955 = arith.constant 8 : i32
      %mul3A_956 = vector.broadcast %mul3A_955 : i32 to vector<16xi32>
      %mul3A_957 = arith.muli %add3A_954, %mul3A_956 : vector<16xi32>
      %add3A_958 = vector.broadcast %shift_right_logical3A_20 : i32 to vector<16xi32>
      %add3A_959 = arith.addi %mul3A_957, %add3A_958 : vector<16xi32>
      tpu.vector_store_idx %arg10[%broadcast_in_dim3A_106, %add3A_952], %add3A_959 : memref<4x9984xi32, #tpu.memory_space<vmem>>[vector<16xi32>, vector<16xi32>], vector<16xi32>,
      %add3A_960 = vector.broadcast %shift_right_logical3A_22 : i32 to vector<16xi32>
      %add3A_961 = arith.addi %mul3A_957, %add3A_960 : vector<16xi32>
      tpu.vector_store_idx %arg10[%broadcast_in_dim3A_108, %add3A_952], %add3A_961 : memref<4x9984xi32, #tpu.memory_space<vmem>>[vector<16xi32>, vector<16xi32>], vector<16xi32>,
      %add3A_962 = vector.broadcast %shift_right_logical3A_24 : i32 to vector<16xi32>
      %add3A_963 = arith.addi %mul3A_957, %add3A_962 : vector<16xi32>
      tpu.vector_store_idx %arg10[%broadcast_in_dim3A_110, %add3A_952], %add3A_963 : memref<4x9984xi32, #tpu.memory_space<vmem>>[vector<16xi32>, vector<16xi32>], vector<16xi32>,
      %add3A_964 = vector.broadcast %shift_right_logical3A_26 : i32 to vector<16xi32>
      %add3A_965 = arith.addi %mul3A_957, %add3A_964 : vector<16xi32>
      tpu.vector_store_idx %arg10[%broadcast_in_dim3A_112, %add3A_952], %add3A_965 : memref<4x9984xi32, #tpu.memory_space<vmem>>[vector<16xi32>, vector<16xi32>], vector<16xi32>,
      %mul3A_966 = arith.constant 128 : i32
      %mul3A_967 = arith.muli %scan3A_945, %mul3A_966 : i32
      %add3A_968 = arith.constant 16 : i32
      %add3A_969 = arith.addi %mul3A_967, %add3A_968 : i32
      %add3A_970 = vector.broadcast %add3A_969 : i32 to vector<16xi32>
      %add3A_971 = arith.addi %add3A_970, %iota3A : vector<16xi32>
      %add3A_972 = vector.broadcast %mul3A_2 : i32 to vector<16xi32>
      %add3A_973 = arith.addi %add3A_972, %add3A_971 : vector<16xi32>
      %mul3A_974 = arith.constant 8 : i32
      %mul3A_975 = vector.broadcast %mul3A_974 : i32 to vector<16xi32>
      %mul3A_976 = arith.muli %add3A_973, %mul3A_975 : vector<16xi32>
      %add3A_977 = vector.broadcast %shift_right_logical3A_20 : i32 to vector<16xi32>
      %add3A_978 = arith.addi %mul3A_976, %add3A_977 : vector<16xi32>
      tpu.vector_store_idx %arg10[%broadcast_in_dim3A_106, %add3A_971], %add3A_978 : memref<4x9984xi32, #tpu.memory_space<vmem>>[vector<16xi32>, vector<16xi32>], vector<16xi32>,
      %add3A_979 = vector.broadcast %shift_right_logical3A_22 : i32 to vector<16xi32>
      %add3A_980 = arith.addi %mul3A_976, %add3A_979 : vector<16xi32>
      tpu.vector_store_idx %arg10[%broadcast_in_dim3A_108, %add3A_971], %add3A_980 : memref<4x9984xi32, #tpu.memory_space<vmem>>[vector<16xi32>, vector<16xi32>], vector<16xi32>,
      %add3A_981 = vector.broadcast %shift_right_logical3A_24 : i32 to vector<16xi32>
      %add3A_982 = arith.addi %mul3A_976, %add3A_981 : vector<16xi32>
      tpu.vector_store_idx %arg10[%broadcast_in_dim3A_110, %add3A_971], %add3A_982 : memref<4x9984xi32, #tpu.memory_space<vmem>>[vector<16xi32>, vector<16xi32>], vector<16xi32>,
      %add3A_983 = vector.broadcast %shift_right_logical3A_26 : i32 to vector<16xi32>
      %add3A_984 = arith.addi %mul3A_976, %add3A_983 : vector<16xi32>
      tpu.vector_store_idx %arg10[%broadcast_in_dim3A_112, %add3A_971], %add3A_984 : memref<4x9984xi32, #tpu.memory_space<vmem>>[vector<16xi32>, vector<16xi32>], vector<16xi32>,
      %mul3A_985 = arith.constant 128 : i32
      %mul3A_986 = arith.muli %scan3A_945, %mul3A_985 : i32
      %add3A_987 = arith.constant 32 : i32
      %add3A_988 = arith.addi %mul3A_986, %add3A_987 : i32
      %add3A_989 = vector.broadcast %add3A_988 : i32 to vector<16xi32>
      %add3A_990 = arith.addi %add3A_989, %iota3A : vector<16xi32>
      %add3A_991 = vector.broadcast %mul3A_2 : i32 to vector<16xi32>
      %add3A_992 = arith.addi %add3A_991, %add3A_990 : vector<16xi32>
      %mul3A_993 = arith.constant 8 : i32
      %mul3A_994 = vector.broadcast %mul3A_993 : i32 to vector<16xi32>
      %mul3A_995 = arith.muli %add3A_992, %mul3A_994 : vector<16xi32>
      %add3A_996 = vector.broadcast %shift_right_logical3A_20 : i32 to vector<16xi32>
      %add3A_997 = arith.addi %mul3A_995, %add3A_996 : vector<16xi32>
      tpu.vector_store_idx %arg10[%broadcast_in_dim3A_106, %add3A_990], %add3A_997 : memref<4x9984xi32, #tpu.memory_space<vmem>>[vector<16xi32>, vector<16xi32>], vector<16xi32>,
      %add3A_998 = vector.broadcast %shift_right_logical3A_22 : i32 to vector<16xi32>
      %add3A_999 = arith.addi %mul3A_995, %add3A_998 : vector<16xi32>
      tpu.vector_store_idx %arg10[%broadcast_in_dim3A_108, %add3A_990], %add3A_999 : memref<4x9984xi32, #tpu.memory_space<vmem>>[vector<16xi32>, vector<16xi32>], vector<16xi32>,
      %add3A_1000 = vector.broadcast %shift_right_logical3A_24 : i32 to vector<16xi32>
      %add3A_1001 = arith.addi %mul3A_995, %add3A_1000 : vector<16xi32>
      tpu.vector_store_idx %arg10[%broadcast_in_dim3A_110, %add3A_990], %add3A_1001 : memref<4x9984xi32, #tpu.memory_space<vmem>>[vector<16xi32>, vector<16xi32>], vector<16xi32>,
      %add3A_1002 = vector.broadcast %shift_right_logical3A_26 : i32 to vector<16xi32>
      %add3A_1003 = arith.addi %mul3A_995, %add3A_1002 : vector<16xi32>
      tpu.vector_store_idx %arg10[%broadcast_in_dim3A_112, %add3A_990], %add3A_1003 : memref<4x9984xi32, #tpu.memory_space<vmem>>[vector<16xi32>, vector<16xi32>], vector<16xi32>,
      %mul3A_1004 = arith.constant 128 : i32
      %mul3A_1005 = arith.muli %scan3A_945, %mul3A_1004 : i32
      %add3A_1006 = arith.constant 48 : i32
      %add3A_1007 = arith.addi %mul3A_1005, %add3A_1006 : i32
      %add3A_1008 = vector.broadcast %add3A_1007 : i32 to vector<16xi32>
      %add3A_1009 = arith.addi %add3A_1008, %iota3A : vector<16xi32>
      %add3A_1010 = vector.broadcast %mul3A_2 : i32 to vector<16xi32>
      %add3A_1011 = arith.addi %add3A_1010, %add3A_1009 : vector<16xi32>
      %mul3A_1012 = arith.constant 8 : i32
      %mul3A_1013 = vector.broadcast %mul3A_1012 : i32 to vector<16xi32>
      %mul3A_1014 = arith.muli %add3A_1011, %mul3A_1013 : vector<16xi32>
      %add3A_1015 = vector.broadcast %shift_right_logical3A_20 : i32 to vector<16xi32>
      %add3A_1016 = arith.addi %mul3A_1014, %add3A_1015 : vector<16xi32>
      tpu.vector_store_idx %arg10[%broadcast_in_dim3A_106, %add3A_1009], %add3A_1016 : memref<4x9984xi32, #tpu.memory_space<vmem>>[vector<16xi32>, vector<16xi32>], vector<16xi32>,
      %add3A_1017 = vector.broadcast %shift_right_logical3A_22 : i32 to vector<16xi32>
      %add3A_1018 = arith.addi %mul3A_1014, %add3A_1017 : vector<16xi32>
      tpu.vector_store_idx %arg10[%broadcast_in_dim3A_108, %add3A_1009], %add3A_1018 : memref<4x9984xi32, #tpu.memory_space<vmem>>[vector<16xi32>, vector<16xi32>], vector<16xi32>,
      %add3A_1019 = vector.broadcast %shift_right_logical3A_24 : i32 to vector<16xi32>
      %add3A_1020 = arith.addi %mul3A_1014, %add3A_1019 : vector<16xi32>
      tpu.vector_store_idx %arg10[%broadcast_in_dim3A_110, %add3A_1009], %add3A_1020 : memref<4x9984xi32, #tpu.memory_space<vmem>>[vector<16xi32>, vector<16xi32>], vector<16xi32>,
      %add3A_1021 = vector.broadcast %shift_right_logical3A_26 : i32 to vector<16xi32>
      %add3A_1022 = arith.addi %mul3A_1014, %add3A_1021 : vector<16xi32>
      tpu.vector_store_idx %arg10[%broadcast_in_dim3A_112, %add3A_1009], %add3A_1022 : memref<4x9984xi32, #tpu.memory_space<vmem>>[vector<16xi32>, vector<16xi32>], vector<16xi32>,
      %mul3A_1023 = arith.constant 128 : i32
      %mul3A_1024 = arith.muli %scan3A_945, %mul3A_1023 : i32
      %add3A_1025 = arith.constant 64 : i32
      %add3A_1026 = arith.addi %mul3A_1024, %add3A_1025 : i32
      %add3A_1027 = vector.broadcast %add3A_1026 : i32 to vector<16xi32>
      %add3A_1028 = arith.addi %add3A_1027, %iota3A : vector<16xi32>
      %add3A_1029 = vector.broadcast %mul3A_2 : i32 to vector<16xi32>
      %add3A_1030 = arith.addi %add3A_1029, %add3A_1028 : vector<16xi32>
      %mul3A_1031 = arith.constant 8 : i32
      %mul3A_1032 = vector.broadcast %mul3A_1031 : i32 to vector<16xi32>
      %mul3A_1033 = arith.muli %add3A_1030, %mul3A_1032 : vector<16xi32>
      %add3A_1034 = vector.broadcast %shift_right_logical3A_20 : i32 to vector<16xi32>
      %add3A_1035 = arith.addi %mul3A_1033, %add3A_1034 : vector<16xi32>
      tpu.vector_store_idx %arg10[%broadcast_in_dim3A_106, %add3A_1028], %add3A_1035 : memref<4x9984xi32, #tpu.memory_space<vmem>>[vector<16xi32>, vector<16xi32>], vector<16xi32>,
      %add3A_1036 = vector.broadcast %shift_right_logical3A_22 : i32 to vector<16xi32>
      %add3A_1037 = arith.addi %mul3A_1033, %add3A_1036 : vector<16xi32>
      tpu.vector_store_idx %arg10[%broadcast_in_dim3A_108, %add3A_1028], %add3A_1037 : memref<4x9984xi32, #tpu.memory_space<vmem>>[vector<16xi32>, vector<16xi32>], vector<16xi32>,
      %add3A_1038 = vector.broadcast %shift_right_logical3A_24 : i32 to vector<16xi32>
      %add3A_1039 = arith.addi %mul3A_1033, %add3A_1038 : vector<16xi32>
      tpu.vector_store_idx %arg10[%broadcast_in_dim3A_110, %add3A_1028], %add3A_1039 : memref<4x9984xi32, #tpu.memory_space<vmem>>[vector<16xi32>, vector<16xi32>], vector<16xi32>,
      %add3A_1040 = vector.broadcast %shift_right_logical3A_26 : i32 to vector<16xi32>
      %add3A_1041 = arith.addi %mul3A_1033, %add3A_1040 : vector<16xi32>
      tpu.vector_store_idx %arg10[%broadcast_in_dim3A_112, %add3A_1028], %add3A_1041 : memref<4x9984xi32, #tpu.memory_space<vmem>>[vector<16xi32>, vector<16xi32>], vector<16xi32>,
      %mul3A_1042 = arith.constant 128 : i32
      %mul3A_1043 = arith.muli %scan3A_945, %mul3A_1042 : i32
      %add3A_1044 = arith.constant 80 : i32
      %add3A_1045 = arith.addi %mul3A_1043, %add3A_1044 : i32
      %add3A_1046 = vector.broadcast %add3A_1045 : i32 to vector<16xi32>
      %add3A_1047 = arith.addi %add3A_1046, %iota3A : vector<16xi32>
      %add3A_1048 = vector.broadcast %mul3A_2 : i32 to vector<16xi32>
      %add3A_1049 = arith.addi %add3A_1048, %add3A_1047 : vector<16xi32>
      %mul3A_1050 = arith.constant 8 : i32
      %mul3A_1051 = vector.broadcast %mul3A_1050 : i32 to vector<16xi32>
      %mul3A_1052 = arith.muli %add3A_1049, %mul3A_1051 : vector<16xi32>
      %add3A_1053 = vector.broadcast %shift_right_logical3A_20 : i32 to vector<16xi32>
      %add3A_1054 = arith.addi %mul3A_1052, %add3A_1053 : vector<16xi32>
      tpu.vector_store_idx %arg10[%broadcast_in_dim3A_106, %add3A_1047], %add3A_1054 : memref<4x9984xi32, #tpu.memory_space<vmem>>[vector<16xi32>, vector<16xi32>], vector<16xi32>,
      %add3A_1055 = vector.broadcast %shift_right_logical3A_22 : i32 to vector<16xi32>
      %add3A_1056 = arith.addi %mul3A_1052, %add3A_1055 : vector<16xi32>
      tpu.vector_store_idx %arg10[%broadcast_in_dim3A_108, %add3A_1047], %add3A_1056 : memref<4x9984xi32, #tpu.memory_space<vmem>>[vector<16xi32>, vector<16xi32>], vector<16xi32>,
      %add3A_1057 = vector.broadcast %shift_right_logical3A_24 : i32 to vector<16xi32>
      %add3A_1058 = arith.addi %mul3A_1052, %add3A_1057 : vector<16xi32>
      tpu.vector_store_idx %arg10[%broadcast_in_dim3A_110, %add3A_1047], %add3A_1058 : memref<4x9984xi32, #tpu.memory_space<vmem>>[vector<16xi32>, vector<16xi32>], vector<16xi32>,
      %add3A_1059 = vector.broadcast %shift_right_logical3A_26 : i32 to vector<16xi32>
      %add3A_1060 = arith.addi %mul3A_1052, %add3A_1059 : vector<16xi32>
      tpu.vector_store_idx %arg10[%broadcast_in_dim3A_112, %add3A_1047], %add3A_1060 : memref<4x9984xi32, #tpu.memory_space<vmem>>[vector<16xi32>, vector<16xi32>], vector<16xi32>,
      %mul3A_1061 = arith.constant 128 : i32
      %mul3A_1062 = arith.muli %scan3A_945, %mul3A_1061 : i32
      %add3A_1063 = arith.constant 96 : i32
      %add3A_1064 = arith.addi %mul3A_1062, %add3A_1063 : i32
      %add3A_1065 = vector.broadcast %add3A_1064 : i32 to vector<16xi32>
      %add3A_1066 = arith.addi %add3A_1065, %iota3A : vector<16xi32>
      %add3A_1067 = vector.broadcast %mul3A_2 : i32 to vector<16xi32>
      %add3A_1068 = arith.addi %add3A_1067, %add3A_1066 : vector<16xi32>
      %mul3A_1069 = arith.constant 8 : i32
      %mul3A_1070 = vector.broadcast %mul3A_1069 : i32 to vector<16xi32>
      %mul3A_1071 = arith.muli %add3A_1068, %mul3A_1070 : vector<16xi32>
      %add3A_1072 = vector.broadcast %shift_right_logical3A_20 : i32 to vector<16xi32>
      %add3A_1073 = arith.addi %mul3A_1071, %add3A_1072 : vector<16xi32>
      tpu.vector_store_idx %arg10[%broadcast_in_dim3A_106, %add3A_1066], %add3A_1073 : memref<4x9984xi32, #tpu.memory_space<vmem>>[vector<16xi32>, vector<16xi32>], vector<16xi32>,
      %add3A_1074 = vector.broadcast %shift_right_logical3A_22 : i32 to vector<16xi32>
      %add3A_1075 = arith.addi %mul3A_1071, %add3A_1074 : vector<16xi32>
      tpu.vector_store_idx %arg10[%broadcast_in_dim3A_108, %add3A_1066], %add3A_1075 : memref<4x9984xi32, #tpu.memory_space<vmem>>[vector<16xi32>, vector<16xi32>], vector<16xi32>,
      %add3A_1076 = vector.broadcast %shift_right_logical3A_24 : i32 to vector<16xi32>
      %add3A_1077 = arith.addi %mul3A_1071, %add3A_1076 : vector<16xi32>
      tpu.vector_store_idx %arg10[%broadcast_in_dim3A_110, %add3A_1066], %add3A_1077 : memref<4x9984xi32, #tpu.memory_space<vmem>>[vector<16xi32>, vector<16xi32>], vector<16xi32>,
      %add3A_1078 = vector.broadcast %shift_right_logical3A_26 : i32 to vector<16xi32>
      %add3A_1079 = arith.addi %mul3A_1071, %add3A_1078 : vector<16xi32>
      tpu.vector_store_idx %arg10[%broadcast_in_dim3A_112, %add3A_1066], %add3A_1079 : memref<4x9984xi32, #tpu.memory_space<vmem>>[vector<16xi32>, vector<16xi32>], vector<16xi32>,
      %mul3A_1080 = arith.constant 128 : i32
      %mul3A_1081 = arith.muli %scan3A_945, %mul3A_1080 : i32
      %add3A_1082 = arith.constant 112 : i32
      %add3A_1083 = arith.addi %mul3A_1081, %add3A_1082 : i32
      %add3A_1084 = vector.broadcast %add3A_1083 : i32 to vector<16xi32>
      %add3A_1085 = arith.addi %add3A_1084, %iota3A : vector<16xi32>
      %add3A_1086 = vector.broadcast %mul3A_2 : i32 to vector<16xi32>
      %add3A_1087 = arith.addi %add3A_1086, %add3A_1085 : vector<16xi32>
      %mul3A_1088 = arith.constant 8 : i32
      %mul3A_1089 = vector.broadcast %mul3A_1088 : i32 to vector<16xi32>
      %mul3A_1090 = arith.muli %add3A_1087, %mul3A_1089 : vector<16xi32>
      %add3A_1091 = vector.broadcast %shift_right_logical3A_20 : i32 to vector<16xi32>
      %add3A_1092 = arith.addi %mul3A_1090, %add3A_1091 : vector<16xi32>
      tpu.vector_store_idx %arg10[%broadcast_in_dim3A_106, %add3A_1085], %add3A_1092 : memref<4x9984xi32, #tpu.memory_space<vmem>>[vector<16xi32>, vector<16xi32>], vector<16xi32>,
      %add3A_1093 = vector.broadcast %shift_right_logical3A_22 : i32 to vector<16xi32>
      %add3A_1094 = arith.addi %mul3A_1090, %add3A_1093 : vector<16xi32>
      tpu.vector_store_idx %arg10[%broadcast_in_dim3A_108, %add3A_1085], %add3A_1094 : memref<4x9984xi32, #tpu.memory_space<vmem>>[vector<16xi32>, vector<16xi32>], vector<16xi32>,
      %add3A_1095 = vector.broadcast %shift_right_logical3A_24 : i32 to vector<16xi32>
      %add3A_1096 = arith.addi %mul3A_1090, %add3A_1095 : vector<16xi32>
      tpu.vector_store_idx %arg10[%broadcast_in_dim3A_110, %add3A_1085], %add3A_1096 : memref<4x9984xi32, #tpu.memory_space<vmem>>[vector<16xi32>, vector<16xi32>], vector<16xi32>,
      %add3A_1097 = vector.broadcast %shift_right_logical3A_26 : i32 to vector<16xi32>
      %add3A_1098 = arith.addi %mul3A_1090, %add3A_1097 : vector<16xi32>
      tpu.vector_store_idx %arg10[%broadcast_in_dim3A_112, %add3A_1085], %add3A_1098 : memref<4x9984xi32, #tpu.memory_space<vmem>>[vector<16xi32>, vector<16xi32>], vector<16xi32>,
      %scan3A_1099 = arith.constant 0 : i32
      scf.yield %scan3A_1099 : i32
    }
    %scan3A_269 = arith.constant 3 : i32
    %dma_start3A_270 = arith.constant 0 : i32
    %dma_start3A_271 = arith.constant 0 : i32
    %dma_start3A_272 = arith.constant 0 : i32
    %dma_start3A_273 = arith.constant 0 : i32
    %dma_start3A_274 = tpu.memref_slice %arg7[%dma_start3A_271, %dma_start3A_272, %dma_start3A_273] : memref<4x384x16xf32, #tpu.memory_space<vmem>> -> memref<1x128x16xf32, #tpu.memory_space<vmem>>
    %dma_start3A_275 = tpu.memref_squeeze %dma_start3A_274 : memref<1x128x16xf32, #tpu.memory_space<vmem>> -> memref<128x16xf32, #tpu.memory_space<vmem>>
    %dma_start3A_276 = arith.constant 384 : i32
    %dma_start3A_277 = tpu.memref_slice %arg10[%dma_start3A_270, %dma_start3A_276] : memref<4x9984xi32, #tpu.memory_space<vmem>> -> memref<1x128xi32, #tpu.memory_space<vmem>>
    %dma_start3A_278 = tpu.memref_squeeze %dma_start3A_277 : memref<1x128xi32, #tpu.memory_space<vmem>> -> memref<128xi32, #tpu.memory_space<vmem>>
    %dma_start3A_279 = arith.constant 0 : i32
    %dma_start3A_280 = arith.constant 0 : i32
    %dma_start3A_281 = tpu.memref_slice %arg2[%dma_start3A_279, %dma_start3A_280] : memref<2560000x16xf32, #tpu.memory_space<hbm>> -> memref<2560000x16xf32, #tpu.memory_space<hbm>>
    tpu.enqueue_indirect_dma source(%dma_start3A_281 : memref<2560000x16xf32, #tpu.memory_space<hbm>>) target(%dma_start3A_275 : memref<128x16xf32, #tpu.memory_space<vmem>>) offsets(%dma_start3A_278 : memref<128xi32, #tpu.memory_space<vmem>>) semaphore(%arg14 : memref<!tpu.dma_semaphore, #tpu.memory_space<semaphore_mem>>)
    %dma_start3A_282 = arith.constant 0 : i32
    %dma_start3A_283 = arith.constant 0 : i32
    %dma_start3A_284 = arith.constant 128 : i32
    %dma_start3A_285 = arith.constant 0 : i32
    %dma_start3A_286 = tpu.memref_slice %arg7[%dma_start3A_283, %dma_start3A_284, %dma_start3A_285] : memref<4x384x16xf32, #tpu.memory_space<vmem>> -> memref<1x128x16xf32, #tpu.memory_space<vmem>>
    %dma_start3A_287 = tpu.memref_squeeze %dma_start3A_286 : memref<1x128x16xf32, #tpu.memory_space<vmem>> -> memref<128x16xf32, #tpu.memory_space<vmem>>
    %dma_start3A_288 = arith.constant 512 : i32
    %dma_start3A_289 = tpu.memref_slice %arg10[%dma_start3A_282, %dma_start3A_288] : memref<4x9984xi32, #tpu.memory_space<vmem>> -> memref<1x128xi32, #tpu.memory_space<vmem>>
    %dma_start3A_290 = tpu.memref_squeeze %dma_start3A_289 : memref<1x128xi32, #tpu.memory_space<vmem>> -> memref<128xi32, #tpu.memory_space<vmem>>
    %dma_start3A_291 = arith.constant 0 : i32
    %dma_start3A_292 = arith.constant 0 : i32
    %dma_start3A_293 = tpu.memref_slice %arg2[%dma_start3A_291, %dma_start3A_292] : memref<2560000x16xf32, #tpu.memory_space<hbm>> -> memref<2560000x16xf32, #tpu.memory_space<hbm>>
    tpu.enqueue_indirect_dma source(%dma_start3A_293 : memref<2560000x16xf32, #tpu.memory_space<hbm>>) target(%dma_start3A_287 : memref<128x16xf32, #tpu.memory_space<vmem>>) offsets(%dma_start3A_290 : memref<128xi32, #tpu.memory_space<vmem>>) semaphore(%arg14 : memref<!tpu.dma_semaphore, #tpu.memory_space<semaphore_mem>>)
    %dma_start3A_294 = arith.constant 0 : i32
    %dma_start3A_295 = arith.constant 0 : i32
    %dma_start3A_296 = arith.constant 256 : i32
    %dma_start3A_297 = arith.constant 0 : i32
    %dma_start3A_298 = tpu.memref_slice %arg7[%dma_start3A_295, %dma_start3A_296, %dma_start3A_297] : memref<4x384x16xf32, #tpu.memory_space<vmem>> -> memref<1x128x16xf32, #tpu.memory_space<vmem>>
    %dma_start3A_299 = tpu.memref_squeeze %dma_start3A_298 : memref<1x128x16xf32, #tpu.memory_space<vmem>> -> memref<128x16xf32, #tpu.memory_space<vmem>>
    %dma_start3A_300 = arith.constant 640 : i32
    %dma_start3A_301 = tpu.memref_slice %arg10[%dma_start3A_294, %dma_start3A_300] : memref<4x9984xi32, #tpu.memory_space<vmem>> -> memref<1x128xi32, #tpu.memory_space<vmem>>
    %dma_start3A_302 = tpu.memref_squeeze %dma_start3A_301 : memref<1x128xi32, #tpu.memory_space<vmem>> -> memref<128xi32, #tpu.memory_space<vmem>>
    %dma_start3A_303 = arith.constant 0 : i32
    %dma_start3A_304 = arith.constant 0 : i32
    %dma_start3A_305 = tpu.memref_slice %arg2[%dma_start3A_303, %dma_start3A_304] : memref<2560000x16xf32, #tpu.memory_space<hbm>> -> memref<2560000x16xf32, #tpu.memory_space<hbm>>
    tpu.enqueue_indirect_dma source(%dma_start3A_305 : memref<2560000x16xf32, #tpu.memory_space<hbm>>) target(%dma_start3A_299 : memref<128x16xf32, #tpu.memory_space<vmem>>) offsets(%dma_start3A_302 : memref<128xi32, #tpu.memory_space<vmem>>) semaphore(%arg14 : memref<!tpu.dma_semaphore, #tpu.memory_space<semaphore_mem>>)
    %dma_start3A_306 = arith.constant 1 : i32
    %dma_start3A_307 = arith.constant 1 : i32
    %dma_start3A_308 = arith.constant 0 : i32
    %dma_start3A_309 = arith.constant 0 : i32
    %dma_start3A_310 = tpu.memref_slice %arg7[%dma_start3A_307, %dma_start3A_308, %dma_start3A_309] : memref<4x384x16xf32, #tpu.memory_space<vmem>> -> memref<1x128x16xf32, #tpu.memory_space<vmem>>
    %dma_start3A_311 = tpu.memref_squeeze %dma_start3A_310 : memref<1x128x16xf32, #tpu.memory_space<vmem>> -> memref<128x16xf32, #tpu.memory_space<vmem>>
    %dma_start3A_312 = arith.constant 384 : i32
    %dma_start3A_313 = tpu.memref_slice %arg10[%dma_start3A_306, %dma_start3A_312] : memref<4x9984xi32, #tpu.memory_space<vmem>> -> memref<1x128xi32, #tpu.memory_space<vmem>>
    %dma_start3A_314 = tpu.memref_squeeze %dma_start3A_313 : memref<1x128xi32, #tpu.memory_space<vmem>> -> memref<128xi32, #tpu.memory_space<vmem>>
    %dma_start3A_315 = arith.constant 0 : i32
    %dma_start3A_316 = arith.constant 0 : i32
    %dma_start3A_317 = tpu.memref_slice %arg2[%dma_start3A_315, %dma_start3A_316] : memref<2560000x16xf32, #tpu.memory_space<hbm>> -> memref<2560000x16xf32, #tpu.memory_space<hbm>>
    tpu.enqueue_indirect_dma source(%dma_start3A_317 : memref<2560000x16xf32, #tpu.memory_space<hbm>>) target(%dma_start3A_311 : memref<128x16xf32, #tpu.memory_space<vmem>>) offsets(%dma_start3A_314 : memref<128xi32, #tpu.memory_space<vmem>>) semaphore(%arg14 : memref<!tpu.dma_semaphore, #tpu.memory_space<semaphore_mem>>)
    %dma_start3A_318 = arith.constant 1 : i32
    %dma_start3A_319 = arith.constant 1 : i32
    %dma_start3A_320 = arith.constant 128 : i32
    %dma_start3A_321 = arith.constant 0 : i32
    %dma_start3A_322 = tpu.memref_slice %arg7[%dma_start3A_319, %dma_start3A_320, %dma_start3A_321] : memref<4x384x16xf32, #tpu.memory_space<vmem>> -> memref<1x128x16xf32, #tpu.memory_space<vmem>>
    %dma_start3A_323 = tpu.memref_squeeze %dma_start3A_322 : memref<1x128x16xf32, #tpu.memory_space<vmem>> -> memref<128x16xf32, #tpu.memory_space<vmem>>
    %dma_start3A_324 = arith.constant 512 : i32
    %dma_start3A_325 = tpu.memref_slice %arg10[%dma_start3A_318, %dma_start3A_324] : memref<4x9984xi32, #tpu.memory_space<vmem>> -> memref<1x128xi32, #tpu.memory_space<vmem>>
    %dma_start3A_326 = tpu.memref_squeeze %dma_start3A_325 : memref<1x128xi32, #tpu.memory_space<vmem>> -> memref<128xi32, #tpu.memory_space<vmem>>
    %dma_start3A_327 = arith.constant 0 : i32
    %dma_start3A_328 = arith.constant 0 : i32
    %dma_start3A_329 = tpu.memref_slice %arg2[%dma_start3A_327, %dma_start3A_328] : memref<2560000x16xf32, #tpu.memory_space<hbm>> -> memref<2560000x16xf32, #tpu.memory_space<hbm>>
    tpu.enqueue_indirect_dma source(%dma_start3A_329 : memref<2560000x16xf32, #tpu.memory_space<hbm>>) target(%dma_start3A_323 : memref<128x16xf32, #tpu.memory_space<vmem>>) offsets(%dma_start3A_326 : memref<128xi32, #tpu.memory_space<vmem>>) semaphore(%arg14 : memref<!tpu.dma_semaphore, #tpu.memory_space<semaphore_mem>>)
    %dma_start3A_330 = arith.constant 1 : i32
    %dma_start3A_331 = arith.constant 1 : i32
    %dma_start3A_332 = arith.constant 256 : i32
    %dma_start3A_333 = arith.constant 0 : i32
    %dma_start3A_334 = tpu.memref_slice %arg7[%dma_start3A_331, %dma_start3A_332, %dma_start3A_333] : memref<4x384x16xf32, #tpu.memory_space<vmem>> -> memref<1x128x16xf32, #tpu.memory_space<vmem>>
    %dma_start3A_335 = tpu.memref_squeeze %dma_start3A_334 : memref<1x128x16xf32, #tpu.memory_space<vmem>> -> memref<128x16xf32, #tpu.memory_space<vmem>>
    %dma_start3A_336 = arith.constant 640 : i32
    %dma_start3A_337 = tpu.memref_slice %arg10[%dma_start3A_330, %dma_start3A_336] : memref<4x9984xi32, #tpu.memory_space<vmem>> -> memref<1x128xi32, #tpu.memory_space<vmem>>
    %dma_start3A_338 = tpu.memref_squeeze %dma_start3A_337 : memref<1x128xi32, #tpu.memory_space<vmem>> -> memref<128xi32, #tpu.memory_space<vmem>>
    %dma_start3A_339 = arith.constant 0 : i32
    %dma_start3A_340 = arith.constant 0 : i32
    %dma_start3A_341 = tpu.memref_slice %arg2[%dma_start3A_339, %dma_start3A_340] : memref<2560000x16xf32, #tpu.memory_space<hbm>> -> memref<2560000x16xf32, #tpu.memory_space<hbm>>
    tpu.enqueue_indirect_dma source(%dma_start3A_341 : memref<2560000x16xf32, #tpu.memory_space<hbm>>) target(%dma_start3A_335 : memref<128x16xf32, #tpu.memory_space<vmem>>) offsets(%dma_start3A_338 : memref<128xi32, #tpu.memory_space<vmem>>) semaphore(%arg14 : memref<!tpu.dma_semaphore, #tpu.memory_space<semaphore_mem>>)
    %dma_start3A_342 = arith.constant 2 : i32
    %dma_start3A_343 = arith.constant 2 : i32
    %dma_start3A_344 = arith.constant 0 : i32
    %dma_start3A_345 = arith.constant 0 : i32
    %dma_start3A_346 = tpu.memref_slice %arg7[%dma_start3A_343, %dma_start3A_344, %dma_start3A_345] : memref<4x384x16xf32, #tpu.memory_space<vmem>> -> memref<1x128x16xf32, #tpu.memory_space<vmem>>
    %dma_start3A_347 = tpu.memref_squeeze %dma_start3A_346 : memref<1x128x16xf32, #tpu.memory_space<vmem>> -> memref<128x16xf32, #tpu.memory_space<vmem>>
    %dma_start3A_348 = arith.constant 384 : i32
    %dma_start3A_349 = tpu.memref_slice %arg10[%dma_start3A_342, %dma_start3A_348] : memref<4x9984xi32, #tpu.memory_space<vmem>> -> memref<1x128xi32, #tpu.memory_space<vmem>>
    %dma_start3A_350 = tpu.memref_squeeze %dma_start3A_349 : memref<1x128xi32, #tpu.memory_space<vmem>> -> memref<128xi32, #tpu.memory_space<vmem>>
    %dma_start3A_351 = arith.constant 0 : i32
    %dma_start3A_352 = arith.constant 0 : i32
    %dma_start3A_353 = tpu.memref_slice %arg2[%dma_start3A_351, %dma_start3A_352] : memref<2560000x16xf32, #tpu.memory_space<hbm>> -> memref<2560000x16xf32, #tpu.memory_space<hbm>>
    tpu.enqueue_indirect_dma source(%dma_start3A_353 : memref<2560000x16xf32, #tpu.memory_space<hbm>>) target(%dma_start3A_347 : memref<128x16xf32, #tpu.memory_space<vmem>>) offsets(%dma_start3A_350 : memref<128xi32, #tpu.memory_space<vmem>>) semaphore(%arg14 : memref<!tpu.dma_semaphore, #tpu.memory_space<semaphore_mem>>)
    %dma_start3A_354 = arith.constant 2 : i32
    %dma_start3A_355 = arith.constant 2 : i32
    %dma_start3A_356 = arith.constant 128 : i32
    %dma_start3A_357 = arith.constant 0 : i32
    %dma_start3A_358 = tpu.memref_slice %arg7[%dma_start3A_355, %dma_start3A_356, %dma_start3A_357] : memref<4x384x16xf32, #tpu.memory_space<vmem>> -> memref<1x128x16xf32, #tpu.memory_space<vmem>>
    %dma_start3A_359 = tpu.memref_squeeze %dma_start3A_358 : memref<1x128x16xf32, #tpu.memory_space<vmem>> -> memref<128x16xf32, #tpu.memory_space<vmem>>
    %dma_start3A_360 = arith.constant 512 : i32
    %dma_start3A_361 = tpu.memref_slice %arg10[%dma_start3A_354, %dma_start3A_360] : memref<4x9984xi32, #tpu.memory_space<vmem>> -> memref<1x128xi32, #tpu.memory_space<vmem>>
    %dma_start3A_362 = tpu.memref_squeeze %dma_start3A_361 : memref<1x128xi32, #tpu.memory_space<vmem>> -> memref<128xi32, #tpu.memory_space<vmem>>
    %dma_start3A_363 = arith.constant 0 : i32
    %dma_start3A_364 = arith.constant 0 : i32
    %dma_start3A_365 = tpu.memref_slice %arg2[%dma_start3A_363, %dma_start3A_364] : memref<2560000x16xf32, #tpu.memory_space<hbm>> -> memref<2560000x16xf32, #tpu.memory_space<hbm>>
    tpu.enqueue_indirect_dma source(%dma_start3A_365 : memref<2560000x16xf32, #tpu.memory_space<hbm>>) target(%dma_start3A_359 : memref<128x16xf32, #tpu.memory_space<vmem>>) offsets(%dma_start3A_362 : memref<128xi32, #tpu.memory_space<vmem>>) semaphore(%arg14 : memref<!tpu.dma_semaphore, #tpu.memory_space<semaphore_mem>>)
    %dma_start3A_366 = arith.constant 2 : i32
    %dma_start3A_367 = arith.constant 2 : i32
    %dma_start3A_368 = arith.constant 256 : i32
    %dma_start3A_369 = arith.constant 0 : i32
    %dma_start3A_370 = tpu.memref_slice %arg7[%dma_start3A_367, %dma_start3A_368, %dma_start3A_369] : memref<4x384x16xf32, #tpu.memory_space<vmem>> -> memref<1x128x16xf32, #tpu.memory_space<vmem>>
    %dma_start3A_371 = tpu.memref_squeeze %dma_start3A_370 : memref<1x128x16xf32, #tpu.memory_space<vmem>> -> memref<128x16xf32, #tpu.memory_space<vmem>>
    %dma_start3A_372 = arith.constant 640 : i32
    %dma_start3A_373 = tpu.memref_slice %arg10[%dma_start3A_366, %dma_start3A_372] : memref<4x9984xi32, #tpu.memory_space<vmem>> -> memref<1x128xi32, #tpu.memory_space<vmem>>
    %dma_start3A_374 = tpu.memref_squeeze %dma_start3A_373 : memref<1x128xi32, #tpu.memory_space<vmem>> -> memref<128xi32, #tpu.memory_space<vmem>>
    %dma_start3A_375 = arith.constant 0 : i32
    %dma_start3A_376 = arith.constant 0 : i32
    %dma_start3A_377 = tpu.memref_slice %arg2[%dma_start3A_375, %dma_start3A_376] : memref<2560000x16xf32, #tpu.memory_space<hbm>> -> memref<2560000x16xf32, #tpu.memory_space<hbm>>
    tpu.enqueue_indirect_dma source(%dma_start3A_377 : memref<2560000x16xf32, #tpu.memory_space<hbm>>) target(%dma_start3A_371 : memref<128x16xf32, #tpu.memory_space<vmem>>) offsets(%dma_start3A_374 : memref<128xi32, #tpu.memory_space<vmem>>) semaphore(%arg14 : memref<!tpu.dma_semaphore, #tpu.memory_space<semaphore_mem>>)
    %dma_start3A_378 = arith.constant 3 : i32
    %dma_start3A_379 = arith.constant 3 : i32
    %dma_start3A_380 = arith.constant 0 : i32
    %dma_start3A_381 = arith.constant 0 : i32
    %dma_start3A_382 = tpu.memref_slice %arg7[%dma_start3A_379, %dma_start3A_380, %dma_start3A_381] : memref<4x384x16xf32, #tpu.memory_space<vmem>> -> memref<1x128x16xf32, #tpu.memory_space<vmem>>
    %dma_start3A_383 = tpu.memref_squeeze %dma_start3A_382 : memref<1x128x16xf32, #tpu.memory_space<vmem>> -> memref<128x16xf32, #tpu.memory_space<vmem>>
    %dma_start3A_384 = arith.constant 384 : i32
    %dma_start3A_385 = tpu.memref_slice %arg10[%dma_start3A_378, %dma_start3A_384] : memref<4x9984xi32, #tpu.memory_space<vmem>> -> memref<1x128xi32, #tpu.memory_space<vmem>>
    %dma_start3A_386 = tpu.memref_squeeze %dma_start3A_385 : memref<1x128xi32, #tpu.memory_space<vmem>> -> memref<128xi32, #tpu.memory_space<vmem>>
    %dma_start3A_387 = arith.constant 0 : i32
    %dma_start3A_388 = arith.constant 0 : i32
    %dma_start3A_389 = tpu.memref_slice %arg2[%dma_start3A_387, %dma_start3A_388] : memref<2560000x16xf32, #tpu.memory_space<hbm>> -> memref<2560000x16xf32, #tpu.memory_space<hbm>>
    tpu.enqueue_indirect_dma source(%dma_start3A_389 : memref<2560000x16xf32, #tpu.memory_space<hbm>>) target(%dma_start3A_383 : memref<128x16xf32, #tpu.memory_space<vmem>>) offsets(%dma_start3A_386 : memref<128xi32, #tpu.memory_space<vmem>>) semaphore(%arg14 : memref<!tpu.dma_semaphore, #tpu.memory_space<semaphore_mem>>)
    %dma_start3A_390 = arith.constant 3 : i32
    %dma_start3A_391 = arith.constant 3 : i32
    %dma_start3A_392 = arith.constant 128 : i32
    %dma_start3A_393 = arith.constant 0 : i32
    %dma_start3A_394 = tpu.memref_slice %arg7[%dma_start3A_391, %dma_start3A_392, %dma_start3A_393] : memref<4x384x16xf32, #tpu.memory_space<vmem>> -> memref<1x128x16xf32, #tpu.memory_space<vmem>>
    %dma_start3A_395 = tpu.memref_squeeze %dma_start3A_394 : memref<1x128x16xf32, #tpu.memory_space<vmem>> -> memref<128x16xf32, #tpu.memory_space<vmem>>
    %dma_start3A_396 = arith.constant 512 : i32
    %dma_start3A_397 = tpu.memref_slice %arg10[%dma_start3A_390, %dma_start3A_396] : memref<4x9984xi32, #tpu.memory_space<vmem>> -> memref<1x128xi32, #tpu.memory_space<vmem>>
    %dma_start3A_398 = tpu.memref_squeeze %dma_start3A_397 : memref<1x128xi32, #tpu.memory_space<vmem>> -> memref<128xi32, #tpu.memory_space<vmem>>
    %dma_start3A_399 = arith.constant 0 : i32
    %dma_start3A_400 = arith.constant 0 : i32
    %dma_start3A_401 = tpu.memref_slice %arg2[%dma_start3A_399, %dma_start3A_400] : memref<2560000x16xf32, #tpu.memory_space<hbm>> -> memref<2560000x16xf32, #tpu.memory_space<hbm>>
    tpu.enqueue_indirect_dma source(%dma_start3A_401 : memref<2560000x16xf32, #tpu.memory_space<hbm>>) target(%dma_start3A_395 : memref<128x16xf32, #tpu.memory_space<vmem>>) offsets(%dma_start3A_398 : memref<128xi32, #tpu.memory_space<vmem>>) semaphore(%arg14 : memref<!tpu.dma_semaphore, #tpu.memory_space<semaphore_mem>>)
    %dma_start3A_402 = arith.constant 3 : i32
    %dma_start3A_403 = arith.constant 3 : i32
    %dma_start3A_404 = arith.constant 256 : i32
    %dma_start3A_405 = arith.constant 0 : i32
    %dma_start3A_406 = tpu.memref_slice %arg7[%dma_start3A_403, %dma_start3A_404, %dma_start3A_405] : memref<4x384x16xf32, #tpu.memory_space<vmem>> -> memref<1x128x16xf32, #tpu.memory_space<vmem>>
    %dma_start3A_407 = tpu.memref_squeeze %dma_start3A_406 : memref<1x128x16xf32, #tpu.memory_space<vmem>> -> memref<128x16xf32, #tpu.memory_space<vmem>>
    %dma_start3A_408 = arith.constant 640 : i32
    %dma_start3A_409 = tpu.memref_slice %arg10[%dma_start3A_402, %dma_start3A_408] : memref<4x9984xi32, #tpu.memory_space<vmem>> -> memref<1x128xi32, #tpu.memory_space<vmem>>
    %dma_start3A_410 = tpu.memref_squeeze %dma_start3A_409 : memref<1x128xi32, #tpu.memory_space<vmem>> -> memref<128xi32, #tpu.memory_space<vmem>>
    %dma_start3A_411 = arith.constant 0 : i32
    %dma_start3A_412 = arith.constant 0 : i32
    %dma_start3A_413 = tpu.memref_slice %arg2[%dma_start3A_411, %dma_start3A_412] : memref<2560000x16xf32, #tpu.memory_space<hbm>> -> memref<2560000x16xf32, #tpu.memory_space<hbm>>
    tpu.enqueue_indirect_dma source(%dma_start3A_413 : memref<2560000x16xf32, #tpu.memory_space<hbm>>) target(%dma_start3A_407 : memref<128x16xf32, #tpu.memory_space<vmem>>) offsets(%dma_start3A_410 : memref<128xi32, #tpu.memory_space<vmem>>) semaphore(%arg14 : memref<!tpu.dma_semaphore, #tpu.memory_space<semaphore_mem>>)
    %scan3A_414 = arith.constant 0 : i32
    %scan3A_415 = arith.constant 6 : i32
    %scan3A_416 = arith.constant 72 : i32
    %scan3A_417 = arith.addi %scan3A_415, %scan3A_416 : i32
    %scan3A_418 = arith.constant 1 : i32
    %scan3A_419 = scf.for %scan3A_945 = %scan3A_415 to %scan3A_417 step %scan3A_418 iter_args(%scan3A_946 = %scan3A_414) -> (i32)  : i32 {
      %mul3A_947 = arith.constant 128 : i32
      %mul3A_948 = arith.muli %scan3A_945, %mul3A_947 : i32
      %add3A_949 = arith.constant 0 : i32
      %add3A_950 = arith.addi %mul3A_948, %add3A_949 : i32
      %add3A_951 = vector.broadcast %add3A_950 : i32 to vector<16xi32>
      %add3A_952 = arith.addi %add3A_951, %iota3A : vector<16xi32>
      %add3A_953 = vector.broadcast %mul3A_2 : i32 to vector<16xi32>
      %add3A_954 = arith.addi %add3A_953, %add3A_952 : vector<16xi32>
      %mul3A_955 = arith.constant 8 : i32
      %mul3A_956 = vector.broadcast %mul3A_955 : i32 to vector<16xi32>
      %mul3A_957 = arith.muli %add3A_954, %mul3A_956 : vector<16xi32>
      %add3A_958 = vector.broadcast %shift_right_logical3A_20 : i32 to vector<16xi32>
      %add3A_959 = arith.addi %mul3A_957, %add3A_958 : vector<16xi32>
      tpu.vector_store_idx %arg10[%broadcast_in_dim3A_106, %add3A_952], %add3A_959 : memref<4x9984xi32, #tpu.memory_space<vmem>>[vector<16xi32>, vector<16xi32>], vector<16xi32>,
      %add3A_960 = vector.broadcast %shift_right_logical3A_22 : i32 to vector<16xi32>
      %add3A_961 = arith.addi %mul3A_957, %add3A_960 : vector<16xi32>
      tpu.vector_store_idx %arg10[%broadcast_in_dim3A_108, %add3A_952], %add3A_961 : memref<4x9984xi32, #tpu.memory_space<vmem>>[vector<16xi32>, vector<16xi32>], vector<16xi32>,
      %add3A_962 = vector.broadcast %shift_right_logical3A_24 : i32 to vector<16xi32>
      %add3A_963 = arith.addi %mul3A_957, %add3A_962 : vector<16xi32>
      tpu.vector_store_idx %arg10[%broadcast_in_dim3A_110, %add3A_952], %add3A_963 : memref<4x9984xi32, #tpu.memory_space<vmem>>[vector<16xi32>, vector<16xi32>], vector<16xi32>,
      %add3A_964 = vector.broadcast %shift_right_logical3A_26 : i32 to vector<16xi32>
      %add3A_965 = arith.addi %mul3A_957, %add3A_964 : vector<16xi32>
      tpu.vector_store_idx %arg10[%broadcast_in_dim3A_112, %add3A_952], %add3A_965 : memref<4x9984xi32, #tpu.memory_space<vmem>>[vector<16xi32>, vector<16xi32>], vector<16xi32>,
      %mul3A_966 = arith.constant 128 : i32
      %mul3A_967 = arith.muli %scan3A_945, %mul3A_966 : i32
      %add3A_968 = arith.constant 16 : i32
      %add3A_969 = arith.addi %mul3A_967, %add3A_968 : i32
      %add3A_970 = vector.broadcast %add3A_969 : i32 to vector<16xi32>
      %add3A_971 = arith.addi %add3A_970, %iota3A : vector<16xi32>
      %add3A_972 = vector.broadcast %mul3A_2 : i32 to vector<16xi32>
      %add3A_973 = arith.addi %add3A_972, %add3A_971 : vector<16xi32>
      %mul3A_974 = arith.constant 8 : i32
      %mul3A_975 = vector.broadcast %mul3A_974 : i32 to vector<16xi32>
      %mul3A_976 = arith.muli %add3A_973, %mul3A_975 : vector<16xi32>
      %add3A_977 = vector.broadcast %shift_right_logical3A_20 : i32 to vector<16xi32>
      %add3A_978 = arith.addi %mul3A_976, %add3A_977 : vector<16xi32>
      tpu.vector_store_idx %arg10[%broadcast_in_dim3A_106, %add3A_971], %add3A_978 : memref<4x9984xi32, #tpu.memory_space<vmem>>[vector<16xi32>, vector<16xi32>], vector<16xi32>,
      %add3A_979 = vector.broadcast %shift_right_logical3A_22 : i32 to vector<16xi32>
      %add3A_980 = arith.addi %mul3A_976, %add3A_979 : vector<16xi32>
      tpu.vector_store_idx %arg10[%broadcast_in_dim3A_108, %add3A_971], %add3A_980 : memref<4x9984xi32, #tpu.memory_space<vmem>>[vector<16xi32>, vector<16xi32>], vector<16xi32>,
      %add3A_981 = vector.broadcast %shift_right_logical3A_24 : i32 to vector<16xi32>
      %add3A_982 = arith.addi %mul3A_976, %add3A_981 : vector<16xi32>
      tpu.vector_store_idx %arg10[%broadcast_in_dim3A_110, %add3A_971], %add3A_982 : memref<4x9984xi32, #tpu.memory_space<vmem>>[vector<16xi32>, vector<16xi32>], vector<16xi32>,
      %add3A_983 = vector.broadcast %shift_right_logical3A_26 : i32 to vector<16xi32>
      %add3A_984 = arith.addi %mul3A_976, %add3A_983 : vector<16xi32>
      tpu.vector_store_idx %arg10[%broadcast_in_dim3A_112, %add3A_971], %add3A_984 : memref<4x9984xi32, #tpu.memory_space<vmem>>[vector<16xi32>, vector<16xi32>], vector<16xi32>,
      %mul3A_985 = arith.constant 128 : i32
      %mul3A_986 = arith.muli %scan3A_945, %mul3A_985 : i32
      %add3A_987 = arith.constant 32 : i32
      %add3A_988 = arith.addi %mul3A_986, %add3A_987 : i32
      %add3A_989 = vector.broadcast %add3A_988 : i32 to vector<16xi32>
      %add3A_990 = arith.addi %add3A_989, %iota3A : vector<16xi32>
      %add3A_991 = vector.broadcast %mul3A_2 : i32 to vector<16xi32>
      %add3A_992 = arith.addi %add3A_991, %add3A_990 : vector<16xi32>
      %mul3A_993 = arith.constant 8 : i32
      %mul3A_994 = vector.broadcast %mul3A_993 : i32 to vector<16xi32>
      %mul3A_995 = arith.muli %add3A_992, %mul3A_994 : vector<16xi32>
      %add3A_996 = vector.broadcast %shift_right_logical3A_20 : i32 to vector<16xi32>
      %add3A_997 = arith.addi %mul3A_995, %add3A_996 : vector<16xi32>
      tpu.vector_store_idx %arg10[%broadcast_in_dim3A_106, %add3A_990], %add3A_997 : memref<4x9984xi32, #tpu.memory_space<vmem>>[vector<16xi32>, vector<16xi32>], vector<16xi32>,
      %add3A_998 = vector.broadcast %shift_right_logical3A_22 : i32 to vector<16xi32>
      %add3A_999 = arith.addi %mul3A_995, %add3A_998 : vector<16xi32>
      tpu.vector_store_idx %arg10[%broadcast_in_dim3A_108, %add3A_990], %add3A_999 : memref<4x9984xi32, #tpu.memory_space<vmem>>[vector<16xi32>, vector<16xi32>], vector<16xi32>,
      %add3A_1000 = vector.broadcast %shift_right_logical3A_24 : i32 to vector<16xi32>
      %add3A_1001 = arith.addi %mul3A_995, %add3A_1000 : vector<16xi32>
      tpu.vector_store_idx %arg10[%broadcast_in_dim3A_110, %add3A_990], %add3A_1001 : memref<4x9984xi32, #tpu.memory_space<vmem>>[vector<16xi32>, vector<16xi32>], vector<16xi32>,
      %add3A_1002 = vector.broadcast %shift_right_logical3A_26 : i32 to vector<16xi32>
      %add3A_1003 = arith.addi %mul3A_995, %add3A_1002 : vector<16xi32>
      tpu.vector_store_idx %arg10[%broadcast_in_dim3A_112, %add3A_990], %add3A_1003 : memref<4x9984xi32, #tpu.memory_space<vmem>>[vector<16xi32>, vector<16xi32>], vector<16xi32>,
      %mul3A_1004 = arith.constant 128 : i32
      %mul3A_1005 = arith.muli %scan3A_945, %mul3A_1004 : i32
      %add3A_1006 = arith.constant 48 : i32
      %add3A_1007 = arith.addi %mul3A_1005, %add3A_1006 : i32
      %add3A_1008 = vector.broadcast %add3A_1007 : i32 to vector<16xi32>
      %add3A_1009 = arith.addi %add3A_1008, %iota3A : vector<16xi32>
      %add3A_1010 = vector.broadcast %mul3A_2 : i32 to vector<16xi32>
      %add3A_1011 = arith.addi %add3A_1010, %add3A_1009 : vector<16xi32>
      %mul3A_1012 = arith.constant 8 : i32
      %mul3A_1013 = vector.broadcast %mul3A_1012 : i32 to vector<16xi32>
      %mul3A_1014 = arith.muli %add3A_1011, %mul3A_1013 : vector<16xi32>
      %add3A_1015 = vector.broadcast %shift_right_logical3A_20 : i32 to vector<16xi32>
      %add3A_1016 = arith.addi %mul3A_1014, %add3A_1015 : vector<16xi32>
      tpu.vector_store_idx %arg10[%broadcast_in_dim3A_106, %add3A_1009], %add3A_1016 : memref<4x9984xi32, #tpu.memory_space<vmem>>[vector<16xi32>, vector<16xi32>], vector<16xi32>,
      %add3A_1017 = vector.broadcast %shift_right_logical3A_22 : i32 to vector<16xi32>
      %add3A_1018 = arith.addi %mul3A_1014, %add3A_1017 : vector<16xi32>
      tpu.vector_store_idx %arg10[%broadcast_in_dim3A_108, %add3A_1009], %add3A_1018 : memref<4x9984xi32, #tpu.memory_space<vmem>>[vector<16xi32>, vector<16xi32>], vector<16xi32>,
      %add3A_1019 = vector.broadcast %shift_right_logical3A_24 : i32 to vector<16xi32>
      %add3A_1020 = arith.addi %mul3A_1014, %add3A_1019 : vector<16xi32>
      tpu.vector_store_idx %arg10[%broadcast_in_dim3A_110, %add3A_1009], %add3A_1020 : memref<4x9984xi32, #tpu.memory_space<vmem>>[vector<16xi32>, vector<16xi32>], vector<16xi32>,
      %add3A_1021 = vector.broadcast %shift_right_logical3A_26 : i32 to vector<16xi32>
      %add3A_1022 = arith.addi %mul3A_1014, %add3A_1021 : vector<16xi32>
      tpu.vector_store_idx %arg10[%broadcast_in_dim3A_112, %add3A_1009], %add3A_1022 : memref<4x9984xi32, #tpu.memory_space<vmem>>[vector<16xi32>, vector<16xi32>], vector<16xi32>,
      %mul3A_1023 = arith.constant 128 : i32
      %mul3A_1024 = arith.muli %scan3A_945, %mul3A_1023 : i32
      %add3A_1025 = arith.constant 64 : i32
      %add3A_1026 = arith.addi %mul3A_1024, %add3A_1025 : i32
      %add3A_1027 = vector.broadcast %add3A_1026 : i32 to vector<16xi32>
      %add3A_1028 = arith.addi %add3A_1027, %iota3A : vector<16xi32>
      %add3A_1029 = vector.broadcast %mul3A_2 : i32 to vector<16xi32>
      %add3A_1030 = arith.addi %add3A_1029, %add3A_1028 : vector<16xi32>
      %mul3A_1031 = arith.constant 8 : i32
      %mul3A_1032 = vector.broadcast %mul3A_1031 : i32 to vector<16xi32>
      %mul3A_1033 = arith.muli %add3A_1030, %mul3A_1032 : vector<16xi32>
      %add3A_1034 = vector.broadcast %shift_right_logical3A_20 : i32 to vector<16xi32>
      %add3A_1035 = arith.addi %mul3A_1033, %add3A_1034 : vector<16xi32>
      tpu.vector_store_idx %arg10[%broadcast_in_dim3A_106, %add3A_1028], %add3A_1035 : memref<4x9984xi32, #tpu.memory_space<vmem>>[vector<16xi32>, vector<16xi32>], vector<16xi32>,
      %add3A_1036 = vector.broadcast %shift_right_logical3A_22 : i32 to vector<16xi32>
      %add3A_1037 = arith.addi %mul3A_1033, %add3A_1036 : vector<16xi32>
      tpu.vector_store_idx %arg10[%broadcast_in_dim3A_108, %add3A_1028], %add3A_1037 : memref<4x9984xi32, #tpu.memory_space<vmem>>[vector<16xi32>, vector<16xi32>], vector<16xi32>,
      %add3A_1038 = vector.broadcast %shift_right_logical3A_24 : i32 to vector<16xi32>
      %add3A_1039 = arith.addi %mul3A_1033, %add3A_1038 : vector<16xi32>
      tpu.vector_store_idx %arg10[%broadcast_in_dim3A_110, %add3A_1028], %add3A_1039 : memref<4x9984xi32, #tpu.memory_space<vmem>>[vector<16xi32>, vector<16xi32>], vector<16xi32>,
      %add3A_1040 = vector.broadcast %shift_right_logical3A_26 : i32 to vector<16xi32>
      %add3A_1041 = arith.addi %mul3A_1033, %add3A_1040 : vector<16xi32>
      tpu.vector_store_idx %arg10[%broadcast_in_dim3A_112, %add3A_1028], %add3A_1041 : memref<4x9984xi32, #tpu.memory_space<vmem>>[vector<16xi32>, vector<16xi32>], vector<16xi32>,
      %mul3A_1042 = arith.constant 128 : i32
      %mul3A_1043 = arith.muli %scan3A_945, %mul3A_1042 : i32
      %add3A_1044 = arith.constant 80 : i32
      %add3A_1045 = arith.addi %mul3A_1043, %add3A_1044 : i32
      %add3A_1046 = vector.broadcast %add3A_1045 : i32 to vector<16xi32>
      %add3A_1047 = arith.addi %add3A_1046, %iota3A : vector<16xi32>
      %add3A_1048 = vector.broadcast %mul3A_2 : i32 to vector<16xi32>
      %add3A_1049 = arith.addi %add3A_1048, %add3A_1047 : vector<16xi32>
      %mul3A_1050 = arith.constant 8 : i32
      %mul3A_1051 = vector.broadcast %mul3A_1050 : i32 to vector<16xi32>
      %mul3A_1052 = arith.muli %add3A_1049, %mul3A_1051 : vector<16xi32>
      %add3A_1053 = vector.broadcast %shift_right_logical3A_20 : i32 to vector<16xi32>
      %add3A_1054 = arith.addi %mul3A_1052, %add3A_1053 : vector<16xi32>
      tpu.vector_store_idx %arg10[%broadcast_in_dim3A_106, %add3A_1047], %add3A_1054 : memref<4x9984xi32, #tpu.memory_space<vmem>>[vector<16xi32>, vector<16xi32>], vector<16xi32>,
      %add3A_1055 = vector.broadcast %shift_right_logical3A_22 : i32 to vector<16xi32>
      %add3A_1056 = arith.addi %mul3A_1052, %add3A_1055 : vector<16xi32>
      tpu.vector_store_idx %arg10[%broadcast_in_dim3A_108, %add3A_1047], %add3A_1056 : memref<4x9984xi32, #tpu.memory_space<vmem>>[vector<16xi32>, vector<16xi32>], vector<16xi32>,
      %add3A_1057 = vector.broadcast %shift_right_logical3A_24 : i32 to vector<16xi32>
      %add3A_1058 = arith.addi %mul3A_1052, %add3A_1057 : vector<16xi32>
      tpu.vector_store_idx %arg10[%broadcast_in_dim3A_110, %add3A_1047], %add3A_1058 : memref<4x9984xi32, #tpu.memory_space<vmem>>[vector<16xi32>, vector<16xi32>], vector<16xi32>,
      %add3A_1059 = vector.broadcast %shift_right_logical3A_26 : i32 to vector<16xi32>
      %add3A_1060 = arith.addi %mul3A_1052, %add3A_1059 : vector<16xi32>
      tpu.vector_store_idx %arg10[%broadcast_in_dim3A_112, %add3A_1047], %add3A_1060 : memref<4x9984xi32, #tpu.memory_space<vmem>>[vector<16xi32>, vector<16xi32>], vector<16xi32>,
      %mul3A_1061 = arith.constant 128 : i32
      %mul3A_1062 = arith.muli %scan3A_945, %mul3A_1061 : i32
      %add3A_1063 = arith.constant 96 : i32
      %add3A_1064 = arith.addi %mul3A_1062, %add3A_1063 : i32
      %add3A_1065 = vector.broadcast %add3A_1064 : i32 to vector<16xi32>
      %add3A_1066 = arith.addi %add3A_1065, %iota3A : vector<16xi32>
      %add3A_1067 = vector.broadcast %mul3A_2 : i32 to vector<16xi32>
      %add3A_1068 = arith.addi %add3A_1067, %add3A_1066 : vector<16xi32>
      %mul3A_1069 = arith.constant 8 : i32
      %mul3A_1070 = vector.broadcast %mul3A_1069 : i32 to vector<16xi32>
      %mul3A_1071 = arith.muli %add3A_1068, %mul3A_1070 : vector<16xi32>
      %add3A_1072 = vector.broadcast %shift_right_logical3A_20 : i32 to vector<16xi32>
      %add3A_1073 = arith.addi %mul3A_1071, %add3A_1072 : vector<16xi32>
      tpu.vector_store_idx %arg10[%broadcast_in_dim3A_106, %add3A_1066], %add3A_1073 : memref<4x9984xi32, #tpu.memory_space<vmem>>[vector<16xi32>, vector<16xi32>], vector<16xi32>,
      %add3A_1074 = vector.broadcast %shift_right_logical3A_22 : i32 to vector<16xi32>
      %add3A_1075 = arith.addi %mul3A_1071, %add3A_1074 : vector<16xi32>
      tpu.vector_store_idx %arg10[%broadcast_in_dim3A_108, %add3A_1066], %add3A_1075 : memref<4x9984xi32, #tpu.memory_space<vmem>>[vector<16xi32>, vector<16xi32>], vector<16xi32>,
      %add3A_1076 = vector.broadcast %shift_right_logical3A_24 : i32 to vector<16xi32>
      %add3A_1077 = arith.addi %mul3A_1071, %add3A_1076 : vector<16xi32>
      tpu.vector_store_idx %arg10[%broadcast_in_dim3A_110, %add3A_1066], %add3A_1077 : memref<4x9984xi32, #tpu.memory_space<vmem>>[vector<16xi32>, vector<16xi32>], vector<16xi32>,
      %add3A_1078 = vector.broadcast %shift_right_logical3A_26 : i32 to vector<16xi32>
      %add3A_1079 = arith.addi %mul3A_1071, %add3A_1078 : vector<16xi32>
      tpu.vector_store_idx %arg10[%broadcast_in_dim3A_112, %add3A_1066], %add3A_1079 : memref<4x9984xi32, #tpu.memory_space<vmem>>[vector<16xi32>, vector<16xi32>], vector<16xi32>,
      %mul3A_1080 = arith.constant 128 : i32
      %mul3A_1081 = arith.muli %scan3A_945, %mul3A_1080 : i32
      %add3A_1082 = arith.constant 112 : i32
      %add3A_1083 = arith.addi %mul3A_1081, %add3A_1082 : i32
      %add3A_1084 = vector.broadcast %add3A_1083 : i32 to vector<16xi32>
      %add3A_1085 = arith.addi %add3A_1084, %iota3A : vector<16xi32>
      %add3A_1086 = vector.broadcast %mul3A_2 : i32 to vector<16xi32>
      %add3A_1087 = arith.addi %add3A_1086, %add3A_1085 : vector<16xi32>
      %mul3A_1088 = arith.constant 8 : i32
      %mul3A_1089 = vector.broadcast %mul3A_1088 : i32 to vector<16xi32>
      %mul3A_1090 = arith.muli %add3A_1087, %mul3A_1089 : vector<16xi32>
      %add3A_1091 = vector.broadcast %shift_right_logical3A_20 : i32 to vector<16xi32>
      %add3A_1092 = arith.addi %mul3A_1090, %add3A_1091 : vector<16xi32>
      tpu.vector_store_idx %arg10[%broadcast_in_dim3A_106, %add3A_1085], %add3A_1092 : memref<4x9984xi32, #tpu.memory_space<vmem>>[vector<16xi32>, vector<16xi32>], vector<16xi32>,
      %add3A_1093 = vector.broadcast %shift_right_logical3A_22 : i32 to vector<16xi32>
      %add3A_1094 = arith.addi %mul3A_1090, %add3A_1093 : vector<16xi32>
      tpu.vector_store_idx %arg10[%broadcast_in_dim3A_108, %add3A_1085], %add3A_1094 : memref<4x9984xi32, #tpu.memory_space<vmem>>[vector<16xi32>, vector<16xi32>], vector<16xi32>,
      %add3A_1095 = vector.broadcast %shift_right_logical3A_24 : i32 to vector<16xi32>
      %add3A_1096 = arith.addi %mul3A_1090, %add3A_1095 : vector<16xi32>
      tpu.vector_store_idx %arg10[%broadcast_in_dim3A_110, %add3A_1085], %add3A_1096 : memref<4x9984xi32, #tpu.memory_space<vmem>>[vector<16xi32>, vector<16xi32>], vector<16xi32>,
      %add3A_1097 = vector.broadcast %shift_right_logical3A_26 : i32 to vector<16xi32>
      %add3A_1098 = arith.addi %mul3A_1090, %add3A_1097 : vector<16xi32>
      tpu.vector_store_idx %arg10[%broadcast_in_dim3A_112, %add3A_1085], %add3A_1098 : memref<4x9984xi32, #tpu.memory_space<vmem>>[vector<16xi32>, vector<16xi32>], vector<16xi32>,
      %scan3A_1099 = arith.constant 0 : i32
      scf.yield %scan3A_1099 : i32
    }
    %scan3A_420 = arith.constant 72 : i32
    %scan3A_421 = arith.constant 0 : i32
    %scan3A_422 = arith.constant 8 : i32
    %scan3A_423 = arith.addi %scan3A_421, %scan3A_422 : i32
    %scan3A_424 = arith.constant 1 : i32
    %scan3A_425:16 = scf.for %scan3A_945 = %scan3A_421 to %scan3A_423 step %scan3A_424 iter_args(%scan3A_946 = %broadcast_in_dim3A_4, %scan3A_947 = %broadcast_in_dim3A_4, %scan3A_948 = %broadcast_in_dim3A_4, %scan3A_949 = %broadcast_in_dim3A_4, %scan3A_950 = %broadcast_in_dim3A_4, %scan3A_951 = %broadcast_in_dim3A_4, %scan3A_952 = %broadcast_in_dim3A_4, %scan3A_953 = %broadcast_in_dim3A_4, %scan3A_954 = %broadcast_in_dim3A_4, %scan3A_955 = %broadcast_in_dim3A_4, %scan3A_956 = %broadcast_in_dim3A_4, %scan3A_957 = %broadcast_in_dim3A_4, %scan3A_958 = %broadcast_in_dim3A_4, %scan3A_959 = %broadcast_in_dim3A_4, %scan3A_960 = %broadcast_in_dim3A_4, %scan3A_961 = %broadcast_in_dim3A_4) -> (vector<16xf32>, vector<16xf32>, vector<16xf32>, vector<16xf32>, vector<16xf32>, vector<16xf32>, vector<16xf32>, vector<16xf32>, vector<16xf32>, vector<16xf32>, vector<16xf32>, vector<16xf32>, vector<16xf32>, vector<16xf32>, vector<16xf32>, vector<16xf32>)  : i32 {
      %mul3A_962 = arith.constant 3 : i32
      %mul3A_963 = arith.muli %scan3A_945, %mul3A_962 : i32
      %add3A_964 = arith.constant 0 : i32
      %add3A_965 = arith.addi %mul3A_963, %add3A_964 : i32
      %add3A_966 = arith.constant 2 : i32
      %add3A_967 = arith.addi %add3A_965, %add3A_966 : i32
      %lt3A = arith.constant 26 : i32
      %lt3A_968 = arith.cmpi slt, %add3A_967, %lt3A : i32
      %convert_element_type3A = arith.extui %lt3A_968 : i1 to i32
      %cond3A = arith.constant 0 : i32
      %cond3A_969 = arith.cmpi ne, %convert_element_type3A, %cond3A : i32
      scf.if %cond3A_969 {
        %add3A_1622 = arith.constant 2 : i32
        %add3A_1623 = arith.addi %add3A_965, %add3A_1622 : i32
        %mul3A_1624 = arith.constant 3 : i32
        %mul3A_1625 = arith.muli %add3A_1623, %mul3A_1624 : i32
        %add3A_1626 = arith.constant 0 : i32
        %add3A_1627 = arith.addi %mul3A_1625, %add3A_1626 : i32
        %mul3A_1628 = arith.constant 128 : i32
        %mul3A_1629 = arith.muli %add3A_1627, %mul3A_1628 : i32
        %mul3A_1630 = arith.constant 3 : i32
        %mul3A_1631 = arith.muli %add3A_1623, %mul3A_1630 : i32
        %add3A_1632 = arith.constant 1 : i32
        %add3A_1633 = arith.addi %mul3A_1631, %add3A_1632 : i32
        %mul3A_1634 = arith.constant 128 : i32
        %mul3A_1635 = arith.muli %add3A_1633, %mul3A_1634 : i32
        %mul3A_1636 = arith.constant 3 : i32
        %mul3A_1637 = arith.muli %add3A_1623, %mul3A_1636 : i32
        %add3A_1638 = arith.constant 2 : i32
        %add3A_1639 = arith.addi %mul3A_1637, %add3A_1638 : i32
        %mul3A_1640 = arith.constant 128 : i32
        %mul3A_1641 = arith.muli %add3A_1639, %mul3A_1640 : i32
        %mul3A_1642 = arith.constant 3 : i32
        %mul3A_1643 = arith.muli %add3A_1623, %mul3A_1642 : i32
        %add3A_1644 = arith.constant 0 : i32
        %add3A_1645 = arith.addi %mul3A_1643, %add3A_1644 : i32
        %mul3A_1646 = arith.constant 128 : i32
        %mul3A_1647 = arith.muli %add3A_1645, %mul3A_1646 : i32
        %mul3A_1648 = arith.constant 3 : i32
        %mul3A_1649 = arith.muli %add3A_1623, %mul3A_1648 : i32
        %add3A_1650 = arith.constant 1 : i32
        %add3A_1651 = arith.addi %mul3A_1649, %add3A_1650 : i32
        %mul3A_1652 = arith.constant 128 : i32
        %mul3A_1653 = arith.muli %add3A_1651, %mul3A_1652 : i32
        %mul3A_1654 = arith.constant 3 : i32
        %mul3A_1655 = arith.muli %add3A_1623, %mul3A_1654 : i32
        %add3A_1656 = arith.constant 2 : i32
        %add3A_1657 = arith.addi %mul3A_1655, %add3A_1656 : i32
        %mul3A_1658 = arith.constant 128 : i32
        %mul3A_1659 = arith.muli %add3A_1657, %mul3A_1658 : i32
        %mul3A_1660 = arith.constant 3 : i32
        %mul3A_1661 = arith.muli %add3A_1623, %mul3A_1660 : i32
        %add3A_1662 = arith.constant 0 : i32
        %add3A_1663 = arith.addi %mul3A_1661, %add3A_1662 : i32
        %mul3A_1664 = arith.constant 128 : i32
        %mul3A_1665 = arith.muli %add3A_1663, %mul3A_1664 : i32
        %mul3A_1666 = arith.constant 3 : i32
        %mul3A_1667 = arith.muli %add3A_1623, %mul3A_1666 : i32
        %add3A_1668 = arith.constant 1 : i32
        %add3A_1669 = arith.addi %mul3A_1667, %add3A_1668 : i32
        %mul3A_1670 = arith.constant 128 : i32
        %mul3A_1671 = arith.muli %add3A_1669, %mul3A_1670 : i32
        %mul3A_1672 = arith.constant 3 : i32
        %mul3A_1673 = arith.muli %add3A_1623, %mul3A_1672 : i32
        %add3A_1674 = arith.constant 2 : i32
        %add3A_1675 = arith.addi %mul3A_1673, %add3A_1674 : i32
        %mul3A_1676 = arith.constant 128 : i32
        %mul3A_1677 = arith.muli %add3A_1675, %mul3A_1676 : i32
        %mul3A_1678 = arith.constant 3 : i32
        %mul3A_1679 = arith.muli %add3A_1623, %mul3A_1678 : i32
        %add3A_1680 = arith.constant 0 : i32
        %add3A_1681 = arith.addi %mul3A_1679, %add3A_1680 : i32
        %mul3A_1682 = arith.constant 128 : i32
        %mul3A_1683 = arith.muli %add3A_1681, %mul3A_1682 : i32
        %mul3A_1684 = arith.constant 3 : i32
        %mul3A_1685 = arith.muli %add3A_1623, %mul3A_1684 : i32
        %add3A_1686 = arith.constant 1 : i32
        %add3A_1687 = arith.addi %mul3A_1685, %add3A_1686 : i32
        %mul3A_1688 = arith.constant 128 : i32
        %mul3A_1689 = arith.muli %add3A_1687, %mul3A_1688 : i32
        %mul3A_1690 = arith.constant 3 : i32
        %mul3A_1691 = arith.muli %add3A_1623, %mul3A_1690 : i32
        %add3A_1692 = arith.constant 2 : i32
        %add3A_1693 = arith.addi %mul3A_1691, %add3A_1692 : i32
        %mul3A_1694 = arith.constant 128 : i32
        %mul3A_1695 = arith.muli %add3A_1693, %mul3A_1694 : i32
        %dma_start3A_1696 = arith.constant 0 : i32
        %dma_start3A_1697 = arith.constant 0 : i32
        %dma_start3A_1698 = arith.constant 0 : i32
        %dma_start3A_1699 = arith.constant 0 : i32
        %dma_start3A_1700 = tpu.memref_slice %arg8[%dma_start3A_1697, %dma_start3A_1698, %dma_start3A_1699] : memref<4x384x16xf32, #tpu.memory_space<vmem>> -> memref<1x128x16xf32, #tpu.memory_space<vmem>>
        %dma_start3A_1701 = tpu.memref_squeeze %dma_start3A_1700 : memref<1x128x16xf32, #tpu.memory_space<vmem>> -> memref<128x16xf32, #tpu.memory_space<vmem>>
        %dma_start3A_1702 = tpu.memref_slice %arg10[%dma_start3A_1696, %mul3A_1629] : memref<4x9984xi32, #tpu.memory_space<vmem>> -> memref<1x128xi32, #tpu.memory_space<vmem>>
        %dma_start3A_1703 = tpu.memref_squeeze %dma_start3A_1702 : memref<1x128xi32, #tpu.memory_space<vmem>> -> memref<128xi32, #tpu.memory_space<vmem>>
        %dma_start3A_1704 = arith.constant 0 : i32
        %dma_start3A_1705 = arith.constant 0 : i32
        %dma_start3A_1706 = tpu.memref_slice %arg2[%dma_start3A_1704, %dma_start3A_1705] : memref<2560000x16xf32, #tpu.memory_space<hbm>> -> memref<2560000x16xf32, #tpu.memory_space<hbm>>
        tpu.enqueue_indirect_dma source(%dma_start3A_1706 : memref<2560000x16xf32, #tpu.memory_space<hbm>>) target(%dma_start3A_1701 : memref<128x16xf32, #tpu.memory_space<vmem>>) offsets(%dma_start3A_1703 : memref<128xi32, #tpu.memory_space<vmem>>) semaphore(%arg15 : memref<!tpu.dma_semaphore, #tpu.memory_space<semaphore_mem>>)
        %dma_start3A_1707 = arith.constant 0 : i32
        %dma_start3A_1708 = arith.constant 0 : i32
        %dma_start3A_1709 = arith.constant 128 : i32
        %dma_start3A_1710 = arith.constant 0 : i32
        %dma_start3A_1711 = tpu.memref_slice %arg8[%dma_start3A_1708, %dma_start3A_1709, %dma_start3A_1710] : memref<4x384x16xf32, #tpu.memory_space<vmem>> -> memref<1x128x16xf32, #tpu.memory_space<vmem>>
        %dma_start3A_1712 = tpu.memref_squeeze %dma_start3A_1711 : memref<1x128x16xf32, #tpu.memory_space<vmem>> -> memref<128x16xf32, #tpu.memory_space<vmem>>
        %dma_start3A_1713 = tpu.memref_slice %arg10[%dma_start3A_1707, %mul3A_1635] : memref<4x9984xi32, #tpu.memory_space<vmem>> -> memref<1x128xi32, #tpu.memory_space<vmem>>
        %dma_start3A_1714 = tpu.memref_squeeze %dma_start3A_1713 : memref<1x128xi32, #tpu.memory_space<vmem>> -> memref<128xi32, #tpu.memory_space<vmem>>
        %dma_start3A_1715 = arith.constant 0 : i32
        %dma_start3A_1716 = arith.constant 0 : i32
        %dma_start3A_1717 = tpu.memref_slice %arg2[%dma_start3A_1715, %dma_start3A_1716] : memref<2560000x16xf32, #tpu.memory_space<hbm>> -> memref<2560000x16xf32, #tpu.memory_space<hbm>>
        tpu.enqueue_indirect_dma source(%dma_start3A_1717 : memref<2560000x16xf32, #tpu.memory_space<hbm>>) target(%dma_start3A_1712 : memref<128x16xf32, #tpu.memory_space<vmem>>) offsets(%dma_start3A_1714 : memref<128xi32, #tpu.memory_space<vmem>>) semaphore(%arg15 : memref<!tpu.dma_semaphore, #tpu.memory_space<semaphore_mem>>)
        %dma_start3A_1718 = arith.constant 0 : i32
        %dma_start3A_1719 = arith.constant 0 : i32
        %dma_start3A_1720 = arith.constant 256 : i32
        %dma_start3A_1721 = arith.constant 0 : i32
        %dma_start3A_1722 = tpu.memref_slice %arg8[%dma_start3A_1719, %dma_start3A_1720, %dma_start3A_1721] : memref<4x384x16xf32, #tpu.memory_space<vmem>> -> memref<1x128x16xf32, #tpu.memory_space<vmem>>
        %dma_start3A_1723 = tpu.memref_squeeze %dma_start3A_1722 : memref<1x128x16xf32, #tpu.memory_space<vmem>> -> memref<128x16xf32, #tpu.memory_space<vmem>>
        %dma_start3A_1724 = tpu.memref_slice %arg10[%dma_start3A_1718, %mul3A_1641] : memref<4x9984xi32, #tpu.memory_space<vmem>> -> memref<1x128xi32, #tpu.memory_space<vmem>>
        %dma_start3A_1725 = tpu.memref_squeeze %dma_start3A_1724 : memref<1x128xi32, #tpu.memory_space<vmem>> -> memref<128xi32, #tpu.memory_space<vmem>>
        %dma_start3A_1726 = arith.constant 0 : i32
        %dma_start3A_1727 = arith.constant 0 : i32
        %dma_start3A_1728 = tpu.memref_slice %arg2[%dma_start3A_1726, %dma_start3A_1727] : memref<2560000x16xf32, #tpu.memory_space<hbm>> -> memref<2560000x16xf32, #tpu.memory_space<hbm>>
        tpu.enqueue_indirect_dma source(%dma_start3A_1728 : memref<2560000x16xf32, #tpu.memory_space<hbm>>) target(%dma_start3A_1723 : memref<128x16xf32, #tpu.memory_space<vmem>>) offsets(%dma_start3A_1725 : memref<128xi32, #tpu.memory_space<vmem>>) semaphore(%arg15 : memref<!tpu.dma_semaphore, #tpu.memory_space<semaphore_mem>>)
        %dma_start3A_1729 = arith.constant 1 : i32
        %dma_start3A_1730 = arith.constant 1 : i32
        %dma_start3A_1731 = arith.constant 0 : i32
        %dma_start3A_1732 = arith.constant 0 : i32
        %dma_start3A_1733 = tpu.memref_slice %arg8[%dma_start3A_1730, %dma_start3A_1731, %dma_start3A_1732] : memref<4x384x16xf32, #tpu.memory_space<vmem>> -> memref<1x128x16xf32, #tpu.memory_space<vmem>>
        %dma_start3A_1734 = tpu.memref_squeeze %dma_start3A_1733 : memref<1x128x16xf32, #tpu.memory_space<vmem>> -> memref<128x16xf32, #tpu.memory_space<vmem>>
        %dma_start3A_1735 = tpu.memref_slice %arg10[%dma_start3A_1729, %mul3A_1647] : memref<4x9984xi32, #tpu.memory_space<vmem>> -> memref<1x128xi32, #tpu.memory_space<vmem>>
        %dma_start3A_1736 = tpu.memref_squeeze %dma_start3A_1735 : memref<1x128xi32, #tpu.memory_space<vmem>> -> memref<128xi32, #tpu.memory_space<vmem>>
        %dma_start3A_1737 = arith.constant 0 : i32
        %dma_start3A_1738 = arith.constant 0 : i32
        %dma_start3A_1739 = tpu.memref_slice %arg2[%dma_start3A_1737, %dma_start3A_1738] : memref<2560000x16xf32, #tpu.memory_space<hbm>> -> memref<2560000x16xf32, #tpu.memory_space<hbm>>
        tpu.enqueue_indirect_dma source(%dma_start3A_1739 : memref<2560000x16xf32, #tpu.memory_space<hbm>>) target(%dma_start3A_1734 : memref<128x16xf32, #tpu.memory_space<vmem>>) offsets(%dma_start3A_1736 : memref<128xi32, #tpu.memory_space<vmem>>) semaphore(%arg15 : memref<!tpu.dma_semaphore, #tpu.memory_space<semaphore_mem>>)
        %dma_start3A_1740 = arith.constant 1 : i32
        %dma_start3A_1741 = arith.constant 1 : i32
        %dma_start3A_1742 = arith.constant 128 : i32
        %dma_start3A_1743 = arith.constant 0 : i32
        %dma_start3A_1744 = tpu.memref_slice %arg8[%dma_start3A_1741, %dma_start3A_1742, %dma_start3A_1743] : memref<4x384x16xf32, #tpu.memory_space<vmem>> -> memref<1x128x16xf32, #tpu.memory_space<vmem>>
        %dma_start3A_1745 = tpu.memref_squeeze %dma_start3A_1744 : memref<1x128x16xf32, #tpu.memory_space<vmem>> -> memref<128x16xf32, #tpu.memory_space<vmem>>
        %dma_start3A_1746 = tpu.memref_slice %arg10[%dma_start3A_1740, %mul3A_1653] : memref<4x9984xi32, #tpu.memory_space<vmem>> -> memref<1x128xi32, #tpu.memory_space<vmem>>
        %dma_start3A_1747 = tpu.memref_squeeze %dma_start3A_1746 : memref<1x128xi32, #tpu.memory_space<vmem>> -> memref<128xi32, #tpu.memory_space<vmem>>
        %dma_start3A_1748 = arith.constant 0 : i32
        %dma_start3A_1749 = arith.constant 0 : i32
        %dma_start3A_1750 = tpu.memref_slice %arg2[%dma_start3A_1748, %dma_start3A_1749] : memref<2560000x16xf32, #tpu.memory_space<hbm>> -> memref<2560000x16xf32, #tpu.memory_space<hbm>>
        tpu.enqueue_indirect_dma source(%dma_start3A_1750 : memref<2560000x16xf32, #tpu.memory_space<hbm>>) target(%dma_start3A_1745 : memref<128x16xf32, #tpu.memory_space<vmem>>) offsets(%dma_start3A_1747 : memref<128xi32, #tpu.memory_space<vmem>>) semaphore(%arg15 : memref<!tpu.dma_semaphore, #tpu.memory_space<semaphore_mem>>)
        %dma_start3A_1751 = arith.constant 1 : i32
        %dma_start3A_1752 = arith.constant 1 : i32
        %dma_start3A_1753 = arith.constant 256 : i32
        %dma_start3A_1754 = arith.constant 0 : i32
        %dma_start3A_1755 = tpu.memref_slice %arg8[%dma_start3A_1752, %dma_start3A_1753, %dma_start3A_1754] : memref<4x384x16xf32, #tpu.memory_space<vmem>> -> memref<1x128x16xf32, #tpu.memory_space<vmem>>
        %dma_start3A_1756 = tpu.memref_squeeze %dma_start3A_1755 : memref<1x128x16xf32, #tpu.memory_space<vmem>> -> memref<128x16xf32, #tpu.memory_space<vmem>>
        %dma_start3A_1757 = tpu.memref_slice %arg10[%dma_start3A_1751, %mul3A_1659] : memref<4x9984xi32, #tpu.memory_space<vmem>> -> memref<1x128xi32, #tpu.memory_space<vmem>>
        %dma_start3A_1758 = tpu.memref_squeeze %dma_start3A_1757 : memref<1x128xi32, #tpu.memory_space<vmem>> -> memref<128xi32, #tpu.memory_space<vmem>>
        %dma_start3A_1759 = arith.constant 0 : i32
        %dma_start3A_1760 = arith.constant 0 : i32
        %dma_start3A_1761 = tpu.memref_slice %arg2[%dma_start3A_1759, %dma_start3A_1760] : memref<2560000x16xf32, #tpu.memory_space<hbm>> -> memref<2560000x16xf32, #tpu.memory_space<hbm>>
        tpu.enqueue_indirect_dma source(%dma_start3A_1761 : memref<2560000x16xf32, #tpu.memory_space<hbm>>) target(%dma_start3A_1756 : memref<128x16xf32, #tpu.memory_space<vmem>>) offsets(%dma_start3A_1758 : memref<128xi32, #tpu.memory_space<vmem>>) semaphore(%arg15 : memref<!tpu.dma_semaphore, #tpu.memory_space<semaphore_mem>>)
        %dma_start3A_1762 = arith.constant 2 : i32
        %dma_start3A_1763 = arith.constant 2 : i32
        %dma_start3A_1764 = arith.constant 0 : i32
        %dma_start3A_1765 = arith.constant 0 : i32
        %dma_start3A_1766 = tpu.memref_slice %arg8[%dma_start3A_1763, %dma_start3A_1764, %dma_start3A_1765] : memref<4x384x16xf32, #tpu.memory_space<vmem>> -> memref<1x128x16xf32, #tpu.memory_space<vmem>>
        %dma_start3A_1767 = tpu.memref_squeeze %dma_start3A_1766 : memref<1x128x16xf32, #tpu.memory_space<vmem>> -> memref<128x16xf32, #tpu.memory_space<vmem>>
        %dma_start3A_1768 = tpu.memref_slice %arg10[%dma_start3A_1762, %mul3A_1665] : memref<4x9984xi32, #tpu.memory_space<vmem>> -> memref<1x128xi32, #tpu.memory_space<vmem>>
        %dma_start3A_1769 = tpu.memref_squeeze %dma_start3A_1768 : memref<1x128xi32, #tpu.memory_space<vmem>> -> memref<128xi32, #tpu.memory_space<vmem>>
        %dma_start3A_1770 = arith.constant 0 : i32
        %dma_start3A_1771 = arith.constant 0 : i32
        %dma_start3A_1772 = tpu.memref_slice %arg2[%dma_start3A_1770, %dma_start3A_1771] : memref<2560000x16xf32, #tpu.memory_space<hbm>> -> memref<2560000x16xf32, #tpu.memory_space<hbm>>
        tpu.enqueue_indirect_dma source(%dma_start3A_1772 : memref<2560000x16xf32, #tpu.memory_space<hbm>>) target(%dma_start3A_1767 : memref<128x16xf32, #tpu.memory_space<vmem>>) offsets(%dma_start3A_1769 : memref<128xi32, #tpu.memory_space<vmem>>) semaphore(%arg15 : memref<!tpu.dma_semaphore, #tpu.memory_space<semaphore_mem>>)
        %dma_start3A_1773 = arith.constant 2 : i32
        %dma_start3A_1774 = arith.constant 2 : i32
        %dma_start3A_1775 = arith.constant 128 : i32
        %dma_start3A_1776 = arith.constant 0 : i32
        %dma_start3A_1777 = tpu.memref_slice %arg8[%dma_start3A_1774, %dma_start3A_1775, %dma_start3A_1776] : memref<4x384x16xf32, #tpu.memory_space<vmem>> -> memref<1x128x16xf32, #tpu.memory_space<vmem>>
        %dma_start3A_1778 = tpu.memref_squeeze %dma_start3A_1777 : memref<1x128x16xf32, #tpu.memory_space<vmem>> -> memref<128x16xf32, #tpu.memory_space<vmem>>
        %dma_start3A_1779 = tpu.memref_slice %arg10[%dma_start3A_1773, %mul3A_1671] : memref<4x9984xi32, #tpu.memory_space<vmem>> -> memref<1x128xi32, #tpu.memory_space<vmem>>
        %dma_start3A_1780 = tpu.memref_squeeze %dma_start3A_1779 : memref<1x128xi32, #tpu.memory_space<vmem>> -> memref<128xi32, #tpu.memory_space<vmem>>
        %dma_start3A_1781 = arith.constant 0 : i32
        %dma_start3A_1782 = arith.constant 0 : i32
        %dma_start3A_1783 = tpu.memref_slice %arg2[%dma_start3A_1781, %dma_start3A_1782] : memref<2560000x16xf32, #tpu.memory_space<hbm>> -> memref<2560000x16xf32, #tpu.memory_space<hbm>>
        tpu.enqueue_indirect_dma source(%dma_start3A_1783 : memref<2560000x16xf32, #tpu.memory_space<hbm>>) target(%dma_start3A_1778 : memref<128x16xf32, #tpu.memory_space<vmem>>) offsets(%dma_start3A_1780 : memref<128xi32, #tpu.memory_space<vmem>>) semaphore(%arg15 : memref<!tpu.dma_semaphore, #tpu.memory_space<semaphore_mem>>)
        %dma_start3A_1784 = arith.constant 2 : i32
        %dma_start3A_1785 = arith.constant 2 : i32
        %dma_start3A_1786 = arith.constant 256 : i32
        %dma_start3A_1787 = arith.constant 0 : i32
        %dma_start3A_1788 = tpu.memref_slice %arg8[%dma_start3A_1785, %dma_start3A_1786, %dma_start3A_1787] : memref<4x384x16xf32, #tpu.memory_space<vmem>> -> memref<1x128x16xf32, #tpu.memory_space<vmem>>
        %dma_start3A_1789 = tpu.memref_squeeze %dma_start3A_1788 : memref<1x128x16xf32, #tpu.memory_space<vmem>> -> memref<128x16xf32, #tpu.memory_space<vmem>>
        %dma_start3A_1790 = tpu.memref_slice %arg10[%dma_start3A_1784, %mul3A_1677] : memref<4x9984xi32, #tpu.memory_space<vmem>> -> memref<1x128xi32, #tpu.memory_space<vmem>>
        %dma_start3A_1791 = tpu.memref_squeeze %dma_start3A_1790 : memref<1x128xi32, #tpu.memory_space<vmem>> -> memref<128xi32, #tpu.memory_space<vmem>>
        %dma_start3A_1792 = arith.constant 0 : i32
        %dma_start3A_1793 = arith.constant 0 : i32
        %dma_start3A_1794 = tpu.memref_slice %arg2[%dma_start3A_1792, %dma_start3A_1793] : memref<2560000x16xf32, #tpu.memory_space<hbm>> -> memref<2560000x16xf32, #tpu.memory_space<hbm>>
        tpu.enqueue_indirect_dma source(%dma_start3A_1794 : memref<2560000x16xf32, #tpu.memory_space<hbm>>) target(%dma_start3A_1789 : memref<128x16xf32, #tpu.memory_space<vmem>>) offsets(%dma_start3A_1791 : memref<128xi32, #tpu.memory_space<vmem>>) semaphore(%arg15 : memref<!tpu.dma_semaphore, #tpu.memory_space<semaphore_mem>>)
        %dma_start3A_1795 = arith.constant 3 : i32
        %dma_start3A_1796 = arith.constant 3 : i32
        %dma_start3A_1797 = arith.constant 0 : i32
        %dma_start3A_1798 = arith.constant 0 : i32
        %dma_start3A_1799 = tpu.memref_slice %arg8[%dma_start3A_1796, %dma_start3A_1797, %dma_start3A_1798] : memref<4x384x16xf32, #tpu.memory_space<vmem>> -> memref<1x128x16xf32, #tpu.memory_space<vmem>>
        %dma_start3A_1800 = tpu.memref_squeeze %dma_start3A_1799 : memref<1x128x16xf32, #tpu.memory_space<vmem>> -> memref<128x16xf32, #tpu.memory_space<vmem>>
        %dma_start3A_1801 = tpu.memref_slice %arg10[%dma_start3A_1795, %mul3A_1683] : memref<4x9984xi32, #tpu.memory_space<vmem>> -> memref<1x128xi32, #tpu.memory_space<vmem>>
        %dma_start3A_1802 = tpu.memref_squeeze %dma_start3A_1801 : memref<1x128xi32, #tpu.memory_space<vmem>> -> memref<128xi32, #tpu.memory_space<vmem>>
        %dma_start3A_1803 = arith.constant 0 : i32
        %dma_start3A_1804 = arith.constant 0 : i32
        %dma_start3A_1805 = tpu.memref_slice %arg2[%dma_start3A_1803, %dma_start3A_1804] : memref<2560000x16xf32, #tpu.memory_space<hbm>> -> memref<2560000x16xf32, #tpu.memory_space<hbm>>
        tpu.enqueue_indirect_dma source(%dma_start3A_1805 : memref<2560000x16xf32, #tpu.memory_space<hbm>>) target(%dma_start3A_1800 : memref<128x16xf32, #tpu.memory_space<vmem>>) offsets(%dma_start3A_1802 : memref<128xi32, #tpu.memory_space<vmem>>) semaphore(%arg15 : memref<!tpu.dma_semaphore, #tpu.memory_space<semaphore_mem>>)
        %dma_start3A_1806 = arith.constant 3 : i32
        %dma_start3A_1807 = arith.constant 3 : i32
        %dma_start3A_1808 = arith.constant 128 : i32
        %dma_start3A_1809 = arith.constant 0 : i32
        %dma_start3A_1810 = tpu.memref_slice %arg8[%dma_start3A_1807, %dma_start3A_1808, %dma_start3A_1809] : memref<4x384x16xf32, #tpu.memory_space<vmem>> -> memref<1x128x16xf32, #tpu.memory_space<vmem>>
        %dma_start3A_1811 = tpu.memref_squeeze %dma_start3A_1810 : memref<1x128x16xf32, #tpu.memory_space<vmem>> -> memref<128x16xf32, #tpu.memory_space<vmem>>
        %dma_start3A_1812 = tpu.memref_slice %arg10[%dma_start3A_1806, %mul3A_1689] : memref<4x9984xi32, #tpu.memory_space<vmem>> -> memref<1x128xi32, #tpu.memory_space<vmem>>
        %dma_start3A_1813 = tpu.memref_squeeze %dma_start3A_1812 : memref<1x128xi32, #tpu.memory_space<vmem>> -> memref<128xi32, #tpu.memory_space<vmem>>
        %dma_start3A_1814 = arith.constant 0 : i32
        %dma_start3A_1815 = arith.constant 0 : i32
        %dma_start3A_1816 = tpu.memref_slice %arg2[%dma_start3A_1814, %dma_start3A_1815] : memref<2560000x16xf32, #tpu.memory_space<hbm>> -> memref<2560000x16xf32, #tpu.memory_space<hbm>>
        tpu.enqueue_indirect_dma source(%dma_start3A_1816 : memref<2560000x16xf32, #tpu.memory_space<hbm>>) target(%dma_start3A_1811 : memref<128x16xf32, #tpu.memory_space<vmem>>) offsets(%dma_start3A_1813 : memref<128xi32, #tpu.memory_space<vmem>>) semaphore(%arg15 : memref<!tpu.dma_semaphore, #tpu.memory_space<semaphore_mem>>)
        %dma_start3A_1817 = arith.constant 3 : i32
        %dma_start3A_1818 = arith.constant 3 : i32
        %dma_start3A_1819 = arith.constant 256 : i32
        %dma_start3A_1820 = arith.constant 0 : i32
        %dma_start3A_1821 = tpu.memref_slice %arg8[%dma_start3A_1818, %dma_start3A_1819, %dma_start3A_1820] : memref<4x384x16xf32, #tpu.memory_space<vmem>> -> memref<1x128x16xf32, #tpu.memory_space<vmem>>
        %dma_start3A_1822 = tpu.memref_squeeze %dma_start3A_1821 : memref<1x128x16xf32, #tpu.memory_space<vmem>> -> memref<128x16xf32, #tpu.memory_space<vmem>>
        %dma_start3A_1823 = tpu.memref_slice %arg10[%dma_start3A_1817, %mul3A_1695] : memref<4x9984xi32, #tpu.memory_space<vmem>> -> memref<1x128xi32, #tpu.memory_space<vmem>>
        %dma_start3A_1824 = tpu.memref_squeeze %dma_start3A_1823 : memref<1x128xi32, #tpu.memory_space<vmem>> -> memref<128xi32, #tpu.memory_space<vmem>>
        %dma_start3A_1825 = arith.constant 0 : i32
        %dma_start3A_1826 = arith.constant 0 : i32
        %dma_start3A_1827 = tpu.memref_slice %arg2[%dma_start3A_1825, %dma_start3A_1826] : memref<2560000x16xf32, #tpu.memory_space<hbm>> -> memref<2560000x16xf32, #tpu.memory_space<hbm>>
        tpu.enqueue_indirect_dma source(%dma_start3A_1827 : memref<2560000x16xf32, #tpu.memory_space<hbm>>) target(%dma_start3A_1822 : memref<128x16xf32, #tpu.memory_space<vmem>>) offsets(%dma_start3A_1824 : memref<128xi32, #tpu.memory_space<vmem>>) semaphore(%arg15 : memref<!tpu.dma_semaphore, #tpu.memory_space<semaphore_mem>>)
      } else {
      }
      %mul3A_970 = arith.constant 3 : i32
      %mul3A_971 = arith.muli %add3A_965, %mul3A_970 : i32
      %add3A_972 = arith.constant 0 : i32
      %add3A_973 = arith.addi %mul3A_971, %add3A_972 : i32
      %mul3A_974 = arith.constant 128 : i32
      %mul3A_975 = arith.muli %add3A_973, %mul3A_974 : i32
      %mul3A_976 = arith.constant 3 : i32
      %mul3A_977 = arith.muli %add3A_965, %mul3A_976 : i32
      %add3A_978 = arith.constant 1 : i32
      %add3A_979 = arith.addi %mul3A_977, %add3A_978 : i32
      %mul3A_980 = arith.constant 128 : i32
      %mul3A_981 = arith.muli %add3A_979, %mul3A_980 : i32
      %mul3A_982 = arith.constant 3 : i32
      %mul3A_983 = arith.muli %add3A_965, %mul3A_982 : i32
      %add3A_984 = arith.constant 2 : i32
      %add3A_985 = arith.addi %mul3A_983, %add3A_984 : i32
      %mul3A_986 = arith.constant 128 : i32
      %mul3A_987 = arith.muli %add3A_985, %mul3A_986 : i32
      %mul3A_988 = arith.constant 3 : i32
      %mul3A_989 = arith.muli %add3A_965, %mul3A_988 : i32
      %add3A_990 = arith.constant 0 : i32
      %add3A_991 = arith.addi %mul3A_989, %add3A_990 : i32
      %mul3A_992 = arith.constant 128 : i32
      %mul3A_993 = arith.muli %add3A_991, %mul3A_992 : i32
      %mul3A_994 = arith.constant 3 : i32
      %mul3A_995 = arith.muli %add3A_965, %mul3A_994 : i32
      %add3A_996 = arith.constant 1 : i32
      %add3A_997 = arith.addi %mul3A_995, %add3A_996 : i32
      %mul3A_998 = arith.constant 128 : i32
      %mul3A_999 = arith.muli %add3A_997, %mul3A_998 : i32
      %mul3A_1000 = arith.constant 3 : i32
      %mul3A_1001 = arith.muli %add3A_965, %mul3A_1000 : i32
      %add3A_1002 = arith.constant 2 : i32
      %add3A_1003 = arith.addi %mul3A_1001, %add3A_1002 : i32
      %mul3A_1004 = arith.constant 128 : i32
      %mul3A_1005 = arith.muli %add3A_1003, %mul3A_1004 : i32
      %mul3A_1006 = arith.constant 3 : i32
      %mul3A_1007 = arith.muli %add3A_965, %mul3A_1006 : i32
      %add3A_1008 = arith.constant 0 : i32
      %add3A_1009 = arith.addi %mul3A_1007, %add3A_1008 : i32
      %mul3A_1010 = arith.constant 128 : i32
      %mul3A_1011 = arith.muli %add3A_1009, %mul3A_1010 : i32
      %mul3A_1012 = arith.constant 3 : i32
      %mul3A_1013 = arith.muli %add3A_965, %mul3A_1012 : i32
      %add3A_1014 = arith.constant 1 : i32
      %add3A_1015 = arith.addi %mul3A_1013, %add3A_1014 : i32
      %mul3A_1016 = arith.constant 128 : i32
      %mul3A_1017 = arith.muli %add3A_1015, %mul3A_1016 : i32
      %mul3A_1018 = arith.constant 3 : i32
      %mul3A_1019 = arith.muli %add3A_965, %mul3A_1018 : i32
      %add3A_1020 = arith.constant 2 : i32
      %add3A_1021 = arith.addi %mul3A_1019, %add3A_1020 : i32
      %mul3A_1022 = arith.constant 128 : i32
      %mul3A_1023 = arith.muli %add3A_1021, %mul3A_1022 : i32
      %mul3A_1024 = arith.constant 3 : i32
      %mul3A_1025 = arith.muli %add3A_965, %mul3A_1024 : i32
      %add3A_1026 = arith.constant 0 : i32
      %add3A_1027 = arith.addi %mul3A_1025, %add3A_1026 : i32
      %mul3A_1028 = arith.constant 128 : i32
      %mul3A_1029 = arith.muli %add3A_1027, %mul3A_1028 : i32
      %mul3A_1030 = arith.constant 3 : i32
      %mul3A_1031 = arith.muli %add3A_965, %mul3A_1030 : i32
      %add3A_1032 = arith.constant 1 : i32
      %add3A_1033 = arith.addi %mul3A_1031, %add3A_1032 : i32
      %mul3A_1034 = arith.constant 128 : i32
      %mul3A_1035 = arith.muli %add3A_1033, %mul3A_1034 : i32
      %mul3A_1036 = arith.constant 3 : i32
      %mul3A_1037 = arith.muli %add3A_965, %mul3A_1036 : i32
      %add3A_1038 = arith.constant 2 : i32
      %add3A_1039 = arith.addi %mul3A_1037, %add3A_1038 : i32
      %mul3A_1040 = arith.constant 128 : i32
      %mul3A_1041 = arith.muli %add3A_1039, %mul3A_1040 : i32
      %dma_wait3A_1042 = arith.constant 0 : i32
      %dma_wait3A_1043 = arith.constant 0 : i32
      %dma_wait3A_1044 = arith.constant 0 : i32
      %dma_wait3A_1045 = arith.constant 0 : i32
      %dma_wait3A_1046 = tpu.memref_slice %arg6[%dma_wait3A_1043, %dma_wait3A_1044, %dma_wait3A_1045] : memref<4x384x16xf32, #tpu.memory_space<vmem>> -> memref<1x128x16xf32, #tpu.memory_space<vmem>>
      %dma_wait3A_1047 = tpu.memref_squeeze %dma_wait3A_1046 : memref<1x128x16xf32, #tpu.memory_space<vmem>> -> memref<128x16xf32, #tpu.memory_space<vmem>>
      %dma_wait3A_1048 = tpu.memref_slice %arg10[%dma_wait3A_1042, %mul3A_975] : memref<4x9984xi32, #tpu.memory_space<vmem>> -> memref<1x128xi32, #tpu.memory_space<vmem>>
      %dma_wait3A_1049 = tpu.memref_squeeze %dma_wait3A_1048 : memref<1x128xi32, #tpu.memory_space<vmem>> -> memref<128xi32, #tpu.memory_space<vmem>>
      %dma_wait3A_1050 = arith.constant 0 : i32
      %dma_wait3A_1051 = arith.constant 0 : i32
      %dma_wait3A_1052 = tpu.memref_slice %arg2[%dma_wait3A_1050, %dma_wait3A_1051] : memref<2560000x16xf32, #tpu.memory_space<hbm>> -> memref<2560000x16xf32, #tpu.memory_space<hbm>>
      tpu.wait_indirect_dma semaphore(%arg13 : memref<!tpu.dma_semaphore, #tpu.memory_space<semaphore_mem>>) src(%dma_wait3A_1052 : memref<2560000x16xf32, #tpu.memory_space<hbm>>) dst(%dma_wait3A_1047 : memref<128x16xf32, #tpu.memory_space<vmem>>)
      %dma_wait3A_1053 = arith.constant 0 : i32
      %dma_wait3A_1054 = arith.constant 0 : i32
      %dma_wait3A_1055 = arith.constant 128 : i32
      %dma_wait3A_1056 = arith.constant 0 : i32
      %dma_wait3A_1057 = tpu.memref_slice %arg6[%dma_wait3A_1054, %dma_wait3A_1055, %dma_wait3A_1056] : memref<4x384x16xf32, #tpu.memory_space<vmem>> -> memref<1x128x16xf32, #tpu.memory_space<vmem>>
      %dma_wait3A_1058 = tpu.memref_squeeze %dma_wait3A_1057 : memref<1x128x16xf32, #tpu.memory_space<vmem>> -> memref<128x16xf32, #tpu.memory_space<vmem>>
      %dma_wait3A_1059 = tpu.memref_slice %arg10[%dma_wait3A_1053, %mul3A_981] : memref<4x9984xi32, #tpu.memory_space<vmem>> -> memref<1x128xi32, #tpu.memory_space<vmem>>
      %dma_wait3A_1060 = tpu.memref_squeeze %dma_wait3A_1059 : memref<1x128xi32, #tpu.memory_space<vmem>> -> memref<128xi32, #tpu.memory_space<vmem>>
      %dma_wait3A_1061 = arith.constant 0 : i32
      %dma_wait3A_1062 = arith.constant 0 : i32
      %dma_wait3A_1063 = tpu.memref_slice %arg2[%dma_wait3A_1061, %dma_wait3A_1062] : memref<2560000x16xf32, #tpu.memory_space<hbm>> -> memref<2560000x16xf32, #tpu.memory_space<hbm>>
      tpu.wait_indirect_dma semaphore(%arg13 : memref<!tpu.dma_semaphore, #tpu.memory_space<semaphore_mem>>) src(%dma_wait3A_1063 : memref<2560000x16xf32, #tpu.memory_space<hbm>>) dst(%dma_wait3A_1058 : memref<128x16xf32, #tpu.memory_space<vmem>>)
      %dma_wait3A_1064 = arith.constant 0 : i32
      %dma_wait3A_1065 = arith.constant 0 : i32
      %dma_wait3A_1066 = arith.constant 256 : i32
      %dma_wait3A_1067 = arith.constant 0 : i32
      %dma_wait3A_1068 = tpu.memref_slice %arg6[%dma_wait3A_1065, %dma_wait3A_1066, %dma_wait3A_1067] : memref<4x384x16xf32, #tpu.memory_space<vmem>> -> memref<1x128x16xf32, #tpu.memory_space<vmem>>
      %dma_wait3A_1069 = tpu.memref_squeeze %dma_wait3A_1068 : memref<1x128x16xf32, #tpu.memory_space<vmem>> -> memref<128x16xf32, #tpu.memory_space<vmem>>
      %dma_wait3A_1070 = tpu.memref_slice %arg10[%dma_wait3A_1064, %mul3A_987] : memref<4x9984xi32, #tpu.memory_space<vmem>> -> memref<1x128xi32, #tpu.memory_space<vmem>>
      %dma_wait3A_1071 = tpu.memref_squeeze %dma_wait3A_1070 : memref<1x128xi32, #tpu.memory_space<vmem>> -> memref<128xi32, #tpu.memory_space<vmem>>
      %dma_wait3A_1072 = arith.constant 0 : i32
      %dma_wait3A_1073 = arith.constant 0 : i32
      %dma_wait3A_1074 = tpu.memref_slice %arg2[%dma_wait3A_1072, %dma_wait3A_1073] : memref<2560000x16xf32, #tpu.memory_space<hbm>> -> memref<2560000x16xf32, #tpu.memory_space<hbm>>
      tpu.wait_indirect_dma semaphore(%arg13 : memref<!tpu.dma_semaphore, #tpu.memory_space<semaphore_mem>>) src(%dma_wait3A_1074 : memref<2560000x16xf32, #tpu.memory_space<hbm>>) dst(%dma_wait3A_1069 : memref<128x16xf32, #tpu.memory_space<vmem>>)
      %dma_wait3A_1075 = arith.constant 1 : i32
      %dma_wait3A_1076 = arith.constant 1 : i32
      %dma_wait3A_1077 = arith.constant 0 : i32
      %dma_wait3A_1078 = arith.constant 0 : i32
      %dma_wait3A_1079 = tpu.memref_slice %arg6[%dma_wait3A_1076, %dma_wait3A_1077, %dma_wait3A_1078] : memref<4x384x16xf32, #tpu.memory_space<vmem>> -> memref<1x128x16xf32, #tpu.memory_space<vmem>>
      %dma_wait3A_1080 = tpu.memref_squeeze %dma_wait3A_1079 : memref<1x128x16xf32, #tpu.memory_space<vmem>> -> memref<128x16xf32, #tpu.memory_space<vmem>>
      %dma_wait3A_1081 = tpu.memref_slice %arg10[%dma_wait3A_1075, %mul3A_993] : memref<4x9984xi32, #tpu.memory_space<vmem>> -> memref<1x128xi32, #tpu.memory_space<vmem>>
      %dma_wait3A_1082 = tpu.memref_squeeze %dma_wait3A_1081 : memref<1x128xi32, #tpu.memory_space<vmem>> -> memref<128xi32, #tpu.memory_space<vmem>>
      %dma_wait3A_1083 = arith.constant 0 : i32
      %dma_wait3A_1084 = arith.constant 0 : i32
      %dma_wait3A_1085 = tpu.memref_slice %arg2[%dma_wait3A_1083, %dma_wait3A_1084] : memref<2560000x16xf32, #tpu.memory_space<hbm>> -> memref<2560000x16xf32, #tpu.memory_space<hbm>>
      tpu.wait_indirect_dma semaphore(%arg13 : memref<!tpu.dma_semaphore, #tpu.memory_space<semaphore_mem>>) src(%dma_wait3A_1085 : memref<2560000x16xf32, #tpu.memory_space<hbm>>) dst(%dma_wait3A_1080 : memref<128x16xf32, #tpu.memory_space<vmem>>)
      %dma_wait3A_1086 = arith.constant 1 : i32
      %dma_wait3A_1087 = arith.constant 1 : i32
      %dma_wait3A_1088 = arith.constant 128 : i32
      %dma_wait3A_1089 = arith.constant 0 : i32
      %dma_wait3A_1090 = tpu.memref_slice %arg6[%dma_wait3A_1087, %dma_wait3A_1088, %dma_wait3A_1089] : memref<4x384x16xf32, #tpu.memory_space<vmem>> -> memref<1x128x16xf32, #tpu.memory_space<vmem>>
      %dma_wait3A_1091 = tpu.memref_squeeze %dma_wait3A_1090 : memref<1x128x16xf32, #tpu.memory_space<vmem>> -> memref<128x16xf32, #tpu.memory_space<vmem>>
      %dma_wait3A_1092 = tpu.memref_slice %arg10[%dma_wait3A_1086, %mul3A_999] : memref<4x9984xi32, #tpu.memory_space<vmem>> -> memref<1x128xi32, #tpu.memory_space<vmem>>
      %dma_wait3A_1093 = tpu.memref_squeeze %dma_wait3A_1092 : memref<1x128xi32, #tpu.memory_space<vmem>> -> memref<128xi32, #tpu.memory_space<vmem>>
      %dma_wait3A_1094 = arith.constant 0 : i32
      %dma_wait3A_1095 = arith.constant 0 : i32
      %dma_wait3A_1096 = tpu.memref_slice %arg2[%dma_wait3A_1094, %dma_wait3A_1095] : memref<2560000x16xf32, #tpu.memory_space<hbm>> -> memref<2560000x16xf32, #tpu.memory_space<hbm>>
      tpu.wait_indirect_dma semaphore(%arg13 : memref<!tpu.dma_semaphore, #tpu.memory_space<semaphore_mem>>) src(%dma_wait3A_1096 : memref<2560000x16xf32, #tpu.memory_space<hbm>>) dst(%dma_wait3A_1091 : memref<128x16xf32, #tpu.memory_space<vmem>>)
      %dma_wait3A_1097 = arith.constant 1 : i32
      %dma_wait3A_1098 = arith.constant 1 : i32
      %dma_wait3A_1099 = arith.constant 256 : i32
      %dma_wait3A_1100 = arith.constant 0 : i32
      %dma_wait3A_1101 = tpu.memref_slice %arg6[%dma_wait3A_1098, %dma_wait3A_1099, %dma_wait3A_1100] : memref<4x384x16xf32, #tpu.memory_space<vmem>> -> memref<1x128x16xf32, #tpu.memory_space<vmem>>
      %dma_wait3A_1102 = tpu.memref_squeeze %dma_wait3A_1101 : memref<1x128x16xf32, #tpu.memory_space<vmem>> -> memref<128x16xf32, #tpu.memory_space<vmem>>
      %dma_wait3A_1103 = tpu.memref_slice %arg10[%dma_wait3A_1097, %mul3A_1005] : memref<4x9984xi32, #tpu.memory_space<vmem>> -> memref<1x128xi32, #tpu.memory_space<vmem>>
      %dma_wait3A_1104 = tpu.memref_squeeze %dma_wait3A_1103 : memref<1x128xi32, #tpu.memory_space<vmem>> -> memref<128xi32, #tpu.memory_space<vmem>>
      %dma_wait3A_1105 = arith.constant 0 : i32
      %dma_wait3A_1106 = arith.constant 0 : i32
      %dma_wait3A_1107 = tpu.memref_slice %arg2[%dma_wait3A_1105, %dma_wait3A_1106] : memref<2560000x16xf32, #tpu.memory_space<hbm>> -> memref<2560000x16xf32, #tpu.memory_space<hbm>>
      tpu.wait_indirect_dma semaphore(%arg13 : memref<!tpu.dma_semaphore, #tpu.memory_space<semaphore_mem>>) src(%dma_wait3A_1107 : memref<2560000x16xf32, #tpu.memory_space<hbm>>) dst(%dma_wait3A_1102 : memref<128x16xf32, #tpu.memory_space<vmem>>)
      %dma_wait3A_1108 = arith.constant 2 : i32
      %dma_wait3A_1109 = arith.constant 2 : i32
      %dma_wait3A_1110 = arith.constant 0 : i32
      %dma_wait3A_1111 = arith.constant 0 : i32
      %dma_wait3A_1112 = tpu.memref_slice %arg6[%dma_wait3A_1109, %dma_wait3A_1110, %dma_wait3A_1111] : memref<4x384x16xf32, #tpu.memory_space<vmem>> -> memref<1x128x16xf32, #tpu.memory_space<vmem>>
      %dma_wait3A_1113 = tpu.memref_squeeze %dma_wait3A_1112 : memref<1x128x16xf32, #tpu.memory_space<vmem>> -> memref<128x16xf32, #tpu.memory_space<vmem>>
      %dma_wait3A_1114 = tpu.memref_slice %arg10[%dma_wait3A_1108, %mul3A_1011] : memref<4x9984xi32, #tpu.memory_space<vmem>> -> memref<1x128xi32, #tpu.memory_space<vmem>>
      %dma_wait3A_1115 = tpu.memref_squeeze %dma_wait3A_1114 : memref<1x128xi32, #tpu.memory_space<vmem>> -> memref<128xi32, #tpu.memory_space<vmem>>
      %dma_wait3A_1116 = arith.constant 0 : i32
      %dma_wait3A_1117 = arith.constant 0 : i32
      %dma_wait3A_1118 = tpu.memref_slice %arg2[%dma_wait3A_1116, %dma_wait3A_1117] : memref<2560000x16xf32, #tpu.memory_space<hbm>> -> memref<2560000x16xf32, #tpu.memory_space<hbm>>
      tpu.wait_indirect_dma semaphore(%arg13 : memref<!tpu.dma_semaphore, #tpu.memory_space<semaphore_mem>>) src(%dma_wait3A_1118 : memref<2560000x16xf32, #tpu.memory_space<hbm>>) dst(%dma_wait3A_1113 : memref<128x16xf32, #tpu.memory_space<vmem>>)
      %dma_wait3A_1119 = arith.constant 2 : i32
      %dma_wait3A_1120 = arith.constant 2 : i32
      %dma_wait3A_1121 = arith.constant 128 : i32
      %dma_wait3A_1122 = arith.constant 0 : i32
      %dma_wait3A_1123 = tpu.memref_slice %arg6[%dma_wait3A_1120, %dma_wait3A_1121, %dma_wait3A_1122] : memref<4x384x16xf32, #tpu.memory_space<vmem>> -> memref<1x128x16xf32, #tpu.memory_space<vmem>>
      %dma_wait3A_1124 = tpu.memref_squeeze %dma_wait3A_1123 : memref<1x128x16xf32, #tpu.memory_space<vmem>> -> memref<128x16xf32, #tpu.memory_space<vmem>>
      %dma_wait3A_1125 = tpu.memref_slice %arg10[%dma_wait3A_1119, %mul3A_1017] : memref<4x9984xi32, #tpu.memory_space<vmem>> -> memref<1x128xi32, #tpu.memory_space<vmem>>
      %dma_wait3A_1126 = tpu.memref_squeeze %dma_wait3A_1125 : memref<1x128xi32, #tpu.memory_space<vmem>> -> memref<128xi32, #tpu.memory_space<vmem>>
      %dma_wait3A_1127 = arith.constant 0 : i32
      %dma_wait3A_1128 = arith.constant 0 : i32
      %dma_wait3A_1129 = tpu.memref_slice %arg2[%dma_wait3A_1127, %dma_wait3A_1128] : memref<2560000x16xf32, #tpu.memory_space<hbm>> -> memref<2560000x16xf32, #tpu.memory_space<hbm>>
      tpu.wait_indirect_dma semaphore(%arg13 : memref<!tpu.dma_semaphore, #tpu.memory_space<semaphore_mem>>) src(%dma_wait3A_1129 : memref<2560000x16xf32, #tpu.memory_space<hbm>>) dst(%dma_wait3A_1124 : memref<128x16xf32, #tpu.memory_space<vmem>>)
      %dma_wait3A_1130 = arith.constant 2 : i32
      %dma_wait3A_1131 = arith.constant 2 : i32
      %dma_wait3A_1132 = arith.constant 256 : i32
      %dma_wait3A_1133 = arith.constant 0 : i32
      %dma_wait3A_1134 = tpu.memref_slice %arg6[%dma_wait3A_1131, %dma_wait3A_1132, %dma_wait3A_1133] : memref<4x384x16xf32, #tpu.memory_space<vmem>> -> memref<1x128x16xf32, #tpu.memory_space<vmem>>
      %dma_wait3A_1135 = tpu.memref_squeeze %dma_wait3A_1134 : memref<1x128x16xf32, #tpu.memory_space<vmem>> -> memref<128x16xf32, #tpu.memory_space<vmem>>
      %dma_wait3A_1136 = tpu.memref_slice %arg10[%dma_wait3A_1130, %mul3A_1023] : memref<4x9984xi32, #tpu.memory_space<vmem>> -> memref<1x128xi32, #tpu.memory_space<vmem>>
      %dma_wait3A_1137 = tpu.memref_squeeze %dma_wait3A_1136 : memref<1x128xi32, #tpu.memory_space<vmem>> -> memref<128xi32, #tpu.memory_space<vmem>>
      %dma_wait3A_1138 = arith.constant 0 : i32
      %dma_wait3A_1139 = arith.constant 0 : i32
      %dma_wait3A_1140 = tpu.memref_slice %arg2[%dma_wait3A_1138, %dma_wait3A_1139] : memref<2560000x16xf32, #tpu.memory_space<hbm>> -> memref<2560000x16xf32, #tpu.memory_space<hbm>>
      tpu.wait_indirect_dma semaphore(%arg13 : memref<!tpu.dma_semaphore, #tpu.memory_space<semaphore_mem>>) src(%dma_wait3A_1140 : memref<2560000x16xf32, #tpu.memory_space<hbm>>) dst(%dma_wait3A_1135 : memref<128x16xf32, #tpu.memory_space<vmem>>)
      %dma_wait3A_1141 = arith.constant 3 : i32
      %dma_wait3A_1142 = arith.constant 3 : i32
      %dma_wait3A_1143 = arith.constant 0 : i32
      %dma_wait3A_1144 = arith.constant 0 : i32
      %dma_wait3A_1145 = tpu.memref_slice %arg6[%dma_wait3A_1142, %dma_wait3A_1143, %dma_wait3A_1144] : memref<4x384x16xf32, #tpu.memory_space<vmem>> -> memref<1x128x16xf32, #tpu.memory_space<vmem>>
      %dma_wait3A_1146 = tpu.memref_squeeze %dma_wait3A_1145 : memref<1x128x16xf32, #tpu.memory_space<vmem>> -> memref<128x16xf32, #tpu.memory_space<vmem>>
      %dma_wait3A_1147 = tpu.memref_slice %arg10[%dma_wait3A_1141, %mul3A_1029] : memref<4x9984xi32, #tpu.memory_space<vmem>> -> memref<1x128xi32, #tpu.memory_space<vmem>>
      %dma_wait3A_1148 = tpu.memref_squeeze %dma_wait3A_1147 : memref<1x128xi32, #tpu.memory_space<vmem>> -> memref<128xi32, #tpu.memory_space<vmem>>
      %dma_wait3A_1149 = arith.constant 0 : i32
      %dma_wait3A_1150 = arith.constant 0 : i32
      %dma_wait3A_1151 = tpu.memref_slice %arg2[%dma_wait3A_1149, %dma_wait3A_1150] : memref<2560000x16xf32, #tpu.memory_space<hbm>> -> memref<2560000x16xf32, #tpu.memory_space<hbm>>
      tpu.wait_indirect_dma semaphore(%arg13 : memref<!tpu.dma_semaphore, #tpu.memory_space<semaphore_mem>>) src(%dma_wait3A_1151 : memref<2560000x16xf32, #tpu.memory_space<hbm>>) dst(%dma_wait3A_1146 : memref<128x16xf32, #tpu.memory_space<vmem>>)
      %dma_wait3A_1152 = arith.constant 3 : i32
      %dma_wait3A_1153 = arith.constant 3 : i32
      %dma_wait3A_1154 = arith.constant 128 : i32
      %dma_wait3A_1155 = arith.constant 0 : i32
      %dma_wait3A_1156 = tpu.memref_slice %arg6[%dma_wait3A_1153, %dma_wait3A_1154, %dma_wait3A_1155] : memref<4x384x16xf32, #tpu.memory_space<vmem>> -> memref<1x128x16xf32, #tpu.memory_space<vmem>>
      %dma_wait3A_1157 = tpu.memref_squeeze %dma_wait3A_1156 : memref<1x128x16xf32, #tpu.memory_space<vmem>> -> memref<128x16xf32, #tpu.memory_space<vmem>>
      %dma_wait3A_1158 = tpu.memref_slice %arg10[%dma_wait3A_1152, %mul3A_1035] : memref<4x9984xi32, #tpu.memory_space<vmem>> -> memref<1x128xi32, #tpu.memory_space<vmem>>
      %dma_wait3A_1159 = tpu.memref_squeeze %dma_wait3A_1158 : memref<1x128xi32, #tpu.memory_space<vmem>> -> memref<128xi32, #tpu.memory_space<vmem>>
      %dma_wait3A_1160 = arith.constant 0 : i32
      %dma_wait3A_1161 = arith.constant 0 : i32
      %dma_wait3A_1162 = tpu.memref_slice %arg2[%dma_wait3A_1160, %dma_wait3A_1161] : memref<2560000x16xf32, #tpu.memory_space<hbm>> -> memref<2560000x16xf32, #tpu.memory_space<hbm>>
      tpu.wait_indirect_dma semaphore(%arg13 : memref<!tpu.dma_semaphore, #tpu.memory_space<semaphore_mem>>) src(%dma_wait3A_1162 : memref<2560000x16xf32, #tpu.memory_space<hbm>>) dst(%dma_wait3A_1157 : memref<128x16xf32, #tpu.memory_space<vmem>>)
      %dma_wait3A_1163 = arith.constant 3 : i32
      %dma_wait3A_1164 = arith.constant 3 : i32
      %dma_wait3A_1165 = arith.constant 256 : i32
      %dma_wait3A_1166 = arith.constant 0 : i32
      %dma_wait3A_1167 = tpu.memref_slice %arg6[%dma_wait3A_1164, %dma_wait3A_1165, %dma_wait3A_1166] : memref<4x384x16xf32, #tpu.memory_space<vmem>> -> memref<1x128x16xf32, #tpu.memory_space<vmem>>
      %dma_wait3A_1168 = tpu.memref_squeeze %dma_wait3A_1167 : memref<1x128x16xf32, #tpu.memory_space<vmem>> -> memref<128x16xf32, #tpu.memory_space<vmem>>
      %dma_wait3A_1169 = tpu.memref_slice %arg10[%dma_wait3A_1163, %mul3A_1041] : memref<4x9984xi32, #tpu.memory_space<vmem>> -> memref<1x128xi32, #tpu.memory_space<vmem>>
      %dma_wait3A_1170 = tpu.memref_squeeze %dma_wait3A_1169 : memref<1x128xi32, #tpu.memory_space<vmem>> -> memref<128xi32, #tpu.memory_space<vmem>>
      %dma_wait3A_1171 = arith.constant 0 : i32
      %dma_wait3A_1172 = arith.constant 0 : i32
      %dma_wait3A_1173 = tpu.memref_slice %arg2[%dma_wait3A_1171, %dma_wait3A_1172] : memref<2560000x16xf32, #tpu.memory_space<hbm>> -> memref<2560000x16xf32, #tpu.memory_space<hbm>>
      tpu.wait_indirect_dma semaphore(%arg13 : memref<!tpu.dma_semaphore, #tpu.memory_space<semaphore_mem>>) src(%dma_wait3A_1173 : memref<2560000x16xf32, #tpu.memory_space<hbm>>) dst(%dma_wait3A_1168 : memref<128x16xf32, #tpu.memory_space<vmem>>)
      %scan3A_1174 = arith.constant 0 : i32
      %scan3A_1175 = arith.constant 24 : i32
      %scan3A_1176 = arith.addi %scan3A_1174, %scan3A_1175 : i32
      %scan3A_1177 = arith.constant 1 : i32
      %scan3A_1178:16 = scf.for %scan3A_1622 = %scan3A_1174 to %scan3A_1176 step %scan3A_1177 iter_args(%scan3A_1623 = %scan3A_946, %scan3A_1624 = %scan3A_947, %scan3A_1625 = %scan3A_948, %scan3A_1626 = %scan3A_949, %scan3A_1627 = %scan3A_950, %scan3A_1628 = %scan3A_951, %scan3A_1629 = %scan3A_952, %scan3A_1630 = %scan3A_953, %scan3A_1631 = %scan3A_954, %scan3A_1632 = %scan3A_955, %scan3A_1633 = %scan3A_956, %scan3A_1634 = %scan3A_957, %scan3A_1635 = %scan3A_958, %scan3A_1636 = %scan3A_959, %scan3A_1637 = %scan3A_960, %scan3A_1638 = %scan3A_961) -> (vector<16xf32>, vector<16xf32>, vector<16xf32>, vector<16xf32>, vector<16xf32>, vector<16xf32>, vector<16xf32>, vector<16xf32>, vector<16xf32>, vector<16xf32>, vector<16xf32>, vector<16xf32>, vector<16xf32>, vector<16xf32>, vector<16xf32>, vector<16xf32>)  : i32 {
        %mul3A_1639 = arith.constant 16 : i32
        %mul3A_1640 = arith.muli %scan3A_1622, %mul3A_1639 : i32
        %add3A_1641 = vector.broadcast %mul3A_1640 : i32 to vector<16xi32>
        %add3A_1642 = arith.addi %add3A_1641, %iota3A : vector<16xi32>
        %gather3A_1643 = arith.constant 0 : i32
        %gather3A_1644 = arith.constant 0 : i32
        %gather3A_1645 = arith.constant 0 : i32
        %gather3A_1646 = tpu.memref_slice %arg6[%gather3A_1643, %gather3A_1644, %gather3A_1645] : memref<4x384x16xf32, #tpu.memory_space<vmem>> -> memref<1x384x16xf32, #tpu.memory_space<vmem>>
        %gather3A_1647 = tpu.memref_squeeze %gather3A_1646 : memref<1x384x16xf32, #tpu.memory_space<vmem>> -> memref<384x16xf32, #tpu.memory_space<vmem>>
        %gather3A_1648 = tpu.vector_load_idx %gather3A_1647[%add3A_1642, %broadcast_in_dim3A_28] : memref<384x16xf32, #tpu.memory_space<vmem>>[vector<16xi32>, vector<16xi32>], vector<16xf32>,
        %gather3A_1649 = arith.constant 1 : i32
        %gather3A_1650 = arith.constant 0 : i32
        %gather3A_1651 = arith.constant 0 : i32
        %gather3A_1652 = tpu.memref_slice %arg6[%gather3A_1649, %gather3A_1650, %gather3A_1651] : memref<4x384x16xf32, #tpu.memory_space<vmem>> -> memref<1x384x16xf32, #tpu.memory_space<vmem>>
        %gather3A_1653 = tpu.memref_squeeze %gather3A_1652 : memref<1x384x16xf32, #tpu.memory_space<vmem>> -> memref<384x16xf32, #tpu.memory_space<vmem>>
        %gather3A_1654 = tpu.vector_load_idx %gather3A_1653[%add3A_1642, %broadcast_in_dim3A_31] : memref<384x16xf32, #tpu.memory_space<vmem>>[vector<16xi32>, vector<16xi32>], vector<16xf32>,
        %gather3A_1655 = arith.constant 2 : i32
        %gather3A_1656 = arith.constant 0 : i32
        %gather3A_1657 = arith.constant 0 : i32
        %gather3A_1658 = tpu.memref_slice %arg6[%gather3A_1655, %gather3A_1656, %gather3A_1657] : memref<4x384x16xf32, #tpu.memory_space<vmem>> -> memref<1x384x16xf32, #tpu.memory_space<vmem>>
        %gather3A_1659 = tpu.memref_squeeze %gather3A_1658 : memref<1x384x16xf32, #tpu.memory_space<vmem>> -> memref<384x16xf32, #tpu.memory_space<vmem>>
        %gather3A_1660 = tpu.vector_load_idx %gather3A_1659[%add3A_1642, %broadcast_in_dim3A_34] : memref<384x16xf32, #tpu.memory_space<vmem>>[vector<16xi32>, vector<16xi32>], vector<16xf32>,
        %gather3A_1661 = arith.constant 3 : i32
        %gather3A_1662 = arith.constant 0 : i32
        %gather3A_1663 = arith.constant 0 : i32
        %gather3A_1664 = tpu.memref_slice %arg6[%gather3A_1661, %gather3A_1662, %gather3A_1663] : memref<4x384x16xf32, #tpu.memory_space<vmem>> -> memref<1x384x16xf32, #tpu.memory_space<vmem>>
        %gather3A_1665 = tpu.memref_squeeze %gather3A_1664 : memref<1x384x16xf32, #tpu.memory_space<vmem>> -> memref<384x16xf32, #tpu.memory_space<vmem>>
        %gather3A_1666 = tpu.vector_load_idx %gather3A_1665[%add3A_1642, %broadcast_in_dim3A_37] : memref<384x16xf32, #tpu.memory_space<vmem>>[vector<16xi32>, vector<16xi32>], vector<16xf32>,
        %mul3A_1667 = arith.constant 2.000000e+00 : f32
        %mul3A_1668 = vector.broadcast %mul3A_1667 : f32 to vector<16xf32>
        %mul3A_1669 = arith.mulf %mul3A_1668, %gather3A_1654 : vector<16xf32>
        %add3A_1670 = arith.addf %gather3A_1648, %mul3A_1669 : vector<16xf32>
        %mul3A_1671 = arith.constant 4.000000e+00 : f32
        %mul3A_1672 = vector.broadcast %mul3A_1671 : f32 to vector<16xf32>
        %mul3A_1673 = arith.mulf %mul3A_1672, %gather3A_1660 : vector<16xf32>
        %add3A_1674 = arith.addf %add3A_1670, %mul3A_1673 : vector<16xf32>
        %eq3A_1675 = arith.constant 0.000000e+00 : f32
        %eq3A_1676 = vector.broadcast %eq3A_1675 : f32 to vector<16xf32>
        %eq3A_1677 = arith.cmpf oeq, %add3A_1674, %eq3A_1676 : vector<16xf32>
        %select_n3A_1678 = arith.select %eq3A_1677, %gather3A_1666, %broadcast_in_dim3A_4 : vector<16xi1>, vector<16xf32>
        %add3A_1679 = arith.addf %scan3A_1623, %select_n3A_1678 : vector<16xf32>
        %select_n3A_1680 = arith.select %eq3A_1677, %broadcast_in_dim3A_6, %broadcast_in_dim3A_4 : vector<16xi1>, vector<16xf32>
        %add3A_1681 = arith.addf %scan3A_1631, %select_n3A_1680 : vector<16xf32>
        %eq3A_1682 = arith.constant 1.000000e+00 : f32
        %eq3A_1683 = vector.broadcast %eq3A_1682 : f32 to vector<16xf32>
        %eq3A_1684 = arith.cmpf oeq, %add3A_1674, %eq3A_1683 : vector<16xf32>
        %select_n3A_1685 = arith.select %eq3A_1684, %gather3A_1666, %broadcast_in_dim3A_4 : vector<16xi1>, vector<16xf32>
        %add3A_1686 = arith.addf %scan3A_1624, %select_n3A_1685 : vector<16xf32>
        %select_n3A_1687 = arith.select %eq3A_1684, %broadcast_in_dim3A_6, %broadcast_in_dim3A_4 : vector<16xi1>, vector<16xf32>
        %add3A_1688 = arith.addf %scan3A_1632, %select_n3A_1687 : vector<16xf32>
        %eq3A_1689 = arith.constant 2.000000e+00 : f32
        %eq3A_1690 = vector.broadcast %eq3A_1689 : f32 to vector<16xf32>
        %eq3A_1691 = arith.cmpf oeq, %add3A_1674, %eq3A_1690 : vector<16xf32>
        %select_n3A_1692 = arith.select %eq3A_1691, %gather3A_1666, %broadcast_in_dim3A_4 : vector<16xi1>, vector<16xf32>
        %add3A_1693 = arith.addf %scan3A_1625, %select_n3A_1692 : vector<16xf32>
        %select_n3A_1694 = arith.select %eq3A_1691, %broadcast_in_dim3A_6, %broadcast_in_dim3A_4 : vector<16xi1>, vector<16xf32>
        %add3A_1695 = arith.addf %scan3A_1633, %select_n3A_1694 : vector<16xf32>
        %eq3A_1696 = arith.constant 3.000000e+00 : f32
        %eq3A_1697 = vector.broadcast %eq3A_1696 : f32 to vector<16xf32>
        %eq3A_1698 = arith.cmpf oeq, %add3A_1674, %eq3A_1697 : vector<16xf32>
        %select_n3A_1699 = arith.select %eq3A_1698, %gather3A_1666, %broadcast_in_dim3A_4 : vector<16xi1>, vector<16xf32>
        %add3A_1700 = arith.addf %scan3A_1626, %select_n3A_1699 : vector<16xf32>
        %select_n3A_1701 = arith.select %eq3A_1698, %broadcast_in_dim3A_6, %broadcast_in_dim3A_4 : vector<16xi1>, vector<16xf32>
        %add3A_1702 = arith.addf %scan3A_1634, %select_n3A_1701 : vector<16xf32>
        %eq3A_1703 = arith.constant 4.000000e+00 : f32
        %eq3A_1704 = vector.broadcast %eq3A_1703 : f32 to vector<16xf32>
        %eq3A_1705 = arith.cmpf oeq, %add3A_1674, %eq3A_1704 : vector<16xf32>
        %select_n3A_1706 = arith.select %eq3A_1705, %gather3A_1666, %broadcast_in_dim3A_4 : vector<16xi1>, vector<16xf32>
        %add3A_1707 = arith.addf %scan3A_1627, %select_n3A_1706 : vector<16xf32>
        %select_n3A_1708 = arith.select %eq3A_1705, %broadcast_in_dim3A_6, %broadcast_in_dim3A_4 : vector<16xi1>, vector<16xf32>
        %add3A_1709 = arith.addf %scan3A_1635, %select_n3A_1708 : vector<16xf32>
        %eq3A_1710 = arith.constant 5.000000e+00 : f32
        %eq3A_1711 = vector.broadcast %eq3A_1710 : f32 to vector<16xf32>
        %eq3A_1712 = arith.cmpf oeq, %add3A_1674, %eq3A_1711 : vector<16xf32>
        %select_n3A_1713 = arith.select %eq3A_1712, %gather3A_1666, %broadcast_in_dim3A_4 : vector<16xi1>, vector<16xf32>
        %add3A_1714 = arith.addf %scan3A_1628, %select_n3A_1713 : vector<16xf32>
        %select_n3A_1715 = arith.select %eq3A_1712, %broadcast_in_dim3A_6, %broadcast_in_dim3A_4 : vector<16xi1>, vector<16xf32>
        %add3A_1716 = arith.addf %scan3A_1636, %select_n3A_1715 : vector<16xf32>
        %eq3A_1717 = arith.constant 6.000000e+00 : f32
        %eq3A_1718 = vector.broadcast %eq3A_1717 : f32 to vector<16xf32>
        %eq3A_1719 = arith.cmpf oeq, %add3A_1674, %eq3A_1718 : vector<16xf32>
        %select_n3A_1720 = arith.select %eq3A_1719, %gather3A_1666, %broadcast_in_dim3A_4 : vector<16xi1>, vector<16xf32>
        %add3A_1721 = arith.addf %scan3A_1629, %select_n3A_1720 : vector<16xf32>
        %select_n3A_1722 = arith.select %eq3A_1719, %broadcast_in_dim3A_6, %broadcast_in_dim3A_4 : vector<16xi1>, vector<16xf32>
        %add3A_1723 = arith.addf %scan3A_1637, %select_n3A_1722 : vector<16xf32>
        %eq3A_1724 = arith.constant 7.000000e+00 : f32
        %eq3A_1725 = vector.broadcast %eq3A_1724 : f32 to vector<16xf32>
        %eq3A_1726 = arith.cmpf oeq, %add3A_1674, %eq3A_1725 : vector<16xf32>
        %select_n3A_1727 = arith.select %eq3A_1726, %gather3A_1666, %broadcast_in_dim3A_4 : vector<16xi1>, vector<16xf32>
        %add3A_1728 = arith.addf %scan3A_1630, %select_n3A_1727 : vector<16xf32>
        %select_n3A_1729 = arith.select %eq3A_1726, %broadcast_in_dim3A_6, %broadcast_in_dim3A_4 : vector<16xi1>, vector<16xf32>
        %add3A_1730 = arith.addf %scan3A_1638, %select_n3A_1729 : vector<16xf32>
        scf.yield %add3A_1679, %add3A_1686, %add3A_1693, %add3A_1700, %add3A_1707, %add3A_1714, %add3A_1721, %add3A_1728, %add3A_1681, %add3A_1688, %add3A_1695, %add3A_1702, %add3A_1709, %add3A_1716, %add3A_1723, %add3A_1730 : vector<16xf32>, vector<16xf32>, vector<16xf32>, vector<16xf32>, vector<16xf32>, vector<16xf32>, vector<16xf32>, vector<16xf32>, vector<16xf32>, vector<16xf32>, vector<16xf32>, vector<16xf32>, vector<16xf32>, vector<16xf32>, vector<16xf32>, vector<16xf32>
      }
      %scan3A_1179 = arith.constant 24 : i32
      %mul3A_1180 = arith.constant 3 : i32
      %mul3A_1181 = arith.muli %scan3A_945, %mul3A_1180 : i32
      %add3A_1182 = arith.constant 1 : i32
      %add3A_1183 = arith.addi %mul3A_1181, %add3A_1182 : i32
      %add3A_1184 = arith.constant 2 : i32
      %add3A_1185 = arith.addi %add3A_1183, %add3A_1184 : i32
      %lt3A_1186 = arith.constant 26 : i32
      %lt3A_1187 = arith.cmpi slt, %add3A_1185, %lt3A_1186 : i32
      %convert_element_type3A_1188 = arith.extui %lt3A_1187 : i1 to i32
      %cond3A_1189 = arith.constant 0 : i32
      %cond3A_1190 = arith.cmpi ne, %convert_element_type3A_1188, %cond3A_1189 : i32
      scf.if %cond3A_1190 {
        %add3A_1622 = arith.constant 2 : i32
        %add3A_1623 = arith.addi %add3A_1183, %add3A_1622 : i32
        %mul3A_1624 = arith.constant 3 : i32
        %mul3A_1625 = arith.muli %add3A_1623, %mul3A_1624 : i32
        %add3A_1626 = arith.constant 0 : i32
        %add3A_1627 = arith.addi %mul3A_1625, %add3A_1626 : i32
        %mul3A_1628 = arith.constant 128 : i32
        %mul3A_1629 = arith.muli %add3A_1627, %mul3A_1628 : i32
        %mul3A_1630 = arith.constant 3 : i32
        %mul3A_1631 = arith.muli %add3A_1623, %mul3A_1630 : i32
        %add3A_1632 = arith.constant 1 : i32
        %add3A_1633 = arith.addi %mul3A_1631, %add3A_1632 : i32
        %mul3A_1634 = arith.constant 128 : i32
        %mul3A_1635 = arith.muli %add3A_1633, %mul3A_1634 : i32
        %mul3A_1636 = arith.constant 3 : i32
        %mul3A_1637 = arith.muli %add3A_1623, %mul3A_1636 : i32
        %add3A_1638 = arith.constant 2 : i32
        %add3A_1639 = arith.addi %mul3A_1637, %add3A_1638 : i32
        %mul3A_1640 = arith.constant 128 : i32
        %mul3A_1641 = arith.muli %add3A_1639, %mul3A_1640 : i32
        %mul3A_1642 = arith.constant 3 : i32
        %mul3A_1643 = arith.muli %add3A_1623, %mul3A_1642 : i32
        %add3A_1644 = arith.constant 0 : i32
        %add3A_1645 = arith.addi %mul3A_1643, %add3A_1644 : i32
        %mul3A_1646 = arith.constant 128 : i32
        %mul3A_1647 = arith.muli %add3A_1645, %mul3A_1646 : i32
        %mul3A_1648 = arith.constant 3 : i32
        %mul3A_1649 = arith.muli %add3A_1623, %mul3A_1648 : i32
        %add3A_1650 = arith.constant 1 : i32
        %add3A_1651 = arith.addi %mul3A_1649, %add3A_1650 : i32
        %mul3A_1652 = arith.constant 128 : i32
        %mul3A_1653 = arith.muli %add3A_1651, %mul3A_1652 : i32
        %mul3A_1654 = arith.constant 3 : i32
        %mul3A_1655 = arith.muli %add3A_1623, %mul3A_1654 : i32
        %add3A_1656 = arith.constant 2 : i32
        %add3A_1657 = arith.addi %mul3A_1655, %add3A_1656 : i32
        %mul3A_1658 = arith.constant 128 : i32
        %mul3A_1659 = arith.muli %add3A_1657, %mul3A_1658 : i32
        %mul3A_1660 = arith.constant 3 : i32
        %mul3A_1661 = arith.muli %add3A_1623, %mul3A_1660 : i32
        %add3A_1662 = arith.constant 0 : i32
        %add3A_1663 = arith.addi %mul3A_1661, %add3A_1662 : i32
        %mul3A_1664 = arith.constant 128 : i32
        %mul3A_1665 = arith.muli %add3A_1663, %mul3A_1664 : i32
        %mul3A_1666 = arith.constant 3 : i32
        %mul3A_1667 = arith.muli %add3A_1623, %mul3A_1666 : i32
        %add3A_1668 = arith.constant 1 : i32
        %add3A_1669 = arith.addi %mul3A_1667, %add3A_1668 : i32
        %mul3A_1670 = arith.constant 128 : i32
        %mul3A_1671 = arith.muli %add3A_1669, %mul3A_1670 : i32
        %mul3A_1672 = arith.constant 3 : i32
        %mul3A_1673 = arith.muli %add3A_1623, %mul3A_1672 : i32
        %add3A_1674 = arith.constant 2 : i32
        %add3A_1675 = arith.addi %mul3A_1673, %add3A_1674 : i32
        %mul3A_1676 = arith.constant 128 : i32
        %mul3A_1677 = arith.muli %add3A_1675, %mul3A_1676 : i32
        %mul3A_1678 = arith.constant 3 : i32
        %mul3A_1679 = arith.muli %add3A_1623, %mul3A_1678 : i32
        %add3A_1680 = arith.constant 0 : i32
        %add3A_1681 = arith.addi %mul3A_1679, %add3A_1680 : i32
        %mul3A_1682 = arith.constant 128 : i32
        %mul3A_1683 = arith.muli %add3A_1681, %mul3A_1682 : i32
        %mul3A_1684 = arith.constant 3 : i32
        %mul3A_1685 = arith.muli %add3A_1623, %mul3A_1684 : i32
        %add3A_1686 = arith.constant 1 : i32
        %add3A_1687 = arith.addi %mul3A_1685, %add3A_1686 : i32
        %mul3A_1688 = arith.constant 128 : i32
        %mul3A_1689 = arith.muli %add3A_1687, %mul3A_1688 : i32
        %mul3A_1690 = arith.constant 3 : i32
        %mul3A_1691 = arith.muli %add3A_1623, %mul3A_1690 : i32
        %add3A_1692 = arith.constant 2 : i32
        %add3A_1693 = arith.addi %mul3A_1691, %add3A_1692 : i32
        %mul3A_1694 = arith.constant 128 : i32
        %mul3A_1695 = arith.muli %add3A_1693, %mul3A_1694 : i32
        %dma_start3A_1696 = arith.constant 0 : i32
        %dma_start3A_1697 = arith.constant 0 : i32
        %dma_start3A_1698 = arith.constant 0 : i32
        %dma_start3A_1699 = arith.constant 0 : i32
        %dma_start3A_1700 = tpu.memref_slice %arg6[%dma_start3A_1697, %dma_start3A_1698, %dma_start3A_1699] : memref<4x384x16xf32, #tpu.memory_space<vmem>> -> memref<1x128x16xf32, #tpu.memory_space<vmem>>
        %dma_start3A_1701 = tpu.memref_squeeze %dma_start3A_1700 : memref<1x128x16xf32, #tpu.memory_space<vmem>> -> memref<128x16xf32, #tpu.memory_space<vmem>>
        %dma_start3A_1702 = tpu.memref_slice %arg10[%dma_start3A_1696, %mul3A_1629] : memref<4x9984xi32, #tpu.memory_space<vmem>> -> memref<1x128xi32, #tpu.memory_space<vmem>>
        %dma_start3A_1703 = tpu.memref_squeeze %dma_start3A_1702 : memref<1x128xi32, #tpu.memory_space<vmem>> -> memref<128xi32, #tpu.memory_space<vmem>>
        %dma_start3A_1704 = arith.constant 0 : i32
        %dma_start3A_1705 = arith.constant 0 : i32
        %dma_start3A_1706 = tpu.memref_slice %arg2[%dma_start3A_1704, %dma_start3A_1705] : memref<2560000x16xf32, #tpu.memory_space<hbm>> -> memref<2560000x16xf32, #tpu.memory_space<hbm>>
        tpu.enqueue_indirect_dma source(%dma_start3A_1706 : memref<2560000x16xf32, #tpu.memory_space<hbm>>) target(%dma_start3A_1701 : memref<128x16xf32, #tpu.memory_space<vmem>>) offsets(%dma_start3A_1703 : memref<128xi32, #tpu.memory_space<vmem>>) semaphore(%arg13 : memref<!tpu.dma_semaphore, #tpu.memory_space<semaphore_mem>>)
        %dma_start3A_1707 = arith.constant 0 : i32
        %dma_start3A_1708 = arith.constant 0 : i32
        %dma_start3A_1709 = arith.constant 128 : i32
        %dma_start3A_1710 = arith.constant 0 : i32
        %dma_start3A_1711 = tpu.memref_slice %arg6[%dma_start3A_1708, %dma_start3A_1709, %dma_start3A_1710] : memref<4x384x16xf32, #tpu.memory_space<vmem>> -> memref<1x128x16xf32, #tpu.memory_space<vmem>>
        %dma_start3A_1712 = tpu.memref_squeeze %dma_start3A_1711 : memref<1x128x16xf32, #tpu.memory_space<vmem>> -> memref<128x16xf32, #tpu.memory_space<vmem>>
        %dma_start3A_1713 = tpu.memref_slice %arg10[%dma_start3A_1707, %mul3A_1635] : memref<4x9984xi32, #tpu.memory_space<vmem>> -> memref<1x128xi32, #tpu.memory_space<vmem>>
        %dma_start3A_1714 = tpu.memref_squeeze %dma_start3A_1713 : memref<1x128xi32, #tpu.memory_space<vmem>> -> memref<128xi32, #tpu.memory_space<vmem>>
        %dma_start3A_1715 = arith.constant 0 : i32
        %dma_start3A_1716 = arith.constant 0 : i32
        %dma_start3A_1717 = tpu.memref_slice %arg2[%dma_start3A_1715, %dma_start3A_1716] : memref<2560000x16xf32, #tpu.memory_space<hbm>> -> memref<2560000x16xf32, #tpu.memory_space<hbm>>
        tpu.enqueue_indirect_dma source(%dma_start3A_1717 : memref<2560000x16xf32, #tpu.memory_space<hbm>>) target(%dma_start3A_1712 : memref<128x16xf32, #tpu.memory_space<vmem>>) offsets(%dma_start3A_1714 : memref<128xi32, #tpu.memory_space<vmem>>) semaphore(%arg13 : memref<!tpu.dma_semaphore, #tpu.memory_space<semaphore_mem>>)
        %dma_start3A_1718 = arith.constant 0 : i32
        %dma_start3A_1719 = arith.constant 0 : i32
        %dma_start3A_1720 = arith.constant 256 : i32
        %dma_start3A_1721 = arith.constant 0 : i32
        %dma_start3A_1722 = tpu.memref_slice %arg6[%dma_start3A_1719, %dma_start3A_1720, %dma_start3A_1721] : memref<4x384x16xf32, #tpu.memory_space<vmem>> -> memref<1x128x16xf32, #tpu.memory_space<vmem>>
        %dma_start3A_1723 = tpu.memref_squeeze %dma_start3A_1722 : memref<1x128x16xf32, #tpu.memory_space<vmem>> -> memref<128x16xf32, #tpu.memory_space<vmem>>
        %dma_start3A_1724 = tpu.memref_slice %arg10[%dma_start3A_1718, %mul3A_1641] : memref<4x9984xi32, #tpu.memory_space<vmem>> -> memref<1x128xi32, #tpu.memory_space<vmem>>
        %dma_start3A_1725 = tpu.memref_squeeze %dma_start3A_1724 : memref<1x128xi32, #tpu.memory_space<vmem>> -> memref<128xi32, #tpu.memory_space<vmem>>
        %dma_start3A_1726 = arith.constant 0 : i32
        %dma_start3A_1727 = arith.constant 0 : i32
        %dma_start3A_1728 = tpu.memref_slice %arg2[%dma_start3A_1726, %dma_start3A_1727] : memref<2560000x16xf32, #tpu.memory_space<hbm>> -> memref<2560000x16xf32, #tpu.memory_space<hbm>>
        tpu.enqueue_indirect_dma source(%dma_start3A_1728 : memref<2560000x16xf32, #tpu.memory_space<hbm>>) target(%dma_start3A_1723 : memref<128x16xf32, #tpu.memory_space<vmem>>) offsets(%dma_start3A_1725 : memref<128xi32, #tpu.memory_space<vmem>>) semaphore(%arg13 : memref<!tpu.dma_semaphore, #tpu.memory_space<semaphore_mem>>)
        %dma_start3A_1729 = arith.constant 1 : i32
        %dma_start3A_1730 = arith.constant 1 : i32
        %dma_start3A_1731 = arith.constant 0 : i32
        %dma_start3A_1732 = arith.constant 0 : i32
        %dma_start3A_1733 = tpu.memref_slice %arg6[%dma_start3A_1730, %dma_start3A_1731, %dma_start3A_1732] : memref<4x384x16xf32, #tpu.memory_space<vmem>> -> memref<1x128x16xf32, #tpu.memory_space<vmem>>
        %dma_start3A_1734 = tpu.memref_squeeze %dma_start3A_1733 : memref<1x128x16xf32, #tpu.memory_space<vmem>> -> memref<128x16xf32, #tpu.memory_space<vmem>>
        %dma_start3A_1735 = tpu.memref_slice %arg10[%dma_start3A_1729, %mul3A_1647] : memref<4x9984xi32, #tpu.memory_space<vmem>> -> memref<1x128xi32, #tpu.memory_space<vmem>>
        %dma_start3A_1736 = tpu.memref_squeeze %dma_start3A_1735 : memref<1x128xi32, #tpu.memory_space<vmem>> -> memref<128xi32, #tpu.memory_space<vmem>>
        %dma_start3A_1737 = arith.constant 0 : i32
        %dma_start3A_1738 = arith.constant 0 : i32
        %dma_start3A_1739 = tpu.memref_slice %arg2[%dma_start3A_1737, %dma_start3A_1738] : memref<2560000x16xf32, #tpu.memory_space<hbm>> -> memref<2560000x16xf32, #tpu.memory_space<hbm>>
        tpu.enqueue_indirect_dma source(%dma_start3A_1739 : memref<2560000x16xf32, #tpu.memory_space<hbm>>) target(%dma_start3A_1734 : memref<128x16xf32, #tpu.memory_space<vmem>>) offsets(%dma_start3A_1736 : memref<128xi32, #tpu.memory_space<vmem>>) semaphore(%arg13 : memref<!tpu.dma_semaphore, #tpu.memory_space<semaphore_mem>>)
        %dma_start3A_1740 = arith.constant 1 : i32
        %dma_start3A_1741 = arith.constant 1 : i32
        %dma_start3A_1742 = arith.constant 128 : i32
        %dma_start3A_1743 = arith.constant 0 : i32
        %dma_start3A_1744 = tpu.memref_slice %arg6[%dma_start3A_1741, %dma_start3A_1742, %dma_start3A_1743] : memref<4x384x16xf32, #tpu.memory_space<vmem>> -> memref<1x128x16xf32, #tpu.memory_space<vmem>>
        %dma_start3A_1745 = tpu.memref_squeeze %dma_start3A_1744 : memref<1x128x16xf32, #tpu.memory_space<vmem>> -> memref<128x16xf32, #tpu.memory_space<vmem>>
        %dma_start3A_1746 = tpu.memref_slice %arg10[%dma_start3A_1740, %mul3A_1653] : memref<4x9984xi32, #tpu.memory_space<vmem>> -> memref<1x128xi32, #tpu.memory_space<vmem>>
        %dma_start3A_1747 = tpu.memref_squeeze %dma_start3A_1746 : memref<1x128xi32, #tpu.memory_space<vmem>> -> memref<128xi32, #tpu.memory_space<vmem>>
        %dma_start3A_1748 = arith.constant 0 : i32
        %dma_start3A_1749 = arith.constant 0 : i32
        %dma_start3A_1750 = tpu.memref_slice %arg2[%dma_start3A_1748, %dma_start3A_1749] : memref<2560000x16xf32, #tpu.memory_space<hbm>> -> memref<2560000x16xf32, #tpu.memory_space<hbm>>
        tpu.enqueue_indirect_dma source(%dma_start3A_1750 : memref<2560000x16xf32, #tpu.memory_space<hbm>>) target(%dma_start3A_1745 : memref<128x16xf32, #tpu.memory_space<vmem>>) offsets(%dma_start3A_1747 : memref<128xi32, #tpu.memory_space<vmem>>) semaphore(%arg13 : memref<!tpu.dma_semaphore, #tpu.memory_space<semaphore_mem>>)
        %dma_start3A_1751 = arith.constant 1 : i32
        %dma_start3A_1752 = arith.constant 1 : i32
        %dma_start3A_1753 = arith.constant 256 : i32
        %dma_start3A_1754 = arith.constant 0 : i32
        %dma_start3A_1755 = tpu.memref_slice %arg6[%dma_start3A_1752, %dma_start3A_1753, %dma_start3A_1754] : memref<4x384x16xf32, #tpu.memory_space<vmem>> -> memref<1x128x16xf32, #tpu.memory_space<vmem>>
        %dma_start3A_1756 = tpu.memref_squeeze %dma_start3A_1755 : memref<1x128x16xf32, #tpu.memory_space<vmem>> -> memref<128x16xf32, #tpu.memory_space<vmem>>
        %dma_start3A_1757 = tpu.memref_slice %arg10[%dma_start3A_1751, %mul3A_1659] : memref<4x9984xi32, #tpu.memory_space<vmem>> -> memref<1x128xi32, #tpu.memory_space<vmem>>
        %dma_start3A_1758 = tpu.memref_squeeze %dma_start3A_1757 : memref<1x128xi32, #tpu.memory_space<vmem>> -> memref<128xi32, #tpu.memory_space<vmem>>
        %dma_start3A_1759 = arith.constant 0 : i32
        %dma_start3A_1760 = arith.constant 0 : i32
        %dma_start3A_1761 = tpu.memref_slice %arg2[%dma_start3A_1759, %dma_start3A_1760] : memref<2560000x16xf32, #tpu.memory_space<hbm>> -> memref<2560000x16xf32, #tpu.memory_space<hbm>>
        tpu.enqueue_indirect_dma source(%dma_start3A_1761 : memref<2560000x16xf32, #tpu.memory_space<hbm>>) target(%dma_start3A_1756 : memref<128x16xf32, #tpu.memory_space<vmem>>) offsets(%dma_start3A_1758 : memref<128xi32, #tpu.memory_space<vmem>>) semaphore(%arg13 : memref<!tpu.dma_semaphore, #tpu.memory_space<semaphore_mem>>)
        %dma_start3A_1762 = arith.constant 2 : i32
        %dma_start3A_1763 = arith.constant 2 : i32
        %dma_start3A_1764 = arith.constant 0 : i32
        %dma_start3A_1765 = arith.constant 0 : i32
        %dma_start3A_1766 = tpu.memref_slice %arg6[%dma_start3A_1763, %dma_start3A_1764, %dma_start3A_1765] : memref<4x384x16xf32, #tpu.memory_space<vmem>> -> memref<1x128x16xf32, #tpu.memory_space<vmem>>
        %dma_start3A_1767 = tpu.memref_squeeze %dma_start3A_1766 : memref<1x128x16xf32, #tpu.memory_space<vmem>> -> memref<128x16xf32, #tpu.memory_space<vmem>>
        %dma_start3A_1768 = tpu.memref_slice %arg10[%dma_start3A_1762, %mul3A_1665] : memref<4x9984xi32, #tpu.memory_space<vmem>> -> memref<1x128xi32, #tpu.memory_space<vmem>>
        %dma_start3A_1769 = tpu.memref_squeeze %dma_start3A_1768 : memref<1x128xi32, #tpu.memory_space<vmem>> -> memref<128xi32, #tpu.memory_space<vmem>>
        %dma_start3A_1770 = arith.constant 0 : i32
        %dma_start3A_1771 = arith.constant 0 : i32
        %dma_start3A_1772 = tpu.memref_slice %arg2[%dma_start3A_1770, %dma_start3A_1771] : memref<2560000x16xf32, #tpu.memory_space<hbm>> -> memref<2560000x16xf32, #tpu.memory_space<hbm>>
        tpu.enqueue_indirect_dma source(%dma_start3A_1772 : memref<2560000x16xf32, #tpu.memory_space<hbm>>) target(%dma_start3A_1767 : memref<128x16xf32, #tpu.memory_space<vmem>>) offsets(%dma_start3A_1769 : memref<128xi32, #tpu.memory_space<vmem>>) semaphore(%arg13 : memref<!tpu.dma_semaphore, #tpu.memory_space<semaphore_mem>>)
        %dma_start3A_1773 = arith.constant 2 : i32
        %dma_start3A_1774 = arith.constant 2 : i32
        %dma_start3A_1775 = arith.constant 128 : i32
        %dma_start3A_1776 = arith.constant 0 : i32
        %dma_start3A_1777 = tpu.memref_slice %arg6[%dma_start3A_1774, %dma_start3A_1775, %dma_start3A_1776] : memref<4x384x16xf32, #tpu.memory_space<vmem>> -> memref<1x128x16xf32, #tpu.memory_space<vmem>>
        %dma_start3A_1778 = tpu.memref_squeeze %dma_start3A_1777 : memref<1x128x16xf32, #tpu.memory_space<vmem>> -> memref<128x16xf32, #tpu.memory_space<vmem>>
        %dma_start3A_1779 = tpu.memref_slice %arg10[%dma_start3A_1773, %mul3A_1671] : memref<4x9984xi32, #tpu.memory_space<vmem>> -> memref<1x128xi32, #tpu.memory_space<vmem>>
        %dma_start3A_1780 = tpu.memref_squeeze %dma_start3A_1779 : memref<1x128xi32, #tpu.memory_space<vmem>> -> memref<128xi32, #tpu.memory_space<vmem>>
        %dma_start3A_1781 = arith.constant 0 : i32
        %dma_start3A_1782 = arith.constant 0 : i32
        %dma_start3A_1783 = tpu.memref_slice %arg2[%dma_start3A_1781, %dma_start3A_1782] : memref<2560000x16xf32, #tpu.memory_space<hbm>> -> memref<2560000x16xf32, #tpu.memory_space<hbm>>
        tpu.enqueue_indirect_dma source(%dma_start3A_1783 : memref<2560000x16xf32, #tpu.memory_space<hbm>>) target(%dma_start3A_1778 : memref<128x16xf32, #tpu.memory_space<vmem>>) offsets(%dma_start3A_1780 : memref<128xi32, #tpu.memory_space<vmem>>) semaphore(%arg13 : memref<!tpu.dma_semaphore, #tpu.memory_space<semaphore_mem>>)
        %dma_start3A_1784 = arith.constant 2 : i32
        %dma_start3A_1785 = arith.constant 2 : i32
        %dma_start3A_1786 = arith.constant 256 : i32
        %dma_start3A_1787 = arith.constant 0 : i32
        %dma_start3A_1788 = tpu.memref_slice %arg6[%dma_start3A_1785, %dma_start3A_1786, %dma_start3A_1787] : memref<4x384x16xf32, #tpu.memory_space<vmem>> -> memref<1x128x16xf32, #tpu.memory_space<vmem>>
        %dma_start3A_1789 = tpu.memref_squeeze %dma_start3A_1788 : memref<1x128x16xf32, #tpu.memory_space<vmem>> -> memref<128x16xf32, #tpu.memory_space<vmem>>
        %dma_start3A_1790 = tpu.memref_slice %arg10[%dma_start3A_1784, %mul3A_1677] : memref<4x9984xi32, #tpu.memory_space<vmem>> -> memref<1x128xi32, #tpu.memory_space<vmem>>
        %dma_start3A_1791 = tpu.memref_squeeze %dma_start3A_1790 : memref<1x128xi32, #tpu.memory_space<vmem>> -> memref<128xi32, #tpu.memory_space<vmem>>
        %dma_start3A_1792 = arith.constant 0 : i32
        %dma_start3A_1793 = arith.constant 0 : i32
        %dma_start3A_1794 = tpu.memref_slice %arg2[%dma_start3A_1792, %dma_start3A_1793] : memref<2560000x16xf32, #tpu.memory_space<hbm>> -> memref<2560000x16xf32, #tpu.memory_space<hbm>>
        tpu.enqueue_indirect_dma source(%dma_start3A_1794 : memref<2560000x16xf32, #tpu.memory_space<hbm>>) target(%dma_start3A_1789 : memref<128x16xf32, #tpu.memory_space<vmem>>) offsets(%dma_start3A_1791 : memref<128xi32, #tpu.memory_space<vmem>>) semaphore(%arg13 : memref<!tpu.dma_semaphore, #tpu.memory_space<semaphore_mem>>)
        %dma_start3A_1795 = arith.constant 3 : i32
        %dma_start3A_1796 = arith.constant 3 : i32
        %dma_start3A_1797 = arith.constant 0 : i32
        %dma_start3A_1798 = arith.constant 0 : i32
        %dma_start3A_1799 = tpu.memref_slice %arg6[%dma_start3A_1796, %dma_start3A_1797, %dma_start3A_1798] : memref<4x384x16xf32, #tpu.memory_space<vmem>> -> memref<1x128x16xf32, #tpu.memory_space<vmem>>
        %dma_start3A_1800 = tpu.memref_squeeze %dma_start3A_1799 : memref<1x128x16xf32, #tpu.memory_space<vmem>> -> memref<128x16xf32, #tpu.memory_space<vmem>>
        %dma_start3A_1801 = tpu.memref_slice %arg10[%dma_start3A_1795, %mul3A_1683] : memref<4x9984xi32, #tpu.memory_space<vmem>> -> memref<1x128xi32, #tpu.memory_space<vmem>>
        %dma_start3A_1802 = tpu.memref_squeeze %dma_start3A_1801 : memref<1x128xi32, #tpu.memory_space<vmem>> -> memref<128xi32, #tpu.memory_space<vmem>>
        %dma_start3A_1803 = arith.constant 0 : i32
        %dma_start3A_1804 = arith.constant 0 : i32
        %dma_start3A_1805 = tpu.memref_slice %arg2[%dma_start3A_1803, %dma_start3A_1804] : memref<2560000x16xf32, #tpu.memory_space<hbm>> -> memref<2560000x16xf32, #tpu.memory_space<hbm>>
        tpu.enqueue_indirect_dma source(%dma_start3A_1805 : memref<2560000x16xf32, #tpu.memory_space<hbm>>) target(%dma_start3A_1800 : memref<128x16xf32, #tpu.memory_space<vmem>>) offsets(%dma_start3A_1802 : memref<128xi32, #tpu.memory_space<vmem>>) semaphore(%arg13 : memref<!tpu.dma_semaphore, #tpu.memory_space<semaphore_mem>>)
        %dma_start3A_1806 = arith.constant 3 : i32
        %dma_start3A_1807 = arith.constant 3 : i32
        %dma_start3A_1808 = arith.constant 128 : i32
        %dma_start3A_1809 = arith.constant 0 : i32
        %dma_start3A_1810 = tpu.memref_slice %arg6[%dma_start3A_1807, %dma_start3A_1808, %dma_start3A_1809] : memref<4x384x16xf32, #tpu.memory_space<vmem>> -> memref<1x128x16xf32, #tpu.memory_space<vmem>>
        %dma_start3A_1811 = tpu.memref_squeeze %dma_start3A_1810 : memref<1x128x16xf32, #tpu.memory_space<vmem>> -> memref<128x16xf32, #tpu.memory_space<vmem>>
        %dma_start3A_1812 = tpu.memref_slice %arg10[%dma_start3A_1806, %mul3A_1689] : memref<4x9984xi32, #tpu.memory_space<vmem>> -> memref<1x128xi32, #tpu.memory_space<vmem>>
        %dma_start3A_1813 = tpu.memref_squeeze %dma_start3A_1812 : memref<1x128xi32, #tpu.memory_space<vmem>> -> memref<128xi32, #tpu.memory_space<vmem>>
        %dma_start3A_1814 = arith.constant 0 : i32
        %dma_start3A_1815 = arith.constant 0 : i32
        %dma_start3A_1816 = tpu.memref_slice %arg2[%dma_start3A_1814, %dma_start3A_1815] : memref<2560000x16xf32, #tpu.memory_space<hbm>> -> memref<2560000x16xf32, #tpu.memory_space<hbm>>
        tpu.enqueue_indirect_dma source(%dma_start3A_1816 : memref<2560000x16xf32, #tpu.memory_space<hbm>>) target(%dma_start3A_1811 : memref<128x16xf32, #tpu.memory_space<vmem>>) offsets(%dma_start3A_1813 : memref<128xi32, #tpu.memory_space<vmem>>) semaphore(%arg13 : memref<!tpu.dma_semaphore, #tpu.memory_space<semaphore_mem>>)
        %dma_start3A_1817 = arith.constant 3 : i32
        %dma_start3A_1818 = arith.constant 3 : i32
        %dma_start3A_1819 = arith.constant 256 : i32
        %dma_start3A_1820 = arith.constant 0 : i32
        %dma_start3A_1821 = tpu.memref_slice %arg6[%dma_start3A_1818, %dma_start3A_1819, %dma_start3A_1820] : memref<4x384x16xf32, #tpu.memory_space<vmem>> -> memref<1x128x16xf32, #tpu.memory_space<vmem>>
        %dma_start3A_1822 = tpu.memref_squeeze %dma_start3A_1821 : memref<1x128x16xf32, #tpu.memory_space<vmem>> -> memref<128x16xf32, #tpu.memory_space<vmem>>
        %dma_start3A_1823 = tpu.memref_slice %arg10[%dma_start3A_1817, %mul3A_1695] : memref<4x9984xi32, #tpu.memory_space<vmem>> -> memref<1x128xi32, #tpu.memory_space<vmem>>
        %dma_start3A_1824 = tpu.memref_squeeze %dma_start3A_1823 : memref<1x128xi32, #tpu.memory_space<vmem>> -> memref<128xi32, #tpu.memory_space<vmem>>
        %dma_start3A_1825 = arith.constant 0 : i32
        %dma_start3A_1826 = arith.constant 0 : i32
        %dma_start3A_1827 = tpu.memref_slice %arg2[%dma_start3A_1825, %dma_start3A_1826] : memref<2560000x16xf32, #tpu.memory_space<hbm>> -> memref<2560000x16xf32, #tpu.memory_space<hbm>>
        tpu.enqueue_indirect_dma source(%dma_start3A_1827 : memref<2560000x16xf32, #tpu.memory_space<hbm>>) target(%dma_start3A_1822 : memref<128x16xf32, #tpu.memory_space<vmem>>) offsets(%dma_start3A_1824 : memref<128xi32, #tpu.memory_space<vmem>>) semaphore(%arg13 : memref<!tpu.dma_semaphore, #tpu.memory_space<semaphore_mem>>)
      } else {
      }
      %mul3A_1191 = arith.constant 3 : i32
      %mul3A_1192 = arith.muli %add3A_1183, %mul3A_1191 : i32
      %add3A_1193 = arith.constant 0 : i32
      %add3A_1194 = arith.addi %mul3A_1192, %add3A_1193 : i32
      %mul3A_1195 = arith.constant 128 : i32
      %mul3A_1196 = arith.muli %add3A_1194, %mul3A_1195 : i32
      %mul3A_1197 = arith.constant 3 : i32
      %mul3A_1198 = arith.muli %add3A_1183, %mul3A_1197 : i32
      %add3A_1199 = arith.constant 1 : i32
      %add3A_1200 = arith.addi %mul3A_1198, %add3A_1199 : i32
      %mul3A_1201 = arith.constant 128 : i32
      %mul3A_1202 = arith.muli %add3A_1200, %mul3A_1201 : i32
      %mul3A_1203 = arith.constant 3 : i32
      %mul3A_1204 = arith.muli %add3A_1183, %mul3A_1203 : i32
      %add3A_1205 = arith.constant 2 : i32
      %add3A_1206 = arith.addi %mul3A_1204, %add3A_1205 : i32
      %mul3A_1207 = arith.constant 128 : i32
      %mul3A_1208 = arith.muli %add3A_1206, %mul3A_1207 : i32
      %mul3A_1209 = arith.constant 3 : i32
      %mul3A_1210 = arith.muli %add3A_1183, %mul3A_1209 : i32
      %add3A_1211 = arith.constant 0 : i32
      %add3A_1212 = arith.addi %mul3A_1210, %add3A_1211 : i32
      %mul3A_1213 = arith.constant 128 : i32
      %mul3A_1214 = arith.muli %add3A_1212, %mul3A_1213 : i32
      %mul3A_1215 = arith.constant 3 : i32
      %mul3A_1216 = arith.muli %add3A_1183, %mul3A_1215 : i32
      %add3A_1217 = arith.constant 1 : i32
      %add3A_1218 = arith.addi %mul3A_1216, %add3A_1217 : i32
      %mul3A_1219 = arith.constant 128 : i32
      %mul3A_1220 = arith.muli %add3A_1218, %mul3A_1219 : i32
      %mul3A_1221 = arith.constant 3 : i32
      %mul3A_1222 = arith.muli %add3A_1183, %mul3A_1221 : i32
      %add3A_1223 = arith.constant 2 : i32
      %add3A_1224 = arith.addi %mul3A_1222, %add3A_1223 : i32
      %mul3A_1225 = arith.constant 128 : i32
      %mul3A_1226 = arith.muli %add3A_1224, %mul3A_1225 : i32
      %mul3A_1227 = arith.constant 3 : i32
      %mul3A_1228 = arith.muli %add3A_1183, %mul3A_1227 : i32
      %add3A_1229 = arith.constant 0 : i32
      %add3A_1230 = arith.addi %mul3A_1228, %add3A_1229 : i32
      %mul3A_1231 = arith.constant 128 : i32
      %mul3A_1232 = arith.muli %add3A_1230, %mul3A_1231 : i32
      %mul3A_1233 = arith.constant 3 : i32
      %mul3A_1234 = arith.muli %add3A_1183, %mul3A_1233 : i32
      %add3A_1235 = arith.constant 1 : i32
      %add3A_1236 = arith.addi %mul3A_1234, %add3A_1235 : i32
      %mul3A_1237 = arith.constant 128 : i32
      %mul3A_1238 = arith.muli %add3A_1236, %mul3A_1237 : i32
      %mul3A_1239 = arith.constant 3 : i32
      %mul3A_1240 = arith.muli %add3A_1183, %mul3A_1239 : i32
      %add3A_1241 = arith.constant 2 : i32
      %add3A_1242 = arith.addi %mul3A_1240, %add3A_1241 : i32
      %mul3A_1243 = arith.constant 128 : i32
      %mul3A_1244 = arith.muli %add3A_1242, %mul3A_1243 : i32
      %mul3A_1245 = arith.constant 3 : i32
      %mul3A_1246 = arith.muli %add3A_1183, %mul3A_1245 : i32
      %add3A_1247 = arith.constant 0 : i32
      %add3A_1248 = arith.addi %mul3A_1246, %add3A_1247 : i32
      %mul3A_1249 = arith.constant 128 : i32
      %mul3A_1250 = arith.muli %add3A_1248, %mul3A_1249 : i32
      %mul3A_1251 = arith.constant 3 : i32
      %mul3A_1252 = arith.muli %add3A_1183, %mul3A_1251 : i32
      %add3A_1253 = arith.constant 1 : i32
      %add3A_1254 = arith.addi %mul3A_1252, %add3A_1253 : i32
      %mul3A_1255 = arith.constant 128 : i32
      %mul3A_1256 = arith.muli %add3A_1254, %mul3A_1255 : i32
      %mul3A_1257 = arith.constant 3 : i32
      %mul3A_1258 = arith.muli %add3A_1183, %mul3A_1257 : i32
      %add3A_1259 = arith.constant 2 : i32
      %add3A_1260 = arith.addi %mul3A_1258, %add3A_1259 : i32
      %mul3A_1261 = arith.constant 128 : i32
      %mul3A_1262 = arith.muli %add3A_1260, %mul3A_1261 : i32
      %dma_wait3A_1263 = arith.constant 0 : i32
      %dma_wait3A_1264 = arith.constant 0 : i32
      %dma_wait3A_1265 = arith.constant 0 : i32
      %dma_wait3A_1266 = arith.constant 0 : i32
      %dma_wait3A_1267 = tpu.memref_slice %arg7[%dma_wait3A_1264, %dma_wait3A_1265, %dma_wait3A_1266] : memref<4x384x16xf32, #tpu.memory_space<vmem>> -> memref<1x128x16xf32, #tpu.memory_space<vmem>>
      %dma_wait3A_1268 = tpu.memref_squeeze %dma_wait3A_1267 : memref<1x128x16xf32, #tpu.memory_space<vmem>> -> memref<128x16xf32, #tpu.memory_space<vmem>>
      %dma_wait3A_1269 = tpu.memref_slice %arg10[%dma_wait3A_1263, %mul3A_1196] : memref<4x9984xi32, #tpu.memory_space<vmem>> -> memref<1x128xi32, #tpu.memory_space<vmem>>
      %dma_wait3A_1270 = tpu.memref_squeeze %dma_wait3A_1269 : memref<1x128xi32, #tpu.memory_space<vmem>> -> memref<128xi32, #tpu.memory_space<vmem>>
      %dma_wait3A_1271 = arith.constant 0 : i32
      %dma_wait3A_1272 = arith.constant 0 : i32
      %dma_wait3A_1273 = tpu.memref_slice %arg2[%dma_wait3A_1271, %dma_wait3A_1272] : memref<2560000x16xf32, #tpu.memory_space<hbm>> -> memref<2560000x16xf32, #tpu.memory_space<hbm>>
      tpu.wait_indirect_dma semaphore(%arg14 : memref<!tpu.dma_semaphore, #tpu.memory_space<semaphore_mem>>) src(%dma_wait3A_1273 : memref<2560000x16xf32, #tpu.memory_space<hbm>>) dst(%dma_wait3A_1268 : memref<128x16xf32, #tpu.memory_space<vmem>>)
      %dma_wait3A_1274 = arith.constant 0 : i32
      %dma_wait3A_1275 = arith.constant 0 : i32
      %dma_wait3A_1276 = arith.constant 128 : i32
      %dma_wait3A_1277 = arith.constant 0 : i32
      %dma_wait3A_1278 = tpu.memref_slice %arg7[%dma_wait3A_1275, %dma_wait3A_1276, %dma_wait3A_1277] : memref<4x384x16xf32, #tpu.memory_space<vmem>> -> memref<1x128x16xf32, #tpu.memory_space<vmem>>
      %dma_wait3A_1279 = tpu.memref_squeeze %dma_wait3A_1278 : memref<1x128x16xf32, #tpu.memory_space<vmem>> -> memref<128x16xf32, #tpu.memory_space<vmem>>
      %dma_wait3A_1280 = tpu.memref_slice %arg10[%dma_wait3A_1274, %mul3A_1202] : memref<4x9984xi32, #tpu.memory_space<vmem>> -> memref<1x128xi32, #tpu.memory_space<vmem>>
      %dma_wait3A_1281 = tpu.memref_squeeze %dma_wait3A_1280 : memref<1x128xi32, #tpu.memory_space<vmem>> -> memref<128xi32, #tpu.memory_space<vmem>>
      %dma_wait3A_1282 = arith.constant 0 : i32
      %dma_wait3A_1283 = arith.constant 0 : i32
      %dma_wait3A_1284 = tpu.memref_slice %arg2[%dma_wait3A_1282, %dma_wait3A_1283] : memref<2560000x16xf32, #tpu.memory_space<hbm>> -> memref<2560000x16xf32, #tpu.memory_space<hbm>>
      tpu.wait_indirect_dma semaphore(%arg14 : memref<!tpu.dma_semaphore, #tpu.memory_space<semaphore_mem>>) src(%dma_wait3A_1284 : memref<2560000x16xf32, #tpu.memory_space<hbm>>) dst(%dma_wait3A_1279 : memref<128x16xf32, #tpu.memory_space<vmem>>)
      %dma_wait3A_1285 = arith.constant 0 : i32
      %dma_wait3A_1286 = arith.constant 0 : i32
      %dma_wait3A_1287 = arith.constant 256 : i32
      %dma_wait3A_1288 = arith.constant 0 : i32
      %dma_wait3A_1289 = tpu.memref_slice %arg7[%dma_wait3A_1286, %dma_wait3A_1287, %dma_wait3A_1288] : memref<4x384x16xf32, #tpu.memory_space<vmem>> -> memref<1x128x16xf32, #tpu.memory_space<vmem>>
      %dma_wait3A_1290 = tpu.memref_squeeze %dma_wait3A_1289 : memref<1x128x16xf32, #tpu.memory_space<vmem>> -> memref<128x16xf32, #tpu.memory_space<vmem>>
      %dma_wait3A_1291 = tpu.memref_slice %arg10[%dma_wait3A_1285, %mul3A_1208] : memref<4x9984xi32, #tpu.memory_space<vmem>> -> memref<1x128xi32, #tpu.memory_space<vmem>>
      %dma_wait3A_1292 = tpu.memref_squeeze %dma_wait3A_1291 : memref<1x128xi32, #tpu.memory_space<vmem>> -> memref<128xi32, #tpu.memory_space<vmem>>
      %dma_wait3A_1293 = arith.constant 0 : i32
      %dma_wait3A_1294 = arith.constant 0 : i32
      %dma_wait3A_1295 = tpu.memref_slice %arg2[%dma_wait3A_1293, %dma_wait3A_1294] : memref<2560000x16xf32, #tpu.memory_space<hbm>> -> memref<2560000x16xf32, #tpu.memory_space<hbm>>
      tpu.wait_indirect_dma semaphore(%arg14 : memref<!tpu.dma_semaphore, #tpu.memory_space<semaphore_mem>>) src(%dma_wait3A_1295 : memref<2560000x16xf32, #tpu.memory_space<hbm>>) dst(%dma_wait3A_1290 : memref<128x16xf32, #tpu.memory_space<vmem>>)
      %dma_wait3A_1296 = arith.constant 1 : i32
      %dma_wait3A_1297 = arith.constant 1 : i32
      %dma_wait3A_1298 = arith.constant 0 : i32
      %dma_wait3A_1299 = arith.constant 0 : i32
      %dma_wait3A_1300 = tpu.memref_slice %arg7[%dma_wait3A_1297, %dma_wait3A_1298, %dma_wait3A_1299] : memref<4x384x16xf32, #tpu.memory_space<vmem>> -> memref<1x128x16xf32, #tpu.memory_space<vmem>>
      %dma_wait3A_1301 = tpu.memref_squeeze %dma_wait3A_1300 : memref<1x128x16xf32, #tpu.memory_space<vmem>> -> memref<128x16xf32, #tpu.memory_space<vmem>>
      %dma_wait3A_1302 = tpu.memref_slice %arg10[%dma_wait3A_1296, %mul3A_1214] : memref<4x9984xi32, #tpu.memory_space<vmem>> -> memref<1x128xi32, #tpu.memory_space<vmem>>
      %dma_wait3A_1303 = tpu.memref_squeeze %dma_wait3A_1302 : memref<1x128xi32, #tpu.memory_space<vmem>> -> memref<128xi32, #tpu.memory_space<vmem>>
      %dma_wait3A_1304 = arith.constant 0 : i32
      %dma_wait3A_1305 = arith.constant 0 : i32
      %dma_wait3A_1306 = tpu.memref_slice %arg2[%dma_wait3A_1304, %dma_wait3A_1305] : memref<2560000x16xf32, #tpu.memory_space<hbm>> -> memref<2560000x16xf32, #tpu.memory_space<hbm>>
      tpu.wait_indirect_dma semaphore(%arg14 : memref<!tpu.dma_semaphore, #tpu.memory_space<semaphore_mem>>) src(%dma_wait3A_1306 : memref<2560000x16xf32, #tpu.memory_space<hbm>>) dst(%dma_wait3A_1301 : memref<128x16xf32, #tpu.memory_space<vmem>>)
      %dma_wait3A_1307 = arith.constant 1 : i32
      %dma_wait3A_1308 = arith.constant 1 : i32
      %dma_wait3A_1309 = arith.constant 128 : i32
      %dma_wait3A_1310 = arith.constant 0 : i32
      %dma_wait3A_1311 = tpu.memref_slice %arg7[%dma_wait3A_1308, %dma_wait3A_1309, %dma_wait3A_1310] : memref<4x384x16xf32, #tpu.memory_space<vmem>> -> memref<1x128x16xf32, #tpu.memory_space<vmem>>
      %dma_wait3A_1312 = tpu.memref_squeeze %dma_wait3A_1311 : memref<1x128x16xf32, #tpu.memory_space<vmem>> -> memref<128x16xf32, #tpu.memory_space<vmem>>
      %dma_wait3A_1313 = tpu.memref_slice %arg10[%dma_wait3A_1307, %mul3A_1220] : memref<4x9984xi32, #tpu.memory_space<vmem>> -> memref<1x128xi32, #tpu.memory_space<vmem>>
      %dma_wait3A_1314 = tpu.memref_squeeze %dma_wait3A_1313 : memref<1x128xi32, #tpu.memory_space<vmem>> -> memref<128xi32, #tpu.memory_space<vmem>>
      %dma_wait3A_1315 = arith.constant 0 : i32
      %dma_wait3A_1316 = arith.constant 0 : i32
      %dma_wait3A_1317 = tpu.memref_slice %arg2[%dma_wait3A_1315, %dma_wait3A_1316] : memref<2560000x16xf32, #tpu.memory_space<hbm>> -> memref<2560000x16xf32, #tpu.memory_space<hbm>>
      tpu.wait_indirect_dma semaphore(%arg14 : memref<!tpu.dma_semaphore, #tpu.memory_space<semaphore_mem>>) src(%dma_wait3A_1317 : memref<2560000x16xf32, #tpu.memory_space<hbm>>) dst(%dma_wait3A_1312 : memref<128x16xf32, #tpu.memory_space<vmem>>)
      %dma_wait3A_1318 = arith.constant 1 : i32
      %dma_wait3A_1319 = arith.constant 1 : i32
      %dma_wait3A_1320 = arith.constant 256 : i32
      %dma_wait3A_1321 = arith.constant 0 : i32
      %dma_wait3A_1322 = tpu.memref_slice %arg7[%dma_wait3A_1319, %dma_wait3A_1320, %dma_wait3A_1321] : memref<4x384x16xf32, #tpu.memory_space<vmem>> -> memref<1x128x16xf32, #tpu.memory_space<vmem>>
      %dma_wait3A_1323 = tpu.memref_squeeze %dma_wait3A_1322 : memref<1x128x16xf32, #tpu.memory_space<vmem>> -> memref<128x16xf32, #tpu.memory_space<vmem>>
      %dma_wait3A_1324 = tpu.memref_slice %arg10[%dma_wait3A_1318, %mul3A_1226] : memref<4x9984xi32, #tpu.memory_space<vmem>> -> memref<1x128xi32, #tpu.memory_space<vmem>>
      %dma_wait3A_1325 = tpu.memref_squeeze %dma_wait3A_1324 : memref<1x128xi32, #tpu.memory_space<vmem>> -> memref<128xi32, #tpu.memory_space<vmem>>
      %dma_wait3A_1326 = arith.constant 0 : i32
      %dma_wait3A_1327 = arith.constant 0 : i32
      %dma_wait3A_1328 = tpu.memref_slice %arg2[%dma_wait3A_1326, %dma_wait3A_1327] : memref<2560000x16xf32, #tpu.memory_space<hbm>> -> memref<2560000x16xf32, #tpu.memory_space<hbm>>
      tpu.wait_indirect_dma semaphore(%arg14 : memref<!tpu.dma_semaphore, #tpu.memory_space<semaphore_mem>>) src(%dma_wait3A_1328 : memref<2560000x16xf32, #tpu.memory_space<hbm>>) dst(%dma_wait3A_1323 : memref<128x16xf32, #tpu.memory_space<vmem>>)
      %dma_wait3A_1329 = arith.constant 2 : i32
      %dma_wait3A_1330 = arith.constant 2 : i32
      %dma_wait3A_1331 = arith.constant 0 : i32
      %dma_wait3A_1332 = arith.constant 0 : i32
      %dma_wait3A_1333 = tpu.memref_slice %arg7[%dma_wait3A_1330, %dma_wait3A_1331, %dma_wait3A_1332] : memref<4x384x16xf32, #tpu.memory_space<vmem>> -> memref<1x128x16xf32, #tpu.memory_space<vmem>>
      %dma_wait3A_1334 = tpu.memref_squeeze %dma_wait3A_1333 : memref<1x128x16xf32, #tpu.memory_space<vmem>> -> memref<128x16xf32, #tpu.memory_space<vmem>>
      %dma_wait3A_1335 = tpu.memref_slice %arg10[%dma_wait3A_1329, %mul3A_1232] : memref<4x9984xi32, #tpu.memory_space<vmem>> -> memref<1x128xi32, #tpu.memory_space<vmem>>
      %dma_wait3A_1336 = tpu.memref_squeeze %dma_wait3A_1335 : memref<1x128xi32, #tpu.memory_space<vmem>> -> memref<128xi32, #tpu.memory_space<vmem>>
      %dma_wait3A_1337 = arith.constant 0 : i32
      %dma_wait3A_1338 = arith.constant 0 : i32
      %dma_wait3A_1339 = tpu.memref_slice %arg2[%dma_wait3A_1337, %dma_wait3A_1338] : memref<2560000x16xf32, #tpu.memory_space<hbm>> -> memref<2560000x16xf32, #tpu.memory_space<hbm>>
      tpu.wait_indirect_dma semaphore(%arg14 : memref<!tpu.dma_semaphore, #tpu.memory_space<semaphore_mem>>) src(%dma_wait3A_1339 : memref<2560000x16xf32, #tpu.memory_space<hbm>>) dst(%dma_wait3A_1334 : memref<128x16xf32, #tpu.memory_space<vmem>>)
      %dma_wait3A_1340 = arith.constant 2 : i32
      %dma_wait3A_1341 = arith.constant 2 : i32
      %dma_wait3A_1342 = arith.constant 128 : i32
      %dma_wait3A_1343 = arith.constant 0 : i32
      %dma_wait3A_1344 = tpu.memref_slice %arg7[%dma_wait3A_1341, %dma_wait3A_1342, %dma_wait3A_1343] : memref<4x384x16xf32, #tpu.memory_space<vmem>> -> memref<1x128x16xf32, #tpu.memory_space<vmem>>
      %dma_wait3A_1345 = tpu.memref_squeeze %dma_wait3A_1344 : memref<1x128x16xf32, #tpu.memory_space<vmem>> -> memref<128x16xf32, #tpu.memory_space<vmem>>
      %dma_wait3A_1346 = tpu.memref_slice %arg10[%dma_wait3A_1340, %mul3A_1238] : memref<4x9984xi32, #tpu.memory_space<vmem>> -> memref<1x128xi32, #tpu.memory_space<vmem>>
      %dma_wait3A_1347 = tpu.memref_squeeze %dma_wait3A_1346 : memref<1x128xi32, #tpu.memory_space<vmem>> -> memref<128xi32, #tpu.memory_space<vmem>>
      %dma_wait3A_1348 = arith.constant 0 : i32
      %dma_wait3A_1349 = arith.constant 0 : i32
      %dma_wait3A_1350 = tpu.memref_slice %arg2[%dma_wait3A_1348, %dma_wait3A_1349] : memref<2560000x16xf32, #tpu.memory_space<hbm>> -> memref<2560000x16xf32, #tpu.memory_space<hbm>>
      tpu.wait_indirect_dma semaphore(%arg14 : memref<!tpu.dma_semaphore, #tpu.memory_space<semaphore_mem>>) src(%dma_wait3A_1350 : memref<2560000x16xf32, #tpu.memory_space<hbm>>) dst(%dma_wait3A_1345 : memref<128x16xf32, #tpu.memory_space<vmem>>)
      %dma_wait3A_1351 = arith.constant 2 : i32
      %dma_wait3A_1352 = arith.constant 2 : i32
      %dma_wait3A_1353 = arith.constant 256 : i32
      %dma_wait3A_1354 = arith.constant 0 : i32
      %dma_wait3A_1355 = tpu.memref_slice %arg7[%dma_wait3A_1352, %dma_wait3A_1353, %dma_wait3A_1354] : memref<4x384x16xf32, #tpu.memory_space<vmem>> -> memref<1x128x16xf32, #tpu.memory_space<vmem>>
      %dma_wait3A_1356 = tpu.memref_squeeze %dma_wait3A_1355 : memref<1x128x16xf32, #tpu.memory_space<vmem>> -> memref<128x16xf32, #tpu.memory_space<vmem>>
      %dma_wait3A_1357 = tpu.memref_slice %arg10[%dma_wait3A_1351, %mul3A_1244] : memref<4x9984xi32, #tpu.memory_space<vmem>> -> memref<1x128xi32, #tpu.memory_space<vmem>>
      %dma_wait3A_1358 = tpu.memref_squeeze %dma_wait3A_1357 : memref<1x128xi32, #tpu.memory_space<vmem>> -> memref<128xi32, #tpu.memory_space<vmem>>
      %dma_wait3A_1359 = arith.constant 0 : i32
      %dma_wait3A_1360 = arith.constant 0 : i32
      %dma_wait3A_1361 = tpu.memref_slice %arg2[%dma_wait3A_1359, %dma_wait3A_1360] : memref<2560000x16xf32, #tpu.memory_space<hbm>> -> memref<2560000x16xf32, #tpu.memory_space<hbm>>
      tpu.wait_indirect_dma semaphore(%arg14 : memref<!tpu.dma_semaphore, #tpu.memory_space<semaphore_mem>>) src(%dma_wait3A_1361 : memref<2560000x16xf32, #tpu.memory_space<hbm>>) dst(%dma_wait3A_1356 : memref<128x16xf32, #tpu.memory_space<vmem>>)
      %dma_wait3A_1362 = arith.constant 3 : i32
      %dma_wait3A_1363 = arith.constant 3 : i32
      %dma_wait3A_1364 = arith.constant 0 : i32
      %dma_wait3A_1365 = arith.constant 0 : i32
      %dma_wait3A_1366 = tpu.memref_slice %arg7[%dma_wait3A_1363, %dma_wait3A_1364, %dma_wait3A_1365] : memref<4x384x16xf32, #tpu.memory_space<vmem>> -> memref<1x128x16xf32, #tpu.memory_space<vmem>>
      %dma_wait3A_1367 = tpu.memref_squeeze %dma_wait3A_1366 : memref<1x128x16xf32, #tpu.memory_space<vmem>> -> memref<128x16xf32, #tpu.memory_space<vmem>>
      %dma_wait3A_1368 = tpu.memref_slice %arg10[%dma_wait3A_1362, %mul3A_1250] : memref<4x9984xi32, #tpu.memory_space<vmem>> -> memref<1x128xi32, #tpu.memory_space<vmem>>
      %dma_wait3A_1369 = tpu.memref_squeeze %dma_wait3A_1368 : memref<1x128xi32, #tpu.memory_space<vmem>> -> memref<128xi32, #tpu.memory_space<vmem>>
      %dma_wait3A_1370 = arith.constant 0 : i32
      %dma_wait3A_1371 = arith.constant 0 : i32
      %dma_wait3A_1372 = tpu.memref_slice %arg2[%dma_wait3A_1370, %dma_wait3A_1371] : memref<2560000x16xf32, #tpu.memory_space<hbm>> -> memref<2560000x16xf32, #tpu.memory_space<hbm>>
      tpu.wait_indirect_dma semaphore(%arg14 : memref<!tpu.dma_semaphore, #tpu.memory_space<semaphore_mem>>) src(%dma_wait3A_1372 : memref<2560000x16xf32, #tpu.memory_space<hbm>>) dst(%dma_wait3A_1367 : memref<128x16xf32, #tpu.memory_space<vmem>>)
      %dma_wait3A_1373 = arith.constant 3 : i32
      %dma_wait3A_1374 = arith.constant 3 : i32
      %dma_wait3A_1375 = arith.constant 128 : i32
      %dma_wait3A_1376 = arith.constant 0 : i32
      %dma_wait3A_1377 = tpu.memref_slice %arg7[%dma_wait3A_1374, %dma_wait3A_1375, %dma_wait3A_1376] : memref<4x384x16xf32, #tpu.memory_space<vmem>> -> memref<1x128x16xf32, #tpu.memory_space<vmem>>
      %dma_wait3A_1378 = tpu.memref_squeeze %dma_wait3A_1377 : memref<1x128x16xf32, #tpu.memory_space<vmem>> -> memref<128x16xf32, #tpu.memory_space<vmem>>
      %dma_wait3A_1379 = tpu.memref_slice %arg10[%dma_wait3A_1373, %mul3A_1256] : memref<4x9984xi32, #tpu.memory_space<vmem>> -> memref<1x128xi32, #tpu.memory_space<vmem>>
      %dma_wait3A_1380 = tpu.memref_squeeze %dma_wait3A_1379 : memref<1x128xi32, #tpu.memory_space<vmem>> -> memref<128xi32, #tpu.memory_space<vmem>>
      %dma_wait3A_1381 = arith.constant 0 : i32
      %dma_wait3A_1382 = arith.constant 0 : i32
      %dma_wait3A_1383 = tpu.memref_slice %arg2[%dma_wait3A_1381, %dma_wait3A_1382] : memref<2560000x16xf32, #tpu.memory_space<hbm>> -> memref<2560000x16xf32, #tpu.memory_space<hbm>>
      tpu.wait_indirect_dma semaphore(%arg14 : memref<!tpu.dma_semaphore, #tpu.memory_space<semaphore_mem>>) src(%dma_wait3A_1383 : memref<2560000x16xf32, #tpu.memory_space<hbm>>) dst(%dma_wait3A_1378 : memref<128x16xf32, #tpu.memory_space<vmem>>)
      %dma_wait3A_1384 = arith.constant 3 : i32
      %dma_wait3A_1385 = arith.constant 3 : i32
      %dma_wait3A_1386 = arith.constant 256 : i32
      %dma_wait3A_1387 = arith.constant 0 : i32
      %dma_wait3A_1388 = tpu.memref_slice %arg7[%dma_wait3A_1385, %dma_wait3A_1386, %dma_wait3A_1387] : memref<4x384x16xf32, #tpu.memory_space<vmem>> -> memref<1x128x16xf32, #tpu.memory_space<vmem>>
      %dma_wait3A_1389 = tpu.memref_squeeze %dma_wait3A_1388 : memref<1x128x16xf32, #tpu.memory_space<vmem>> -> memref<128x16xf32, #tpu.memory_space<vmem>>
      %dma_wait3A_1390 = tpu.memref_slice %arg10[%dma_wait3A_1384, %mul3A_1262] : memref<4x9984xi32, #tpu.memory_space<vmem>> -> memref<1x128xi32, #tpu.memory_space<vmem>>
      %dma_wait3A_1391 = tpu.memref_squeeze %dma_wait3A_1390 : memref<1x128xi32, #tpu.memory_space<vmem>> -> memref<128xi32, #tpu.memory_space<vmem>>
      %dma_wait3A_1392 = arith.constant 0 : i32
      %dma_wait3A_1393 = arith.constant 0 : i32
      %dma_wait3A_1394 = tpu.memref_slice %arg2[%dma_wait3A_1392, %dma_wait3A_1393] : memref<2560000x16xf32, #tpu.memory_space<hbm>> -> memref<2560000x16xf32, #tpu.memory_space<hbm>>
      tpu.wait_indirect_dma semaphore(%arg14 : memref<!tpu.dma_semaphore, #tpu.memory_space<semaphore_mem>>) src(%dma_wait3A_1394 : memref<2560000x16xf32, #tpu.memory_space<hbm>>) dst(%dma_wait3A_1389 : memref<128x16xf32, #tpu.memory_space<vmem>>)
      %scan3A_1395 = arith.constant 0 : i32
      %scan3A_1396 = arith.constant 24 : i32
      %scan3A_1397 = arith.addi %scan3A_1395, %scan3A_1396 : i32
      %scan3A_1398 = arith.constant 1 : i32
      %scan3A_1399:16 = scf.for %scan3A_1622 = %scan3A_1395 to %scan3A_1397 step %scan3A_1398 iter_args(%scan3A_1623 = %scan3A_1178#0, %scan3A_1624 = %scan3A_1178#1, %scan3A_1625 = %scan3A_1178#2, %scan3A_1626 = %scan3A_1178#3, %scan3A_1627 = %scan3A_1178#4, %scan3A_1628 = %scan3A_1178#5, %scan3A_1629 = %scan3A_1178#6, %scan3A_1630 = %scan3A_1178#7, %scan3A_1631 = %scan3A_1178#8, %scan3A_1632 = %scan3A_1178#9, %scan3A_1633 = %scan3A_1178#10, %scan3A_1634 = %scan3A_1178#11, %scan3A_1635 = %scan3A_1178#12, %scan3A_1636 = %scan3A_1178#13, %scan3A_1637 = %scan3A_1178#14, %scan3A_1638 = %scan3A_1178#15) -> (vector<16xf32>, vector<16xf32>, vector<16xf32>, vector<16xf32>, vector<16xf32>, vector<16xf32>, vector<16xf32>, vector<16xf32>, vector<16xf32>, vector<16xf32>, vector<16xf32>, vector<16xf32>, vector<16xf32>, vector<16xf32>, vector<16xf32>, vector<16xf32>)  : i32 {
        %mul3A_1639 = arith.constant 16 : i32
        %mul3A_1640 = arith.muli %scan3A_1622, %mul3A_1639 : i32
        %add3A_1641 = vector.broadcast %mul3A_1640 : i32 to vector<16xi32>
        %add3A_1642 = arith.addi %add3A_1641, %iota3A : vector<16xi32>
        %gather3A_1643 = arith.constant 0 : i32
        %gather3A_1644 = arith.constant 0 : i32
        %gather3A_1645 = arith.constant 0 : i32
        %gather3A_1646 = tpu.memref_slice %arg7[%gather3A_1643, %gather3A_1644, %gather3A_1645] : memref<4x384x16xf32, #tpu.memory_space<vmem>> -> memref<1x384x16xf32, #tpu.memory_space<vmem>>
        %gather3A_1647 = tpu.memref_squeeze %gather3A_1646 : memref<1x384x16xf32, #tpu.memory_space<vmem>> -> memref<384x16xf32, #tpu.memory_space<vmem>>
        %gather3A_1648 = tpu.vector_load_idx %gather3A_1647[%add3A_1642, %broadcast_in_dim3A_28] : memref<384x16xf32, #tpu.memory_space<vmem>>[vector<16xi32>, vector<16xi32>], vector<16xf32>,
        %gather3A_1649 = arith.constant 1 : i32
        %gather3A_1650 = arith.constant 0 : i32
        %gather3A_1651 = arith.constant 0 : i32
        %gather3A_1652 = tpu.memref_slice %arg7[%gather3A_1649, %gather3A_1650, %gather3A_1651] : memref<4x384x16xf32, #tpu.memory_space<vmem>> -> memref<1x384x16xf32, #tpu.memory_space<vmem>>
        %gather3A_1653 = tpu.memref_squeeze %gather3A_1652 : memref<1x384x16xf32, #tpu.memory_space<vmem>> -> memref<384x16xf32, #tpu.memory_space<vmem>>
        %gather3A_1654 = tpu.vector_load_idx %gather3A_1653[%add3A_1642, %broadcast_in_dim3A_31] : memref<384x16xf32, #tpu.memory_space<vmem>>[vector<16xi32>, vector<16xi32>], vector<16xf32>,
        %gather3A_1655 = arith.constant 2 : i32
        %gather3A_1656 = arith.constant 0 : i32
        %gather3A_1657 = arith.constant 0 : i32
        %gather3A_1658 = tpu.memref_slice %arg7[%gather3A_1655, %gather3A_1656, %gather3A_1657] : memref<4x384x16xf32, #tpu.memory_space<vmem>> -> memref<1x384x16xf32, #tpu.memory_space<vmem>>
        %gather3A_1659 = tpu.memref_squeeze %gather3A_1658 : memref<1x384x16xf32, #tpu.memory_space<vmem>> -> memref<384x16xf32, #tpu.memory_space<vmem>>
        %gather3A_1660 = tpu.vector_load_idx %gather3A_1659[%add3A_1642, %broadcast_in_dim3A_34] : memref<384x16xf32, #tpu.memory_space<vmem>>[vector<16xi32>, vector<16xi32>], vector<16xf32>,
        %gather3A_1661 = arith.constant 3 : i32
        %gather3A_1662 = arith.constant 0 : i32
        %gather3A_1663 = arith.constant 0 : i32
        %gather3A_1664 = tpu.memref_slice %arg7[%gather3A_1661, %gather3A_1662, %gather3A_1663] : memref<4x384x16xf32, #tpu.memory_space<vmem>> -> memref<1x384x16xf32, #tpu.memory_space<vmem>>
        %gather3A_1665 = tpu.memref_squeeze %gather3A_1664 : memref<1x384x16xf32, #tpu.memory_space<vmem>> -> memref<384x16xf32, #tpu.memory_space<vmem>>
        %gather3A_1666 = tpu.vector_load_idx %gather3A_1665[%add3A_1642, %broadcast_in_dim3A_37] : memref<384x16xf32, #tpu.memory_space<vmem>>[vector<16xi32>, vector<16xi32>], vector<16xf32>,
        %mul3A_1667 = arith.constant 2.000000e+00 : f32
        %mul3A_1668 = vector.broadcast %mul3A_1667 : f32 to vector<16xf32>
        %mul3A_1669 = arith.mulf %mul3A_1668, %gather3A_1654 : vector<16xf32>
        %add3A_1670 = arith.addf %gather3A_1648, %mul3A_1669 : vector<16xf32>
        %mul3A_1671 = arith.constant 4.000000e+00 : f32
        %mul3A_1672 = vector.broadcast %mul3A_1671 : f32 to vector<16xf32>
        %mul3A_1673 = arith.mulf %mul3A_1672, %gather3A_1660 : vector<16xf32>
        %add3A_1674 = arith.addf %add3A_1670, %mul3A_1673 : vector<16xf32>
        %eq3A_1675 = arith.constant 0.000000e+00 : f32
        %eq3A_1676 = vector.broadcast %eq3A_1675 : f32 to vector<16xf32>
        %eq3A_1677 = arith.cmpf oeq, %add3A_1674, %eq3A_1676 : vector<16xf32>
        %select_n3A_1678 = arith.select %eq3A_1677, %gather3A_1666, %broadcast_in_dim3A_4 : vector<16xi1>, vector<16xf32>
        %add3A_1679 = arith.addf %scan3A_1623, %select_n3A_1678 : vector<16xf32>
        %select_n3A_1680 = arith.select %eq3A_1677, %broadcast_in_dim3A_6, %broadcast_in_dim3A_4 : vector<16xi1>, vector<16xf32>
        %add3A_1681 = arith.addf %scan3A_1631, %select_n3A_1680 : vector<16xf32>
        %eq3A_1682 = arith.constant 1.000000e+00 : f32
        %eq3A_1683 = vector.broadcast %eq3A_1682 : f32 to vector<16xf32>
        %eq3A_1684 = arith.cmpf oeq, %add3A_1674, %eq3A_1683 : vector<16xf32>
        %select_n3A_1685 = arith.select %eq3A_1684, %gather3A_1666, %broadcast_in_dim3A_4 : vector<16xi1>, vector<16xf32>
        %add3A_1686 = arith.addf %scan3A_1624, %select_n3A_1685 : vector<16xf32>
        %select_n3A_1687 = arith.select %eq3A_1684, %broadcast_in_dim3A_6, %broadcast_in_dim3A_4 : vector<16xi1>, vector<16xf32>
        %add3A_1688 = arith.addf %scan3A_1632, %select_n3A_1687 : vector<16xf32>
        %eq3A_1689 = arith.constant 2.000000e+00 : f32
        %eq3A_1690 = vector.broadcast %eq3A_1689 : f32 to vector<16xf32>
        %eq3A_1691 = arith.cmpf oeq, %add3A_1674, %eq3A_1690 : vector<16xf32>
        %select_n3A_1692 = arith.select %eq3A_1691, %gather3A_1666, %broadcast_in_dim3A_4 : vector<16xi1>, vector<16xf32>
        %add3A_1693 = arith.addf %scan3A_1625, %select_n3A_1692 : vector<16xf32>
        %select_n3A_1694 = arith.select %eq3A_1691, %broadcast_in_dim3A_6, %broadcast_in_dim3A_4 : vector<16xi1>, vector<16xf32>
        %add3A_1695 = arith.addf %scan3A_1633, %select_n3A_1694 : vector<16xf32>
        %eq3A_1696 = arith.constant 3.000000e+00 : f32
        %eq3A_1697 = vector.broadcast %eq3A_1696 : f32 to vector<16xf32>
        %eq3A_1698 = arith.cmpf oeq, %add3A_1674, %eq3A_1697 : vector<16xf32>
        %select_n3A_1699 = arith.select %eq3A_1698, %gather3A_1666, %broadcast_in_dim3A_4 : vector<16xi1>, vector<16xf32>
        %add3A_1700 = arith.addf %scan3A_1626, %select_n3A_1699 : vector<16xf32>
        %select_n3A_1701 = arith.select %eq3A_1698, %broadcast_in_dim3A_6, %broadcast_in_dim3A_4 : vector<16xi1>, vector<16xf32>
        %add3A_1702 = arith.addf %scan3A_1634, %select_n3A_1701 : vector<16xf32>
        %eq3A_1703 = arith.constant 4.000000e+00 : f32
        %eq3A_1704 = vector.broadcast %eq3A_1703 : f32 to vector<16xf32>
        %eq3A_1705 = arith.cmpf oeq, %add3A_1674, %eq3A_1704 : vector<16xf32>
        %select_n3A_1706 = arith.select %eq3A_1705, %gather3A_1666, %broadcast_in_dim3A_4 : vector<16xi1>, vector<16xf32>
        %add3A_1707 = arith.addf %scan3A_1627, %select_n3A_1706 : vector<16xf32>
        %select_n3A_1708 = arith.select %eq3A_1705, %broadcast_in_dim3A_6, %broadcast_in_dim3A_4 : vector<16xi1>, vector<16xf32>
        %add3A_1709 = arith.addf %scan3A_1635, %select_n3A_1708 : vector<16xf32>
        %eq3A_1710 = arith.constant 5.000000e+00 : f32
        %eq3A_1711 = vector.broadcast %eq3A_1710 : f32 to vector<16xf32>
        %eq3A_1712 = arith.cmpf oeq, %add3A_1674, %eq3A_1711 : vector<16xf32>
        %select_n3A_1713 = arith.select %eq3A_1712, %gather3A_1666, %broadcast_in_dim3A_4 : vector<16xi1>, vector<16xf32>
        %add3A_1714 = arith.addf %scan3A_1628, %select_n3A_1713 : vector<16xf32>
        %select_n3A_1715 = arith.select %eq3A_1712, %broadcast_in_dim3A_6, %broadcast_in_dim3A_4 : vector<16xi1>, vector<16xf32>
        %add3A_1716 = arith.addf %scan3A_1636, %select_n3A_1715 : vector<16xf32>
        %eq3A_1717 = arith.constant 6.000000e+00 : f32
        %eq3A_1718 = vector.broadcast %eq3A_1717 : f32 to vector<16xf32>
        %eq3A_1719 = arith.cmpf oeq, %add3A_1674, %eq3A_1718 : vector<16xf32>
        %select_n3A_1720 = arith.select %eq3A_1719, %gather3A_1666, %broadcast_in_dim3A_4 : vector<16xi1>, vector<16xf32>
        %add3A_1721 = arith.addf %scan3A_1629, %select_n3A_1720 : vector<16xf32>
        %select_n3A_1722 = arith.select %eq3A_1719, %broadcast_in_dim3A_6, %broadcast_in_dim3A_4 : vector<16xi1>, vector<16xf32>
        %add3A_1723 = arith.addf %scan3A_1637, %select_n3A_1722 : vector<16xf32>
        %eq3A_1724 = arith.constant 7.000000e+00 : f32
        %eq3A_1725 = vector.broadcast %eq3A_1724 : f32 to vector<16xf32>
        %eq3A_1726 = arith.cmpf oeq, %add3A_1674, %eq3A_1725 : vector<16xf32>
        %select_n3A_1727 = arith.select %eq3A_1726, %gather3A_1666, %broadcast_in_dim3A_4 : vector<16xi1>, vector<16xf32>
        %add3A_1728 = arith.addf %scan3A_1630, %select_n3A_1727 : vector<16xf32>
        %select_n3A_1729 = arith.select %eq3A_1726, %broadcast_in_dim3A_6, %broadcast_in_dim3A_4 : vector<16xi1>, vector<16xf32>
        %add3A_1730 = arith.addf %scan3A_1638, %select_n3A_1729 : vector<16xf32>
        scf.yield %add3A_1679, %add3A_1686, %add3A_1693, %add3A_1700, %add3A_1707, %add3A_1714, %add3A_1721, %add3A_1728, %add3A_1681, %add3A_1688, %add3A_1695, %add3A_1702, %add3A_1709, %add3A_1716, %add3A_1723, %add3A_1730 : vector<16xf32>, vector<16xf32>, vector<16xf32>, vector<16xf32>, vector<16xf32>, vector<16xf32>, vector<16xf32>, vector<16xf32>, vector<16xf32>, vector<16xf32>, vector<16xf32>, vector<16xf32>, vector<16xf32>, vector<16xf32>, vector<16xf32>, vector<16xf32>
      }
      %scan3A_1400 = arith.constant 24 : i32
      %mul3A_1401 = arith.constant 3 : i32
      %mul3A_1402 = arith.muli %scan3A_945, %mul3A_1401 : i32
      %add3A_1403 = arith.constant 2 : i32
      %add3A_1404 = arith.addi %mul3A_1402, %add3A_1403 : i32
      %add3A_1405 = arith.constant 2 : i32
      %add3A_1406 = arith.addi %add3A_1404, %add3A_1405 : i32
      %lt3A_1407 = arith.constant 26 : i32
      %lt3A_1408 = arith.cmpi slt, %add3A_1406, %lt3A_1407 : i32
      %convert_element_type3A_1409 = arith.extui %lt3A_1408 : i1 to i32
      %cond3A_1410 = arith.constant 0 : i32
      %cond3A_1411 = arith.cmpi ne, %convert_element_type3A_1409, %cond3A_1410 : i32
      scf.if %cond3A_1411 {
        %add3A_1622 = arith.constant 2 : i32
        %add3A_1623 = arith.addi %add3A_1404, %add3A_1622 : i32
        %mul3A_1624 = arith.constant 3 : i32
        %mul3A_1625 = arith.muli %add3A_1623, %mul3A_1624 : i32
        %add3A_1626 = arith.constant 0 : i32
        %add3A_1627 = arith.addi %mul3A_1625, %add3A_1626 : i32
        %mul3A_1628 = arith.constant 128 : i32
        %mul3A_1629 = arith.muli %add3A_1627, %mul3A_1628 : i32
        %mul3A_1630 = arith.constant 3 : i32
        %mul3A_1631 = arith.muli %add3A_1623, %mul3A_1630 : i32
        %add3A_1632 = arith.constant 1 : i32
        %add3A_1633 = arith.addi %mul3A_1631, %add3A_1632 : i32
        %mul3A_1634 = arith.constant 128 : i32
        %mul3A_1635 = arith.muli %add3A_1633, %mul3A_1634 : i32
        %mul3A_1636 = arith.constant 3 : i32
        %mul3A_1637 = arith.muli %add3A_1623, %mul3A_1636 : i32
        %add3A_1638 = arith.constant 2 : i32
        %add3A_1639 = arith.addi %mul3A_1637, %add3A_1638 : i32
        %mul3A_1640 = arith.constant 128 : i32
        %mul3A_1641 = arith.muli %add3A_1639, %mul3A_1640 : i32
        %mul3A_1642 = arith.constant 3 : i32
        %mul3A_1643 = arith.muli %add3A_1623, %mul3A_1642 : i32
        %add3A_1644 = arith.constant 0 : i32
        %add3A_1645 = arith.addi %mul3A_1643, %add3A_1644 : i32
        %mul3A_1646 = arith.constant 128 : i32
        %mul3A_1647 = arith.muli %add3A_1645, %mul3A_1646 : i32
        %mul3A_1648 = arith.constant 3 : i32
        %mul3A_1649 = arith.muli %add3A_1623, %mul3A_1648 : i32
        %add3A_1650 = arith.constant 1 : i32
        %add3A_1651 = arith.addi %mul3A_1649, %add3A_1650 : i32
        %mul3A_1652 = arith.constant 128 : i32
        %mul3A_1653 = arith.muli %add3A_1651, %mul3A_1652 : i32
        %mul3A_1654 = arith.constant 3 : i32
        %mul3A_1655 = arith.muli %add3A_1623, %mul3A_1654 : i32
        %add3A_1656 = arith.constant 2 : i32
        %add3A_1657 = arith.addi %mul3A_1655, %add3A_1656 : i32
        %mul3A_1658 = arith.constant 128 : i32
        %mul3A_1659 = arith.muli %add3A_1657, %mul3A_1658 : i32
        %mul3A_1660 = arith.constant 3 : i32
        %mul3A_1661 = arith.muli %add3A_1623, %mul3A_1660 : i32
        %add3A_1662 = arith.constant 0 : i32
        %add3A_1663 = arith.addi %mul3A_1661, %add3A_1662 : i32
        %mul3A_1664 = arith.constant 128 : i32
        %mul3A_1665 = arith.muli %add3A_1663, %mul3A_1664 : i32
        %mul3A_1666 = arith.constant 3 : i32
        %mul3A_1667 = arith.muli %add3A_1623, %mul3A_1666 : i32
        %add3A_1668 = arith.constant 1 : i32
        %add3A_1669 = arith.addi %mul3A_1667, %add3A_1668 : i32
        %mul3A_1670 = arith.constant 128 : i32
        %mul3A_1671 = arith.muli %add3A_1669, %mul3A_1670 : i32
        %mul3A_1672 = arith.constant 3 : i32
        %mul3A_1673 = arith.muli %add3A_1623, %mul3A_1672 : i32
        %add3A_1674 = arith.constant 2 : i32
        %add3A_1675 = arith.addi %mul3A_1673, %add3A_1674 : i32
        %mul3A_1676 = arith.constant 128 : i32
        %mul3A_1677 = arith.muli %add3A_1675, %mul3A_1676 : i32
        %mul3A_1678 = arith.constant 3 : i32
        %mul3A_1679 = arith.muli %add3A_1623, %mul3A_1678 : i32
        %add3A_1680 = arith.constant 0 : i32
        %add3A_1681 = arith.addi %mul3A_1679, %add3A_1680 : i32
        %mul3A_1682 = arith.constant 128 : i32
        %mul3A_1683 = arith.muli %add3A_1681, %mul3A_1682 : i32
        %mul3A_1684 = arith.constant 3 : i32
        %mul3A_1685 = arith.muli %add3A_1623, %mul3A_1684 : i32
        %add3A_1686 = arith.constant 1 : i32
        %add3A_1687 = arith.addi %mul3A_1685, %add3A_1686 : i32
        %mul3A_1688 = arith.constant 128 : i32
        %mul3A_1689 = arith.muli %add3A_1687, %mul3A_1688 : i32
        %mul3A_1690 = arith.constant 3 : i32
        %mul3A_1691 = arith.muli %add3A_1623, %mul3A_1690 : i32
        %add3A_1692 = arith.constant 2 : i32
        %add3A_1693 = arith.addi %mul3A_1691, %add3A_1692 : i32
        %mul3A_1694 = arith.constant 128 : i32
        %mul3A_1695 = arith.muli %add3A_1693, %mul3A_1694 : i32
        %dma_start3A_1696 = arith.constant 0 : i32
        %dma_start3A_1697 = arith.constant 0 : i32
        %dma_start3A_1698 = arith.constant 0 : i32
        %dma_start3A_1699 = arith.constant 0 : i32
        %dma_start3A_1700 = tpu.memref_slice %arg7[%dma_start3A_1697, %dma_start3A_1698, %dma_start3A_1699] : memref<4x384x16xf32, #tpu.memory_space<vmem>> -> memref<1x128x16xf32, #tpu.memory_space<vmem>>
        %dma_start3A_1701 = tpu.memref_squeeze %dma_start3A_1700 : memref<1x128x16xf32, #tpu.memory_space<vmem>> -> memref<128x16xf32, #tpu.memory_space<vmem>>
        %dma_start3A_1702 = tpu.memref_slice %arg10[%dma_start3A_1696, %mul3A_1629] : memref<4x9984xi32, #tpu.memory_space<vmem>> -> memref<1x128xi32, #tpu.memory_space<vmem>>
        %dma_start3A_1703 = tpu.memref_squeeze %dma_start3A_1702 : memref<1x128xi32, #tpu.memory_space<vmem>> -> memref<128xi32, #tpu.memory_space<vmem>>
        %dma_start3A_1704 = arith.constant 0 : i32
        %dma_start3A_1705 = arith.constant 0 : i32
        %dma_start3A_1706 = tpu.memref_slice %arg2[%dma_start3A_1704, %dma_start3A_1705] : memref<2560000x16xf32, #tpu.memory_space<hbm>> -> memref<2560000x16xf32, #tpu.memory_space<hbm>>
        tpu.enqueue_indirect_dma source(%dma_start3A_1706 : memref<2560000x16xf32, #tpu.memory_space<hbm>>) target(%dma_start3A_1701 : memref<128x16xf32, #tpu.memory_space<vmem>>) offsets(%dma_start3A_1703 : memref<128xi32, #tpu.memory_space<vmem>>) semaphore(%arg14 : memref<!tpu.dma_semaphore, #tpu.memory_space<semaphore_mem>>)
        %dma_start3A_1707 = arith.constant 0 : i32
        %dma_start3A_1708 = arith.constant 0 : i32
        %dma_start3A_1709 = arith.constant 128 : i32
        %dma_start3A_1710 = arith.constant 0 : i32
        %dma_start3A_1711 = tpu.memref_slice %arg7[%dma_start3A_1708, %dma_start3A_1709, %dma_start3A_1710] : memref<4x384x16xf32, #tpu.memory_space<vmem>> -> memref<1x128x16xf32, #tpu.memory_space<vmem>>
        %dma_start3A_1712 = tpu.memref_squeeze %dma_start3A_1711 : memref<1x128x16xf32, #tpu.memory_space<vmem>> -> memref<128x16xf32, #tpu.memory_space<vmem>>
        %dma_start3A_1713 = tpu.memref_slice %arg10[%dma_start3A_1707, %mul3A_1635] : memref<4x9984xi32, #tpu.memory_space<vmem>> -> memref<1x128xi32, #tpu.memory_space<vmem>>
        %dma_start3A_1714 = tpu.memref_squeeze %dma_start3A_1713 : memref<1x128xi32, #tpu.memory_space<vmem>> -> memref<128xi32, #tpu.memory_space<vmem>>
        %dma_start3A_1715 = arith.constant 0 : i32
        %dma_start3A_1716 = arith.constant 0 : i32
        %dma_start3A_1717 = tpu.memref_slice %arg2[%dma_start3A_1715, %dma_start3A_1716] : memref<2560000x16xf32, #tpu.memory_space<hbm>> -> memref<2560000x16xf32, #tpu.memory_space<hbm>>
        tpu.enqueue_indirect_dma source(%dma_start3A_1717 : memref<2560000x16xf32, #tpu.memory_space<hbm>>) target(%dma_start3A_1712 : memref<128x16xf32, #tpu.memory_space<vmem>>) offsets(%dma_start3A_1714 : memref<128xi32, #tpu.memory_space<vmem>>) semaphore(%arg14 : memref<!tpu.dma_semaphore, #tpu.memory_space<semaphore_mem>>)
        %dma_start3A_1718 = arith.constant 0 : i32
        %dma_start3A_1719 = arith.constant 0 : i32
        %dma_start3A_1720 = arith.constant 256 : i32
        %dma_start3A_1721 = arith.constant 0 : i32
        %dma_start3A_1722 = tpu.memref_slice %arg7[%dma_start3A_1719, %dma_start3A_1720, %dma_start3A_1721] : memref<4x384x16xf32, #tpu.memory_space<vmem>> -> memref<1x128x16xf32, #tpu.memory_space<vmem>>
        %dma_start3A_1723 = tpu.memref_squeeze %dma_start3A_1722 : memref<1x128x16xf32, #tpu.memory_space<vmem>> -> memref<128x16xf32, #tpu.memory_space<vmem>>
        %dma_start3A_1724 = tpu.memref_slice %arg10[%dma_start3A_1718, %mul3A_1641] : memref<4x9984xi32, #tpu.memory_space<vmem>> -> memref<1x128xi32, #tpu.memory_space<vmem>>
        %dma_start3A_1725 = tpu.memref_squeeze %dma_start3A_1724 : memref<1x128xi32, #tpu.memory_space<vmem>> -> memref<128xi32, #tpu.memory_space<vmem>>
        %dma_start3A_1726 = arith.constant 0 : i32
        %dma_start3A_1727 = arith.constant 0 : i32
        %dma_start3A_1728 = tpu.memref_slice %arg2[%dma_start3A_1726, %dma_start3A_1727] : memref<2560000x16xf32, #tpu.memory_space<hbm>> -> memref<2560000x16xf32, #tpu.memory_space<hbm>>
        tpu.enqueue_indirect_dma source(%dma_start3A_1728 : memref<2560000x16xf32, #tpu.memory_space<hbm>>) target(%dma_start3A_1723 : memref<128x16xf32, #tpu.memory_space<vmem>>) offsets(%dma_start3A_1725 : memref<128xi32, #tpu.memory_space<vmem>>) semaphore(%arg14 : memref<!tpu.dma_semaphore, #tpu.memory_space<semaphore_mem>>)
        %dma_start3A_1729 = arith.constant 1 : i32
        %dma_start3A_1730 = arith.constant 1 : i32
        %dma_start3A_1731 = arith.constant 0 : i32
        %dma_start3A_1732 = arith.constant 0 : i32
        %dma_start3A_1733 = tpu.memref_slice %arg7[%dma_start3A_1730, %dma_start3A_1731, %dma_start3A_1732] : memref<4x384x16xf32, #tpu.memory_space<vmem>> -> memref<1x128x16xf32, #tpu.memory_space<vmem>>
        %dma_start3A_1734 = tpu.memref_squeeze %dma_start3A_1733 : memref<1x128x16xf32, #tpu.memory_space<vmem>> -> memref<128x16xf32, #tpu.memory_space<vmem>>
        %dma_start3A_1735 = tpu.memref_slice %arg10[%dma_start3A_1729, %mul3A_1647] : memref<4x9984xi32, #tpu.memory_space<vmem>> -> memref<1x128xi32, #tpu.memory_space<vmem>>
        %dma_start3A_1736 = tpu.memref_squeeze %dma_start3A_1735 : memref<1x128xi32, #tpu.memory_space<vmem>> -> memref<128xi32, #tpu.memory_space<vmem>>
        %dma_start3A_1737 = arith.constant 0 : i32
        %dma_start3A_1738 = arith.constant 0 : i32
        %dma_start3A_1739 = tpu.memref_slice %arg2[%dma_start3A_1737, %dma_start3A_1738] : memref<2560000x16xf32, #tpu.memory_space<hbm>> -> memref<2560000x16xf32, #tpu.memory_space<hbm>>
        tpu.enqueue_indirect_dma source(%dma_start3A_1739 : memref<2560000x16xf32, #tpu.memory_space<hbm>>) target(%dma_start3A_1734 : memref<128x16xf32, #tpu.memory_space<vmem>>) offsets(%dma_start3A_1736 : memref<128xi32, #tpu.memory_space<vmem>>) semaphore(%arg14 : memref<!tpu.dma_semaphore, #tpu.memory_space<semaphore_mem>>)
        %dma_start3A_1740 = arith.constant 1 : i32
        %dma_start3A_1741 = arith.constant 1 : i32
        %dma_start3A_1742 = arith.constant 128 : i32
        %dma_start3A_1743 = arith.constant 0 : i32
        %dma_start3A_1744 = tpu.memref_slice %arg7[%dma_start3A_1741, %dma_start3A_1742, %dma_start3A_1743] : memref<4x384x16xf32, #tpu.memory_space<vmem>> -> memref<1x128x16xf32, #tpu.memory_space<vmem>>
        %dma_start3A_1745 = tpu.memref_squeeze %dma_start3A_1744 : memref<1x128x16xf32, #tpu.memory_space<vmem>> -> memref<128x16xf32, #tpu.memory_space<vmem>>
        %dma_start3A_1746 = tpu.memref_slice %arg10[%dma_start3A_1740, %mul3A_1653] : memref<4x9984xi32, #tpu.memory_space<vmem>> -> memref<1x128xi32, #tpu.memory_space<vmem>>
        %dma_start3A_1747 = tpu.memref_squeeze %dma_start3A_1746 : memref<1x128xi32, #tpu.memory_space<vmem>> -> memref<128xi32, #tpu.memory_space<vmem>>
        %dma_start3A_1748 = arith.constant 0 : i32
        %dma_start3A_1749 = arith.constant 0 : i32
        %dma_start3A_1750 = tpu.memref_slice %arg2[%dma_start3A_1748, %dma_start3A_1749] : memref<2560000x16xf32, #tpu.memory_space<hbm>> -> memref<2560000x16xf32, #tpu.memory_space<hbm>>
        tpu.enqueue_indirect_dma source(%dma_start3A_1750 : memref<2560000x16xf32, #tpu.memory_space<hbm>>) target(%dma_start3A_1745 : memref<128x16xf32, #tpu.memory_space<vmem>>) offsets(%dma_start3A_1747 : memref<128xi32, #tpu.memory_space<vmem>>) semaphore(%arg14 : memref<!tpu.dma_semaphore, #tpu.memory_space<semaphore_mem>>)
        %dma_start3A_1751 = arith.constant 1 : i32
        %dma_start3A_1752 = arith.constant 1 : i32
        %dma_start3A_1753 = arith.constant 256 : i32
        %dma_start3A_1754 = arith.constant 0 : i32
        %dma_start3A_1755 = tpu.memref_slice %arg7[%dma_start3A_1752, %dma_start3A_1753, %dma_start3A_1754] : memref<4x384x16xf32, #tpu.memory_space<vmem>> -> memref<1x128x16xf32, #tpu.memory_space<vmem>>
        %dma_start3A_1756 = tpu.memref_squeeze %dma_start3A_1755 : memref<1x128x16xf32, #tpu.memory_space<vmem>> -> memref<128x16xf32, #tpu.memory_space<vmem>>
        %dma_start3A_1757 = tpu.memref_slice %arg10[%dma_start3A_1751, %mul3A_1659] : memref<4x9984xi32, #tpu.memory_space<vmem>> -> memref<1x128xi32, #tpu.memory_space<vmem>>
        %dma_start3A_1758 = tpu.memref_squeeze %dma_start3A_1757 : memref<1x128xi32, #tpu.memory_space<vmem>> -> memref<128xi32, #tpu.memory_space<vmem>>
        %dma_start3A_1759 = arith.constant 0 : i32
        %dma_start3A_1760 = arith.constant 0 : i32
        %dma_start3A_1761 = tpu.memref_slice %arg2[%dma_start3A_1759, %dma_start3A_1760] : memref<2560000x16xf32, #tpu.memory_space<hbm>> -> memref<2560000x16xf32, #tpu.memory_space<hbm>>
        tpu.enqueue_indirect_dma source(%dma_start3A_1761 : memref<2560000x16xf32, #tpu.memory_space<hbm>>) target(%dma_start3A_1756 : memref<128x16xf32, #tpu.memory_space<vmem>>) offsets(%dma_start3A_1758 : memref<128xi32, #tpu.memory_space<vmem>>) semaphore(%arg14 : memref<!tpu.dma_semaphore, #tpu.memory_space<semaphore_mem>>)
        %dma_start3A_1762 = arith.constant 2 : i32
        %dma_start3A_1763 = arith.constant 2 : i32
        %dma_start3A_1764 = arith.constant 0 : i32
        %dma_start3A_1765 = arith.constant 0 : i32
        %dma_start3A_1766 = tpu.memref_slice %arg7[%dma_start3A_1763, %dma_start3A_1764, %dma_start3A_1765] : memref<4x384x16xf32, #tpu.memory_space<vmem>> -> memref<1x128x16xf32, #tpu.memory_space<vmem>>
        %dma_start3A_1767 = tpu.memref_squeeze %dma_start3A_1766 : memref<1x128x16xf32, #tpu.memory_space<vmem>> -> memref<128x16xf32, #tpu.memory_space<vmem>>
        %dma_start3A_1768 = tpu.memref_slice %arg10[%dma_start3A_1762, %mul3A_1665] : memref<4x9984xi32, #tpu.memory_space<vmem>> -> memref<1x128xi32, #tpu.memory_space<vmem>>
        %dma_start3A_1769 = tpu.memref_squeeze %dma_start3A_1768 : memref<1x128xi32, #tpu.memory_space<vmem>> -> memref<128xi32, #tpu.memory_space<vmem>>
        %dma_start3A_1770 = arith.constant 0 : i32
        %dma_start3A_1771 = arith.constant 0 : i32
        %dma_start3A_1772 = tpu.memref_slice %arg2[%dma_start3A_1770, %dma_start3A_1771] : memref<2560000x16xf32, #tpu.memory_space<hbm>> -> memref<2560000x16xf32, #tpu.memory_space<hbm>>
        tpu.enqueue_indirect_dma source(%dma_start3A_1772 : memref<2560000x16xf32, #tpu.memory_space<hbm>>) target(%dma_start3A_1767 : memref<128x16xf32, #tpu.memory_space<vmem>>) offsets(%dma_start3A_1769 : memref<128xi32, #tpu.memory_space<vmem>>) semaphore(%arg14 : memref<!tpu.dma_semaphore, #tpu.memory_space<semaphore_mem>>)
        %dma_start3A_1773 = arith.constant 2 : i32
        %dma_start3A_1774 = arith.constant 2 : i32
        %dma_start3A_1775 = arith.constant 128 : i32
        %dma_start3A_1776 = arith.constant 0 : i32
        %dma_start3A_1777 = tpu.memref_slice %arg7[%dma_start3A_1774, %dma_start3A_1775, %dma_start3A_1776] : memref<4x384x16xf32, #tpu.memory_space<vmem>> -> memref<1x128x16xf32, #tpu.memory_space<vmem>>
        %dma_start3A_1778 = tpu.memref_squeeze %dma_start3A_1777 : memref<1x128x16xf32, #tpu.memory_space<vmem>> -> memref<128x16xf32, #tpu.memory_space<vmem>>
        %dma_start3A_1779 = tpu.memref_slice %arg10[%dma_start3A_1773, %mul3A_1671] : memref<4x9984xi32, #tpu.memory_space<vmem>> -> memref<1x128xi32, #tpu.memory_space<vmem>>
        %dma_start3A_1780 = tpu.memref_squeeze %dma_start3A_1779 : memref<1x128xi32, #tpu.memory_space<vmem>> -> memref<128xi32, #tpu.memory_space<vmem>>
        %dma_start3A_1781 = arith.constant 0 : i32
        %dma_start3A_1782 = arith.constant 0 : i32
        %dma_start3A_1783 = tpu.memref_slice %arg2[%dma_start3A_1781, %dma_start3A_1782] : memref<2560000x16xf32, #tpu.memory_space<hbm>> -> memref<2560000x16xf32, #tpu.memory_space<hbm>>
        tpu.enqueue_indirect_dma source(%dma_start3A_1783 : memref<2560000x16xf32, #tpu.memory_space<hbm>>) target(%dma_start3A_1778 : memref<128x16xf32, #tpu.memory_space<vmem>>) offsets(%dma_start3A_1780 : memref<128xi32, #tpu.memory_space<vmem>>) semaphore(%arg14 : memref<!tpu.dma_semaphore, #tpu.memory_space<semaphore_mem>>)
        %dma_start3A_1784 = arith.constant 2 : i32
        %dma_start3A_1785 = arith.constant 2 : i32
        %dma_start3A_1786 = arith.constant 256 : i32
        %dma_start3A_1787 = arith.constant 0 : i32
        %dma_start3A_1788 = tpu.memref_slice %arg7[%dma_start3A_1785, %dma_start3A_1786, %dma_start3A_1787] : memref<4x384x16xf32, #tpu.memory_space<vmem>> -> memref<1x128x16xf32, #tpu.memory_space<vmem>>
        %dma_start3A_1789 = tpu.memref_squeeze %dma_start3A_1788 : memref<1x128x16xf32, #tpu.memory_space<vmem>> -> memref<128x16xf32, #tpu.memory_space<vmem>>
        %dma_start3A_1790 = tpu.memref_slice %arg10[%dma_start3A_1784, %mul3A_1677] : memref<4x9984xi32, #tpu.memory_space<vmem>> -> memref<1x128xi32, #tpu.memory_space<vmem>>
        %dma_start3A_1791 = tpu.memref_squeeze %dma_start3A_1790 : memref<1x128xi32, #tpu.memory_space<vmem>> -> memref<128xi32, #tpu.memory_space<vmem>>
        %dma_start3A_1792 = arith.constant 0 : i32
        %dma_start3A_1793 = arith.constant 0 : i32
        %dma_start3A_1794 = tpu.memref_slice %arg2[%dma_start3A_1792, %dma_start3A_1793] : memref<2560000x16xf32, #tpu.memory_space<hbm>> -> memref<2560000x16xf32, #tpu.memory_space<hbm>>
        tpu.enqueue_indirect_dma source(%dma_start3A_1794 : memref<2560000x16xf32, #tpu.memory_space<hbm>>) target(%dma_start3A_1789 : memref<128x16xf32, #tpu.memory_space<vmem>>) offsets(%dma_start3A_1791 : memref<128xi32, #tpu.memory_space<vmem>>) semaphore(%arg14 : memref<!tpu.dma_semaphore, #tpu.memory_space<semaphore_mem>>)
        %dma_start3A_1795 = arith.constant 3 : i32
        %dma_start3A_1796 = arith.constant 3 : i32
        %dma_start3A_1797 = arith.constant 0 : i32
        %dma_start3A_1798 = arith.constant 0 : i32
        %dma_start3A_1799 = tpu.memref_slice %arg7[%dma_start3A_1796, %dma_start3A_1797, %dma_start3A_1798] : memref<4x384x16xf32, #tpu.memory_space<vmem>> -> memref<1x128x16xf32, #tpu.memory_space<vmem>>
        %dma_start3A_1800 = tpu.memref_squeeze %dma_start3A_1799 : memref<1x128x16xf32, #tpu.memory_space<vmem>> -> memref<128x16xf32, #tpu.memory_space<vmem>>
        %dma_start3A_1801 = tpu.memref_slice %arg10[%dma_start3A_1795, %mul3A_1683] : memref<4x9984xi32, #tpu.memory_space<vmem>> -> memref<1x128xi32, #tpu.memory_space<vmem>>
        %dma_start3A_1802 = tpu.memref_squeeze %dma_start3A_1801 : memref<1x128xi32, #tpu.memory_space<vmem>> -> memref<128xi32, #tpu.memory_space<vmem>>
        %dma_start3A_1803 = arith.constant 0 : i32
        %dma_start3A_1804 = arith.constant 0 : i32
        %dma_start3A_1805 = tpu.memref_slice %arg2[%dma_start3A_1803, %dma_start3A_1804] : memref<2560000x16xf32, #tpu.memory_space<hbm>> -> memref<2560000x16xf32, #tpu.memory_space<hbm>>
        tpu.enqueue_indirect_dma source(%dma_start3A_1805 : memref<2560000x16xf32, #tpu.memory_space<hbm>>) target(%dma_start3A_1800 : memref<128x16xf32, #tpu.memory_space<vmem>>) offsets(%dma_start3A_1802 : memref<128xi32, #tpu.memory_space<vmem>>) semaphore(%arg14 : memref<!tpu.dma_semaphore, #tpu.memory_space<semaphore_mem>>)
        %dma_start3A_1806 = arith.constant 3 : i32
        %dma_start3A_1807 = arith.constant 3 : i32
        %dma_start3A_1808 = arith.constant 128 : i32
        %dma_start3A_1809 = arith.constant 0 : i32
        %dma_start3A_1810 = tpu.memref_slice %arg7[%dma_start3A_1807, %dma_start3A_1808, %dma_start3A_1809] : memref<4x384x16xf32, #tpu.memory_space<vmem>> -> memref<1x128x16xf32, #tpu.memory_space<vmem>>
        %dma_start3A_1811 = tpu.memref_squeeze %dma_start3A_1810 : memref<1x128x16xf32, #tpu.memory_space<vmem>> -> memref<128x16xf32, #tpu.memory_space<vmem>>
        %dma_start3A_1812 = tpu.memref_slice %arg10[%dma_start3A_1806, %mul3A_1689] : memref<4x9984xi32, #tpu.memory_space<vmem>> -> memref<1x128xi32, #tpu.memory_space<vmem>>
        %dma_start3A_1813 = tpu.memref_squeeze %dma_start3A_1812 : memref<1x128xi32, #tpu.memory_space<vmem>> -> memref<128xi32, #tpu.memory_space<vmem>>
        %dma_start3A_1814 = arith.constant 0 : i32
        %dma_start3A_1815 = arith.constant 0 : i32
        %dma_start3A_1816 = tpu.memref_slice %arg2[%dma_start3A_1814, %dma_start3A_1815] : memref<2560000x16xf32, #tpu.memory_space<hbm>> -> memref<2560000x16xf32, #tpu.memory_space<hbm>>
        tpu.enqueue_indirect_dma source(%dma_start3A_1816 : memref<2560000x16xf32, #tpu.memory_space<hbm>>) target(%dma_start3A_1811 : memref<128x16xf32, #tpu.memory_space<vmem>>) offsets(%dma_start3A_1813 : memref<128xi32, #tpu.memory_space<vmem>>) semaphore(%arg14 : memref<!tpu.dma_semaphore, #tpu.memory_space<semaphore_mem>>)
        %dma_start3A_1817 = arith.constant 3 : i32
        %dma_start3A_1818 = arith.constant 3 : i32
        %dma_start3A_1819 = arith.constant 256 : i32
        %dma_start3A_1820 = arith.constant 0 : i32
        %dma_start3A_1821 = tpu.memref_slice %arg7[%dma_start3A_1818, %dma_start3A_1819, %dma_start3A_1820] : memref<4x384x16xf32, #tpu.memory_space<vmem>> -> memref<1x128x16xf32, #tpu.memory_space<vmem>>
        %dma_start3A_1822 = tpu.memref_squeeze %dma_start3A_1821 : memref<1x128x16xf32, #tpu.memory_space<vmem>> -> memref<128x16xf32, #tpu.memory_space<vmem>>
        %dma_start3A_1823 = tpu.memref_slice %arg10[%dma_start3A_1817, %mul3A_1695] : memref<4x9984xi32, #tpu.memory_space<vmem>> -> memref<1x128xi32, #tpu.memory_space<vmem>>
        %dma_start3A_1824 = tpu.memref_squeeze %dma_start3A_1823 : memref<1x128xi32, #tpu.memory_space<vmem>> -> memref<128xi32, #tpu.memory_space<vmem>>
        %dma_start3A_1825 = arith.constant 0 : i32
        %dma_start3A_1826 = arith.constant 0 : i32
        %dma_start3A_1827 = tpu.memref_slice %arg2[%dma_start3A_1825, %dma_start3A_1826] : memref<2560000x16xf32, #tpu.memory_space<hbm>> -> memref<2560000x16xf32, #tpu.memory_space<hbm>>
        tpu.enqueue_indirect_dma source(%dma_start3A_1827 : memref<2560000x16xf32, #tpu.memory_space<hbm>>) target(%dma_start3A_1822 : memref<128x16xf32, #tpu.memory_space<vmem>>) offsets(%dma_start3A_1824 : memref<128xi32, #tpu.memory_space<vmem>>) semaphore(%arg14 : memref<!tpu.dma_semaphore, #tpu.memory_space<semaphore_mem>>)
      } else {
      }
      %mul3A_1412 = arith.constant 3 : i32
      %mul3A_1413 = arith.muli %add3A_1404, %mul3A_1412 : i32
      %add3A_1414 = arith.constant 0 : i32
      %add3A_1415 = arith.addi %mul3A_1413, %add3A_1414 : i32
      %mul3A_1416 = arith.constant 128 : i32
      %mul3A_1417 = arith.muli %add3A_1415, %mul3A_1416 : i32
      %mul3A_1418 = arith.constant 3 : i32
      %mul3A_1419 = arith.muli %add3A_1404, %mul3A_1418 : i32
      %add3A_1420 = arith.constant 1 : i32
      %add3A_1421 = arith.addi %mul3A_1419, %add3A_1420 : i32
      %mul3A_1422 = arith.constant 128 : i32
      %mul3A_1423 = arith.muli %add3A_1421, %mul3A_1422 : i32
      %mul3A_1424 = arith.constant 3 : i32
      %mul3A_1425 = arith.muli %add3A_1404, %mul3A_1424 : i32
      %add3A_1426 = arith.constant 2 : i32
      %add3A_1427 = arith.addi %mul3A_1425, %add3A_1426 : i32
      %mul3A_1428 = arith.constant 128 : i32
      %mul3A_1429 = arith.muli %add3A_1427, %mul3A_1428 : i32
      %mul3A_1430 = arith.constant 3 : i32
      %mul3A_1431 = arith.muli %add3A_1404, %mul3A_1430 : i32
      %add3A_1432 = arith.constant 0 : i32
      %add3A_1433 = arith.addi %mul3A_1431, %add3A_1432 : i32
      %mul3A_1434 = arith.constant 128 : i32
      %mul3A_1435 = arith.muli %add3A_1433, %mul3A_1434 : i32
      %mul3A_1436 = arith.constant 3 : i32
      %mul3A_1437 = arith.muli %add3A_1404, %mul3A_1436 : i32
      %add3A_1438 = arith.constant 1 : i32
      %add3A_1439 = arith.addi %mul3A_1437, %add3A_1438 : i32
      %mul3A_1440 = arith.constant 128 : i32
      %mul3A_1441 = arith.muli %add3A_1439, %mul3A_1440 : i32
      %mul3A_1442 = arith.constant 3 : i32
      %mul3A_1443 = arith.muli %add3A_1404, %mul3A_1442 : i32
      %add3A_1444 = arith.constant 2 : i32
      %add3A_1445 = arith.addi %mul3A_1443, %add3A_1444 : i32
      %mul3A_1446 = arith.constant 128 : i32
      %mul3A_1447 = arith.muli %add3A_1445, %mul3A_1446 : i32
      %mul3A_1448 = arith.constant 3 : i32
      %mul3A_1449 = arith.muli %add3A_1404, %mul3A_1448 : i32
      %add3A_1450 = arith.constant 0 : i32
      %add3A_1451 = arith.addi %mul3A_1449, %add3A_1450 : i32
      %mul3A_1452 = arith.constant 128 : i32
      %mul3A_1453 = arith.muli %add3A_1451, %mul3A_1452 : i32
      %mul3A_1454 = arith.constant 3 : i32
      %mul3A_1455 = arith.muli %add3A_1404, %mul3A_1454 : i32
      %add3A_1456 = arith.constant 1 : i32
      %add3A_1457 = arith.addi %mul3A_1455, %add3A_1456 : i32
      %mul3A_1458 = arith.constant 128 : i32
      %mul3A_1459 = arith.muli %add3A_1457, %mul3A_1458 : i32
      %mul3A_1460 = arith.constant 3 : i32
      %mul3A_1461 = arith.muli %add3A_1404, %mul3A_1460 : i32
      %add3A_1462 = arith.constant 2 : i32
      %add3A_1463 = arith.addi %mul3A_1461, %add3A_1462 : i32
      %mul3A_1464 = arith.constant 128 : i32
      %mul3A_1465 = arith.muli %add3A_1463, %mul3A_1464 : i32
      %mul3A_1466 = arith.constant 3 : i32
      %mul3A_1467 = arith.muli %add3A_1404, %mul3A_1466 : i32
      %add3A_1468 = arith.constant 0 : i32
      %add3A_1469 = arith.addi %mul3A_1467, %add3A_1468 : i32
      %mul3A_1470 = arith.constant 128 : i32
      %mul3A_1471 = arith.muli %add3A_1469, %mul3A_1470 : i32
      %mul3A_1472 = arith.constant 3 : i32
      %mul3A_1473 = arith.muli %add3A_1404, %mul3A_1472 : i32
      %add3A_1474 = arith.constant 1 : i32
      %add3A_1475 = arith.addi %mul3A_1473, %add3A_1474 : i32
      %mul3A_1476 = arith.constant 128 : i32
      %mul3A_1477 = arith.muli %add3A_1475, %mul3A_1476 : i32
      %mul3A_1478 = arith.constant 3 : i32
      %mul3A_1479 = arith.muli %add3A_1404, %mul3A_1478 : i32
      %add3A_1480 = arith.constant 2 : i32
      %add3A_1481 = arith.addi %mul3A_1479, %add3A_1480 : i32
      %mul3A_1482 = arith.constant 128 : i32
      %mul3A_1483 = arith.muli %add3A_1481, %mul3A_1482 : i32
      %dma_wait3A_1484 = arith.constant 0 : i32
      %dma_wait3A_1485 = arith.constant 0 : i32
      %dma_wait3A_1486 = arith.constant 0 : i32
      %dma_wait3A_1487 = arith.constant 0 : i32
      %dma_wait3A_1488 = tpu.memref_slice %arg8[%dma_wait3A_1485, %dma_wait3A_1486, %dma_wait3A_1487] : memref<4x384x16xf32, #tpu.memory_space<vmem>> -> memref<1x128x16xf32, #tpu.memory_space<vmem>>
      %dma_wait3A_1489 = tpu.memref_squeeze %dma_wait3A_1488 : memref<1x128x16xf32, #tpu.memory_space<vmem>> -> memref<128x16xf32, #tpu.memory_space<vmem>>
      %dma_wait3A_1490 = tpu.memref_slice %arg10[%dma_wait3A_1484, %mul3A_1417] : memref<4x9984xi32, #tpu.memory_space<vmem>> -> memref<1x128xi32, #tpu.memory_space<vmem>>
      %dma_wait3A_1491 = tpu.memref_squeeze %dma_wait3A_1490 : memref<1x128xi32, #tpu.memory_space<vmem>> -> memref<128xi32, #tpu.memory_space<vmem>>
      %dma_wait3A_1492 = arith.constant 0 : i32
      %dma_wait3A_1493 = arith.constant 0 : i32
      %dma_wait3A_1494 = tpu.memref_slice %arg2[%dma_wait3A_1492, %dma_wait3A_1493] : memref<2560000x16xf32, #tpu.memory_space<hbm>> -> memref<2560000x16xf32, #tpu.memory_space<hbm>>
      tpu.wait_indirect_dma semaphore(%arg15 : memref<!tpu.dma_semaphore, #tpu.memory_space<semaphore_mem>>) src(%dma_wait3A_1494 : memref<2560000x16xf32, #tpu.memory_space<hbm>>) dst(%dma_wait3A_1489 : memref<128x16xf32, #tpu.memory_space<vmem>>)
      %dma_wait3A_1495 = arith.constant 0 : i32
      %dma_wait3A_1496 = arith.constant 0 : i32
      %dma_wait3A_1497 = arith.constant 128 : i32
      %dma_wait3A_1498 = arith.constant 0 : i32
      %dma_wait3A_1499 = tpu.memref_slice %arg8[%dma_wait3A_1496, %dma_wait3A_1497, %dma_wait3A_1498] : memref<4x384x16xf32, #tpu.memory_space<vmem>> -> memref<1x128x16xf32, #tpu.memory_space<vmem>>
      %dma_wait3A_1500 = tpu.memref_squeeze %dma_wait3A_1499 : memref<1x128x16xf32, #tpu.memory_space<vmem>> -> memref<128x16xf32, #tpu.memory_space<vmem>>
      %dma_wait3A_1501 = tpu.memref_slice %arg10[%dma_wait3A_1495, %mul3A_1423] : memref<4x9984xi32, #tpu.memory_space<vmem>> -> memref<1x128xi32, #tpu.memory_space<vmem>>
      %dma_wait3A_1502 = tpu.memref_squeeze %dma_wait3A_1501 : memref<1x128xi32, #tpu.memory_space<vmem>> -> memref<128xi32, #tpu.memory_space<vmem>>
      %dma_wait3A_1503 = arith.constant 0 : i32
      %dma_wait3A_1504 = arith.constant 0 : i32
      %dma_wait3A_1505 = tpu.memref_slice %arg2[%dma_wait3A_1503, %dma_wait3A_1504] : memref<2560000x16xf32, #tpu.memory_space<hbm>> -> memref<2560000x16xf32, #tpu.memory_space<hbm>>
      tpu.wait_indirect_dma semaphore(%arg15 : memref<!tpu.dma_semaphore, #tpu.memory_space<semaphore_mem>>) src(%dma_wait3A_1505 : memref<2560000x16xf32, #tpu.memory_space<hbm>>) dst(%dma_wait3A_1500 : memref<128x16xf32, #tpu.memory_space<vmem>>)
      %dma_wait3A_1506 = arith.constant 0 : i32
      %dma_wait3A_1507 = arith.constant 0 : i32
      %dma_wait3A_1508 = arith.constant 256 : i32
      %dma_wait3A_1509 = arith.constant 0 : i32
      %dma_wait3A_1510 = tpu.memref_slice %arg8[%dma_wait3A_1507, %dma_wait3A_1508, %dma_wait3A_1509] : memref<4x384x16xf32, #tpu.memory_space<vmem>> -> memref<1x128x16xf32, #tpu.memory_space<vmem>>
      %dma_wait3A_1511 = tpu.memref_squeeze %dma_wait3A_1510 : memref<1x128x16xf32, #tpu.memory_space<vmem>> -> memref<128x16xf32, #tpu.memory_space<vmem>>
      %dma_wait3A_1512 = tpu.memref_slice %arg10[%dma_wait3A_1506, %mul3A_1429] : memref<4x9984xi32, #tpu.memory_space<vmem>> -> memref<1x128xi32, #tpu.memory_space<vmem>>
      %dma_wait3A_1513 = tpu.memref_squeeze %dma_wait3A_1512 : memref<1x128xi32, #tpu.memory_space<vmem>> -> memref<128xi32, #tpu.memory_space<vmem>>
      %dma_wait3A_1514 = arith.constant 0 : i32
      %dma_wait3A_1515 = arith.constant 0 : i32
      %dma_wait3A_1516 = tpu.memref_slice %arg2[%dma_wait3A_1514, %dma_wait3A_1515] : memref<2560000x16xf32, #tpu.memory_space<hbm>> -> memref<2560000x16xf32, #tpu.memory_space<hbm>>
      tpu.wait_indirect_dma semaphore(%arg15 : memref<!tpu.dma_semaphore, #tpu.memory_space<semaphore_mem>>) src(%dma_wait3A_1516 : memref<2560000x16xf32, #tpu.memory_space<hbm>>) dst(%dma_wait3A_1511 : memref<128x16xf32, #tpu.memory_space<vmem>>)
      %dma_wait3A_1517 = arith.constant 1 : i32
      %dma_wait3A_1518 = arith.constant 1 : i32
      %dma_wait3A_1519 = arith.constant 0 : i32
      %dma_wait3A_1520 = arith.constant 0 : i32
      %dma_wait3A_1521 = tpu.memref_slice %arg8[%dma_wait3A_1518, %dma_wait3A_1519, %dma_wait3A_1520] : memref<4x384x16xf32, #tpu.memory_space<vmem>> -> memref<1x128x16xf32, #tpu.memory_space<vmem>>
      %dma_wait3A_1522 = tpu.memref_squeeze %dma_wait3A_1521 : memref<1x128x16xf32, #tpu.memory_space<vmem>> -> memref<128x16xf32, #tpu.memory_space<vmem>>
      %dma_wait3A_1523 = tpu.memref_slice %arg10[%dma_wait3A_1517, %mul3A_1435] : memref<4x9984xi32, #tpu.memory_space<vmem>> -> memref<1x128xi32, #tpu.memory_space<vmem>>
      %dma_wait3A_1524 = tpu.memref_squeeze %dma_wait3A_1523 : memref<1x128xi32, #tpu.memory_space<vmem>> -> memref<128xi32, #tpu.memory_space<vmem>>
      %dma_wait3A_1525 = arith.constant 0 : i32
      %dma_wait3A_1526 = arith.constant 0 : i32
      %dma_wait3A_1527 = tpu.memref_slice %arg2[%dma_wait3A_1525, %dma_wait3A_1526] : memref<2560000x16xf32, #tpu.memory_space<hbm>> -> memref<2560000x16xf32, #tpu.memory_space<hbm>>
      tpu.wait_indirect_dma semaphore(%arg15 : memref<!tpu.dma_semaphore, #tpu.memory_space<semaphore_mem>>) src(%dma_wait3A_1527 : memref<2560000x16xf32, #tpu.memory_space<hbm>>) dst(%dma_wait3A_1522 : memref<128x16xf32, #tpu.memory_space<vmem>>)
      %dma_wait3A_1528 = arith.constant 1 : i32
      %dma_wait3A_1529 = arith.constant 1 : i32
      %dma_wait3A_1530 = arith.constant 128 : i32
      %dma_wait3A_1531 = arith.constant 0 : i32
      %dma_wait3A_1532 = tpu.memref_slice %arg8[%dma_wait3A_1529, %dma_wait3A_1530, %dma_wait3A_1531] : memref<4x384x16xf32, #tpu.memory_space<vmem>> -> memref<1x128x16xf32, #tpu.memory_space<vmem>>
      %dma_wait3A_1533 = tpu.memref_squeeze %dma_wait3A_1532 : memref<1x128x16xf32, #tpu.memory_space<vmem>> -> memref<128x16xf32, #tpu.memory_space<vmem>>
      %dma_wait3A_1534 = tpu.memref_slice %arg10[%dma_wait3A_1528, %mul3A_1441] : memref<4x9984xi32, #tpu.memory_space<vmem>> -> memref<1x128xi32, #tpu.memory_space<vmem>>
      %dma_wait3A_1535 = tpu.memref_squeeze %dma_wait3A_1534 : memref<1x128xi32, #tpu.memory_space<vmem>> -> memref<128xi32, #tpu.memory_space<vmem>>
      %dma_wait3A_1536 = arith.constant 0 : i32
      %dma_wait3A_1537 = arith.constant 0 : i32
      %dma_wait3A_1538 = tpu.memref_slice %arg2[%dma_wait3A_1536, %dma_wait3A_1537] : memref<2560000x16xf32, #tpu.memory_space<hbm>> -> memref<2560000x16xf32, #tpu.memory_space<hbm>>
      tpu.wait_indirect_dma semaphore(%arg15 : memref<!tpu.dma_semaphore, #tpu.memory_space<semaphore_mem>>) src(%dma_wait3A_1538 : memref<2560000x16xf32, #tpu.memory_space<hbm>>) dst(%dma_wait3A_1533 : memref<128x16xf32, #tpu.memory_space<vmem>>)
      %dma_wait3A_1539 = arith.constant 1 : i32
      %dma_wait3A_1540 = arith.constant 1 : i32
      %dma_wait3A_1541 = arith.constant 256 : i32
      %dma_wait3A_1542 = arith.constant 0 : i32
      %dma_wait3A_1543 = tpu.memref_slice %arg8[%dma_wait3A_1540, %dma_wait3A_1541, %dma_wait3A_1542] : memref<4x384x16xf32, #tpu.memory_space<vmem>> -> memref<1x128x16xf32, #tpu.memory_space<vmem>>
      %dma_wait3A_1544 = tpu.memref_squeeze %dma_wait3A_1543 : memref<1x128x16xf32, #tpu.memory_space<vmem>> -> memref<128x16xf32, #tpu.memory_space<vmem>>
      %dma_wait3A_1545 = tpu.memref_slice %arg10[%dma_wait3A_1539, %mul3A_1447] : memref<4x9984xi32, #tpu.memory_space<vmem>> -> memref<1x128xi32, #tpu.memory_space<vmem>>
      %dma_wait3A_1546 = tpu.memref_squeeze %dma_wait3A_1545 : memref<1x128xi32, #tpu.memory_space<vmem>> -> memref<128xi32, #tpu.memory_space<vmem>>
      %dma_wait3A_1547 = arith.constant 0 : i32
      %dma_wait3A_1548 = arith.constant 0 : i32
      %dma_wait3A_1549 = tpu.memref_slice %arg2[%dma_wait3A_1547, %dma_wait3A_1548] : memref<2560000x16xf32, #tpu.memory_space<hbm>> -> memref<2560000x16xf32, #tpu.memory_space<hbm>>
      tpu.wait_indirect_dma semaphore(%arg15 : memref<!tpu.dma_semaphore, #tpu.memory_space<semaphore_mem>>) src(%dma_wait3A_1549 : memref<2560000x16xf32, #tpu.memory_space<hbm>>) dst(%dma_wait3A_1544 : memref<128x16xf32, #tpu.memory_space<vmem>>)
      %dma_wait3A_1550 = arith.constant 2 : i32
      %dma_wait3A_1551 = arith.constant 2 : i32
      %dma_wait3A_1552 = arith.constant 0 : i32
      %dma_wait3A_1553 = arith.constant 0 : i32
      %dma_wait3A_1554 = tpu.memref_slice %arg8[%dma_wait3A_1551, %dma_wait3A_1552, %dma_wait3A_1553] : memref<4x384x16xf32, #tpu.memory_space<vmem>> -> memref<1x128x16xf32, #tpu.memory_space<vmem>>
      %dma_wait3A_1555 = tpu.memref_squeeze %dma_wait3A_1554 : memref<1x128x16xf32, #tpu.memory_space<vmem>> -> memref<128x16xf32, #tpu.memory_space<vmem>>
      %dma_wait3A_1556 = tpu.memref_slice %arg10[%dma_wait3A_1550, %mul3A_1453] : memref<4x9984xi32, #tpu.memory_space<vmem>> -> memref<1x128xi32, #tpu.memory_space<vmem>>
      %dma_wait3A_1557 = tpu.memref_squeeze %dma_wait3A_1556 : memref<1x128xi32, #tpu.memory_space<vmem>> -> memref<128xi32, #tpu.memory_space<vmem>>
      %dma_wait3A_1558 = arith.constant 0 : i32
      %dma_wait3A_1559 = arith.constant 0 : i32
      %dma_wait3A_1560 = tpu.memref_slice %arg2[%dma_wait3A_1558, %dma_wait3A_1559] : memref<2560000x16xf32, #tpu.memory_space<hbm>> -> memref<2560000x16xf32, #tpu.memory_space<hbm>>
      tpu.wait_indirect_dma semaphore(%arg15 : memref<!tpu.dma_semaphore, #tpu.memory_space<semaphore_mem>>) src(%dma_wait3A_1560 : memref<2560000x16xf32, #tpu.memory_space<hbm>>) dst(%dma_wait3A_1555 : memref<128x16xf32, #tpu.memory_space<vmem>>)
      %dma_wait3A_1561 = arith.constant 2 : i32
      %dma_wait3A_1562 = arith.constant 2 : i32
      %dma_wait3A_1563 = arith.constant 128 : i32
      %dma_wait3A_1564 = arith.constant 0 : i32
      %dma_wait3A_1565 = tpu.memref_slice %arg8[%dma_wait3A_1562, %dma_wait3A_1563, %dma_wait3A_1564] : memref<4x384x16xf32, #tpu.memory_space<vmem>> -> memref<1x128x16xf32, #tpu.memory_space<vmem>>
      %dma_wait3A_1566 = tpu.memref_squeeze %dma_wait3A_1565 : memref<1x128x16xf32, #tpu.memory_space<vmem>> -> memref<128x16xf32, #tpu.memory_space<vmem>>
      %dma_wait3A_1567 = tpu.memref_slice %arg10[%dma_wait3A_1561, %mul3A_1459] : memref<4x9984xi32, #tpu.memory_space<vmem>> -> memref<1x128xi32, #tpu.memory_space<vmem>>
      %dma_wait3A_1568 = tpu.memref_squeeze %dma_wait3A_1567 : memref<1x128xi32, #tpu.memory_space<vmem>> -> memref<128xi32, #tpu.memory_space<vmem>>
      %dma_wait3A_1569 = arith.constant 0 : i32
      %dma_wait3A_1570 = arith.constant 0 : i32
      %dma_wait3A_1571 = tpu.memref_slice %arg2[%dma_wait3A_1569, %dma_wait3A_1570] : memref<2560000x16xf32, #tpu.memory_space<hbm>> -> memref<2560000x16xf32, #tpu.memory_space<hbm>>
      tpu.wait_indirect_dma semaphore(%arg15 : memref<!tpu.dma_semaphore, #tpu.memory_space<semaphore_mem>>) src(%dma_wait3A_1571 : memref<2560000x16xf32, #tpu.memory_space<hbm>>) dst(%dma_wait3A_1566 : memref<128x16xf32, #tpu.memory_space<vmem>>)
      %dma_wait3A_1572 = arith.constant 2 : i32
      %dma_wait3A_1573 = arith.constant 2 : i32
      %dma_wait3A_1574 = arith.constant 256 : i32
      %dma_wait3A_1575 = arith.constant 0 : i32
      %dma_wait3A_1576 = tpu.memref_slice %arg8[%dma_wait3A_1573, %dma_wait3A_1574, %dma_wait3A_1575] : memref<4x384x16xf32, #tpu.memory_space<vmem>> -> memref<1x128x16xf32, #tpu.memory_space<vmem>>
      %dma_wait3A_1577 = tpu.memref_squeeze %dma_wait3A_1576 : memref<1x128x16xf32, #tpu.memory_space<vmem>> -> memref<128x16xf32, #tpu.memory_space<vmem>>
      %dma_wait3A_1578 = tpu.memref_slice %arg10[%dma_wait3A_1572, %mul3A_1465] : memref<4x9984xi32, #tpu.memory_space<vmem>> -> memref<1x128xi32, #tpu.memory_space<vmem>>
      %dma_wait3A_1579 = tpu.memref_squeeze %dma_wait3A_1578 : memref<1x128xi32, #tpu.memory_space<vmem>> -> memref<128xi32, #tpu.memory_space<vmem>>
      %dma_wait3A_1580 = arith.constant 0 : i32
      %dma_wait3A_1581 = arith.constant 0 : i32
      %dma_wait3A_1582 = tpu.memref_slice %arg2[%dma_wait3A_1580, %dma_wait3A_1581] : memref<2560000x16xf32, #tpu.memory_space<hbm>> -> memref<2560000x16xf32, #tpu.memory_space<hbm>>
      tpu.wait_indirect_dma semaphore(%arg15 : memref<!tpu.dma_semaphore, #tpu.memory_space<semaphore_mem>>) src(%dma_wait3A_1582 : memref<2560000x16xf32, #tpu.memory_space<hbm>>) dst(%dma_wait3A_1577 : memref<128x16xf32, #tpu.memory_space<vmem>>)
      %dma_wait3A_1583 = arith.constant 3 : i32
      %dma_wait3A_1584 = arith.constant 3 : i32
      %dma_wait3A_1585 = arith.constant 0 : i32
      %dma_wait3A_1586 = arith.constant 0 : i32
      %dma_wait3A_1587 = tpu.memref_slice %arg8[%dma_wait3A_1584, %dma_wait3A_1585, %dma_wait3A_1586] : memref<4x384x16xf32, #tpu.memory_space<vmem>> -> memref<1x128x16xf32, #tpu.memory_space<vmem>>
      %dma_wait3A_1588 = tpu.memref_squeeze %dma_wait3A_1587 : memref<1x128x16xf32, #tpu.memory_space<vmem>> -> memref<128x16xf32, #tpu.memory_space<vmem>>
      %dma_wait3A_1589 = tpu.memref_slice %arg10[%dma_wait3A_1583, %mul3A_1471] : memref<4x9984xi32, #tpu.memory_space<vmem>> -> memref<1x128xi32, #tpu.memory_space<vmem>>
      %dma_wait3A_1590 = tpu.memref_squeeze %dma_wait3A_1589 : memref<1x128xi32, #tpu.memory_space<vmem>> -> memref<128xi32, #tpu.memory_space<vmem>>
      %dma_wait3A_1591 = arith.constant 0 : i32
      %dma_wait3A_1592 = arith.constant 0 : i32
      %dma_wait3A_1593 = tpu.memref_slice %arg2[%dma_wait3A_1591, %dma_wait3A_1592] : memref<2560000x16xf32, #tpu.memory_space<hbm>> -> memref<2560000x16xf32, #tpu.memory_space<hbm>>
      tpu.wait_indirect_dma semaphore(%arg15 : memref<!tpu.dma_semaphore, #tpu.memory_space<semaphore_mem>>) src(%dma_wait3A_1593 : memref<2560000x16xf32, #tpu.memory_space<hbm>>) dst(%dma_wait3A_1588 : memref<128x16xf32, #tpu.memory_space<vmem>>)
      %dma_wait3A_1594 = arith.constant 3 : i32
      %dma_wait3A_1595 = arith.constant 3 : i32
      %dma_wait3A_1596 = arith.constant 128 : i32
      %dma_wait3A_1597 = arith.constant 0 : i32
      %dma_wait3A_1598 = tpu.memref_slice %arg8[%dma_wait3A_1595, %dma_wait3A_1596, %dma_wait3A_1597] : memref<4x384x16xf32, #tpu.memory_space<vmem>> -> memref<1x128x16xf32, #tpu.memory_space<vmem>>
      %dma_wait3A_1599 = tpu.memref_squeeze %dma_wait3A_1598 : memref<1x128x16xf32, #tpu.memory_space<vmem>> -> memref<128x16xf32, #tpu.memory_space<vmem>>
      %dma_wait3A_1600 = tpu.memref_slice %arg10[%dma_wait3A_1594, %mul3A_1477] : memref<4x9984xi32, #tpu.memory_space<vmem>> -> memref<1x128xi32, #tpu.memory_space<vmem>>
      %dma_wait3A_1601 = tpu.memref_squeeze %dma_wait3A_1600 : memref<1x128xi32, #tpu.memory_space<vmem>> -> memref<128xi32, #tpu.memory_space<vmem>>
      %dma_wait3A_1602 = arith.constant 0 : i32
      %dma_wait3A_1603 = arith.constant 0 : i32
      %dma_wait3A_1604 = tpu.memref_slice %arg2[%dma_wait3A_1602, %dma_wait3A_1603] : memref<2560000x16xf32, #tpu.memory_space<hbm>> -> memref<2560000x16xf32, #tpu.memory_space<hbm>>
      tpu.wait_indirect_dma semaphore(%arg15 : memref<!tpu.dma_semaphore, #tpu.memory_space<semaphore_mem>>) src(%dma_wait3A_1604 : memref<2560000x16xf32, #tpu.memory_space<hbm>>) dst(%dma_wait3A_1599 : memref<128x16xf32, #tpu.memory_space<vmem>>)
      %dma_wait3A_1605 = arith.constant 3 : i32
      %dma_wait3A_1606 = arith.constant 3 : i32
      %dma_wait3A_1607 = arith.constant 256 : i32
      %dma_wait3A_1608 = arith.constant 0 : i32
      %dma_wait3A_1609 = tpu.memref_slice %arg8[%dma_wait3A_1606, %dma_wait3A_1607, %dma_wait3A_1608] : memref<4x384x16xf32, #tpu.memory_space<vmem>> -> memref<1x128x16xf32, #tpu.memory_space<vmem>>
      %dma_wait3A_1610 = tpu.memref_squeeze %dma_wait3A_1609 : memref<1x128x16xf32, #tpu.memory_space<vmem>> -> memref<128x16xf32, #tpu.memory_space<vmem>>
      %dma_wait3A_1611 = tpu.memref_slice %arg10[%dma_wait3A_1605, %mul3A_1483] : memref<4x9984xi32, #tpu.memory_space<vmem>> -> memref<1x128xi32, #tpu.memory_space<vmem>>
      %dma_wait3A_1612 = tpu.memref_squeeze %dma_wait3A_1611 : memref<1x128xi32, #tpu.memory_space<vmem>> -> memref<128xi32, #tpu.memory_space<vmem>>
      %dma_wait3A_1613 = arith.constant 0 : i32
      %dma_wait3A_1614 = arith.constant 0 : i32
      %dma_wait3A_1615 = tpu.memref_slice %arg2[%dma_wait3A_1613, %dma_wait3A_1614] : memref<2560000x16xf32, #tpu.memory_space<hbm>> -> memref<2560000x16xf32, #tpu.memory_space<hbm>>
      tpu.wait_indirect_dma semaphore(%arg15 : memref<!tpu.dma_semaphore, #tpu.memory_space<semaphore_mem>>) src(%dma_wait3A_1615 : memref<2560000x16xf32, #tpu.memory_space<hbm>>) dst(%dma_wait3A_1610 : memref<128x16xf32, #tpu.memory_space<vmem>>)
      %scan3A_1616 = arith.constant 0 : i32
      %scan3A_1617 = arith.constant 24 : i32
      %scan3A_1618 = arith.addi %scan3A_1616, %scan3A_1617 : i32
      %scan3A_1619 = arith.constant 1 : i32
      %scan3A_1620:16 = scf.for %scan3A_1622 = %scan3A_1616 to %scan3A_1618 step %scan3A_1619 iter_args(%scan3A_1623 = %scan3A_1399#0, %scan3A_1624 = %scan3A_1399#1, %scan3A_1625 = %scan3A_1399#2, %scan3A_1626 = %scan3A_1399#3, %scan3A_1627 = %scan3A_1399#4, %scan3A_1628 = %scan3A_1399#5, %scan3A_1629 = %scan3A_1399#6, %scan3A_1630 = %scan3A_1399#7, %scan3A_1631 = %scan3A_1399#8, %scan3A_1632 = %scan3A_1399#9, %scan3A_1633 = %scan3A_1399#10, %scan3A_1634 = %scan3A_1399#11, %scan3A_1635 = %scan3A_1399#12, %scan3A_1636 = %scan3A_1399#13, %scan3A_1637 = %scan3A_1399#14, %scan3A_1638 = %scan3A_1399#15) -> (vector<16xf32>, vector<16xf32>, vector<16xf32>, vector<16xf32>, vector<16xf32>, vector<16xf32>, vector<16xf32>, vector<16xf32>, vector<16xf32>, vector<16xf32>, vector<16xf32>, vector<16xf32>, vector<16xf32>, vector<16xf32>, vector<16xf32>, vector<16xf32>)  : i32 {
        %mul3A_1639 = arith.constant 16 : i32
        %mul3A_1640 = arith.muli %scan3A_1622, %mul3A_1639 : i32
        %add3A_1641 = vector.broadcast %mul3A_1640 : i32 to vector<16xi32>
        %add3A_1642 = arith.addi %add3A_1641, %iota3A : vector<16xi32>
        %gather3A_1643 = arith.constant 0 : i32
        %gather3A_1644 = arith.constant 0 : i32
        %gather3A_1645 = arith.constant 0 : i32
        %gather3A_1646 = tpu.memref_slice %arg8[%gather3A_1643, %gather3A_1644, %gather3A_1645] : memref<4x384x16xf32, #tpu.memory_space<vmem>> -> memref<1x384x16xf32, #tpu.memory_space<vmem>>
        %gather3A_1647 = tpu.memref_squeeze %gather3A_1646 : memref<1x384x16xf32, #tpu.memory_space<vmem>> -> memref<384x16xf32, #tpu.memory_space<vmem>>
        %gather3A_1648 = tpu.vector_load_idx %gather3A_1647[%add3A_1642, %broadcast_in_dim3A_28] : memref<384x16xf32, #tpu.memory_space<vmem>>[vector<16xi32>, vector<16xi32>], vector<16xf32>,
        %gather3A_1649 = arith.constant 1 : i32
        %gather3A_1650 = arith.constant 0 : i32
        %gather3A_1651 = arith.constant 0 : i32
        %gather3A_1652 = tpu.memref_slice %arg8[%gather3A_1649, %gather3A_1650, %gather3A_1651] : memref<4x384x16xf32, #tpu.memory_space<vmem>> -> memref<1x384x16xf32, #tpu.memory_space<vmem>>
        %gather3A_1653 = tpu.memref_squeeze %gather3A_1652 : memref<1x384x16xf32, #tpu.memory_space<vmem>> -> memref<384x16xf32, #tpu.memory_space<vmem>>
        %gather3A_1654 = tpu.vector_load_idx %gather3A_1653[%add3A_1642, %broadcast_in_dim3A_31] : memref<384x16xf32, #tpu.memory_space<vmem>>[vector<16xi32>, vector<16xi32>], vector<16xf32>,
        %gather3A_1655 = arith.constant 2 : i32
        %gather3A_1656 = arith.constant 0 : i32
        %gather3A_1657 = arith.constant 0 : i32
        %gather3A_1658 = tpu.memref_slice %arg8[%gather3A_1655, %gather3A_1656, %gather3A_1657] : memref<4x384x16xf32, #tpu.memory_space<vmem>> -> memref<1x384x16xf32, #tpu.memory_space<vmem>>
        %gather3A_1659 = tpu.memref_squeeze %gather3A_1658 : memref<1x384x16xf32, #tpu.memory_space<vmem>> -> memref<384x16xf32, #tpu.memory_space<vmem>>
        %gather3A_1660 = tpu.vector_load_idx %gather3A_1659[%add3A_1642, %broadcast_in_dim3A_34] : memref<384x16xf32, #tpu.memory_space<vmem>>[vector<16xi32>, vector<16xi32>], vector<16xf32>,
        %gather3A_1661 = arith.constant 3 : i32
        %gather3A_1662 = arith.constant 0 : i32
        %gather3A_1663 = arith.constant 0 : i32
        %gather3A_1664 = tpu.memref_slice %arg8[%gather3A_1661, %gather3A_1662, %gather3A_1663] : memref<4x384x16xf32, #tpu.memory_space<vmem>> -> memref<1x384x16xf32, #tpu.memory_space<vmem>>
        %gather3A_1665 = tpu.memref_squeeze %gather3A_1664 : memref<1x384x16xf32, #tpu.memory_space<vmem>> -> memref<384x16xf32, #tpu.memory_space<vmem>>
        %gather3A_1666 = tpu.vector_load_idx %gather3A_1665[%add3A_1642, %broadcast_in_dim3A_37] : memref<384x16xf32, #tpu.memory_space<vmem>>[vector<16xi32>, vector<16xi32>], vector<16xf32>,
        %mul3A_1667 = arith.constant 2.000000e+00 : f32
        %mul3A_1668 = vector.broadcast %mul3A_1667 : f32 to vector<16xf32>
        %mul3A_1669 = arith.mulf %mul3A_1668, %gather3A_1654 : vector<16xf32>
        %add3A_1670 = arith.addf %gather3A_1648, %mul3A_1669 : vector<16xf32>
        %mul3A_1671 = arith.constant 4.000000e+00 : f32
        %mul3A_1672 = vector.broadcast %mul3A_1671 : f32 to vector<16xf32>
        %mul3A_1673 = arith.mulf %mul3A_1672, %gather3A_1660 : vector<16xf32>
        %add3A_1674 = arith.addf %add3A_1670, %mul3A_1673 : vector<16xf32>
        %eq3A_1675 = arith.constant 0.000000e+00 : f32
        %eq3A_1676 = vector.broadcast %eq3A_1675 : f32 to vector<16xf32>
        %eq3A_1677 = arith.cmpf oeq, %add3A_1674, %eq3A_1676 : vector<16xf32>
        %select_n3A_1678 = arith.select %eq3A_1677, %gather3A_1666, %broadcast_in_dim3A_4 : vector<16xi1>, vector<16xf32>
        %add3A_1679 = arith.addf %scan3A_1623, %select_n3A_1678 : vector<16xf32>
        %select_n3A_1680 = arith.select %eq3A_1677, %broadcast_in_dim3A_6, %broadcast_in_dim3A_4 : vector<16xi1>, vector<16xf32>
        %add3A_1681 = arith.addf %scan3A_1631, %select_n3A_1680 : vector<16xf32>
        %eq3A_1682 = arith.constant 1.000000e+00 : f32
        %eq3A_1683 = vector.broadcast %eq3A_1682 : f32 to vector<16xf32>
        %eq3A_1684 = arith.cmpf oeq, %add3A_1674, %eq3A_1683 : vector<16xf32>
        %select_n3A_1685 = arith.select %eq3A_1684, %gather3A_1666, %broadcast_in_dim3A_4 : vector<16xi1>, vector<16xf32>
        %add3A_1686 = arith.addf %scan3A_1624, %select_n3A_1685 : vector<16xf32>
        %select_n3A_1687 = arith.select %eq3A_1684, %broadcast_in_dim3A_6, %broadcast_in_dim3A_4 : vector<16xi1>, vector<16xf32>
        %add3A_1688 = arith.addf %scan3A_1632, %select_n3A_1687 : vector<16xf32>
        %eq3A_1689 = arith.constant 2.000000e+00 : f32
        %eq3A_1690 = vector.broadcast %eq3A_1689 : f32 to vector<16xf32>
        %eq3A_1691 = arith.cmpf oeq, %add3A_1674, %eq3A_1690 : vector<16xf32>
        %select_n3A_1692 = arith.select %eq3A_1691, %gather3A_1666, %broadcast_in_dim3A_4 : vector<16xi1>, vector<16xf32>
        %add3A_1693 = arith.addf %scan3A_1625, %select_n3A_1692 : vector<16xf32>
        %select_n3A_1694 = arith.select %eq3A_1691, %broadcast_in_dim3A_6, %broadcast_in_dim3A_4 : vector<16xi1>, vector<16xf32>
        %add3A_1695 = arith.addf %scan3A_1633, %select_n3A_1694 : vector<16xf32>
        %eq3A_1696 = arith.constant 3.000000e+00 : f32
        %eq3A_1697 = vector.broadcast %eq3A_1696 : f32 to vector<16xf32>
        %eq3A_1698 = arith.cmpf oeq, %add3A_1674, %eq3A_1697 : vector<16xf32>
        %select_n3A_1699 = arith.select %eq3A_1698, %gather3A_1666, %broadcast_in_dim3A_4 : vector<16xi1>, vector<16xf32>
        %add3A_1700 = arith.addf %scan3A_1626, %select_n3A_1699 : vector<16xf32>
        %select_n3A_1701 = arith.select %eq3A_1698, %broadcast_in_dim3A_6, %broadcast_in_dim3A_4 : vector<16xi1>, vector<16xf32>
        %add3A_1702 = arith.addf %scan3A_1634, %select_n3A_1701 : vector<16xf32>
        %eq3A_1703 = arith.constant 4.000000e+00 : f32
        %eq3A_1704 = vector.broadcast %eq3A_1703 : f32 to vector<16xf32>
        %eq3A_1705 = arith.cmpf oeq, %add3A_1674, %eq3A_1704 : vector<16xf32>
        %select_n3A_1706 = arith.select %eq3A_1705, %gather3A_1666, %broadcast_in_dim3A_4 : vector<16xi1>, vector<16xf32>
        %add3A_1707 = arith.addf %scan3A_1627, %select_n3A_1706 : vector<16xf32>
        %select_n3A_1708 = arith.select %eq3A_1705, %broadcast_in_dim3A_6, %broadcast_in_dim3A_4 : vector<16xi1>, vector<16xf32>
        %add3A_1709 = arith.addf %scan3A_1635, %select_n3A_1708 : vector<16xf32>
        %eq3A_1710 = arith.constant 5.000000e+00 : f32
        %eq3A_1711 = vector.broadcast %eq3A_1710 : f32 to vector<16xf32>
        %eq3A_1712 = arith.cmpf oeq, %add3A_1674, %eq3A_1711 : vector<16xf32>
        %select_n3A_1713 = arith.select %eq3A_1712, %gather3A_1666, %broadcast_in_dim3A_4 : vector<16xi1>, vector<16xf32>
        %add3A_1714 = arith.addf %scan3A_1628, %select_n3A_1713 : vector<16xf32>
        %select_n3A_1715 = arith.select %eq3A_1712, %broadcast_in_dim3A_6, %broadcast_in_dim3A_4 : vector<16xi1>, vector<16xf32>
        %add3A_1716 = arith.addf %scan3A_1636, %select_n3A_1715 : vector<16xf32>
        %eq3A_1717 = arith.constant 6.000000e+00 : f32
        %eq3A_1718 = vector.broadcast %eq3A_1717 : f32 to vector<16xf32>
        %eq3A_1719 = arith.cmpf oeq, %add3A_1674, %eq3A_1718 : vector<16xf32>
        %select_n3A_1720 = arith.select %eq3A_1719, %gather3A_1666, %broadcast_in_dim3A_4 : vector<16xi1>, vector<16xf32>
        %add3A_1721 = arith.addf %scan3A_1629, %select_n3A_1720 : vector<16xf32>
        %select_n3A_1722 = arith.select %eq3A_1719, %broadcast_in_dim3A_6, %broadcast_in_dim3A_4 : vector<16xi1>, vector<16xf32>
        %add3A_1723 = arith.addf %scan3A_1637, %select_n3A_1722 : vector<16xf32>
        %eq3A_1724 = arith.constant 7.000000e+00 : f32
        %eq3A_1725 = vector.broadcast %eq3A_1724 : f32 to vector<16xf32>
        %eq3A_1726 = arith.cmpf oeq, %add3A_1674, %eq3A_1725 : vector<16xf32>
        %select_n3A_1727 = arith.select %eq3A_1726, %gather3A_1666, %broadcast_in_dim3A_4 : vector<16xi1>, vector<16xf32>
        %add3A_1728 = arith.addf %scan3A_1630, %select_n3A_1727 : vector<16xf32>
        %select_n3A_1729 = arith.select %eq3A_1726, %broadcast_in_dim3A_6, %broadcast_in_dim3A_4 : vector<16xi1>, vector<16xf32>
        %add3A_1730 = arith.addf %scan3A_1638, %select_n3A_1729 : vector<16xf32>
        scf.yield %add3A_1679, %add3A_1686, %add3A_1693, %add3A_1700, %add3A_1707, %add3A_1714, %add3A_1721, %add3A_1728, %add3A_1681, %add3A_1688, %add3A_1695, %add3A_1702, %add3A_1709, %add3A_1716, %add3A_1723, %add3A_1730 : vector<16xf32>, vector<16xf32>, vector<16xf32>, vector<16xf32>, vector<16xf32>, vector<16xf32>, vector<16xf32>, vector<16xf32>, vector<16xf32>, vector<16xf32>, vector<16xf32>, vector<16xf32>, vector<16xf32>, vector<16xf32>, vector<16xf32>, vector<16xf32>
      }
      %scan3A_1621 = arith.constant 24 : i32
      scf.yield %scan3A_1620#0, %scan3A_1620#1, %scan3A_1620#2, %scan3A_1620#3, %scan3A_1620#4, %scan3A_1620#5, %scan3A_1620#6, %scan3A_1620#7, %scan3A_1620#8, %scan3A_1620#9, %scan3A_1620#10, %scan3A_1620#11, %scan3A_1620#12, %scan3A_1620#13, %scan3A_1620#14, %scan3A_1620#15 : vector<16xf32>, vector<16xf32>, vector<16xf32>, vector<16xf32>, vector<16xf32>, vector<16xf32>, vector<16xf32>, vector<16xf32>, vector<16xf32>, vector<16xf32>, vector<16xf32>, vector<16xf32>, vector<16xf32>, vector<16xf32>, vector<16xf32>, vector<16xf32>
    }
    %scan3A_426 = arith.constant 8 : i32
    %dma_wait3A = arith.constant 0 : i32
    %dma_wait3A_427 = arith.constant 0 : i32
    %dma_wait3A_428 = arith.constant 0 : i32
    %dma_wait3A_429 = arith.constant 0 : i32
    %dma_wait3A_430 = tpu.memref_slice %arg6[%dma_wait3A_427, %dma_wait3A_428, %dma_wait3A_429] : memref<4x384x16xf32, #tpu.memory_space<vmem>> -> memref<1x128x16xf32, #tpu.memory_space<vmem>>
    %dma_wait3A_431 = tpu.memref_squeeze %dma_wait3A_430 : memref<1x128x16xf32, #tpu.memory_space<vmem>> -> memref<128x16xf32, #tpu.memory_space<vmem>>
    %dma_wait3A_432 = arith.constant 9216 : i32
    %dma_wait3A_433 = tpu.memref_slice %arg10[%dma_wait3A, %dma_wait3A_432] : memref<4x9984xi32, #tpu.memory_space<vmem>> -> memref<1x128xi32, #tpu.memory_space<vmem>>
    %dma_wait3A_434 = tpu.memref_squeeze %dma_wait3A_433 : memref<1x128xi32, #tpu.memory_space<vmem>> -> memref<128xi32, #tpu.memory_space<vmem>>
    %dma_wait3A_435 = arith.constant 0 : i32
    %dma_wait3A_436 = arith.constant 0 : i32
    %dma_wait3A_437 = tpu.memref_slice %arg2[%dma_wait3A_435, %dma_wait3A_436] : memref<2560000x16xf32, #tpu.memory_space<hbm>> -> memref<2560000x16xf32, #tpu.memory_space<hbm>>
    tpu.wait_indirect_dma semaphore(%arg13 : memref<!tpu.dma_semaphore, #tpu.memory_space<semaphore_mem>>) src(%dma_wait3A_437 : memref<2560000x16xf32, #tpu.memory_space<hbm>>) dst(%dma_wait3A_431 : memref<128x16xf32, #tpu.memory_space<vmem>>)
    %dma_wait3A_438 = arith.constant 0 : i32
    %dma_wait3A_439 = arith.constant 0 : i32
    %dma_wait3A_440 = arith.constant 128 : i32
    %dma_wait3A_441 = arith.constant 0 : i32
    %dma_wait3A_442 = tpu.memref_slice %arg6[%dma_wait3A_439, %dma_wait3A_440, %dma_wait3A_441] : memref<4x384x16xf32, #tpu.memory_space<vmem>> -> memref<1x128x16xf32, #tpu.memory_space<vmem>>
    %dma_wait3A_443 = tpu.memref_squeeze %dma_wait3A_442 : memref<1x128x16xf32, #tpu.memory_space<vmem>> -> memref<128x16xf32, #tpu.memory_space<vmem>>
    %dma_wait3A_444 = arith.constant 9344 : i32
    %dma_wait3A_445 = tpu.memref_slice %arg10[%dma_wait3A_438, %dma_wait3A_444] : memref<4x9984xi32, #tpu.memory_space<vmem>> -> memref<1x128xi32, #tpu.memory_space<vmem>>
    %dma_wait3A_446 = tpu.memref_squeeze %dma_wait3A_445 : memref<1x128xi32, #tpu.memory_space<vmem>> -> memref<128xi32, #tpu.memory_space<vmem>>
    %dma_wait3A_447 = arith.constant 0 : i32
    %dma_wait3A_448 = arith.constant 0 : i32
    %dma_wait3A_449 = tpu.memref_slice %arg2[%dma_wait3A_447, %dma_wait3A_448] : memref<2560000x16xf32, #tpu.memory_space<hbm>> -> memref<2560000x16xf32, #tpu.memory_space<hbm>>
    tpu.wait_indirect_dma semaphore(%arg13 : memref<!tpu.dma_semaphore, #tpu.memory_space<semaphore_mem>>) src(%dma_wait3A_449 : memref<2560000x16xf32, #tpu.memory_space<hbm>>) dst(%dma_wait3A_443 : memref<128x16xf32, #tpu.memory_space<vmem>>)
    %dma_wait3A_450 = arith.constant 0 : i32
    %dma_wait3A_451 = arith.constant 0 : i32
    %dma_wait3A_452 = arith.constant 256 : i32
    %dma_wait3A_453 = arith.constant 0 : i32
    %dma_wait3A_454 = tpu.memref_slice %arg6[%dma_wait3A_451, %dma_wait3A_452, %dma_wait3A_453] : memref<4x384x16xf32, #tpu.memory_space<vmem>> -> memref<1x128x16xf32, #tpu.memory_space<vmem>>
    %dma_wait3A_455 = tpu.memref_squeeze %dma_wait3A_454 : memref<1x128x16xf32, #tpu.memory_space<vmem>> -> memref<128x16xf32, #tpu.memory_space<vmem>>
    %dma_wait3A_456 = arith.constant 9472 : i32
    %dma_wait3A_457 = tpu.memref_slice %arg10[%dma_wait3A_450, %dma_wait3A_456] : memref<4x9984xi32, #tpu.memory_space<vmem>> -> memref<1x128xi32, #tpu.memory_space<vmem>>
    %dma_wait3A_458 = tpu.memref_squeeze %dma_wait3A_457 : memref<1x128xi32, #tpu.memory_space<vmem>> -> memref<128xi32, #tpu.memory_space<vmem>>
    %dma_wait3A_459 = arith.constant 0 : i32
    %dma_wait3A_460 = arith.constant 0 : i32
    %dma_wait3A_461 = tpu.memref_slice %arg2[%dma_wait3A_459, %dma_wait3A_460] : memref<2560000x16xf32, #tpu.memory_space<hbm>> -> memref<2560000x16xf32, #tpu.memory_space<hbm>>
    tpu.wait_indirect_dma semaphore(%arg13 : memref<!tpu.dma_semaphore, #tpu.memory_space<semaphore_mem>>) src(%dma_wait3A_461 : memref<2560000x16xf32, #tpu.memory_space<hbm>>) dst(%dma_wait3A_455 : memref<128x16xf32, #tpu.memory_space<vmem>>)
    %dma_wait3A_462 = arith.constant 1 : i32
    %dma_wait3A_463 = arith.constant 1 : i32
    %dma_wait3A_464 = arith.constant 0 : i32
    %dma_wait3A_465 = arith.constant 0 : i32
    %dma_wait3A_466 = tpu.memref_slice %arg6[%dma_wait3A_463, %dma_wait3A_464, %dma_wait3A_465] : memref<4x384x16xf32, #tpu.memory_space<vmem>> -> memref<1x128x16xf32, #tpu.memory_space<vmem>>
    %dma_wait3A_467 = tpu.memref_squeeze %dma_wait3A_466 : memref<1x128x16xf32, #tpu.memory_space<vmem>> -> memref<128x16xf32, #tpu.memory_space<vmem>>
    %dma_wait3A_468 = arith.constant 9216 : i32
    %dma_wait3A_469 = tpu.memref_slice %arg10[%dma_wait3A_462, %dma_wait3A_468] : memref<4x9984xi32, #tpu.memory_space<vmem>> -> memref<1x128xi32, #tpu.memory_space<vmem>>
    %dma_wait3A_470 = tpu.memref_squeeze %dma_wait3A_469 : memref<1x128xi32, #tpu.memory_space<vmem>> -> memref<128xi32, #tpu.memory_space<vmem>>
    %dma_wait3A_471 = arith.constant 0 : i32
    %dma_wait3A_472 = arith.constant 0 : i32
    %dma_wait3A_473 = tpu.memref_slice %arg2[%dma_wait3A_471, %dma_wait3A_472] : memref<2560000x16xf32, #tpu.memory_space<hbm>> -> memref<2560000x16xf32, #tpu.memory_space<hbm>>
    tpu.wait_indirect_dma semaphore(%arg13 : memref<!tpu.dma_semaphore, #tpu.memory_space<semaphore_mem>>) src(%dma_wait3A_473 : memref<2560000x16xf32, #tpu.memory_space<hbm>>) dst(%dma_wait3A_467 : memref<128x16xf32, #tpu.memory_space<vmem>>)
    %dma_wait3A_474 = arith.constant 1 : i32
    %dma_wait3A_475 = arith.constant 1 : i32
    %dma_wait3A_476 = arith.constant 128 : i32
    %dma_wait3A_477 = arith.constant 0 : i32
    %dma_wait3A_478 = tpu.memref_slice %arg6[%dma_wait3A_475, %dma_wait3A_476, %dma_wait3A_477] : memref<4x384x16xf32, #tpu.memory_space<vmem>> -> memref<1x128x16xf32, #tpu.memory_space<vmem>>
    %dma_wait3A_479 = tpu.memref_squeeze %dma_wait3A_478 : memref<1x128x16xf32, #tpu.memory_space<vmem>> -> memref<128x16xf32, #tpu.memory_space<vmem>>
    %dma_wait3A_480 = arith.constant 9344 : i32
    %dma_wait3A_481 = tpu.memref_slice %arg10[%dma_wait3A_474, %dma_wait3A_480] : memref<4x9984xi32, #tpu.memory_space<vmem>> -> memref<1x128xi32, #tpu.memory_space<vmem>>
    %dma_wait3A_482 = tpu.memref_squeeze %dma_wait3A_481 : memref<1x128xi32, #tpu.memory_space<vmem>> -> memref<128xi32, #tpu.memory_space<vmem>>
    %dma_wait3A_483 = arith.constant 0 : i32
    %dma_wait3A_484 = arith.constant 0 : i32
    %dma_wait3A_485 = tpu.memref_slice %arg2[%dma_wait3A_483, %dma_wait3A_484] : memref<2560000x16xf32, #tpu.memory_space<hbm>> -> memref<2560000x16xf32, #tpu.memory_space<hbm>>
    tpu.wait_indirect_dma semaphore(%arg13 : memref<!tpu.dma_semaphore, #tpu.memory_space<semaphore_mem>>) src(%dma_wait3A_485 : memref<2560000x16xf32, #tpu.memory_space<hbm>>) dst(%dma_wait3A_479 : memref<128x16xf32, #tpu.memory_space<vmem>>)
    %dma_wait3A_486 = arith.constant 1 : i32
    %dma_wait3A_487 = arith.constant 1 : i32
    %dma_wait3A_488 = arith.constant 256 : i32
    %dma_wait3A_489 = arith.constant 0 : i32
    %dma_wait3A_490 = tpu.memref_slice %arg6[%dma_wait3A_487, %dma_wait3A_488, %dma_wait3A_489] : memref<4x384x16xf32, #tpu.memory_space<vmem>> -> memref<1x128x16xf32, #tpu.memory_space<vmem>>
    %dma_wait3A_491 = tpu.memref_squeeze %dma_wait3A_490 : memref<1x128x16xf32, #tpu.memory_space<vmem>> -> memref<128x16xf32, #tpu.memory_space<vmem>>
    %dma_wait3A_492 = arith.constant 9472 : i32
    %dma_wait3A_493 = tpu.memref_slice %arg10[%dma_wait3A_486, %dma_wait3A_492] : memref<4x9984xi32, #tpu.memory_space<vmem>> -> memref<1x128xi32, #tpu.memory_space<vmem>>
    %dma_wait3A_494 = tpu.memref_squeeze %dma_wait3A_493 : memref<1x128xi32, #tpu.memory_space<vmem>> -> memref<128xi32, #tpu.memory_space<vmem>>
    %dma_wait3A_495 = arith.constant 0 : i32
    %dma_wait3A_496 = arith.constant 0 : i32
    %dma_wait3A_497 = tpu.memref_slice %arg2[%dma_wait3A_495, %dma_wait3A_496] : memref<2560000x16xf32, #tpu.memory_space<hbm>> -> memref<2560000x16xf32, #tpu.memory_space<hbm>>
    tpu.wait_indirect_dma semaphore(%arg13 : memref<!tpu.dma_semaphore, #tpu.memory_space<semaphore_mem>>) src(%dma_wait3A_497 : memref<2560000x16xf32, #tpu.memory_space<hbm>>) dst(%dma_wait3A_491 : memref<128x16xf32, #tpu.memory_space<vmem>>)
    %dma_wait3A_498 = arith.constant 2 : i32
    %dma_wait3A_499 = arith.constant 2 : i32
    %dma_wait3A_500 = arith.constant 0 : i32
    %dma_wait3A_501 = arith.constant 0 : i32
    %dma_wait3A_502 = tpu.memref_slice %arg6[%dma_wait3A_499, %dma_wait3A_500, %dma_wait3A_501] : memref<4x384x16xf32, #tpu.memory_space<vmem>> -> memref<1x128x16xf32, #tpu.memory_space<vmem>>
    %dma_wait3A_503 = tpu.memref_squeeze %dma_wait3A_502 : memref<1x128x16xf32, #tpu.memory_space<vmem>> -> memref<128x16xf32, #tpu.memory_space<vmem>>
    %dma_wait3A_504 = arith.constant 9216 : i32
    %dma_wait3A_505 = tpu.memref_slice %arg10[%dma_wait3A_498, %dma_wait3A_504] : memref<4x9984xi32, #tpu.memory_space<vmem>> -> memref<1x128xi32, #tpu.memory_space<vmem>>
    %dma_wait3A_506 = tpu.memref_squeeze %dma_wait3A_505 : memref<1x128xi32, #tpu.memory_space<vmem>> -> memref<128xi32, #tpu.memory_space<vmem>>
    %dma_wait3A_507 = arith.constant 0 : i32
    %dma_wait3A_508 = arith.constant 0 : i32
    %dma_wait3A_509 = tpu.memref_slice %arg2[%dma_wait3A_507, %dma_wait3A_508] : memref<2560000x16xf32, #tpu.memory_space<hbm>> -> memref<2560000x16xf32, #tpu.memory_space<hbm>>
    tpu.wait_indirect_dma semaphore(%arg13 : memref<!tpu.dma_semaphore, #tpu.memory_space<semaphore_mem>>) src(%dma_wait3A_509 : memref<2560000x16xf32, #tpu.memory_space<hbm>>) dst(%dma_wait3A_503 : memref<128x16xf32, #tpu.memory_space<vmem>>)
    %dma_wait3A_510 = arith.constant 2 : i32
    %dma_wait3A_511 = arith.constant 2 : i32
    %dma_wait3A_512 = arith.constant 128 : i32
    %dma_wait3A_513 = arith.constant 0 : i32
    %dma_wait3A_514 = tpu.memref_slice %arg6[%dma_wait3A_511, %dma_wait3A_512, %dma_wait3A_513] : memref<4x384x16xf32, #tpu.memory_space<vmem>> -> memref<1x128x16xf32, #tpu.memory_space<vmem>>
    %dma_wait3A_515 = tpu.memref_squeeze %dma_wait3A_514 : memref<1x128x16xf32, #tpu.memory_space<vmem>> -> memref<128x16xf32, #tpu.memory_space<vmem>>
    %dma_wait3A_516 = arith.constant 9344 : i32
    %dma_wait3A_517 = tpu.memref_slice %arg10[%dma_wait3A_510, %dma_wait3A_516] : memref<4x9984xi32, #tpu.memory_space<vmem>> -> memref<1x128xi32, #tpu.memory_space<vmem>>
    %dma_wait3A_518 = tpu.memref_squeeze %dma_wait3A_517 : memref<1x128xi32, #tpu.memory_space<vmem>> -> memref<128xi32, #tpu.memory_space<vmem>>
    %dma_wait3A_519 = arith.constant 0 : i32
    %dma_wait3A_520 = arith.constant 0 : i32
    %dma_wait3A_521 = tpu.memref_slice %arg2[%dma_wait3A_519, %dma_wait3A_520] : memref<2560000x16xf32, #tpu.memory_space<hbm>> -> memref<2560000x16xf32, #tpu.memory_space<hbm>>
    tpu.wait_indirect_dma semaphore(%arg13 : memref<!tpu.dma_semaphore, #tpu.memory_space<semaphore_mem>>) src(%dma_wait3A_521 : memref<2560000x16xf32, #tpu.memory_space<hbm>>) dst(%dma_wait3A_515 : memref<128x16xf32, #tpu.memory_space<vmem>>)
    %dma_wait3A_522 = arith.constant 2 : i32
    %dma_wait3A_523 = arith.constant 2 : i32
    %dma_wait3A_524 = arith.constant 256 : i32
    %dma_wait3A_525 = arith.constant 0 : i32
    %dma_wait3A_526 = tpu.memref_slice %arg6[%dma_wait3A_523, %dma_wait3A_524, %dma_wait3A_525] : memref<4x384x16xf32, #tpu.memory_space<vmem>> -> memref<1x128x16xf32, #tpu.memory_space<vmem>>
    %dma_wait3A_527 = tpu.memref_squeeze %dma_wait3A_526 : memref<1x128x16xf32, #tpu.memory_space<vmem>> -> memref<128x16xf32, #tpu.memory_space<vmem>>
    %dma_wait3A_528 = arith.constant 9472 : i32
    %dma_wait3A_529 = tpu.memref_slice %arg10[%dma_wait3A_522, %dma_wait3A_528] : memref<4x9984xi32, #tpu.memory_space<vmem>> -> memref<1x128xi32, #tpu.memory_space<vmem>>
    %dma_wait3A_530 = tpu.memref_squeeze %dma_wait3A_529 : memref<1x128xi32, #tpu.memory_space<vmem>> -> memref<128xi32, #tpu.memory_space<vmem>>
    %dma_wait3A_531 = arith.constant 0 : i32
    %dma_wait3A_532 = arith.constant 0 : i32
    %dma_wait3A_533 = tpu.memref_slice %arg2[%dma_wait3A_531, %dma_wait3A_532] : memref<2560000x16xf32, #tpu.memory_space<hbm>> -> memref<2560000x16xf32, #tpu.memory_space<hbm>>
    tpu.wait_indirect_dma semaphore(%arg13 : memref<!tpu.dma_semaphore, #tpu.memory_space<semaphore_mem>>) src(%dma_wait3A_533 : memref<2560000x16xf32, #tpu.memory_space<hbm>>) dst(%dma_wait3A_527 : memref<128x16xf32, #tpu.memory_space<vmem>>)
    %dma_wait3A_534 = arith.constant 3 : i32
    %dma_wait3A_535 = arith.constant 3 : i32
    %dma_wait3A_536 = arith.constant 0 : i32
    %dma_wait3A_537 = arith.constant 0 : i32
    %dma_wait3A_538 = tpu.memref_slice %arg6[%dma_wait3A_535, %dma_wait3A_536, %dma_wait3A_537] : memref<4x384x16xf32, #tpu.memory_space<vmem>> -> memref<1x128x16xf32, #tpu.memory_space<vmem>>
    %dma_wait3A_539 = tpu.memref_squeeze %dma_wait3A_538 : memref<1x128x16xf32, #tpu.memory_space<vmem>> -> memref<128x16xf32, #tpu.memory_space<vmem>>
    %dma_wait3A_540 = arith.constant 9216 : i32
    %dma_wait3A_541 = tpu.memref_slice %arg10[%dma_wait3A_534, %dma_wait3A_540] : memref<4x9984xi32, #tpu.memory_space<vmem>> -> memref<1x128xi32, #tpu.memory_space<vmem>>
    %dma_wait3A_542 = tpu.memref_squeeze %dma_wait3A_541 : memref<1x128xi32, #tpu.memory_space<vmem>> -> memref<128xi32, #tpu.memory_space<vmem>>
    %dma_wait3A_543 = arith.constant 0 : i32
    %dma_wait3A_544 = arith.constant 0 : i32
    %dma_wait3A_545 = tpu.memref_slice %arg2[%dma_wait3A_543, %dma_wait3A_544] : memref<2560000x16xf32, #tpu.memory_space<hbm>> -> memref<2560000x16xf32, #tpu.memory_space<hbm>>
    tpu.wait_indirect_dma semaphore(%arg13 : memref<!tpu.dma_semaphore, #tpu.memory_space<semaphore_mem>>) src(%dma_wait3A_545 : memref<2560000x16xf32, #tpu.memory_space<hbm>>) dst(%dma_wait3A_539 : memref<128x16xf32, #tpu.memory_space<vmem>>)
    %dma_wait3A_546 = arith.constant 3 : i32
    %dma_wait3A_547 = arith.constant 3 : i32
    %dma_wait3A_548 = arith.constant 128 : i32
    %dma_wait3A_549 = arith.constant 0 : i32
    %dma_wait3A_550 = tpu.memref_slice %arg6[%dma_wait3A_547, %dma_wait3A_548, %dma_wait3A_549] : memref<4x384x16xf32, #tpu.memory_space<vmem>> -> memref<1x128x16xf32, #tpu.memory_space<vmem>>
    %dma_wait3A_551 = tpu.memref_squeeze %dma_wait3A_550 : memref<1x128x16xf32, #tpu.memory_space<vmem>> -> memref<128x16xf32, #tpu.memory_space<vmem>>
    %dma_wait3A_552 = arith.constant 9344 : i32
    %dma_wait3A_553 = tpu.memref_slice %arg10[%dma_wait3A_546, %dma_wait3A_552] : memref<4x9984xi32, #tpu.memory_space<vmem>> -> memref<1x128xi32, #tpu.memory_space<vmem>>
    %dma_wait3A_554 = tpu.memref_squeeze %dma_wait3A_553 : memref<1x128xi32, #tpu.memory_space<vmem>> -> memref<128xi32, #tpu.memory_space<vmem>>
    %dma_wait3A_555 = arith.constant 0 : i32
    %dma_wait3A_556 = arith.constant 0 : i32
    %dma_wait3A_557 = tpu.memref_slice %arg2[%dma_wait3A_555, %dma_wait3A_556] : memref<2560000x16xf32, #tpu.memory_space<hbm>> -> memref<2560000x16xf32, #tpu.memory_space<hbm>>
    tpu.wait_indirect_dma semaphore(%arg13 : memref<!tpu.dma_semaphore, #tpu.memory_space<semaphore_mem>>) src(%dma_wait3A_557 : memref<2560000x16xf32, #tpu.memory_space<hbm>>) dst(%dma_wait3A_551 : memref<128x16xf32, #tpu.memory_space<vmem>>)
    %dma_wait3A_558 = arith.constant 3 : i32
    %dma_wait3A_559 = arith.constant 3 : i32
    %dma_wait3A_560 = arith.constant 256 : i32
    %dma_wait3A_561 = arith.constant 0 : i32
    %dma_wait3A_562 = tpu.memref_slice %arg6[%dma_wait3A_559, %dma_wait3A_560, %dma_wait3A_561] : memref<4x384x16xf32, #tpu.memory_space<vmem>> -> memref<1x128x16xf32, #tpu.memory_space<vmem>>
    %dma_wait3A_563 = tpu.memref_squeeze %dma_wait3A_562 : memref<1x128x16xf32, #tpu.memory_space<vmem>> -> memref<128x16xf32, #tpu.memory_space<vmem>>
    %dma_wait3A_564 = arith.constant 9472 : i32
    %dma_wait3A_565 = tpu.memref_slice %arg10[%dma_wait3A_558, %dma_wait3A_564] : memref<4x9984xi32, #tpu.memory_space<vmem>> -> memref<1x128xi32, #tpu.memory_space<vmem>>
    %dma_wait3A_566 = tpu.memref_squeeze %dma_wait3A_565 : memref<1x128xi32, #tpu.memory_space<vmem>> -> memref<128xi32, #tpu.memory_space<vmem>>
    %dma_wait3A_567 = arith.constant 0 : i32
    %dma_wait3A_568 = arith.constant 0 : i32
    %dma_wait3A_569 = tpu.memref_slice %arg2[%dma_wait3A_567, %dma_wait3A_568] : memref<2560000x16xf32, #tpu.memory_space<hbm>> -> memref<2560000x16xf32, #tpu.memory_space<hbm>>
    tpu.wait_indirect_dma semaphore(%arg13 : memref<!tpu.dma_semaphore, #tpu.memory_space<semaphore_mem>>) src(%dma_wait3A_569 : memref<2560000x16xf32, #tpu.memory_space<hbm>>) dst(%dma_wait3A_563 : memref<128x16xf32, #tpu.memory_space<vmem>>)
    %scan3A_570 = arith.constant 0 : i32
    %scan3A_571 = arith.constant 24 : i32
    %scan3A_572 = arith.addi %scan3A_570, %scan3A_571 : i32
    %scan3A_573 = arith.constant 1 : i32
    %scan3A_574:16 = scf.for %scan3A_945 = %scan3A_570 to %scan3A_572 step %scan3A_573 iter_args(%scan3A_946 = %scan3A_425#0, %scan3A_947 = %scan3A_425#1, %scan3A_948 = %scan3A_425#2, %scan3A_949 = %scan3A_425#3, %scan3A_950 = %scan3A_425#4, %scan3A_951 = %scan3A_425#5, %scan3A_952 = %scan3A_425#6, %scan3A_953 = %scan3A_425#7, %scan3A_954 = %scan3A_425#8, %scan3A_955 = %scan3A_425#9, %scan3A_956 = %scan3A_425#10, %scan3A_957 = %scan3A_425#11, %scan3A_958 = %scan3A_425#12, %scan3A_959 = %scan3A_425#13, %scan3A_960 = %scan3A_425#14, %scan3A_961 = %scan3A_425#15) -> (vector<16xf32>, vector<16xf32>, vector<16xf32>, vector<16xf32>, vector<16xf32>, vector<16xf32>, vector<16xf32>, vector<16xf32>, vector<16xf32>, vector<16xf32>, vector<16xf32>, vector<16xf32>, vector<16xf32>, vector<16xf32>, vector<16xf32>, vector<16xf32>)  : i32 {
      %mul3A_962 = arith.constant 16 : i32
      %mul3A_963 = arith.muli %scan3A_945, %mul3A_962 : i32
      %add3A_964 = vector.broadcast %mul3A_963 : i32 to vector<16xi32>
      %add3A_965 = arith.addi %add3A_964, %iota3A : vector<16xi32>
      %gather3A_966 = arith.constant 0 : i32
      %gather3A_967 = arith.constant 0 : i32
      %gather3A_968 = arith.constant 0 : i32
      %gather3A_969 = tpu.memref_slice %arg6[%gather3A_966, %gather3A_967, %gather3A_968] : memref<4x384x16xf32, #tpu.memory_space<vmem>> -> memref<1x384x16xf32, #tpu.memory_space<vmem>>
      %gather3A_970 = tpu.memref_squeeze %gather3A_969 : memref<1x384x16xf32, #tpu.memory_space<vmem>> -> memref<384x16xf32, #tpu.memory_space<vmem>>
      %gather3A_971 = tpu.vector_load_idx %gather3A_970[%add3A_965, %broadcast_in_dim3A_28] : memref<384x16xf32, #tpu.memory_space<vmem>>[vector<16xi32>, vector<16xi32>], vector<16xf32>,
      %gather3A_972 = arith.constant 1 : i32
      %gather3A_973 = arith.constant 0 : i32
      %gather3A_974 = arith.constant 0 : i32
      %gather3A_975 = tpu.memref_slice %arg6[%gather3A_972, %gather3A_973, %gather3A_974] : memref<4x384x16xf32, #tpu.memory_space<vmem>> -> memref<1x384x16xf32, #tpu.memory_space<vmem>>
      %gather3A_976 = tpu.memref_squeeze %gather3A_975 : memref<1x384x16xf32, #tpu.memory_space<vmem>> -> memref<384x16xf32, #tpu.memory_space<vmem>>
      %gather3A_977 = tpu.vector_load_idx %gather3A_976[%add3A_965, %broadcast_in_dim3A_31] : memref<384x16xf32, #tpu.memory_space<vmem>>[vector<16xi32>, vector<16xi32>], vector<16xf32>,
      %gather3A_978 = arith.constant 2 : i32
      %gather3A_979 = arith.constant 0 : i32
      %gather3A_980 = arith.constant 0 : i32
      %gather3A_981 = tpu.memref_slice %arg6[%gather3A_978, %gather3A_979, %gather3A_980] : memref<4x384x16xf32, #tpu.memory_space<vmem>> -> memref<1x384x16xf32, #tpu.memory_space<vmem>>
      %gather3A_982 = tpu.memref_squeeze %gather3A_981 : memref<1x384x16xf32, #tpu.memory_space<vmem>> -> memref<384x16xf32, #tpu.memory_space<vmem>>
      %gather3A_983 = tpu.vector_load_idx %gather3A_982[%add3A_965, %broadcast_in_dim3A_34] : memref<384x16xf32, #tpu.memory_space<vmem>>[vector<16xi32>, vector<16xi32>], vector<16xf32>,
      %gather3A_984 = arith.constant 3 : i32
      %gather3A_985 = arith.constant 0 : i32
      %gather3A_986 = arith.constant 0 : i32
      %gather3A_987 = tpu.memref_slice %arg6[%gather3A_984, %gather3A_985, %gather3A_986] : memref<4x384x16xf32, #tpu.memory_space<vmem>> -> memref<1x384x16xf32, #tpu.memory_space<vmem>>
      %gather3A_988 = tpu.memref_squeeze %gather3A_987 : memref<1x384x16xf32, #tpu.memory_space<vmem>> -> memref<384x16xf32, #tpu.memory_space<vmem>>
      %gather3A_989 = tpu.vector_load_idx %gather3A_988[%add3A_965, %broadcast_in_dim3A_37] : memref<384x16xf32, #tpu.memory_space<vmem>>[vector<16xi32>, vector<16xi32>], vector<16xf32>,
      %mul3A_990 = arith.constant 2.000000e+00 : f32
      %mul3A_991 = vector.broadcast %mul3A_990 : f32 to vector<16xf32>
      %mul3A_992 = arith.mulf %mul3A_991, %gather3A_977 : vector<16xf32>
      %add3A_993 = arith.addf %gather3A_971, %mul3A_992 : vector<16xf32>
      %mul3A_994 = arith.constant 4.000000e+00 : f32
      %mul3A_995 = vector.broadcast %mul3A_994 : f32 to vector<16xf32>
      %mul3A_996 = arith.mulf %mul3A_995, %gather3A_983 : vector<16xf32>
      %add3A_997 = arith.addf %add3A_993, %mul3A_996 : vector<16xf32>
      %eq3A_998 = arith.constant 0.000000e+00 : f32
      %eq3A_999 = vector.broadcast %eq3A_998 : f32 to vector<16xf32>
      %eq3A_1000 = arith.cmpf oeq, %add3A_997, %eq3A_999 : vector<16xf32>
      %select_n3A_1001 = arith.select %eq3A_1000, %gather3A_989, %broadcast_in_dim3A_4 : vector<16xi1>, vector<16xf32>
      %add3A_1002 = arith.addf %scan3A_946, %select_n3A_1001 : vector<16xf32>
      %select_n3A_1003 = arith.select %eq3A_1000, %broadcast_in_dim3A_6, %broadcast_in_dim3A_4 : vector<16xi1>, vector<16xf32>
      %add3A_1004 = arith.addf %scan3A_954, %select_n3A_1003 : vector<16xf32>
      %eq3A_1005 = arith.constant 1.000000e+00 : f32
      %eq3A_1006 = vector.broadcast %eq3A_1005 : f32 to vector<16xf32>
      %eq3A_1007 = arith.cmpf oeq, %add3A_997, %eq3A_1006 : vector<16xf32>
      %select_n3A_1008 = arith.select %eq3A_1007, %gather3A_989, %broadcast_in_dim3A_4 : vector<16xi1>, vector<16xf32>
      %add3A_1009 = arith.addf %scan3A_947, %select_n3A_1008 : vector<16xf32>
      %select_n3A_1010 = arith.select %eq3A_1007, %broadcast_in_dim3A_6, %broadcast_in_dim3A_4 : vector<16xi1>, vector<16xf32>
      %add3A_1011 = arith.addf %scan3A_955, %select_n3A_1010 : vector<16xf32>
      %eq3A_1012 = arith.constant 2.000000e+00 : f32
      %eq3A_1013 = vector.broadcast %eq3A_1012 : f32 to vector<16xf32>
      %eq3A_1014 = arith.cmpf oeq, %add3A_997, %eq3A_1013 : vector<16xf32>
      %select_n3A_1015 = arith.select %eq3A_1014, %gather3A_989, %broadcast_in_dim3A_4 : vector<16xi1>, vector<16xf32>
      %add3A_1016 = arith.addf %scan3A_948, %select_n3A_1015 : vector<16xf32>
      %select_n3A_1017 = arith.select %eq3A_1014, %broadcast_in_dim3A_6, %broadcast_in_dim3A_4 : vector<16xi1>, vector<16xf32>
      %add3A_1018 = arith.addf %scan3A_956, %select_n3A_1017 : vector<16xf32>
      %eq3A_1019 = arith.constant 3.000000e+00 : f32
      %eq3A_1020 = vector.broadcast %eq3A_1019 : f32 to vector<16xf32>
      %eq3A_1021 = arith.cmpf oeq, %add3A_997, %eq3A_1020 : vector<16xf32>
      %select_n3A_1022 = arith.select %eq3A_1021, %gather3A_989, %broadcast_in_dim3A_4 : vector<16xi1>, vector<16xf32>
      %add3A_1023 = arith.addf %scan3A_949, %select_n3A_1022 : vector<16xf32>
      %select_n3A_1024 = arith.select %eq3A_1021, %broadcast_in_dim3A_6, %broadcast_in_dim3A_4 : vector<16xi1>, vector<16xf32>
      %add3A_1025 = arith.addf %scan3A_957, %select_n3A_1024 : vector<16xf32>
      %eq3A_1026 = arith.constant 4.000000e+00 : f32
      %eq3A_1027 = vector.broadcast %eq3A_1026 : f32 to vector<16xf32>
      %eq3A_1028 = arith.cmpf oeq, %add3A_997, %eq3A_1027 : vector<16xf32>
      %select_n3A_1029 = arith.select %eq3A_1028, %gather3A_989, %broadcast_in_dim3A_4 : vector<16xi1>, vector<16xf32>
      %add3A_1030 = arith.addf %scan3A_950, %select_n3A_1029 : vector<16xf32>
      %select_n3A_1031 = arith.select %eq3A_1028, %broadcast_in_dim3A_6, %broadcast_in_dim3A_4 : vector<16xi1>, vector<16xf32>
      %add3A_1032 = arith.addf %scan3A_958, %select_n3A_1031 : vector<16xf32>
      %eq3A_1033 = arith.constant 5.000000e+00 : f32
      %eq3A_1034 = vector.broadcast %eq3A_1033 : f32 to vector<16xf32>
      %eq3A_1035 = arith.cmpf oeq, %add3A_997, %eq3A_1034 : vector<16xf32>
      %select_n3A_1036 = arith.select %eq3A_1035, %gather3A_989, %broadcast_in_dim3A_4 : vector<16xi1>, vector<16xf32>
      %add3A_1037 = arith.addf %scan3A_951, %select_n3A_1036 : vector<16xf32>
      %select_n3A_1038 = arith.select %eq3A_1035, %broadcast_in_dim3A_6, %broadcast_in_dim3A_4 : vector<16xi1>, vector<16xf32>
      %add3A_1039 = arith.addf %scan3A_959, %select_n3A_1038 : vector<16xf32>
      %eq3A_1040 = arith.constant 6.000000e+00 : f32
      %eq3A_1041 = vector.broadcast %eq3A_1040 : f32 to vector<16xf32>
      %eq3A_1042 = arith.cmpf oeq, %add3A_997, %eq3A_1041 : vector<16xf32>
      %select_n3A_1043 = arith.select %eq3A_1042, %gather3A_989, %broadcast_in_dim3A_4 : vector<16xi1>, vector<16xf32>
      %add3A_1044 = arith.addf %scan3A_952, %select_n3A_1043 : vector<16xf32>
      %select_n3A_1045 = arith.select %eq3A_1042, %broadcast_in_dim3A_6, %broadcast_in_dim3A_4 : vector<16xi1>, vector<16xf32>
      %add3A_1046 = arith.addf %scan3A_960, %select_n3A_1045 : vector<16xf32>
      %eq3A_1047 = arith.constant 7.000000e+00 : f32
      %eq3A_1048 = vector.broadcast %eq3A_1047 : f32 to vector<16xf32>
      %eq3A_1049 = arith.cmpf oeq, %add3A_997, %eq3A_1048 : vector<16xf32>
      %select_n3A_1050 = arith.select %eq3A_1049, %gather3A_989, %broadcast_in_dim3A_4 : vector<16xi1>, vector<16xf32>
      %add3A_1051 = arith.addf %scan3A_953, %select_n3A_1050 : vector<16xf32>
      %select_n3A_1052 = arith.select %eq3A_1049, %broadcast_in_dim3A_6, %broadcast_in_dim3A_4 : vector<16xi1>, vector<16xf32>
      %add3A_1053 = arith.addf %scan3A_961, %select_n3A_1052 : vector<16xf32>
      scf.yield %add3A_1002, %add3A_1009, %add3A_1016, %add3A_1023, %add3A_1030, %add3A_1037, %add3A_1044, %add3A_1051, %add3A_1004, %add3A_1011, %add3A_1018, %add3A_1025, %add3A_1032, %add3A_1039, %add3A_1046, %add3A_1053 : vector<16xf32>, vector<16xf32>, vector<16xf32>, vector<16xf32>, vector<16xf32>, vector<16xf32>, vector<16xf32>, vector<16xf32>, vector<16xf32>, vector<16xf32>, vector<16xf32>, vector<16xf32>, vector<16xf32>, vector<16xf32>, vector<16xf32>, vector<16xf32>
    }
    %scan3A_575 = arith.constant 24 : i32
    %dma_wait3A_576 = arith.constant 0 : i32
    %dma_wait3A_577 = arith.constant 0 : i32
    %dma_wait3A_578 = arith.constant 0 : i32
    %dma_wait3A_579 = arith.constant 0 : i32
    %dma_wait3A_580 = tpu.memref_slice %arg7[%dma_wait3A_577, %dma_wait3A_578, %dma_wait3A_579] : memref<4x384x16xf32, #tpu.memory_space<vmem>> -> memref<1x128x16xf32, #tpu.memory_space<vmem>>
    %dma_wait3A_581 = tpu.memref_squeeze %dma_wait3A_580 : memref<1x128x16xf32, #tpu.memory_space<vmem>> -> memref<128x16xf32, #tpu.memory_space<vmem>>
    %dma_wait3A_582 = arith.constant 9600 : i32
    %dma_wait3A_583 = tpu.memref_slice %arg10[%dma_wait3A_576, %dma_wait3A_582] : memref<4x9984xi32, #tpu.memory_space<vmem>> -> memref<1x128xi32, #tpu.memory_space<vmem>>
    %dma_wait3A_584 = tpu.memref_squeeze %dma_wait3A_583 : memref<1x128xi32, #tpu.memory_space<vmem>> -> memref<128xi32, #tpu.memory_space<vmem>>
    %dma_wait3A_585 = arith.constant 0 : i32
    %dma_wait3A_586 = arith.constant 0 : i32
    %dma_wait3A_587 = tpu.memref_slice %arg2[%dma_wait3A_585, %dma_wait3A_586] : memref<2560000x16xf32, #tpu.memory_space<hbm>> -> memref<2560000x16xf32, #tpu.memory_space<hbm>>
    tpu.wait_indirect_dma semaphore(%arg14 : memref<!tpu.dma_semaphore, #tpu.memory_space<semaphore_mem>>) src(%dma_wait3A_587 : memref<2560000x16xf32, #tpu.memory_space<hbm>>) dst(%dma_wait3A_581 : memref<128x16xf32, #tpu.memory_space<vmem>>)
    %dma_wait3A_588 = arith.constant 0 : i32
    %dma_wait3A_589 = arith.constant 0 : i32
    %dma_wait3A_590 = arith.constant 128 : i32
    %dma_wait3A_591 = arith.constant 0 : i32
    %dma_wait3A_592 = tpu.memref_slice %arg7[%dma_wait3A_589, %dma_wait3A_590, %dma_wait3A_591] : memref<4x384x16xf32, #tpu.memory_space<vmem>> -> memref<1x128x16xf32, #tpu.memory_space<vmem>>
    %dma_wait3A_593 = tpu.memref_squeeze %dma_wait3A_592 : memref<1x128x16xf32, #tpu.memory_space<vmem>> -> memref<128x16xf32, #tpu.memory_space<vmem>>
    %dma_wait3A_594 = arith.constant 9728 : i32
    %dma_wait3A_595 = tpu.memref_slice %arg10[%dma_wait3A_588, %dma_wait3A_594] : memref<4x9984xi32, #tpu.memory_space<vmem>> -> memref<1x128xi32, #tpu.memory_space<vmem>>
    %dma_wait3A_596 = tpu.memref_squeeze %dma_wait3A_595 : memref<1x128xi32, #tpu.memory_space<vmem>> -> memref<128xi32, #tpu.memory_space<vmem>>
    %dma_wait3A_597 = arith.constant 0 : i32
    %dma_wait3A_598 = arith.constant 0 : i32
    %dma_wait3A_599 = tpu.memref_slice %arg2[%dma_wait3A_597, %dma_wait3A_598] : memref<2560000x16xf32, #tpu.memory_space<hbm>> -> memref<2560000x16xf32, #tpu.memory_space<hbm>>
    tpu.wait_indirect_dma semaphore(%arg14 : memref<!tpu.dma_semaphore, #tpu.memory_space<semaphore_mem>>) src(%dma_wait3A_599 : memref<2560000x16xf32, #tpu.memory_space<hbm>>) dst(%dma_wait3A_593 : memref<128x16xf32, #tpu.memory_space<vmem>>)
    %dma_wait3A_600 = arith.constant 0 : i32
    %dma_wait3A_601 = arith.constant 0 : i32
    %dma_wait3A_602 = arith.constant 256 : i32
    %dma_wait3A_603 = arith.constant 0 : i32
    %dma_wait3A_604 = tpu.memref_slice %arg7[%dma_wait3A_601, %dma_wait3A_602, %dma_wait3A_603] : memref<4x384x16xf32, #tpu.memory_space<vmem>> -> memref<1x128x16xf32, #tpu.memory_space<vmem>>
    %dma_wait3A_605 = tpu.memref_squeeze %dma_wait3A_604 : memref<1x128x16xf32, #tpu.memory_space<vmem>> -> memref<128x16xf32, #tpu.memory_space<vmem>>
    %dma_wait3A_606 = arith.constant 9856 : i32
    %dma_wait3A_607 = tpu.memref_slice %arg10[%dma_wait3A_600, %dma_wait3A_606] : memref<4x9984xi32, #tpu.memory_space<vmem>> -> memref<1x128xi32, #tpu.memory_space<vmem>>
    %dma_wait3A_608 = tpu.memref_squeeze %dma_wait3A_607 : memref<1x128xi32, #tpu.memory_space<vmem>> -> memref<128xi32, #tpu.memory_space<vmem>>
    %dma_wait3A_609 = arith.constant 0 : i32
    %dma_wait3A_610 = arith.constant 0 : i32
    %dma_wait3A_611 = tpu.memref_slice %arg2[%dma_wait3A_609, %dma_wait3A_610] : memref<2560000x16xf32, #tpu.memory_space<hbm>> -> memref<2560000x16xf32, #tpu.memory_space<hbm>>
    tpu.wait_indirect_dma semaphore(%arg14 : memref<!tpu.dma_semaphore, #tpu.memory_space<semaphore_mem>>) src(%dma_wait3A_611 : memref<2560000x16xf32, #tpu.memory_space<hbm>>) dst(%dma_wait3A_605 : memref<128x16xf32, #tpu.memory_space<vmem>>)
    %dma_wait3A_612 = arith.constant 1 : i32
    %dma_wait3A_613 = arith.constant 1 : i32
    %dma_wait3A_614 = arith.constant 0 : i32
    %dma_wait3A_615 = arith.constant 0 : i32
    %dma_wait3A_616 = tpu.memref_slice %arg7[%dma_wait3A_613, %dma_wait3A_614, %dma_wait3A_615] : memref<4x384x16xf32, #tpu.memory_space<vmem>> -> memref<1x128x16xf32, #tpu.memory_space<vmem>>
    %dma_wait3A_617 = tpu.memref_squeeze %dma_wait3A_616 : memref<1x128x16xf32, #tpu.memory_space<vmem>> -> memref<128x16xf32, #tpu.memory_space<vmem>>
    %dma_wait3A_618 = arith.constant 9600 : i32
    %dma_wait3A_619 = tpu.memref_slice %arg10[%dma_wait3A_612, %dma_wait3A_618] : memref<4x9984xi32, #tpu.memory_space<vmem>> -> memref<1x128xi32, #tpu.memory_space<vmem>>
    %dma_wait3A_620 = tpu.memref_squeeze %dma_wait3A_619 : memref<1x128xi32, #tpu.memory_space<vmem>> -> memref<128xi32, #tpu.memory_space<vmem>>
    %dma_wait3A_621 = arith.constant 0 : i32
    %dma_wait3A_622 = arith.constant 0 : i32
    %dma_wait3A_623 = tpu.memref_slice %arg2[%dma_wait3A_621, %dma_wait3A_622] : memref<2560000x16xf32, #tpu.memory_space<hbm>> -> memref<2560000x16xf32, #tpu.memory_space<hbm>>
    tpu.wait_indirect_dma semaphore(%arg14 : memref<!tpu.dma_semaphore, #tpu.memory_space<semaphore_mem>>) src(%dma_wait3A_623 : memref<2560000x16xf32, #tpu.memory_space<hbm>>) dst(%dma_wait3A_617 : memref<128x16xf32, #tpu.memory_space<vmem>>)
    %dma_wait3A_624 = arith.constant 1 : i32
    %dma_wait3A_625 = arith.constant 1 : i32
    %dma_wait3A_626 = arith.constant 128 : i32
    %dma_wait3A_627 = arith.constant 0 : i32
    %dma_wait3A_628 = tpu.memref_slice %arg7[%dma_wait3A_625, %dma_wait3A_626, %dma_wait3A_627] : memref<4x384x16xf32, #tpu.memory_space<vmem>> -> memref<1x128x16xf32, #tpu.memory_space<vmem>>
    %dma_wait3A_629 = tpu.memref_squeeze %dma_wait3A_628 : memref<1x128x16xf32, #tpu.memory_space<vmem>> -> memref<128x16xf32, #tpu.memory_space<vmem>>
    %dma_wait3A_630 = arith.constant 9728 : i32
    %dma_wait3A_631 = tpu.memref_slice %arg10[%dma_wait3A_624, %dma_wait3A_630] : memref<4x9984xi32, #tpu.memory_space<vmem>> -> memref<1x128xi32, #tpu.memory_space<vmem>>
    %dma_wait3A_632 = tpu.memref_squeeze %dma_wait3A_631 : memref<1x128xi32, #tpu.memory_space<vmem>> -> memref<128xi32, #tpu.memory_space<vmem>>
    %dma_wait3A_633 = arith.constant 0 : i32
    %dma_wait3A_634 = arith.constant 0 : i32
    %dma_wait3A_635 = tpu.memref_slice %arg2[%dma_wait3A_633, %dma_wait3A_634] : memref<2560000x16xf32, #tpu.memory_space<hbm>> -> memref<2560000x16xf32, #tpu.memory_space<hbm>>
    tpu.wait_indirect_dma semaphore(%arg14 : memref<!tpu.dma_semaphore, #tpu.memory_space<semaphore_mem>>) src(%dma_wait3A_635 : memref<2560000x16xf32, #tpu.memory_space<hbm>>) dst(%dma_wait3A_629 : memref<128x16xf32, #tpu.memory_space<vmem>>)
    %dma_wait3A_636 = arith.constant 1 : i32
    %dma_wait3A_637 = arith.constant 1 : i32
    %dma_wait3A_638 = arith.constant 256 : i32
    %dma_wait3A_639 = arith.constant 0 : i32
    %dma_wait3A_640 = tpu.memref_slice %arg7[%dma_wait3A_637, %dma_wait3A_638, %dma_wait3A_639] : memref<4x384x16xf32, #tpu.memory_space<vmem>> -> memref<1x128x16xf32, #tpu.memory_space<vmem>>
    %dma_wait3A_641 = tpu.memref_squeeze %dma_wait3A_640 : memref<1x128x16xf32, #tpu.memory_space<vmem>> -> memref<128x16xf32, #tpu.memory_space<vmem>>
    %dma_wait3A_642 = arith.constant 9856 : i32
    %dma_wait3A_643 = tpu.memref_slice %arg10[%dma_wait3A_636, %dma_wait3A_642] : memref<4x9984xi32, #tpu.memory_space<vmem>> -> memref<1x128xi32, #tpu.memory_space<vmem>>
    %dma_wait3A_644 = tpu.memref_squeeze %dma_wait3A_643 : memref<1x128xi32, #tpu.memory_space<vmem>> -> memref<128xi32, #tpu.memory_space<vmem>>
    %dma_wait3A_645 = arith.constant 0 : i32
    %dma_wait3A_646 = arith.constant 0 : i32
    %dma_wait3A_647 = tpu.memref_slice %arg2[%dma_wait3A_645, %dma_wait3A_646] : memref<2560000x16xf32, #tpu.memory_space<hbm>> -> memref<2560000x16xf32, #tpu.memory_space<hbm>>
    tpu.wait_indirect_dma semaphore(%arg14 : memref<!tpu.dma_semaphore, #tpu.memory_space<semaphore_mem>>) src(%dma_wait3A_647 : memref<2560000x16xf32, #tpu.memory_space<hbm>>) dst(%dma_wait3A_641 : memref<128x16xf32, #tpu.memory_space<vmem>>)
    %dma_wait3A_648 = arith.constant 2 : i32
    %dma_wait3A_649 = arith.constant 2 : i32
    %dma_wait3A_650 = arith.constant 0 : i32
    %dma_wait3A_651 = arith.constant 0 : i32
    %dma_wait3A_652 = tpu.memref_slice %arg7[%dma_wait3A_649, %dma_wait3A_650, %dma_wait3A_651] : memref<4x384x16xf32, #tpu.memory_space<vmem>> -> memref<1x128x16xf32, #tpu.memory_space<vmem>>
    %dma_wait3A_653 = tpu.memref_squeeze %dma_wait3A_652 : memref<1x128x16xf32, #tpu.memory_space<vmem>> -> memref<128x16xf32, #tpu.memory_space<vmem>>
    %dma_wait3A_654 = arith.constant 9600 : i32
    %dma_wait3A_655 = tpu.memref_slice %arg10[%dma_wait3A_648, %dma_wait3A_654] : memref<4x9984xi32, #tpu.memory_space<vmem>> -> memref<1x128xi32, #tpu.memory_space<vmem>>
    %dma_wait3A_656 = tpu.memref_squeeze %dma_wait3A_655 : memref<1x128xi32, #tpu.memory_space<vmem>> -> memref<128xi32, #tpu.memory_space<vmem>>
    %dma_wait3A_657 = arith.constant 0 : i32
    %dma_wait3A_658 = arith.constant 0 : i32
    %dma_wait3A_659 = tpu.memref_slice %arg2[%dma_wait3A_657, %dma_wait3A_658] : memref<2560000x16xf32, #tpu.memory_space<hbm>> -> memref<2560000x16xf32, #tpu.memory_space<hbm>>
    tpu.wait_indirect_dma semaphore(%arg14 : memref<!tpu.dma_semaphore, #tpu.memory_space<semaphore_mem>>) src(%dma_wait3A_659 : memref<2560000x16xf32, #tpu.memory_space<hbm>>) dst(%dma_wait3A_653 : memref<128x16xf32, #tpu.memory_space<vmem>>)
    %dma_wait3A_660 = arith.constant 2 : i32
    %dma_wait3A_661 = arith.constant 2 : i32
    %dma_wait3A_662 = arith.constant 128 : i32
    %dma_wait3A_663 = arith.constant 0 : i32
    %dma_wait3A_664 = tpu.memref_slice %arg7[%dma_wait3A_661, %dma_wait3A_662, %dma_wait3A_663] : memref<4x384x16xf32, #tpu.memory_space<vmem>> -> memref<1x128x16xf32, #tpu.memory_space<vmem>>
    %dma_wait3A_665 = tpu.memref_squeeze %dma_wait3A_664 : memref<1x128x16xf32, #tpu.memory_space<vmem>> -> memref<128x16xf32, #tpu.memory_space<vmem>>
    %dma_wait3A_666 = arith.constant 9728 : i32
    %dma_wait3A_667 = tpu.memref_slice %arg10[%dma_wait3A_660, %dma_wait3A_666] : memref<4x9984xi32, #tpu.memory_space<vmem>> -> memref<1x128xi32, #tpu.memory_space<vmem>>
    %dma_wait3A_668 = tpu.memref_squeeze %dma_wait3A_667 : memref<1x128xi32, #tpu.memory_space<vmem>> -> memref<128xi32, #tpu.memory_space<vmem>>
    %dma_wait3A_669 = arith.constant 0 : i32
    %dma_wait3A_670 = arith.constant 0 : i32
    %dma_wait3A_671 = tpu.memref_slice %arg2[%dma_wait3A_669, %dma_wait3A_670] : memref<2560000x16xf32, #tpu.memory_space<hbm>> -> memref<2560000x16xf32, #tpu.memory_space<hbm>>
    tpu.wait_indirect_dma semaphore(%arg14 : memref<!tpu.dma_semaphore, #tpu.memory_space<semaphore_mem>>) src(%dma_wait3A_671 : memref<2560000x16xf32, #tpu.memory_space<hbm>>) dst(%dma_wait3A_665 : memref<128x16xf32, #tpu.memory_space<vmem>>)
    %dma_wait3A_672 = arith.constant 2 : i32
    %dma_wait3A_673 = arith.constant 2 : i32
    %dma_wait3A_674 = arith.constant 256 : i32
    %dma_wait3A_675 = arith.constant 0 : i32
    %dma_wait3A_676 = tpu.memref_slice %arg7[%dma_wait3A_673, %dma_wait3A_674, %dma_wait3A_675] : memref<4x384x16xf32, #tpu.memory_space<vmem>> -> memref<1x128x16xf32, #tpu.memory_space<vmem>>
    %dma_wait3A_677 = tpu.memref_squeeze %dma_wait3A_676 : memref<1x128x16xf32, #tpu.memory_space<vmem>> -> memref<128x16xf32, #tpu.memory_space<vmem>>
    %dma_wait3A_678 = arith.constant 9856 : i32
    %dma_wait3A_679 = tpu.memref_slice %arg10[%dma_wait3A_672, %dma_wait3A_678] : memref<4x9984xi32, #tpu.memory_space<vmem>> -> memref<1x128xi32, #tpu.memory_space<vmem>>
    %dma_wait3A_680 = tpu.memref_squeeze %dma_wait3A_679 : memref<1x128xi32, #tpu.memory_space<vmem>> -> memref<128xi32, #tpu.memory_space<vmem>>
    %dma_wait3A_681 = arith.constant 0 : i32
    %dma_wait3A_682 = arith.constant 0 : i32
    %dma_wait3A_683 = tpu.memref_slice %arg2[%dma_wait3A_681, %dma_wait3A_682] : memref<2560000x16xf32, #tpu.memory_space<hbm>> -> memref<2560000x16xf32, #tpu.memory_space<hbm>>
    tpu.wait_indirect_dma semaphore(%arg14 : memref<!tpu.dma_semaphore, #tpu.memory_space<semaphore_mem>>) src(%dma_wait3A_683 : memref<2560000x16xf32, #tpu.memory_space<hbm>>) dst(%dma_wait3A_677 : memref<128x16xf32, #tpu.memory_space<vmem>>)
    %dma_wait3A_684 = arith.constant 3 : i32
    %dma_wait3A_685 = arith.constant 3 : i32
    %dma_wait3A_686 = arith.constant 0 : i32
    %dma_wait3A_687 = arith.constant 0 : i32
    %dma_wait3A_688 = tpu.memref_slice %arg7[%dma_wait3A_685, %dma_wait3A_686, %dma_wait3A_687] : memref<4x384x16xf32, #tpu.memory_space<vmem>> -> memref<1x128x16xf32, #tpu.memory_space<vmem>>
    %dma_wait3A_689 = tpu.memref_squeeze %dma_wait3A_688 : memref<1x128x16xf32, #tpu.memory_space<vmem>> -> memref<128x16xf32, #tpu.memory_space<vmem>>
    %dma_wait3A_690 = arith.constant 9600 : i32
    %dma_wait3A_691 = tpu.memref_slice %arg10[%dma_wait3A_684, %dma_wait3A_690] : memref<4x9984xi32, #tpu.memory_space<vmem>> -> memref<1x128xi32, #tpu.memory_space<vmem>>
    %dma_wait3A_692 = tpu.memref_squeeze %dma_wait3A_691 : memref<1x128xi32, #tpu.memory_space<vmem>> -> memref<128xi32, #tpu.memory_space<vmem>>
    %dma_wait3A_693 = arith.constant 0 : i32
    %dma_wait3A_694 = arith.constant 0 : i32
    %dma_wait3A_695 = tpu.memref_slice %arg2[%dma_wait3A_693, %dma_wait3A_694] : memref<2560000x16xf32, #tpu.memory_space<hbm>> -> memref<2560000x16xf32, #tpu.memory_space<hbm>>
    tpu.wait_indirect_dma semaphore(%arg14 : memref<!tpu.dma_semaphore, #tpu.memory_space<semaphore_mem>>) src(%dma_wait3A_695 : memref<2560000x16xf32, #tpu.memory_space<hbm>>) dst(%dma_wait3A_689 : memref<128x16xf32, #tpu.memory_space<vmem>>)
    %dma_wait3A_696 = arith.constant 3 : i32
    %dma_wait3A_697 = arith.constant 3 : i32
    %dma_wait3A_698 = arith.constant 128 : i32
    %dma_wait3A_699 = arith.constant 0 : i32
    %dma_wait3A_700 = tpu.memref_slice %arg7[%dma_wait3A_697, %dma_wait3A_698, %dma_wait3A_699] : memref<4x384x16xf32, #tpu.memory_space<vmem>> -> memref<1x128x16xf32, #tpu.memory_space<vmem>>
    %dma_wait3A_701 = tpu.memref_squeeze %dma_wait3A_700 : memref<1x128x16xf32, #tpu.memory_space<vmem>> -> memref<128x16xf32, #tpu.memory_space<vmem>>
    %dma_wait3A_702 = arith.constant 9728 : i32
    %dma_wait3A_703 = tpu.memref_slice %arg10[%dma_wait3A_696, %dma_wait3A_702] : memref<4x9984xi32, #tpu.memory_space<vmem>> -> memref<1x128xi32, #tpu.memory_space<vmem>>
    %dma_wait3A_704 = tpu.memref_squeeze %dma_wait3A_703 : memref<1x128xi32, #tpu.memory_space<vmem>> -> memref<128xi32, #tpu.memory_space<vmem>>
    %dma_wait3A_705 = arith.constant 0 : i32
    %dma_wait3A_706 = arith.constant 0 : i32
    %dma_wait3A_707 = tpu.memref_slice %arg2[%dma_wait3A_705, %dma_wait3A_706] : memref<2560000x16xf32, #tpu.memory_space<hbm>> -> memref<2560000x16xf32, #tpu.memory_space<hbm>>
    tpu.wait_indirect_dma semaphore(%arg14 : memref<!tpu.dma_semaphore, #tpu.memory_space<semaphore_mem>>) src(%dma_wait3A_707 : memref<2560000x16xf32, #tpu.memory_space<hbm>>) dst(%dma_wait3A_701 : memref<128x16xf32, #tpu.memory_space<vmem>>)
    %dma_wait3A_708 = arith.constant 3 : i32
    %dma_wait3A_709 = arith.constant 3 : i32
    %dma_wait3A_710 = arith.constant 256 : i32
    %dma_wait3A_711 = arith.constant 0 : i32
    %dma_wait3A_712 = tpu.memref_slice %arg7[%dma_wait3A_709, %dma_wait3A_710, %dma_wait3A_711] : memref<4x384x16xf32, #tpu.memory_space<vmem>> -> memref<1x128x16xf32, #tpu.memory_space<vmem>>
    %dma_wait3A_713 = tpu.memref_squeeze %dma_wait3A_712 : memref<1x128x16xf32, #tpu.memory_space<vmem>> -> memref<128x16xf32, #tpu.memory_space<vmem>>
    %dma_wait3A_714 = arith.constant 9856 : i32
    %dma_wait3A_715 = tpu.memref_slice %arg10[%dma_wait3A_708, %dma_wait3A_714] : memref<4x9984xi32, #tpu.memory_space<vmem>> -> memref<1x128xi32, #tpu.memory_space<vmem>>
    %dma_wait3A_716 = tpu.memref_squeeze %dma_wait3A_715 : memref<1x128xi32, #tpu.memory_space<vmem>> -> memref<128xi32, #tpu.memory_space<vmem>>
    %dma_wait3A_717 = arith.constant 0 : i32
    %dma_wait3A_718 = arith.constant 0 : i32
    %dma_wait3A_719 = tpu.memref_slice %arg2[%dma_wait3A_717, %dma_wait3A_718] : memref<2560000x16xf32, #tpu.memory_space<hbm>> -> memref<2560000x16xf32, #tpu.memory_space<hbm>>
    tpu.wait_indirect_dma semaphore(%arg14 : memref<!tpu.dma_semaphore, #tpu.memory_space<semaphore_mem>>) src(%dma_wait3A_719 : memref<2560000x16xf32, #tpu.memory_space<hbm>>) dst(%dma_wait3A_713 : memref<128x16xf32, #tpu.memory_space<vmem>>)
    %scan3A_720 = arith.constant 0 : i32
    %scan3A_721 = arith.constant 24 : i32
    %scan3A_722 = arith.addi %scan3A_720, %scan3A_721 : i32
    %scan3A_723 = arith.constant 1 : i32
    %scan3A_724:16 = scf.for %scan3A_945 = %scan3A_720 to %scan3A_722 step %scan3A_723 iter_args(%scan3A_946 = %scan3A_574#0, %scan3A_947 = %scan3A_574#1, %scan3A_948 = %scan3A_574#2, %scan3A_949 = %scan3A_574#3, %scan3A_950 = %scan3A_574#4, %scan3A_951 = %scan3A_574#5, %scan3A_952 = %scan3A_574#6, %scan3A_953 = %scan3A_574#7, %scan3A_954 = %scan3A_574#8, %scan3A_955 = %scan3A_574#9, %scan3A_956 = %scan3A_574#10, %scan3A_957 = %scan3A_574#11, %scan3A_958 = %scan3A_574#12, %scan3A_959 = %scan3A_574#13, %scan3A_960 = %scan3A_574#14, %scan3A_961 = %scan3A_574#15) -> (vector<16xf32>, vector<16xf32>, vector<16xf32>, vector<16xf32>, vector<16xf32>, vector<16xf32>, vector<16xf32>, vector<16xf32>, vector<16xf32>, vector<16xf32>, vector<16xf32>, vector<16xf32>, vector<16xf32>, vector<16xf32>, vector<16xf32>, vector<16xf32>)  : i32 {
      %mul3A_962 = arith.constant 16 : i32
      %mul3A_963 = arith.muli %scan3A_945, %mul3A_962 : i32
      %add3A_964 = vector.broadcast %mul3A_963 : i32 to vector<16xi32>
      %add3A_965 = arith.addi %add3A_964, %iota3A : vector<16xi32>
      %gather3A_966 = arith.constant 0 : i32
      %gather3A_967 = arith.constant 0 : i32
      %gather3A_968 = arith.constant 0 : i32
      %gather3A_969 = tpu.memref_slice %arg7[%gather3A_966, %gather3A_967, %gather3A_968] : memref<4x384x16xf32, #tpu.memory_space<vmem>> -> memref<1x384x16xf32, #tpu.memory_space<vmem>>
      %gather3A_970 = tpu.memref_squeeze %gather3A_969 : memref<1x384x16xf32, #tpu.memory_space<vmem>> -> memref<384x16xf32, #tpu.memory_space<vmem>>
      %gather3A_971 = tpu.vector_load_idx %gather3A_970[%add3A_965, %broadcast_in_dim3A_28] : memref<384x16xf32, #tpu.memory_space<vmem>>[vector<16xi32>, vector<16xi32>], vector<16xf32>,
      %gather3A_972 = arith.constant 1 : i32
      %gather3A_973 = arith.constant 0 : i32
      %gather3A_974 = arith.constant 0 : i32
      %gather3A_975 = tpu.memref_slice %arg7[%gather3A_972, %gather3A_973, %gather3A_974] : memref<4x384x16xf32, #tpu.memory_space<vmem>> -> memref<1x384x16xf32, #tpu.memory_space<vmem>>
      %gather3A_976 = tpu.memref_squeeze %gather3A_975 : memref<1x384x16xf32, #tpu.memory_space<vmem>> -> memref<384x16xf32, #tpu.memory_space<vmem>>
      %gather3A_977 = tpu.vector_load_idx %gather3A_976[%add3A_965, %broadcast_in_dim3A_31] : memref<384x16xf32, #tpu.memory_space<vmem>>[vector<16xi32>, vector<16xi32>], vector<16xf32>,
      %gather3A_978 = arith.constant 2 : i32
      %gather3A_979 = arith.constant 0 : i32
      %gather3A_980 = arith.constant 0 : i32
      %gather3A_981 = tpu.memref_slice %arg7[%gather3A_978, %gather3A_979, %gather3A_980] : memref<4x384x16xf32, #tpu.memory_space<vmem>> -> memref<1x384x16xf32, #tpu.memory_space<vmem>>
      %gather3A_982 = tpu.memref_squeeze %gather3A_981 : memref<1x384x16xf32, #tpu.memory_space<vmem>> -> memref<384x16xf32, #tpu.memory_space<vmem>>
      %gather3A_983 = tpu.vector_load_idx %gather3A_982[%add3A_965, %broadcast_in_dim3A_34] : memref<384x16xf32, #tpu.memory_space<vmem>>[vector<16xi32>, vector<16xi32>], vector<16xf32>,
      %gather3A_984 = arith.constant 3 : i32
      %gather3A_985 = arith.constant 0 : i32
      %gather3A_986 = arith.constant 0 : i32
      %gather3A_987 = tpu.memref_slice %arg7[%gather3A_984, %gather3A_985, %gather3A_986] : memref<4x384x16xf32, #tpu.memory_space<vmem>> -> memref<1x384x16xf32, #tpu.memory_space<vmem>>
      %gather3A_988 = tpu.memref_squeeze %gather3A_987 : memref<1x384x16xf32, #tpu.memory_space<vmem>> -> memref<384x16xf32, #tpu.memory_space<vmem>>
      %gather3A_989 = tpu.vector_load_idx %gather3A_988[%add3A_965, %broadcast_in_dim3A_37] : memref<384x16xf32, #tpu.memory_space<vmem>>[vector<16xi32>, vector<16xi32>], vector<16xf32>,
      %mul3A_990 = arith.constant 2.000000e+00 : f32
      %mul3A_991 = vector.broadcast %mul3A_990 : f32 to vector<16xf32>
      %mul3A_992 = arith.mulf %mul3A_991, %gather3A_977 : vector<16xf32>
      %add3A_993 = arith.addf %gather3A_971, %mul3A_992 : vector<16xf32>
      %mul3A_994 = arith.constant 4.000000e+00 : f32
      %mul3A_995 = vector.broadcast %mul3A_994 : f32 to vector<16xf32>
      %mul3A_996 = arith.mulf %mul3A_995, %gather3A_983 : vector<16xf32>
      %add3A_997 = arith.addf %add3A_993, %mul3A_996 : vector<16xf32>
      %eq3A_998 = arith.constant 0.000000e+00 : f32
      %eq3A_999 = vector.broadcast %eq3A_998 : f32 to vector<16xf32>
      %eq3A_1000 = arith.cmpf oeq, %add3A_997, %eq3A_999 : vector<16xf32>
      %select_n3A_1001 = arith.select %eq3A_1000, %gather3A_989, %broadcast_in_dim3A_4 : vector<16xi1>, vector<16xf32>
      %add3A_1002 = arith.addf %scan3A_946, %select_n3A_1001 : vector<16xf32>
      %select_n3A_1003 = arith.select %eq3A_1000, %broadcast_in_dim3A_6, %broadcast_in_dim3A_4 : vector<16xi1>, vector<16xf32>
      %add3A_1004 = arith.addf %scan3A_954, %select_n3A_1003 : vector<16xf32>
      %eq3A_1005 = arith.constant 1.000000e+00 : f32
      %eq3A_1006 = vector.broadcast %eq3A_1005 : f32 to vector<16xf32>
      %eq3A_1007 = arith.cmpf oeq, %add3A_997, %eq3A_1006 : vector<16xf32>
      %select_n3A_1008 = arith.select %eq3A_1007, %gather3A_989, %broadcast_in_dim3A_4 : vector<16xi1>, vector<16xf32>
      %add3A_1009 = arith.addf %scan3A_947, %select_n3A_1008 : vector<16xf32>
      %select_n3A_1010 = arith.select %eq3A_1007, %broadcast_in_dim3A_6, %broadcast_in_dim3A_4 : vector<16xi1>, vector<16xf32>
      %add3A_1011 = arith.addf %scan3A_955, %select_n3A_1010 : vector<16xf32>
      %eq3A_1012 = arith.constant 2.000000e+00 : f32
      %eq3A_1013 = vector.broadcast %eq3A_1012 : f32 to vector<16xf32>
      %eq3A_1014 = arith.cmpf oeq, %add3A_997, %eq3A_1013 : vector<16xf32>
      %select_n3A_1015 = arith.select %eq3A_1014, %gather3A_989, %broadcast_in_dim3A_4 : vector<16xi1>, vector<16xf32>
      %add3A_1016 = arith.addf %scan3A_948, %select_n3A_1015 : vector<16xf32>
      %select_n3A_1017 = arith.select %eq3A_1014, %broadcast_in_dim3A_6, %broadcast_in_dim3A_4 : vector<16xi1>, vector<16xf32>
      %add3A_1018 = arith.addf %scan3A_956, %select_n3A_1017 : vector<16xf32>
      %eq3A_1019 = arith.constant 3.000000e+00 : f32
      %eq3A_1020 = vector.broadcast %eq3A_1019 : f32 to vector<16xf32>
      %eq3A_1021 = arith.cmpf oeq, %add3A_997, %eq3A_1020 : vector<16xf32>
      %select_n3A_1022 = arith.select %eq3A_1021, %gather3A_989, %broadcast_in_dim3A_4 : vector<16xi1>, vector<16xf32>
      %add3A_1023 = arith.addf %scan3A_949, %select_n3A_1022 : vector<16xf32>
      %select_n3A_1024 = arith.select %eq3A_1021, %broadcast_in_dim3A_6, %broadcast_in_dim3A_4 : vector<16xi1>, vector<16xf32>
      %add3A_1025 = arith.addf %scan3A_957, %select_n3A_1024 : vector<16xf32>
      %eq3A_1026 = arith.constant 4.000000e+00 : f32
      %eq3A_1027 = vector.broadcast %eq3A_1026 : f32 to vector<16xf32>
      %eq3A_1028 = arith.cmpf oeq, %add3A_997, %eq3A_1027 : vector<16xf32>
      %select_n3A_1029 = arith.select %eq3A_1028, %gather3A_989, %broadcast_in_dim3A_4 : vector<16xi1>, vector<16xf32>
      %add3A_1030 = arith.addf %scan3A_950, %select_n3A_1029 : vector<16xf32>
      %select_n3A_1031 = arith.select %eq3A_1028, %broadcast_in_dim3A_6, %broadcast_in_dim3A_4 : vector<16xi1>, vector<16xf32>
      %add3A_1032 = arith.addf %scan3A_958, %select_n3A_1031 : vector<16xf32>
      %eq3A_1033 = arith.constant 5.000000e+00 : f32
      %eq3A_1034 = vector.broadcast %eq3A_1033 : f32 to vector<16xf32>
      %eq3A_1035 = arith.cmpf oeq, %add3A_997, %eq3A_1034 : vector<16xf32>
      %select_n3A_1036 = arith.select %eq3A_1035, %gather3A_989, %broadcast_in_dim3A_4 : vector<16xi1>, vector<16xf32>
      %add3A_1037 = arith.addf %scan3A_951, %select_n3A_1036 : vector<16xf32>
      %select_n3A_1038 = arith.select %eq3A_1035, %broadcast_in_dim3A_6, %broadcast_in_dim3A_4 : vector<16xi1>, vector<16xf32>
      %add3A_1039 = arith.addf %scan3A_959, %select_n3A_1038 : vector<16xf32>
      %eq3A_1040 = arith.constant 6.000000e+00 : f32
      %eq3A_1041 = vector.broadcast %eq3A_1040 : f32 to vector<16xf32>
      %eq3A_1042 = arith.cmpf oeq, %add3A_997, %eq3A_1041 : vector<16xf32>
      %select_n3A_1043 = arith.select %eq3A_1042, %gather3A_989, %broadcast_in_dim3A_4 : vector<16xi1>, vector<16xf32>
      %add3A_1044 = arith.addf %scan3A_952, %select_n3A_1043 : vector<16xf32>
      %select_n3A_1045 = arith.select %eq3A_1042, %broadcast_in_dim3A_6, %broadcast_in_dim3A_4 : vector<16xi1>, vector<16xf32>
      %add3A_1046 = arith.addf %scan3A_960, %select_n3A_1045 : vector<16xf32>
      %eq3A_1047 = arith.constant 7.000000e+00 : f32
      %eq3A_1048 = vector.broadcast %eq3A_1047 : f32 to vector<16xf32>
      %eq3A_1049 = arith.cmpf oeq, %add3A_997, %eq3A_1048 : vector<16xf32>
      %select_n3A_1050 = arith.select %eq3A_1049, %gather3A_989, %broadcast_in_dim3A_4 : vector<16xi1>, vector<16xf32>
      %add3A_1051 = arith.addf %scan3A_953, %select_n3A_1050 : vector<16xf32>
      %select_n3A_1052 = arith.select %eq3A_1049, %broadcast_in_dim3A_6, %broadcast_in_dim3A_4 : vector<16xi1>, vector<16xf32>
      %add3A_1053 = arith.addf %scan3A_961, %select_n3A_1052 : vector<16xf32>
      scf.yield %add3A_1002, %add3A_1009, %add3A_1016, %add3A_1023, %add3A_1030, %add3A_1037, %add3A_1044, %add3A_1051, %add3A_1004, %add3A_1011, %add3A_1018, %add3A_1025, %add3A_1032, %add3A_1039, %add3A_1046, %add3A_1053 : vector<16xf32>, vector<16xf32>, vector<16xf32>, vector<16xf32>, vector<16xf32>, vector<16xf32>, vector<16xf32>, vector<16xf32>, vector<16xf32>, vector<16xf32>, vector<16xf32>, vector<16xf32>, vector<16xf32>, vector<16xf32>, vector<16xf32>, vector<16xf32>
    }
    %scan3A_725 = arith.constant 24 : i32
    %add3A_726 = arith.constant 9984 : i32
    %add3A_727 = arith.addi %mul3A_2, %add3A_726 : i32
    %add3A_728 = vector.broadcast %add3A_727 : i32 to vector<16xi32>
    %add3A_729 = arith.addi %add3A_728, %iota3A : vector<16xi32>
    %mul3A_730 = arith.constant 8 : i32
    %mul3A_731 = vector.broadcast %mul3A_730 : i32 to vector<16xi32>
    %mul3A_732 = arith.muli %add3A_729, %mul3A_731 : vector<16xi32>
    %add3A_733 = vector.broadcast %shift_right_logical3A_20 : i32 to vector<16xi32>
    %add3A_734 = arith.addi %mul3A_732, %add3A_733 : vector<16xi32>
    %dma_wait3A_735 = arith.constant 0 : i32
    %dma_wait3A_736 = arith.constant 0 : i32
    %dma_wait3A_737 = arith.constant 0 : i32
    %dma_wait3A_738 = tpu.memref_slice %arg9[%dma_wait3A_735, %dma_wait3A_736, %dma_wait3A_737] : memref<4x16x16xf32, #tpu.memory_space<vmem>> -> memref<1x16x16xf32, #tpu.memory_space<vmem>>
    %dma_wait3A_739 = tpu.memref_squeeze %dma_wait3A_738 : memref<1x16x16xf32, #tpu.memory_space<vmem>> -> memref<16x16xf32, #tpu.memory_space<vmem>>
    %dma_wait3A_740 = arith.constant 0 : i32
    %dma_wait3A_741 = arith.constant 0 : i32
    %dma_wait3A_742 = tpu.memref_slice %arg2[%dma_wait3A_740, %dma_wait3A_741] : memref<2560000x16xf32, #tpu.memory_space<hbm>> -> memref<2560000x16xf32, #tpu.memory_space<hbm>>
    tpu.wait_indirect_dma semaphore(%arg16 : memref<!tpu.dma_semaphore, #tpu.memory_space<semaphore_mem>>) src(%dma_wait3A_742 : memref<2560000x16xf32, #tpu.memory_space<hbm>>) dst(%dma_wait3A_739 : memref<16x16xf32, #tpu.memory_space<vmem>>)
    %add3A_743 = arith.constant 9984 : i32
    %add3A_744 = arith.addi %mul3A_2, %add3A_743 : i32
    %add3A_745 = vector.broadcast %add3A_744 : i32 to vector<16xi32>
    %add3A_746 = arith.addi %add3A_745, %iota3A : vector<16xi32>
    %mul3A_747 = arith.constant 8 : i32
    %mul3A_748 = vector.broadcast %mul3A_747 : i32 to vector<16xi32>
    %mul3A_749 = arith.muli %add3A_746, %mul3A_748 : vector<16xi32>
    %add3A_750 = vector.broadcast %shift_right_logical3A_22 : i32 to vector<16xi32>
    %add3A_751 = arith.addi %mul3A_749, %add3A_750 : vector<16xi32>
    %dma_wait3A_752 = arith.constant 1 : i32
    %dma_wait3A_753 = arith.constant 0 : i32
    %dma_wait3A_754 = arith.constant 0 : i32
    %dma_wait3A_755 = tpu.memref_slice %arg9[%dma_wait3A_752, %dma_wait3A_753, %dma_wait3A_754] : memref<4x16x16xf32, #tpu.memory_space<vmem>> -> memref<1x16x16xf32, #tpu.memory_space<vmem>>
    %dma_wait3A_756 = tpu.memref_squeeze %dma_wait3A_755 : memref<1x16x16xf32, #tpu.memory_space<vmem>> -> memref<16x16xf32, #tpu.memory_space<vmem>>
    %dma_wait3A_757 = arith.constant 0 : i32
    %dma_wait3A_758 = arith.constant 0 : i32
    %dma_wait3A_759 = tpu.memref_slice %arg2[%dma_wait3A_757, %dma_wait3A_758] : memref<2560000x16xf32, #tpu.memory_space<hbm>> -> memref<2560000x16xf32, #tpu.memory_space<hbm>>
    tpu.wait_indirect_dma semaphore(%arg16 : memref<!tpu.dma_semaphore, #tpu.memory_space<semaphore_mem>>) src(%dma_wait3A_759 : memref<2560000x16xf32, #tpu.memory_space<hbm>>) dst(%dma_wait3A_756 : memref<16x16xf32, #tpu.memory_space<vmem>>)
    %add3A_760 = arith.constant 9984 : i32
    %add3A_761 = arith.addi %mul3A_2, %add3A_760 : i32
    %add3A_762 = vector.broadcast %add3A_761 : i32 to vector<16xi32>
    %add3A_763 = arith.addi %add3A_762, %iota3A : vector<16xi32>
    %mul3A_764 = arith.constant 8 : i32
    %mul3A_765 = vector.broadcast %mul3A_764 : i32 to vector<16xi32>
    %mul3A_766 = arith.muli %add3A_763, %mul3A_765 : vector<16xi32>
    %add3A_767 = vector.broadcast %shift_right_logical3A_24 : i32 to vector<16xi32>
    %add3A_768 = arith.addi %mul3A_766, %add3A_767 : vector<16xi32>
    %dma_wait3A_769 = arith.constant 2 : i32
    %dma_wait3A_770 = arith.constant 0 : i32
    %dma_wait3A_771 = arith.constant 0 : i32
    %dma_wait3A_772 = tpu.memref_slice %arg9[%dma_wait3A_769, %dma_wait3A_770, %dma_wait3A_771] : memref<4x16x16xf32, #tpu.memory_space<vmem>> -> memref<1x16x16xf32, #tpu.memory_space<vmem>>
    %dma_wait3A_773 = tpu.memref_squeeze %dma_wait3A_772 : memref<1x16x16xf32, #tpu.memory_space<vmem>> -> memref<16x16xf32, #tpu.memory_space<vmem>>
    %dma_wait3A_774 = arith.constant 0 : i32
    %dma_wait3A_775 = arith.constant 0 : i32
    %dma_wait3A_776 = tpu.memref_slice %arg2[%dma_wait3A_774, %dma_wait3A_775] : memref<2560000x16xf32, #tpu.memory_space<hbm>> -> memref<2560000x16xf32, #tpu.memory_space<hbm>>
    tpu.wait_indirect_dma semaphore(%arg16 : memref<!tpu.dma_semaphore, #tpu.memory_space<semaphore_mem>>) src(%dma_wait3A_776 : memref<2560000x16xf32, #tpu.memory_space<hbm>>) dst(%dma_wait3A_773 : memref<16x16xf32, #tpu.memory_space<vmem>>)
    %add3A_777 = arith.constant 9984 : i32
    %add3A_778 = arith.addi %mul3A_2, %add3A_777 : i32
    %add3A_779 = vector.broadcast %add3A_778 : i32 to vector<16xi32>
    %add3A_780 = arith.addi %add3A_779, %iota3A : vector<16xi32>
    %mul3A_781 = arith.constant 8 : i32
    %mul3A_782 = vector.broadcast %mul3A_781 : i32 to vector<16xi32>
    %mul3A_783 = arith.muli %add3A_780, %mul3A_782 : vector<16xi32>
    %add3A_784 = vector.broadcast %shift_right_logical3A_26 : i32 to vector<16xi32>
    %add3A_785 = arith.addi %mul3A_783, %add3A_784 : vector<16xi32>
    %dma_wait3A_786 = arith.constant 3 : i32
    %dma_wait3A_787 = arith.constant 0 : i32
    %dma_wait3A_788 = arith.constant 0 : i32
    %dma_wait3A_789 = tpu.memref_slice %arg9[%dma_wait3A_786, %dma_wait3A_787, %dma_wait3A_788] : memref<4x16x16xf32, #tpu.memory_space<vmem>> -> memref<1x16x16xf32, #tpu.memory_space<vmem>>
    %dma_wait3A_790 = tpu.memref_squeeze %dma_wait3A_789 : memref<1x16x16xf32, #tpu.memory_space<vmem>> -> memref<16x16xf32, #tpu.memory_space<vmem>>
    %dma_wait3A_791 = arith.constant 0 : i32
    %dma_wait3A_792 = arith.constant 0 : i32
    %dma_wait3A_793 = tpu.memref_slice %arg2[%dma_wait3A_791, %dma_wait3A_792] : memref<2560000x16xf32, #tpu.memory_space<hbm>> -> memref<2560000x16xf32, #tpu.memory_space<hbm>>
    tpu.wait_indirect_dma semaphore(%arg16 : memref<!tpu.dma_semaphore, #tpu.memory_space<semaphore_mem>>) src(%dma_wait3A_793 : memref<2560000x16xf32, #tpu.memory_space<hbm>>) dst(%dma_wait3A_790 : memref<16x16xf32, #tpu.memory_space<vmem>>)
    %add3A_794 = arith.constant 0 : i32
    %add3A_795 = vector.broadcast %add3A_794 : i32 to vector<16xi32>
    %add3A_796 = arith.addi %add3A_795, %iota3A : vector<16xi32>
    %gather3A = arith.constant 0 : i32
    %gather3A_797 = arith.constant 0 : i32
    %gather3A_798 = arith.constant 0 : i32
    %gather3A_799 = tpu.memref_slice %arg9[%gather3A, %gather3A_797, %gather3A_798] : memref<4x16x16xf32, #tpu.memory_space<vmem>> -> memref<1x16x16xf32, #tpu.memory_space<vmem>>
    %gather3A_800 = tpu.memref_squeeze %gather3A_799 : memref<1x16x16xf32, #tpu.memory_space<vmem>> -> memref<16x16xf32, #tpu.memory_space<vmem>>
    %gather3A_801 = tpu.vector_load_idx %gather3A_800[%add3A_796, %broadcast_in_dim3A_28] : memref<16x16xf32, #tpu.memory_space<vmem>>[vector<16xi32>, vector<16xi32>], vector<16xf32>,
    %gather3A_802 = arith.constant 1 : i32
    %gather3A_803 = arith.constant 0 : i32
    %gather3A_804 = arith.constant 0 : i32
    %gather3A_805 = tpu.memref_slice %arg9[%gather3A_802, %gather3A_803, %gather3A_804] : memref<4x16x16xf32, #tpu.memory_space<vmem>> -> memref<1x16x16xf32, #tpu.memory_space<vmem>>
    %gather3A_806 = tpu.memref_squeeze %gather3A_805 : memref<1x16x16xf32, #tpu.memory_space<vmem>> -> memref<16x16xf32, #tpu.memory_space<vmem>>
    %gather3A_807 = tpu.vector_load_idx %gather3A_806[%add3A_796, %broadcast_in_dim3A_31] : memref<16x16xf32, #tpu.memory_space<vmem>>[vector<16xi32>, vector<16xi32>], vector<16xf32>,
    %gather3A_808 = arith.constant 2 : i32
    %gather3A_809 = arith.constant 0 : i32
    %gather3A_810 = arith.constant 0 : i32
    %gather3A_811 = tpu.memref_slice %arg9[%gather3A_808, %gather3A_809, %gather3A_810] : memref<4x16x16xf32, #tpu.memory_space<vmem>> -> memref<1x16x16xf32, #tpu.memory_space<vmem>>
    %gather3A_812 = tpu.memref_squeeze %gather3A_811 : memref<1x16x16xf32, #tpu.memory_space<vmem>> -> memref<16x16xf32, #tpu.memory_space<vmem>>
    %gather3A_813 = tpu.vector_load_idx %gather3A_812[%add3A_796, %broadcast_in_dim3A_34] : memref<16x16xf32, #tpu.memory_space<vmem>>[vector<16xi32>, vector<16xi32>], vector<16xf32>,
    %gather3A_814 = arith.constant 3 : i32
    %gather3A_815 = arith.constant 0 : i32
    %gather3A_816 = arith.constant 0 : i32
    %gather3A_817 = tpu.memref_slice %arg9[%gather3A_814, %gather3A_815, %gather3A_816] : memref<4x16x16xf32, #tpu.memory_space<vmem>> -> memref<1x16x16xf32, #tpu.memory_space<vmem>>
    %gather3A_818 = tpu.memref_squeeze %gather3A_817 : memref<1x16x16xf32, #tpu.memory_space<vmem>> -> memref<16x16xf32, #tpu.memory_space<vmem>>
    %gather3A_819 = tpu.vector_load_idx %gather3A_818[%add3A_796, %broadcast_in_dim3A_37] : memref<16x16xf32, #tpu.memory_space<vmem>>[vector<16xi32>, vector<16xi32>], vector<16xf32>,
    %mul3A_820 = arith.constant 2.000000e+00 : f32
    %mul3A_821 = vector.broadcast %mul3A_820 : f32 to vector<16xf32>
    %mul3A_822 = arith.mulf %mul3A_821, %gather3A_807 : vector<16xf32>
    %add3A_823 = arith.addf %gather3A_801, %mul3A_822 : vector<16xf32>
    %mul3A_824 = arith.constant 4.000000e+00 : f32
    %mul3A_825 = vector.broadcast %mul3A_824 : f32 to vector<16xf32>
    %mul3A_826 = arith.mulf %mul3A_825, %gather3A_813 : vector<16xf32>
    %add3A_827 = arith.addf %add3A_823, %mul3A_826 : vector<16xf32>
    %eq3A = arith.constant 0.000000e+00 : f32
    %eq3A_828 = vector.broadcast %eq3A : f32 to vector<16xf32>
    %eq3A_829 = arith.cmpf oeq, %add3A_827, %eq3A_828 : vector<16xf32>
    %select_n3A = arith.select %eq3A_829, %gather3A_819, %broadcast_in_dim3A_4 : vector<16xi1>, vector<16xf32>
    %add3A_830 = arith.addf %scan3A_724#0, %select_n3A : vector<16xf32>
    %select_n3A_831 = arith.select %eq3A_829, %broadcast_in_dim3A_6, %broadcast_in_dim3A_4 : vector<16xi1>, vector<16xf32>
    %add3A_832 = arith.addf %scan3A_724#8, %select_n3A_831 : vector<16xf32>
    %eq3A_833 = arith.constant 1.000000e+00 : f32
    %eq3A_834 = vector.broadcast %eq3A_833 : f32 to vector<16xf32>
    %eq3A_835 = arith.cmpf oeq, %add3A_827, %eq3A_834 : vector<16xf32>
    %select_n3A_836 = arith.select %eq3A_835, %gather3A_819, %broadcast_in_dim3A_4 : vector<16xi1>, vector<16xf32>
    %add3A_837 = arith.addf %scan3A_724#1, %select_n3A_836 : vector<16xf32>
    %select_n3A_838 = arith.select %eq3A_835, %broadcast_in_dim3A_6, %broadcast_in_dim3A_4 : vector<16xi1>, vector<16xf32>
    %add3A_839 = arith.addf %scan3A_724#9, %select_n3A_838 : vector<16xf32>
    %eq3A_840 = arith.constant 2.000000e+00 : f32
    %eq3A_841 = vector.broadcast %eq3A_840 : f32 to vector<16xf32>
    %eq3A_842 = arith.cmpf oeq, %add3A_827, %eq3A_841 : vector<16xf32>
    %select_n3A_843 = arith.select %eq3A_842, %gather3A_819, %broadcast_in_dim3A_4 : vector<16xi1>, vector<16xf32>
    %add3A_844 = arith.addf %scan3A_724#2, %select_n3A_843 : vector<16xf32>
    %select_n3A_845 = arith.select %eq3A_842, %broadcast_in_dim3A_6, %broadcast_in_dim3A_4 : vector<16xi1>, vector<16xf32>
    %add3A_846 = arith.addf %scan3A_724#10, %select_n3A_845 : vector<16xf32>
    %eq3A_847 = arith.constant 3.000000e+00 : f32
    %eq3A_848 = vector.broadcast %eq3A_847 : f32 to vector<16xf32>
    %eq3A_849 = arith.cmpf oeq, %add3A_827, %eq3A_848 : vector<16xf32>
    %select_n3A_850 = arith.select %eq3A_849, %gather3A_819, %broadcast_in_dim3A_4 : vector<16xi1>, vector<16xf32>
    %add3A_851 = arith.addf %scan3A_724#3, %select_n3A_850 : vector<16xf32>
    %select_n3A_852 = arith.select %eq3A_849, %broadcast_in_dim3A_6, %broadcast_in_dim3A_4 : vector<16xi1>, vector<16xf32>
    %add3A_853 = arith.addf %scan3A_724#11, %select_n3A_852 : vector<16xf32>
    %eq3A_854 = arith.constant 4.000000e+00 : f32
    %eq3A_855 = vector.broadcast %eq3A_854 : f32 to vector<16xf32>
    %eq3A_856 = arith.cmpf oeq, %add3A_827, %eq3A_855 : vector<16xf32>
    %select_n3A_857 = arith.select %eq3A_856, %gather3A_819, %broadcast_in_dim3A_4 : vector<16xi1>, vector<16xf32>
    %add3A_858 = arith.addf %scan3A_724#4, %select_n3A_857 : vector<16xf32>
    %select_n3A_859 = arith.select %eq3A_856, %broadcast_in_dim3A_6, %broadcast_in_dim3A_4 : vector<16xi1>, vector<16xf32>
    %add3A_860 = arith.addf %scan3A_724#12, %select_n3A_859 : vector<16xf32>
    %eq3A_861 = arith.constant 5.000000e+00 : f32
    %eq3A_862 = vector.broadcast %eq3A_861 : f32 to vector<16xf32>
    %eq3A_863 = arith.cmpf oeq, %add3A_827, %eq3A_862 : vector<16xf32>
    %select_n3A_864 = arith.select %eq3A_863, %gather3A_819, %broadcast_in_dim3A_4 : vector<16xi1>, vector<16xf32>
    %add3A_865 = arith.addf %scan3A_724#5, %select_n3A_864 : vector<16xf32>
    %select_n3A_866 = arith.select %eq3A_863, %broadcast_in_dim3A_6, %broadcast_in_dim3A_4 : vector<16xi1>, vector<16xf32>
    %add3A_867 = arith.addf %scan3A_724#13, %select_n3A_866 : vector<16xf32>
    %eq3A_868 = arith.constant 6.000000e+00 : f32
    %eq3A_869 = vector.broadcast %eq3A_868 : f32 to vector<16xf32>
    %eq3A_870 = arith.cmpf oeq, %add3A_827, %eq3A_869 : vector<16xf32>
    %select_n3A_871 = arith.select %eq3A_870, %gather3A_819, %broadcast_in_dim3A_4 : vector<16xi1>, vector<16xf32>
    %add3A_872 = arith.addf %scan3A_724#6, %select_n3A_871 : vector<16xf32>
    %select_n3A_873 = arith.select %eq3A_870, %broadcast_in_dim3A_6, %broadcast_in_dim3A_4 : vector<16xi1>, vector<16xf32>
    %add3A_874 = arith.addf %scan3A_724#14, %select_n3A_873 : vector<16xf32>
    %eq3A_875 = arith.constant 7.000000e+00 : f32
    %eq3A_876 = vector.broadcast %eq3A_875 : f32 to vector<16xf32>
    %eq3A_877 = arith.cmpf oeq, %add3A_827, %eq3A_876 : vector<16xf32>
    %select_n3A_878 = arith.select %eq3A_877, %gather3A_819, %broadcast_in_dim3A_4 : vector<16xi1>, vector<16xf32>
    %add3A_879 = arith.addf %scan3A_724#7, %select_n3A_878 : vector<16xf32>
    %select_n3A_880 = arith.select %eq3A_877, %broadcast_in_dim3A_6, %broadcast_in_dim3A_4 : vector<16xi1>, vector<16xf32>
    %add3A_881 = arith.addf %scan3A_724#15, %select_n3A_880 : vector<16xf32>
    %swap3A = arith.constant 0 : i32
    %swap3A_882 = arith.index_cast %swap3A : i32 to index
    %swap3A_883 = arith.constant 0 : index
    %swap3A_884 = tpu.vector_load %arg11[%swap3A_882, %swap3A_883] {strides = array<i32>} : memref<16x16xf32, #tpu.memory_space<vmem>>, vector<16xf32>,
    tpu.vector_store %arg11[%swap3A_882, %swap3A_883], %add3A_830 {strides = array<i32>} : memref<16x16xf32, #tpu.memory_space<vmem>>, vector<16xf32>,
    %swap3A_885 = arith.constant 1 : i32
    %swap3A_886 = arith.index_cast %swap3A_885 : i32 to index
    %swap3A_887 = arith.constant 0 : index
    %swap3A_888 = tpu.vector_load %arg11[%swap3A_886, %swap3A_887] {strides = array<i32>} : memref<16x16xf32, #tpu.memory_space<vmem>>, vector<16xf32>,
    tpu.vector_store %arg11[%swap3A_886, %swap3A_887], %add3A_837 {strides = array<i32>} : memref<16x16xf32, #tpu.memory_space<vmem>>, vector<16xf32>,
    %swap3A_889 = arith.constant 2 : i32
    %swap3A_890 = arith.index_cast %swap3A_889 : i32 to index
    %swap3A_891 = arith.constant 0 : index
    %swap3A_892 = tpu.vector_load %arg11[%swap3A_890, %swap3A_891] {strides = array<i32>} : memref<16x16xf32, #tpu.memory_space<vmem>>, vector<16xf32>,
    tpu.vector_store %arg11[%swap3A_890, %swap3A_891], %add3A_844 {strides = array<i32>} : memref<16x16xf32, #tpu.memory_space<vmem>>, vector<16xf32>,
    %swap3A_893 = arith.constant 3 : i32
    %swap3A_894 = arith.index_cast %swap3A_893 : i32 to index
    %swap3A_895 = arith.constant 0 : index
    %swap3A_896 = tpu.vector_load %arg11[%swap3A_894, %swap3A_895] {strides = array<i32>} : memref<16x16xf32, #tpu.memory_space<vmem>>, vector<16xf32>,
    tpu.vector_store %arg11[%swap3A_894, %swap3A_895], %add3A_851 {strides = array<i32>} : memref<16x16xf32, #tpu.memory_space<vmem>>, vector<16xf32>,
    %swap3A_897 = arith.constant 4 : i32
    %swap3A_898 = arith.index_cast %swap3A_897 : i32 to index
    %swap3A_899 = arith.constant 0 : index
    %swap3A_900 = tpu.vector_load %arg11[%swap3A_898, %swap3A_899] {strides = array<i32>} : memref<16x16xf32, #tpu.memory_space<vmem>>, vector<16xf32>,
    tpu.vector_store %arg11[%swap3A_898, %swap3A_899], %add3A_858 {strides = array<i32>} : memref<16x16xf32, #tpu.memory_space<vmem>>, vector<16xf32>,
    %swap3A_901 = arith.constant 5 : i32
    %swap3A_902 = arith.index_cast %swap3A_901 : i32 to index
    %swap3A_903 = arith.constant 0 : index
    %swap3A_904 = tpu.vector_load %arg11[%swap3A_902, %swap3A_903] {strides = array<i32>} : memref<16x16xf32, #tpu.memory_space<vmem>>, vector<16xf32>,
    tpu.vector_store %arg11[%swap3A_902, %swap3A_903], %add3A_865 {strides = array<i32>} : memref<16x16xf32, #tpu.memory_space<vmem>>, vector<16xf32>,
    %swap3A_905 = arith.constant 6 : i32
    %swap3A_906 = arith.index_cast %swap3A_905 : i32 to index
    %swap3A_907 = arith.constant 0 : index
    %swap3A_908 = tpu.vector_load %arg11[%swap3A_906, %swap3A_907] {strides = array<i32>} : memref<16x16xf32, #tpu.memory_space<vmem>>, vector<16xf32>,
    tpu.vector_store %arg11[%swap3A_906, %swap3A_907], %add3A_872 {strides = array<i32>} : memref<16x16xf32, #tpu.memory_space<vmem>>, vector<16xf32>,
    %swap3A_909 = arith.constant 7 : i32
    %swap3A_910 = arith.index_cast %swap3A_909 : i32 to index
    %swap3A_911 = arith.constant 0 : index
    %swap3A_912 = tpu.vector_load %arg11[%swap3A_910, %swap3A_911] {strides = array<i32>} : memref<16x16xf32, #tpu.memory_space<vmem>>, vector<16xf32>,
    tpu.vector_store %arg11[%swap3A_910, %swap3A_911], %add3A_879 {strides = array<i32>} : memref<16x16xf32, #tpu.memory_space<vmem>>, vector<16xf32>,
    %swap3A_913 = arith.constant 8 : i32
    %swap3A_914 = arith.index_cast %swap3A_913 : i32 to index
    %swap3A_915 = arith.constant 0 : index
    %swap3A_916 = tpu.vector_load %arg11[%swap3A_914, %swap3A_915] {strides = array<i32>} : memref<16x16xf32, #tpu.memory_space<vmem>>, vector<16xf32>,
    tpu.vector_store %arg11[%swap3A_914, %swap3A_915], %add3A_832 {strides = array<i32>} : memref<16x16xf32, #tpu.memory_space<vmem>>, vector<16xf32>,
    %swap3A_917 = arith.constant 9 : i32
    %swap3A_918 = arith.index_cast %swap3A_917 : i32 to index
    %swap3A_919 = arith.constant 0 : index
    %swap3A_920 = tpu.vector_load %arg11[%swap3A_918, %swap3A_919] {strides = array<i32>} : memref<16x16xf32, #tpu.memory_space<vmem>>, vector<16xf32>,
    tpu.vector_store %arg11[%swap3A_918, %swap3A_919], %add3A_839 {strides = array<i32>} : memref<16x16xf32, #tpu.memory_space<vmem>>, vector<16xf32>,
    %swap3A_921 = arith.constant 10 : i32
    %swap3A_922 = arith.index_cast %swap3A_921 : i32 to index
    %swap3A_923 = arith.constant 0 : index
    %swap3A_924 = tpu.vector_load %arg11[%swap3A_922, %swap3A_923] {strides = array<i32>} : memref<16x16xf32, #tpu.memory_space<vmem>>, vector<16xf32>,
    tpu.vector_store %arg11[%swap3A_922, %swap3A_923], %add3A_846 {strides = array<i32>} : memref<16x16xf32, #tpu.memory_space<vmem>>, vector<16xf32>,
    %swap3A_925 = arith.constant 11 : i32
    %swap3A_926 = arith.index_cast %swap3A_925 : i32 to index
    %swap3A_927 = arith.constant 0 : index
    %swap3A_928 = tpu.vector_load %arg11[%swap3A_926, %swap3A_927] {strides = array<i32>} : memref<16x16xf32, #tpu.memory_space<vmem>>, vector<16xf32>,
    tpu.vector_store %arg11[%swap3A_926, %swap3A_927], %add3A_853 {strides = array<i32>} : memref<16x16xf32, #tpu.memory_space<vmem>>, vector<16xf32>,
    %swap3A_929 = arith.constant 12 : i32
    %swap3A_930 = arith.index_cast %swap3A_929 : i32 to index
    %swap3A_931 = arith.constant 0 : index
    %swap3A_932 = tpu.vector_load %arg11[%swap3A_930, %swap3A_931] {strides = array<i32>} : memref<16x16xf32, #tpu.memory_space<vmem>>, vector<16xf32>,
    tpu.vector_store %arg11[%swap3A_930, %swap3A_931], %add3A_860 {strides = array<i32>} : memref<16x16xf32, #tpu.memory_space<vmem>>, vector<16xf32>,
    %swap3A_933 = arith.constant 13 : i32
    %swap3A_934 = arith.index_cast %swap3A_933 : i32 to index
    %swap3A_935 = arith.constant 0 : index
    %swap3A_936 = tpu.vector_load %arg11[%swap3A_934, %swap3A_935] {strides = array<i32>} : memref<16x16xf32, #tpu.memory_space<vmem>>, vector<16xf32>,
    tpu.vector_store %arg11[%swap3A_934, %swap3A_935], %add3A_867 {strides = array<i32>} : memref<16x16xf32, #tpu.memory_space<vmem>>, vector<16xf32>,
    %swap3A_937 = arith.constant 14 : i32
    %swap3A_938 = arith.index_cast %swap3A_937 : i32 to index
    %swap3A_939 = arith.constant 0 : index
    %swap3A_940 = tpu.vector_load %arg11[%swap3A_938, %swap3A_939] {strides = array<i32>} : memref<16x16xf32, #tpu.memory_space<vmem>>, vector<16xf32>,
    tpu.vector_store %arg11[%swap3A_938, %swap3A_939], %add3A_874 {strides = array<i32>} : memref<16x16xf32, #tpu.memory_space<vmem>>, vector<16xf32>,
    %swap3A_941 = arith.constant 15 : i32
    %swap3A_942 = arith.index_cast %swap3A_941 : i32 to index
    %swap3A_943 = arith.constant 0 : index
    %swap3A_944 = tpu.vector_load %arg11[%swap3A_942, %swap3A_943] {strides = array<i32>} : memref<16x16xf32, #tpu.memory_space<vmem>>, vector<16xf32>,
    tpu.vector_store %arg11[%swap3A_942, %swap3A_943], %add3A_881 {strides = array<i32>} : memref<16x16xf32, #tpu.memory_space<vmem>>, vector<16xf32>,
    "tpu.region"() ({
      %run_scoped3A_945 = tpu.sem_alloc : memref<!tpu.dma_semaphore, #tpu.memory_space<semaphore_mem>>
      %dma_start3A_946 = arith.constant 0 : i32
      %dma_start3A_947 = arith.constant 0 : i32
      %dma_start3A_948 = tpu.memref_slice %arg5[%add3A, %dma_start3A_946, %dma_start3A_947] : memref<32x16x16xf32, #tpu.memory_space<hbm>> -> memref<1x16x16xf32, #tpu.memory_space<hbm>>
      %dma_start3A_949 = tpu.memref_squeeze %dma_start3A_948 : memref<1x16x16xf32, #tpu.memory_space<hbm>> -> memref<16x16xf32, #tpu.memory_space<hbm>>
      %dma_start3A_950 = arith.constant 0 : i32
      %dma_start3A_951 = arith.constant 0 : i32
      %dma_start3A_952 = tpu.memref_slice %arg5[%add3A, %dma_start3A_950, %dma_start3A_951] : memref<32x16x16xf32, #tpu.memory_space<hbm>> -> memref<1x16x16xf32, #tpu.memory_space<hbm>>
      %dma_start3A_953 = tpu.memref_squeeze %dma_start3A_952 : memref<1x16x16xf32, #tpu.memory_space<hbm>> -> memref<16x16xf32, #tpu.memory_space<hbm>>
      tpu.enqueue_dma source(%arg11 : memref<16x16xf32, #tpu.memory_space<vmem>>) target(%dma_start3A_953 : memref<16x16xf32, #tpu.memory_space<hbm>>) target_semaphore(%run_scoped3A_945 : memref<!tpu.dma_semaphore, #tpu.memory_space<semaphore_mem>>)
      %dma_wait3A_954 = arith.constant 0 : i32
      %dma_wait3A_955 = arith.constant 0 : i32
      %dma_wait3A_956 = tpu.memref_slice %arg5[%add3A, %dma_wait3A_954, %dma_wait3A_955] : memref<32x16x16xf32, #tpu.memory_space<hbm>> -> memref<1x16x16xf32, #tpu.memory_space<hbm>>
      %dma_wait3A_957 = tpu.memref_squeeze %dma_wait3A_956 : memref<1x16x16xf32, #tpu.memory_space<hbm>> -> memref<16x16xf32, #tpu.memory_space<hbm>>
      %dma_wait3A_958 = arith.constant 0 : i32
      %dma_wait3A_959 = arith.constant 0 : i32
      %dma_wait3A_960 = tpu.memref_slice %arg5[%add3A, %dma_wait3A_958, %dma_wait3A_959] : memref<32x16x16xf32, #tpu.memory_space<hbm>> -> memref<1x16x16xf32, #tpu.memory_space<hbm>>
      %dma_wait3A_961 = tpu.memref_squeeze %dma_wait3A_960 : memref<1x16x16xf32, #tpu.memory_space<hbm>> -> memref<16x16xf32, #tpu.memory_space<hbm>>
      tpu.wait_dma2 semaphore(%run_scoped3A_945 : memref<!tpu.dma_semaphore, #tpu.memory_space<semaphore_mem>>) src(%arg11 : memref<16x16xf32, #tpu.memory_space<vmem>>) dst(%dma_wait3A_961 : memref<16x16xf32, #tpu.memory_space<hbm>>)
      tpu.yield
    }) : () -> ()
    return
  }
}

module attributes {stable_mosaic.version = 14 : i64} {
  func.func @_combine_body(%arg0: memref<32x16x16xf32, #tpu.memory_space<vmem>>, %arg1: memref<1x1xf32, #tpu.memory_space<smem>>) attributes {dimension_semantics = [], scalar_prefetch = 0 : i64, scratch_operands = 0 : i64, tpu.core_type = #tpu.core_type<tc>} {
    %get3A = arith.constant 0 : index
    %get3A_0 = arith.constant 0 : index
    %get3A_1 = arith.constant 0 : index
    %get3A_2 = vector.load %arg0[%get3A, %get3A_0, %get3A_1] : memref<32x16x16xf32, #tpu.memory_space<vmem>>, vector<1x16x16xf32>
    %get3A_3 = vector.shape_cast %get3A_2 : vector<1x16x16xf32> to vector<16x16xf32>
    %get3A_4 = arith.constant 1 : index
    %get3A_5 = arith.constant 0 : index
    %get3A_6 = arith.constant 0 : index
    %get3A_7 = vector.load %arg0[%get3A_4, %get3A_5, %get3A_6] : memref<32x16x16xf32, #tpu.memory_space<vmem>>, vector<1x16x16xf32>
    %get3A_8 = vector.shape_cast %get3A_7 : vector<1x16x16xf32> to vector<16x16xf32>
    %add3A = arith.addf %get3A_3, %get3A_8 : vector<16x16xf32>
    %get3A_9 = arith.constant 2 : index
    %get3A_10 = arith.constant 0 : index
    %get3A_11 = arith.constant 0 : index
    %get3A_12 = vector.load %arg0[%get3A_9, %get3A_10, %get3A_11] : memref<32x16x16xf32, #tpu.memory_space<vmem>>, vector<1x16x16xf32>
    %get3A_13 = vector.shape_cast %get3A_12 : vector<1x16x16xf32> to vector<16x16xf32>
    %add3A_14 = arith.addf %add3A, %get3A_13 : vector<16x16xf32>
    %get3A_15 = arith.constant 3 : index
    %get3A_16 = arith.constant 0 : index
    %get3A_17 = arith.constant 0 : index
    %get3A_18 = vector.load %arg0[%get3A_15, %get3A_16, %get3A_17] : memref<32x16x16xf32, #tpu.memory_space<vmem>>, vector<1x16x16xf32>
    %get3A_19 = vector.shape_cast %get3A_18 : vector<1x16x16xf32> to vector<16x16xf32>
    %add3A_20 = arith.addf %add3A_14, %get3A_19 : vector<16x16xf32>
    %get3A_21 = arith.constant 4 : index
    %get3A_22 = arith.constant 0 : index
    %get3A_23 = arith.constant 0 : index
    %get3A_24 = vector.load %arg0[%get3A_21, %get3A_22, %get3A_23] : memref<32x16x16xf32, #tpu.memory_space<vmem>>, vector<1x16x16xf32>
    %get3A_25 = vector.shape_cast %get3A_24 : vector<1x16x16xf32> to vector<16x16xf32>
    %add3A_26 = arith.addf %add3A_20, %get3A_25 : vector<16x16xf32>
    %get3A_27 = arith.constant 5 : index
    %get3A_28 = arith.constant 0 : index
    %get3A_29 = arith.constant 0 : index
    %get3A_30 = vector.load %arg0[%get3A_27, %get3A_28, %get3A_29] : memref<32x16x16xf32, #tpu.memory_space<vmem>>, vector<1x16x16xf32>
    %get3A_31 = vector.shape_cast %get3A_30 : vector<1x16x16xf32> to vector<16x16xf32>
    %add3A_32 = arith.addf %add3A_26, %get3A_31 : vector<16x16xf32>
    %get3A_33 = arith.constant 6 : index
    %get3A_34 = arith.constant 0 : index
    %get3A_35 = arith.constant 0 : index
    %get3A_36 = vector.load %arg0[%get3A_33, %get3A_34, %get3A_35] : memref<32x16x16xf32, #tpu.memory_space<vmem>>, vector<1x16x16xf32>
    %get3A_37 = vector.shape_cast %get3A_36 : vector<1x16x16xf32> to vector<16x16xf32>
    %add3A_38 = arith.addf %add3A_32, %get3A_37 : vector<16x16xf32>
    %get3A_39 = arith.constant 7 : index
    %get3A_40 = arith.constant 0 : index
    %get3A_41 = arith.constant 0 : index
    %get3A_42 = vector.load %arg0[%get3A_39, %get3A_40, %get3A_41] : memref<32x16x16xf32, #tpu.memory_space<vmem>>, vector<1x16x16xf32>
    %get3A_43 = vector.shape_cast %get3A_42 : vector<1x16x16xf32> to vector<16x16xf32>
    %add3A_44 = arith.addf %add3A_38, %get3A_43 : vector<16x16xf32>
    %get3A_45 = arith.constant 8 : index
    %get3A_46 = arith.constant 0 : index
    %get3A_47 = arith.constant 0 : index
    %get3A_48 = vector.load %arg0[%get3A_45, %get3A_46, %get3A_47] : memref<32x16x16xf32, #tpu.memory_space<vmem>>, vector<1x16x16xf32>
    %get3A_49 = vector.shape_cast %get3A_48 : vector<1x16x16xf32> to vector<16x16xf32>
    %add3A_50 = arith.addf %add3A_44, %get3A_49 : vector<16x16xf32>
    %get3A_51 = arith.constant 9 : index
    %get3A_52 = arith.constant 0 : index
    %get3A_53 = arith.constant 0 : index
    %get3A_54 = vector.load %arg0[%get3A_51, %get3A_52, %get3A_53] : memref<32x16x16xf32, #tpu.memory_space<vmem>>, vector<1x16x16xf32>
    %get3A_55 = vector.shape_cast %get3A_54 : vector<1x16x16xf32> to vector<16x16xf32>
    %add3A_56 = arith.addf %add3A_50, %get3A_55 : vector<16x16xf32>
    %get3A_57 = arith.constant 10 : index
    %get3A_58 = arith.constant 0 : index
    %get3A_59 = arith.constant 0 : index
    %get3A_60 = vector.load %arg0[%get3A_57, %get3A_58, %get3A_59] : memref<32x16x16xf32, #tpu.memory_space<vmem>>, vector<1x16x16xf32>
    %get3A_61 = vector.shape_cast %get3A_60 : vector<1x16x16xf32> to vector<16x16xf32>
    %add3A_62 = arith.addf %add3A_56, %get3A_61 : vector<16x16xf32>
    %get3A_63 = arith.constant 11 : index
    %get3A_64 = arith.constant 0 : index
    %get3A_65 = arith.constant 0 : index
    %get3A_66 = vector.load %arg0[%get3A_63, %get3A_64, %get3A_65] : memref<32x16x16xf32, #tpu.memory_space<vmem>>, vector<1x16x16xf32>
    %get3A_67 = vector.shape_cast %get3A_66 : vector<1x16x16xf32> to vector<16x16xf32>
    %add3A_68 = arith.addf %add3A_62, %get3A_67 : vector<16x16xf32>
    %get3A_69 = arith.constant 12 : index
    %get3A_70 = arith.constant 0 : index
    %get3A_71 = arith.constant 0 : index
    %get3A_72 = vector.load %arg0[%get3A_69, %get3A_70, %get3A_71] : memref<32x16x16xf32, #tpu.memory_space<vmem>>, vector<1x16x16xf32>
    %get3A_73 = vector.shape_cast %get3A_72 : vector<1x16x16xf32> to vector<16x16xf32>
    %add3A_74 = arith.addf %add3A_68, %get3A_73 : vector<16x16xf32>
    %get3A_75 = arith.constant 13 : index
    %get3A_76 = arith.constant 0 : index
    %get3A_77 = arith.constant 0 : index
    %get3A_78 = vector.load %arg0[%get3A_75, %get3A_76, %get3A_77] : memref<32x16x16xf32, #tpu.memory_space<vmem>>, vector<1x16x16xf32>
    %get3A_79 = vector.shape_cast %get3A_78 : vector<1x16x16xf32> to vector<16x16xf32>
    %add3A_80 = arith.addf %add3A_74, %get3A_79 : vector<16x16xf32>
    %get3A_81 = arith.constant 14 : index
    %get3A_82 = arith.constant 0 : index
    %get3A_83 = arith.constant 0 : index
    %get3A_84 = vector.load %arg0[%get3A_81, %get3A_82, %get3A_83] : memref<32x16x16xf32, #tpu.memory_space<vmem>>, vector<1x16x16xf32>
    %get3A_85 = vector.shape_cast %get3A_84 : vector<1x16x16xf32> to vector<16x16xf32>
    %add3A_86 = arith.addf %add3A_80, %get3A_85 : vector<16x16xf32>
    %get3A_87 = arith.constant 15 : index
    %get3A_88 = arith.constant 0 : index
    %get3A_89 = arith.constant 0 : index
    %get3A_90 = vector.load %arg0[%get3A_87, %get3A_88, %get3A_89] : memref<32x16x16xf32, #tpu.memory_space<vmem>>, vector<1x16x16xf32>
    %get3A_91 = vector.shape_cast %get3A_90 : vector<1x16x16xf32> to vector<16x16xf32>
    %add3A_92 = arith.addf %add3A_86, %get3A_91 : vector<16x16xf32>
    %get3A_93 = arith.constant 16 : index
    %get3A_94 = arith.constant 0 : index
    %get3A_95 = arith.constant 0 : index
    %get3A_96 = vector.load %arg0[%get3A_93, %get3A_94, %get3A_95] : memref<32x16x16xf32, #tpu.memory_space<vmem>>, vector<1x16x16xf32>
    %get3A_97 = vector.shape_cast %get3A_96 : vector<1x16x16xf32> to vector<16x16xf32>
    %add3A_98 = arith.addf %add3A_92, %get3A_97 : vector<16x16xf32>
    %get3A_99 = arith.constant 17 : index
    %get3A_100 = arith.constant 0 : index
    %get3A_101 = arith.constant 0 : index
    %get3A_102 = vector.load %arg0[%get3A_99, %get3A_100, %get3A_101] : memref<32x16x16xf32, #tpu.memory_space<vmem>>, vector<1x16x16xf32>
    %get3A_103 = vector.shape_cast %get3A_102 : vector<1x16x16xf32> to vector<16x16xf32>
    %add3A_104 = arith.addf %add3A_98, %get3A_103 : vector<16x16xf32>
    %get3A_105 = arith.constant 18 : index
    %get3A_106 = arith.constant 0 : index
    %get3A_107 = arith.constant 0 : index
    %get3A_108 = vector.load %arg0[%get3A_105, %get3A_106, %get3A_107] : memref<32x16x16xf32, #tpu.memory_space<vmem>>, vector<1x16x16xf32>
    %get3A_109 = vector.shape_cast %get3A_108 : vector<1x16x16xf32> to vector<16x16xf32>
    %add3A_110 = arith.addf %add3A_104, %get3A_109 : vector<16x16xf32>
    %get3A_111 = arith.constant 19 : index
    %get3A_112 = arith.constant 0 : index
    %get3A_113 = arith.constant 0 : index
    %get3A_114 = vector.load %arg0[%get3A_111, %get3A_112, %get3A_113] : memref<32x16x16xf32, #tpu.memory_space<vmem>>, vector<1x16x16xf32>
    %get3A_115 = vector.shape_cast %get3A_114 : vector<1x16x16xf32> to vector<16x16xf32>
    %add3A_116 = arith.addf %add3A_110, %get3A_115 : vector<16x16xf32>
    %get3A_117 = arith.constant 20 : index
    %get3A_118 = arith.constant 0 : index
    %get3A_119 = arith.constant 0 : index
    %get3A_120 = vector.load %arg0[%get3A_117, %get3A_118, %get3A_119] : memref<32x16x16xf32, #tpu.memory_space<vmem>>, vector<1x16x16xf32>
    %get3A_121 = vector.shape_cast %get3A_120 : vector<1x16x16xf32> to vector<16x16xf32>
    %add3A_122 = arith.addf %add3A_116, %get3A_121 : vector<16x16xf32>
    %get3A_123 = arith.constant 21 : index
    %get3A_124 = arith.constant 0 : index
    %get3A_125 = arith.constant 0 : index
    %get3A_126 = vector.load %arg0[%get3A_123, %get3A_124, %get3A_125] : memref<32x16x16xf32, #tpu.memory_space<vmem>>, vector<1x16x16xf32>
    %get3A_127 = vector.shape_cast %get3A_126 : vector<1x16x16xf32> to vector<16x16xf32>
    %add3A_128 = arith.addf %add3A_122, %get3A_127 : vector<16x16xf32>
    %get3A_129 = arith.constant 22 : index
    %get3A_130 = arith.constant 0 : index
    %get3A_131 = arith.constant 0 : index
    %get3A_132 = vector.load %arg0[%get3A_129, %get3A_130, %get3A_131] : memref<32x16x16xf32, #tpu.memory_space<vmem>>, vector<1x16x16xf32>
    %get3A_133 = vector.shape_cast %get3A_132 : vector<1x16x16xf32> to vector<16x16xf32>
    %add3A_134 = arith.addf %add3A_128, %get3A_133 : vector<16x16xf32>
    %get3A_135 = arith.constant 23 : index
    %get3A_136 = arith.constant 0 : index
    %get3A_137 = arith.constant 0 : index
    %get3A_138 = vector.load %arg0[%get3A_135, %get3A_136, %get3A_137] : memref<32x16x16xf32, #tpu.memory_space<vmem>>, vector<1x16x16xf32>
    %get3A_139 = vector.shape_cast %get3A_138 : vector<1x16x16xf32> to vector<16x16xf32>
    %add3A_140 = arith.addf %add3A_134, %get3A_139 : vector<16x16xf32>
    %get3A_141 = arith.constant 24 : index
    %get3A_142 = arith.constant 0 : index
    %get3A_143 = arith.constant 0 : index
    %get3A_144 = vector.load %arg0[%get3A_141, %get3A_142, %get3A_143] : memref<32x16x16xf32, #tpu.memory_space<vmem>>, vector<1x16x16xf32>
    %get3A_145 = vector.shape_cast %get3A_144 : vector<1x16x16xf32> to vector<16x16xf32>
    %add3A_146 = arith.addf %add3A_140, %get3A_145 : vector<16x16xf32>
    %get3A_147 = arith.constant 25 : index
    %get3A_148 = arith.constant 0 : index
    %get3A_149 = arith.constant 0 : index
    %get3A_150 = vector.load %arg0[%get3A_147, %get3A_148, %get3A_149] : memref<32x16x16xf32, #tpu.memory_space<vmem>>, vector<1x16x16xf32>
    %get3A_151 = vector.shape_cast %get3A_150 : vector<1x16x16xf32> to vector<16x16xf32>
    %add3A_152 = arith.addf %add3A_146, %get3A_151 : vector<16x16xf32>
    %get3A_153 = arith.constant 26 : index
    %get3A_154 = arith.constant 0 : index
    %get3A_155 = arith.constant 0 : index
    %get3A_156 = vector.load %arg0[%get3A_153, %get3A_154, %get3A_155] : memref<32x16x16xf32, #tpu.memory_space<vmem>>, vector<1x16x16xf32>
    %get3A_157 = vector.shape_cast %get3A_156 : vector<1x16x16xf32> to vector<16x16xf32>
    %add3A_158 = arith.addf %add3A_152, %get3A_157 : vector<16x16xf32>
    %get3A_159 = arith.constant 27 : index
    %get3A_160 = arith.constant 0 : index
    %get3A_161 = arith.constant 0 : index
    %get3A_162 = vector.load %arg0[%get3A_159, %get3A_160, %get3A_161] : memref<32x16x16xf32, #tpu.memory_space<vmem>>, vector<1x16x16xf32>
    %get3A_163 = vector.shape_cast %get3A_162 : vector<1x16x16xf32> to vector<16x16xf32>
    %add3A_164 = arith.addf %add3A_158, %get3A_163 : vector<16x16xf32>
    %get3A_165 = arith.constant 28 : index
    %get3A_166 = arith.constant 0 : index
    %get3A_167 = arith.constant 0 : index
    %get3A_168 = vector.load %arg0[%get3A_165, %get3A_166, %get3A_167] : memref<32x16x16xf32, #tpu.memory_space<vmem>>, vector<1x16x16xf32>
    %get3A_169 = vector.shape_cast %get3A_168 : vector<1x16x16xf32> to vector<16x16xf32>
    %add3A_170 = arith.addf %add3A_164, %get3A_169 : vector<16x16xf32>
    %get3A_171 = arith.constant 29 : index
    %get3A_172 = arith.constant 0 : index
    %get3A_173 = arith.constant 0 : index
    %get3A_174 = vector.load %arg0[%get3A_171, %get3A_172, %get3A_173] : memref<32x16x16xf32, #tpu.memory_space<vmem>>, vector<1x16x16xf32>
    %get3A_175 = vector.shape_cast %get3A_174 : vector<1x16x16xf32> to vector<16x16xf32>
    %add3A_176 = arith.addf %add3A_170, %get3A_175 : vector<16x16xf32>
    %get3A_177 = arith.constant 30 : index
    %get3A_178 = arith.constant 0 : index
    %get3A_179 = arith.constant 0 : index
    %get3A_180 = vector.load %arg0[%get3A_177, %get3A_178, %get3A_179] : memref<32x16x16xf32, #tpu.memory_space<vmem>>, vector<1x16x16xf32>
    %get3A_181 = vector.shape_cast %get3A_180 : vector<1x16x16xf32> to vector<16x16xf32>
    %add3A_182 = arith.addf %add3A_176, %get3A_181 : vector<16x16xf32>
    %get3A_183 = arith.constant 31 : index
    %get3A_184 = arith.constant 0 : index
    %get3A_185 = arith.constant 0 : index
    %get3A_186 = vector.load %arg0[%get3A_183, %get3A_184, %get3A_185] : memref<32x16x16xf32, #tpu.memory_space<vmem>>, vector<1x16x16xf32>
    %get3A_187 = vector.shape_cast %get3A_186 : vector<1x16x16xf32> to vector<16x16xf32>
    %add3A_188 = arith.addf %add3A_182, %get3A_187 : vector<16x16xf32>
    %reduce_sum3A = arith.constant dense<0.000000e+00> : vector<16xf32>
    %reduce_sum3A_189 = vector.multi_reduction <add>, %add3A_188, %reduce_sum3A [1] : vector<16x16xf32> to vector<16xf32>
    %broadcast_in_dim3A = vector.shape_cast %reduce_sum3A_189 : vector<16xf32> to vector<16x1xf32>
    %slice3A = vector.extract_strided_slice %broadcast_in_dim3A {offsets = [0, 0], sizes = [8, 1], strides = [1, 1]} : vector<16x1xf32> to vector<8x1xf32>
    %slice3A_190 = vector.extract_strided_slice %broadcast_in_dim3A {offsets = [8, 0], sizes = [8, 1], strides = [1, 1]} : vector<16x1xf32> to vector<8x1xf32>
    %max3A = arith.constant 1.000000e+00 : f32
    %max3A_191 = vector.broadcast %max3A : f32 to vector<8x1xf32>
    %max3A_192 = arith.maximumf %slice3A_190, %max3A_191 : vector<8x1xf32>
    %div3A = arith.divf %slice3A, %max3A_192 : vector<8x1xf32>
    %gt3A = arith.constant 0.000000e+00 : f32
    %gt3A_193 = vector.broadcast %gt3A : f32 to vector<8x1xf32>
    %gt3A_194 = arith.cmpf ogt, %slice3A_190, %gt3A_193 : vector<8x1xf32>
    %mul3A = arith.mulf %div3A, %slice3A_190 : vector<8x1xf32>
    %div3A_195 = arith.constant 3.200000e+05 : f32
    %div3A_196 = vector.broadcast %div3A_195 : f32 to vector<8x1xf32>
    %div3A_197 = arith.divf %mul3A, %div3A_196 : vector<8x1xf32>
    %jit3A = arith.constant 0.000000e+00 : f32
    %broadcast_in_dim3A_198 = vector.broadcast %jit3A : f32 to vector<8x1xf32>
    %select_n3A = arith.select %gt3A_194, %div3A_197, %broadcast_in_dim3A_198 : vector<8x1xi1>, vector<8x1xf32>
    %reduce_sum3A_199 = vector.shape_cast %select_n3A : vector<8x1xf32> to vector<1x8x1xf32>
    %reduce_sum3A_200 = arith.constant dense<0.000000e+00> : vector<1xf32>
    %reduce_sum3A_201 = vector.multi_reduction <add>, %reduce_sum3A_199, %reduce_sum3A_200 [1, 2] : vector<1x8x1xf32> to vector<1xf32>
    %reduce_sum3A_202 = vector.shape_cast %reduce_sum3A_201 : vector<1xf32> to vector<1x1x1xf32>
    %reduce_sum3A_203 = vector.extract %reduce_sum3A_202[0, 0, 0] : f32 from vector<1x1x1xf32>
    %swap3A = arith.constant 0 : index
    %swap3A_204 = arith.constant 0 : index
    %swap3A_205 = memref.load %arg1[%swap3A, %swap3A_204] : memref<1x1xf32, #tpu.memory_space<smem>>
    memref.store %reduce_sum3A_203, %arg1[%swap3A, %swap3A_204] : memref<1x1xf32, #tpu.memory_space<smem>>
    return
  }
}

</mosaic_0001>

<sc_bundles>
// kernel: kernel.4.cloned.1.call-start
scs
__scs_entry_jumppad:
0x0: {  	(pc) =	sbr.rel $0x88, $3  }
0x1: {  	(tag) =	ssettag $0x0;
	lr =	simm.s32 $0x1  }
0x2: {  	[smem:$0x3F9E] =	sst lr;
	_ =	strace $0xD0000000  }
0x3: {  	_ = 	snop  }
0x4: {  	_ = 	snop  }
0x5: {  	_ = 	snop  }
0x6: {  	_ = 	snop  }
0x7: {  	_ = 	snop  }
__scs_overlays_trampoline_lowered:
0x8: {  	[smem:$0x3FAD] =	sst s0  }
0x9: {  	[smem:$0x3FAE] =	sst s1  }
0xa: {  	[smem:$0x3FAF] =	sst s2  }
0xb: {  	[smem:$0x3FB0] =	sst s3  }
0xc: {  	[smem:$0x3FB1] =	sst s4  }
0xd: {  	[smem:$0x3FB2] =	sst s5  }
0xe: {  	[smem:$0x3FB3] =	sst s6  }
0xf: {  	[smem:$0x3FB4] =	sst s7  }
0x10: {  	[smem:$0x3FB5] =	sst s8  }
0x11: {  	[smem:$0x3FB6] =	sst s9;
	s0 =	simm.s32 @!p0 $0x0  }
0x12: {  	s1 =	sld [smem:$0x3F9C];
	s0 =	simm.s32 @p0 $0x1  }
0x13: {  	[smem:$0x3FB7] =	sst s0;
	s0 =	simm.s32 @!p1 $0x0  }
0x14: {  	s2 =	sld [smem:$0x3F9B];
	s0 =	simm.s32 @p1 $0x1  }
0x15: {  	[smem:$0x3FB8] =	sst s0;
	s0 =	simm.s32 @!p2 $0x0  }
0x16: {  	s3 =	sld [smem:$0x3FDB];
	s0 =	simm.s32 @p2 $0x1  }
0x17: {  	s4 =	simm.s32 $0x1BF5;
	[smem:$0x3FBA] =	sst s0  }
0x18: {  	s0 =	sld [smem:$0x3F9D];
	_ =	swait.ge [sflag:s4], $0x0  }
0x19: {  	s7 =	sld [smem:$0x3F9E]  }
0x1a: {  	s8 =	sadd.s32 $0xFFFFE003, lr  }
0x1b: {  	s9 =	sadd.s32 $0xFFFFFEF7, lr;
	s5 =	simm.s32 $0xFFFFFFFF;
	p2 =	slt.u32 s8, $0xFFFFF086  }
0x1c: {  	p1 =	slt.u32 s9, $0xF7A;
	s5 =	simm.s32 @!p2 $0x0  }
0x1d: {  	s5 =	simm.s32 @p1 $0x1;
	p0 =	seq.s32 s7, s2  }
0x1e: {  	s7 =	smul.u32 @!p0 $0xF7A, s2;
	p2 =	seq.s32 @!p0 s5, $0x0  }
0x1f: {  	s9 =	smul.u32 $0xF7A, s1;
	s8 =	simm.s32 @!p0 $0x1BF5;
	p2 =	por !p2, p0  }
0x20: {  	[sflag:s8] =	ssyncset.s32 @!p0 $0xFFFFF086;
	s6 =	sadd.s32 @!p0 s3, s7;
	s7 =	simm.s32 @!p0 $0x108  }
0x21: {  	s3 =	sadd.s32 s3, s9;
	s6 =	sadd.s32 @!p0 $0x88, s6;
	s7 =	simm.s32 @p2 $0x1082  }
0x22: {  	[simem:s7], [sflag:s8] =	dma.local @!p0 [hbm:s6], $0xF7A  }
0x23: {  	s9 =	sor.u32 $0xD0000000, s2;
	s6 =	simm.s32 $0x108;
	_ =	swait.ge @!p0 [sflag:s8], $0x0  }
0x24: {  	s3 =	sadd.s32 $0x88, s3;
	s6 =	simm.s32 @!p1 $0x1082;
	[sflag:s4] =	ssyncset.s32 $0xFFFFF086  }
0x25: {  	[simem:s6], [sflag:s4] =	dma.local [hbm:s3], $0xF7A  }
0x26: {  	[smem:$0x3F9E] =	sst s1;
	(tag) =	ssettag s2;
	_ =	strace s9  }
0x27: {  	s1 =	sld [smem:$0x3FAE]  }
0x28: {  	s2 =	sld [smem:$0x3FAF]  }
0x29: {  	s4 =	sld [smem:$0x3FB1]  }
0x2a: {  	p0 =	seq.s32 s5, $0x0;
	s5 =	sld [smem:$0x3FB2]  }
0x2b: {  	s6 =	sld [smem:$0x3FB3]  }
0x2c: {  	s7 =	sld [smem:$0x3FB4]  }
0x2d: {  	s3 =	simm.s32 $0x108;
	s8 =	sld [smem:$0x3FB5]  }
0x2e: {  	s3 =	simm.s32 @!p0 $0x1082;
	s9 =	sld [smem:$0x3FB6]  }
0x2f: {  	lr =	sadd.s32 s0, s3;
	s0 =	sld [smem:$0x3FAD]  }
0x30: {  	s3 =	sld [smem:$0x3FB0]  }
0x31: {  	[smem:$0x3FB9] =	sst s10  }
0x32: {  	s10 =	sld [smem:$0x3FB7];
	_ =	sdelay $0x3  }
0x33: {  	p0 =	seq.s32 s10, $0x1;
	s10 =	sld [smem:$0x3FB9];
	_ =	sdelay $0x3  }
0x34: {  	[smem:$0x3FB9] =	sst s10  }
0x35: {  	s10 =	sld [smem:$0x3FB8];
	_ =	sdelay $0x3  }
0x36: {  	p1 =	seq.s32 s10, $0x1;
	s10 =	sld [smem:$0x3FB9];
	_ =	sdelay $0x3  }
0x37: {  	[smem:$0x3FB9] =	sst s10  }
0x38: {  	s10 =	sld [smem:$0x3FBA]  }
0x39: {  	_ = 	snop;
	(pc) =	sbr.ind lr, $3  }
0x3a: {  	_ = 	snop  }
0x3b: {  	_ = 	snop  }
0x3c: {  	p2 =	seq.s32 s10, $0x1;
	s10 =	sld [smem:$0x3FB9]  }
0x3d: {  	_ =	shalt  }
0x3e: {  	_ =	shalt  }
0x3f: {  	_ =	shalt  }
0x40: {  	_ =	shalt  }
0x41: {  	_ =	shalt  }
0x42: {  	_ =	shalt  }
0x43: {  	_ =	shalt  }
0x44: {  	_ =	shalt  }
0x45: {  	_ =	shalt  }
0x46: {  	_ =	shalt  }
0x47: {  	_ =	shalt  }
0x48: {  	_ =	shalt  }
0x49: {  	_ =	shalt  }
0x4a: {  	_ =	shalt  }
0x4b: {  	_ =	shalt  }
0x4c: {  	_ =	shalt  }
0x4d: {  	_ =	shalt  }
0x4e: {  	_ =	shalt  }
0x4f: {  	_ =	shalt  }
0x50: {  	_ =	shalt  }
0x51: {  	_ =	shalt  }
0x52: {  	_ =	shalt  }
0x53: {  	_ =	shalt  }
0x54: {  	_ =	shalt  }
0x55: {  	_ =	shalt  }
0x56: {  	_ =	shalt  }
0x57: {  	_ =	shalt  }
0x58: {  	_ =	shalt  }
0x59: {  	_ =	shalt  }
0x5a: {  	_ =	shalt  }
0x5b: {  	_ =	shalt  }
0x5c: {  	_ =	shalt  }
0x5d: {  	_ =	shalt  }
0x5e: {  	_ =	shalt  }
0x5f: {  	_ =	shalt  }
0x60: {  	_ =	shalt  }
0x61: {  	_ =	shalt  }
0x62: {  	_ =	shalt  }
0x63: {  	_ =	shalt  }
0x64: {  	_ =	shalt  }
0x65: {  	_ =	shalt  }
0x66: {  	_ =	shalt  }
0x67: {  	_ =	shalt  }
0x68: {  	_ =	shalt  }
0x69: {  	_ =	shalt  }
0x6a: {  	_ =	shalt  }
0x6b: {  	_ =	shalt  }
0x6c: {  	_ =	shalt  }
0x6d: {  	_ =	shalt  }
0x6e: {  	_ =	shalt  }
0x6f: {  	_ =	shalt  }
0x70: {  	_ =	shalt  }
0x71: {  	_ =	shalt  }
0x72: {  	_ =	shalt  }
0x73: {  	_ =	shalt  }
0x74: {  	_ =	shalt  }
0x75: {  	_ =	shalt  }
0x76: {  	_ =	shalt  }
0x77: {  	_ =	shalt  }
0x78: {  	_ =	shalt  }
0x79: {  	_ =	shalt  }
0x7a: {  	_ =	shalt  }
0x7b: {  	_ =	shalt  }
0x7c: {  	_ =	shalt  }
0x7d: {  	_ =	shalt  }
0x7e: {  	_ =	shalt  }
0x7f: {  	_ =	shalt  }
0x80: {  	_ =	shalt  }
0x81: {  	_ =	shalt  }
0x82: {  	_ =	shalt  }
0x83: {  	_ =	shalt  }
0x84: {  	_ =	shalt  }
0x85: {  	_ =	shalt  }
0x86: {  	_ =	shalt  }
0x87: {  	_ =	shalt  }
.Lfunc_end0:
.L_simem_size_0:
called_computation_lowered:
.L_overlay_start_0:
0x88: {  	s2 =	sld [smem:$0x3FD9]  }
0x89: {  	s3 =	sld [smem:$0x3FFE];
	_ =	sdelay $0x1  }
0x8a: {  	s1 =	srdreg.scid  }
0x8b: {  	s0 =	sand.u32 $0x1, s1  }
0x8c: {  	s17 =	sshll.u32 s0, $0xA;
	s2 =	sadd.s32 s3, s2  }
0x8d: {  	s2 =	sadd.s32 s2, s17  }
0x8e: {  	[smem:$0x3FC5] =	sst s2  }
0x8f: {  	_ = 	snop  }
0x90: {  	s2 =	sld [smem:$0x3FC9]  }
0x91: {  	s18 =	sld [smem:$0x3FC8]  }
0x92: {  	s4 =	sld [smem:$0x3FC7];
	(tm) =	ssettm $0x1  }
0x93: {  	s5 =	sld [smem:$0x3FFB];
	_ =	sdelay $0x3  }
0x94: {  	_ =	strace s5  }
0x95: {  	s5 =	sld [smem:$0x3FFC];
	_ =	sdelay $0x3  }
0x96: {  	_ =	strace s5  }
0x97: {  	s5 =	sld [smem:$0x3FFD];
	_ =	sdelay $0x3  }
0x98: {  	_ =	strace s5  }
0x99: {  	_ =	strace $0x8FFFFFFF  }
0x9a: {  	s19 =	sld [smem:$0x3FDB];
	_ =	sdelay $0x1  }
0x9b: {  	s6 =	simm.s32 $_scs_section_size  }
0x9c: {  	s7 =	simm.s32 $_size__tile_overlayer_lowered;
	s8 =	simm.s32 $_tile_overlayer_lowered  }
0x9d: {  	s22 =	simm.s32 $0x1BFF;
	s21 =	sshll.u32 s8, $0x1;
	s5 =	sadd.s32 s6, s19  }
0x9e: {  	s9 =	simm.s32 $0x0;
	s20 =	sshll.u32 s7, $0x1;
	s7 =	sadd.s32 s21, s5  }
0x9f: {  	[timem:s9], [sflag:s22] =	dma.local [hbm:s7], s20  }
0xa0: {  	_ =	swait.ge [sflag:s22], s20  }
0xa1: {  	s6 =	ssub.s32 $0x0, s20;
	[sflag:s22] =	ssyncset.done $0x0  }
0xa2: {  	[sflag:s22] =	ssyncadd.s32 s6;
	_ =	sdelay $0x1  }
0xa3: {  	s23 =	simm.s32 $0x1B8B  }
0xa4: {  	_ =	swait.ge [sflag:s23], $0x1  }
0xa5: {  	[sflag:s23] =	ssyncset.done $0x0  }
0xa6: {  	s25 =	simm.s32 $0x1B8E;
	s24 =	sld [smem:$0x3FFE];
	[sflag:s23] =	ssyncadd.s32 $0xFFFFFFFF  }
0xa7: {  	s26 =	simm.s32 $execute0_lowered;
	[smem:$0x3FD2] =	sst s25  }
0xa8: {  	s7 =	sshll.u32 s26, $0x1;
	_ =	strace $0x80000046;
	[dreg:$0x1] =	wrdreg $0xFFFFFFFF  }
0xa9: {  	s28 =	simm.s32 $_size_execute0_lowered;
	s5 =	sadd.s32 s5, s7;
	[dreg:$0x0] =	wrdreg $0x0  }
0xaa: {  	s7 =	sshll.u32 s28, $0x1;
	[dreg:$0x2] =	wrdreg s5  }
0xab: {  	[dreg:$0x3] =	wrdreg s7  }
0xac: {  	[dreg:$0x4] =	wrdreg $0xC0  }
0xad: {  	_ =	task [dreg:s9], $0x5FFFF  }
0xae: {  	[dreg:$0x1] =	wrdreg $0xFFFFFFFF  }
0xaf: {  	[dreg:$0x0] =	wrdreg $0x60  }
0xb0: {  	[dreg:$0x2] =	wrdreg s2  }
0xb1: {  	[dreg:$0x3] =	wrdreg s4  }
0xb2: {  	[dreg:$0x4] =	wrdreg s18  }
0xb3: {  	[dreg:$0x5] =	wrdreg s24  }
0xb4: {  	[dreg:$0x6] =	wrdreg $0x9  }
0xb5: {  	_ =	task.clear_ibuf [dreg:s9], $0x7FFFF;
	_ =	strace $0x90000046  }
0xb6: {  	s29 =	simm.s32 $0x9;
	_ =	strace $0x80000048  }
0xb7: {  	_ =	swait.ge [sflag:s29], $0x1  }
0xb8: {  	[sflag:s29] =	ssyncadd.s32 $0xFFFFFFFF  }
0xb9: {  	_ =	strace $0x90000048  }
0xba: {  	_ =	sfence  }
0xbb: {  	s30 =	sld [smem:$0x0];
	_ =	sdelay $0x2  }
0xbc: {  	s31 =	sshll.u32 s1, $0xD;
	s1 =	sshrl.u32 s1, $0x2  }
0xbd: {  	s3 =	sand.u32 $0x4000, s31;
	s1 =	sadd.s32 s1, s30  }
0xbe: {  	s0 =	sor.u32 s3, s0;
	s1 =	sshll.u32 s1, $0x11  }
0xbf: {  	s0 =	sor.u32 s1, s0  }
0xc0: {  	s0 =	sadd.s32 $0x8F2B, s0  }
0xc1: {  	[sflag:s0] =	ssyncadd.remote.s32 $0x1  }
0xc2: {  	_ =	sfence.sel $0xFFFF  }
0xc3: {  	[dreg:$0x0] =	wrdreg $0xFFFFFFFF;
	(pc) =	sbr.abs _section_cstart, $3  }
0xc4: {  	[dreg:$0x1] =	wrdreg $0xFFFFFFFF  }
0xc5: {  	_ =	task.clear_ibuf [dreg:s9], $0x2FFFF;
	_ =	strace $0x9FFFFFFF  }
0xc6: {  	(tm) =	ssettm $0x7FFFFFFF  }
0xc7: {  	_ =	shalt  }
tec
execute0_lowered:
.L_overlay_start_1:
0x0: {  	(tag) =	ssettag $0x1  }
0x1: {  	s1 =	rddreg [dreg:$0x0];
	s0 =	srdreg.scid  }
0x2: {  	s3 =	stileid.u32;
	s2 =	rddreg [dreg:$0x3]  }
0x3: {  	s5 =	simm.s32 $0x0;
	s19 =	simm.s32 $0x5;
	s31 =	simm.s32 $0x12000  }
0x4: {  	s15 =	simm.s32 $0x12400;
	s16 =	simm.s32 $0x80;
	s22 =	simm.s32 $0x1800  }
0x5: {  	s29 =	simm.s32 $0x3000;
	s23 =	simm.s32 $0x6000;
	s8 =	simm.s32 $0x7800  }
0x6: {  	s21 =	simm.s32 $0x8000;
	s30 =	simm.s32 $0x8800;
	s17 =	simm.s32 $0x9000  }
0x7: {  	s11 =	simm.s32 $0xA800;
	s12 =	simm.s32 $0xB000;
	s13 =	simm.s32 $0xB800  }
0x8: {  	s14 =	simm.s32 $0xC000;
	s0 =	sand.u32 $0x1, s0;
	s3 =	sshll.u32 s3, $0x1  }
0x9: {  	s9 =	simm.s32 $0xD800;
	s7 =	simm.s32 $0x10800;
	s3 =	sor.u32 s0, s3  }
0xa: {  	v0 =	vlaneseq.u32;
	vm0 =	vmmov $0xffff;
	s18 =	simm.s32 $0x1;
	[smem:$0x7FF] =	sst s5;
	s24 =	smul.u32 $0x2710, s3  }
0xb: {  	s20 =	simm.s32 $0x2;
	v14 =	vimm.f32 $0.0e+00;
	v3 =	vmul.u32 $0x8, v0;
	v6 =	vand.u32 $0x7, v0;
	s4 =	ssub.s32 $0x2, s0;
	_ =	strace $0x80000047  }
0xc: {  	v10 =	vor.u32 $0xFFFFFF98, v0;
	v62 =	vor.u32 $0xFFFFFFA8, v0;
	v9 =	vor.u32 $0xFFFFFFB8, v0;
	s3 =	sshll.u32 s3, $0x5;
	s6 =	sshrl.u32 s4, $0x1;
	s26 =	sadd.s32 $0x2700, s24  }
0xd: {  	v8 =	vor.u32 $0xFFFFFFC8, v0;
	v60 =	vor.u32 $0xFFFFFFD8, v0;
	s2 =	sadd.s32 s3, s2;
	s25 =	ssub.s32 s4, s6;
	s4 =	simm.s32 $0x4800;
	v2 =	vmov s26  }
0xe: {  	v59 =	vor.u32 $0xFFFFFFE8, v0;
	v63 =	vor.u32 $0xFFFFFFF8, v0;
	s6 =	simm.s32 $0xF000;
	s3 =	simm.s32 $0x0;
	s2 =	sadd.s32 $0x400, s2;
	v2 =	vshll.u32 v2, $0x3  }
0xf: {  	v61 =	vor.u32 $0xFFFFFF88, v6;
	v4 =	vor.u32 $0x2700, v6;
	[tilespmem:$0x1FFF0] =	vst v8;
	s28 =	smax.u32 s25, $0x1;
	s25 =	simm.s32 $0xA000;
	[dreg:$0x5] =	wrdreg s2;
	v2 =	vor.u32 v3, v2  }
0x10: {  	v5 =	vor.u32 $0x4E00, v6;
	v6 =	vor.u32 $0x7500, v6;
	v1 =	vmov s24;
	s24 =	simm.s32 $0x3;
	[dreg:$0x6] =	wrdreg s28;
	s2 =	simm.s32 $0x9800;
	[tilespmem:$0x1FFE0] =	vst v2  }
.LBB2_1:
0x11: {  	[dreg:$0x7] =	wrdreg s3  }
0x12: {  	s0 =	rddreg [dreg:$0x1];
	s10 =	simm.s32 $0x1C100  }
0x13: {  	[tilespmem:s10], [sflag:$0x5] =	stream.linear.gather [hbm4b:s0+s5], $0x3, $0x38;
	[tilespmem:$0x1C120] =	vst v63  }
0x14: {  	_ =	swait.ge [sflag:s19], $0x3  }
0x15: {  	[sflag:s19] =	ssyncset.done $0x0  }
0x16: {  	[sflag:s19] =	ssyncadd.s32 $0xFFFFFFFD  }
0x17: {  	s26 =	simm.s32 $0x1C110;
	s10 =	rddreg [dreg:$0x2]  }
0x18: {  	[tilespmem:s26], [sflag:$0x5] =	stream.linear.gather [hbm4b:s10+s5], $0x1, $0x38;
	[tilespmem:$0x1C120] =	vst v63  }
0x19: {  	_ =	swait.ge [sflag:s19], $0x1  }
0x1a: {  	[sflag:s19] =	ssyncset.done $0x0  }
0x1b: {  	[sflag:s19] =	ssyncadd.s32 $0xFFFFFFFF  }
0x1c: {  	v15 =	vld [tilespmem:$0x1C100];
	_ =	sdelay $0x4  }
0x1d: {  	(v2sf) =	vpush v15, $0x0  }
0x1e: {  	v16 =	vld [tilespmem:$0x1C110]  }
0x1f: {  	(v2sf) =	vpush v15, $0x1;
	_ =	sdelay $0x1  }
0x20: {  	(v2sf) =	vpush v15, $0x2;
	_ =	sdelay $0x1  }
0x21: {  	(v2sf) =	vpush v16, $0x0;
	_ =	sdelay $0x5  }
0x22: {  	v2 =	vld [tilespmem:$0x1FFE0];
	_ =	sdelay $0x2  }
0x23: {  	s10 =	spop (v2sf)  }
0x24: {  	s0 =	sshrl.u32 s10, $0x4  }
0x25: {  	s19 =	spop (v2sf);
	v15 =	vadd.s32 s0, v2  }
0x26: {  	[dreg:$0x9] =	wrdreg s10;
	s10 =	sshrl.u32 s19, $0x4  }
0x27: {  	s26 =	spop (v2sf);
	v16 =	vadd.s32 s10, v2  }
0x28: {  	[dreg:$0x8] =	wrdreg s26;
	s26 =	sshrl.u32 s26, $0x4  }
0x29: {  	s28 =	simm.s32 $0x12100;
	[dreg:$0xa] =	wrdreg s19;
	s19 =	spop (v2sf);
	v17 =	vadd.s32 s26, v2  }
0x2a: {  	[tilespmem:s31], [sflag:$0x4] =	stream.indirect_vreg.gather [hbm4b:s1+s5], $0x10, v15, vm0, $0xb8;
	[tilespmem:$0x1C120] =	vst v63  }
0x2b: {  	[dreg:$0xb] =	wrdreg s19;
	s31 =	sshrl.u32 s19, $0x4;
	s19 =	simm.s32 $0x0  }
0x2c: {  	v18 =	vor.u32 s19, v0;
	v19 =	vadd.s32 s31, v2;
	[tilespmem:s28], [sflag:$0x4] =	stream.indirect_vreg.gather [hbm4b:s1+s5], $0x10, v16, vm0, $0xb8;
	[tilespmem:$0x1C120] =	vst v63  }
0x2d: {  	s28 =	simm.s32 $0x12200;
	v20 =	vand.u32 $0x188, v18;
	v21 =	vand.u32 v61, v18  }
0x2e: {  	v15 =	vmov s0;
	v22 =	vadd.s32 v4, v20;
	[tilespmem:s28], [sflag:$0x4] =	stream.indirect_vreg.gather [hbm4b:s1+s5], $0x10, v17, vm0, $0xb8;
	[tilespmem:$0x1C120] =	vst v63  }
0x2f: {  	v16 =	vmov s10;
	v23 =	vor.u32 v5, v20;
	v17 =	vadd.s32 v1, v18;
	s28 =	simm.s32 $0x10  }
0x30: {  	s3 =	simm.s32 $0x12300;
	v20 =	vadd.s32 v6, v20;
	v24 =	vshll.u32 v17, $0x3;
	v18 =	vor.u32 s28, v0  }
0x31: {  	v17 =	vmov s26;
	[tilespmem:s3], [sflag:$0x4] =	stream.indirect_vreg.gather [hbm4b:s1+s5], $0x10, v19, vm0, $0xb8;
	v19 =	vadd.s32 v15, v24;
	v25 =	vand.u32 v10, v18;
	[tilespmem:$0x1C120] =	vst v63  }
0x32: {  	v26 =	vand.u32 $0x198, v18;
	[tilespmem:v21+s15+$0x0] =	vst.idx.msk $0xffff, v19;
	v19 =	vadd.s32 v16, v24;
	v21 =	vadd.s32 v1, v18  }
0x33: {  	v18 =	vmov s31;
	[tilespmem:v22+s15+$0x0] =	vst.idx.msk $0xffff, v19;
	v19 =	vadd.s32 v17, v24;
	v22 =	vadd.s32 v4, v26  }
0x34: {  	s3 =	simm.s32 $0x20;
	v24 =	vadd.s32 v18, v24;
	[tilespmem:v23+s15+$0x0] =	vst.idx.msk $0xffff, v19;
	v19 =	vshll.u32 v21, $0x3;
	v21 =	vor.u32 v5, v26  }
0x35: {  	v23 =	vadd.s32 v6, v26;
	[tilespmem:v20+s15+$0x0] =	vst.idx.msk $0xffff, v24;
	v20 =	vadd.s32 v15, v19;
	v24 =	vor.u32 s3, v0  }
0x36: {  	[tilespmem:v25+s15+$0x0] =	vst.idx.msk $0xffff, v20;
	v20 =	vand.u32 $0x1A8, v24;
	v25 =	vand.u32 v62, v24  }
0x37: {  	v26 =	vadd.s32 v16, v19;
	v24 =	vadd.s32 v1, v24;
	v27 =	vadd.s32 v4, v20  }
0x38: {  	s10 =	simm.s32 $0x30;
	v24 =	vshll.u32 v24, $0x3;
	[tilespmem:v22+s15+$0x0] =	vst.idx.msk $0xffff, v26;
	v22 =	vadd.s32 v17, v19;
	v26 =	vor.u32 v5, v20  }
0x39: {  	v19 =	vadd.s32 v18, v19;
	v20 =	vadd.s32 v6, v20;
	[tilespmem:v21+s15+$0x0] =	vst.idx.msk $0xffff, v22;
	v21 =	vor.u32 s10, v0  }
0x3a: {  	[tilespmem:v23+s15+$0x0] =	vst.idx.msk $0xffff, v19;
	v19 =	vadd.s32 v15, v24;
	v23 =	vand.u32 v9, v21  }
0x3b: {  	v22 =	vand.u32 $0x1B8, v21;
	v21 =	vadd.s32 v1, v21;
	[tilespmem:v25+s15+$0x0] =	vst.idx.msk $0xffff, v19;
	v19 =	vadd.s32 v16, v24  }
0x3c: {  	v25 =	vadd.s32 v4, v22;
	[tilespmem:v27+s15+$0x0] =	vst.idx.msk $0xffff, v19;
	v19 =	vadd.s32 v17, v24  }
0x3d: {  	s19 =	simm.s32 $0x40;
	v27 =	vor.u32 v5, v22;
	[tilespmem:v26+s15+$0x0] =	vst.idx.msk $0xffff, v19;
	v19 =	vadd.s32 v18, v24  }
0x3e: {  	v21 =	vshll.u32 v21, $0x3;
	[tilespmem:v20+s15+$0x0] =	vst.idx.msk $0xffff, v19;
	v19 =	vadd.s32 v6, v22;
	v20 =	vor.u32 s19, v0  }
0x3f: {  	v22 =	vadd.s32 v15, v21;
	v24 =	vand.u32 v8, v20  }
0x40: {  	[tilespmem:v23+s15+$0x0] =	vst.idx.msk $0xffff, v22;
	v22 =	vadd.s32 v16, v21;
	v23 =	vand.u32 $0x1C8, v20;
	v20 =	vadd.s32 v1, v20  }
0x41: {  	[tilespmem:v25+s15+$0x0] =	vst.idx.msk $0xffff, v22;
	v22 =	vadd.s32 v17, v21;
	v25 =	vadd.s32 v4, v23  }
0x42: {  	s26 =	simm.s32 $0x50;
	v26 =	vor.u32 v5, v23;
	v21 =	vadd.s32 v18, v21;
	[tilespmem:v27+s15+$0x0] =	vst.idx.msk $0xffff, v22  }
0x43: {  	v20 =	vshll.u32 v20, $0x3;
	[tilespmem:v19+s15+$0x0] =	vst.idx.msk $0xffff, v21;
	v19 =	vadd.s32 v6, v23;
	v21 =	vor.u32 s26, v0  }
0x44: {  	v22 =	vadd.s32 v15, v20;
	v27 =	vand.u32 v60, v21  }
0x45: {  	v23 =	vand.u32 $0x1D8, v21;
	[tilespmem:v24+s15+$0x0] =	vst.idx.msk $0xffff, v22;
	v22 =	vadd.s32 v16, v20;
	v21 =	vadd.s32 v1, v21  }
0x46: {  	v28 =	vadd.s32 v4, v23;
	[tilespmem:v25+s15+$0x0] =	vst.idx.msk $0xffff, v22;
	v22 =	vadd.s32 v17, v20  }
0x47: {  	s28 =	simm.s32 $0x60;
	v24 =	vor.u32 v5, v23;
	v20 =	vadd.s32 v18, v20;
	[tilespmem:v26+s15+$0x0] =	vst.idx.msk $0xffff, v22  }
0x48: {  	v21 =	vshll.u32 v21, $0x3;
	v22 =	vadd.s32 v6, v23;
	[tilespmem:v19+s15+$0x0] =	vst.idx.msk $0xffff, v20;
	v19 =	vor.u32 s28, v0  }
0x49: {  	v20 =	vadd.s32 v15, v21;
	v25 =	vand.u32 v59, v19  }
0x4a: {  	v23 =	vand.u32 $0x1E8, v19;
	[tilespmem:v27+s15+$0x0] =	vst.idx.msk $0xffff, v20;
	v20 =	vadd.s32 v16, v21;
	v19 =	vadd.s32 v1, v19  }
0x4b: {  	[tilespmem:v28+s15+$0x0] =	vst.idx.msk $0xffff, v20;
	v20 =	vadd.s32 v17, v21;
	v26 =	vadd.s32 v4, v23  }
0x4c: {  	s31 =	simm.s32 $0x70;
	v21 =	vadd.s32 v18, v21;
	[tilespmem:v24+s15+$0x0] =	vst.idx.msk $0xffff, v20;
	v20 =	vor.u32 v5, v23  }
0x4d: {  	v58 =	vor.u32 s31, v0;
	v27 =	vshll.u32 v19, $0x3;
	[tilespmem:v22+s15+$0x0] =	vst.idx.msk $0xffff, v21;
	v21 =	vadd.s32 v6, v23  }
0x4e: {  	v19 =	vadd.s32 v15, v27;
	v23 =	vadd.s32 v1, v58  }
0x4f: {  	v24 =	vand.u32 $0x1F8, v58;
	v22 =	vadd.s32 v18, v27;
	[tilespmem:v25+s15+$0x0] =	vst.idx.msk $0xffff, v19;
	v25 =	vadd.s32 v16, v27  }
0x50: {  	s0 =	simm.s32 $0xF0;
	v19 =	vshll.u32 v23, $0x3;
	v23 =	vand.u32 v63, v58;
	[tilespmem:v26+s15+$0x0] =	vst.idx.msk $0xffff, v25;
	v25 =	vadd.s32 v17, v27  }
.LBB2_2:
0x51: {  	p0 =	sne.s32 s0, $0x170;
	[tilespmem:v20+s15+$0x0] =	vst.idx.msk $0xffff, v25;
	v20 =	vadd.s32 v4, v24;
	s26 =	smov.u32 s0;
	s0 =	sadd.s32 $0x80, s0  }
0x52: {  	s10 =	sadd.s32 $0xFFFFFF90, s26;
	[tilespmem:v21+s15+$0x0] =	vst.idx.msk $0xffff, v22;
	v21 =	vadd.s32 v15, v19;
	v22 =	vor.u32 v5, v24  }
0x53: {  	v26 =	vadd.s32 v18, v19;
	v24 =	vadd.s32 v6, v24;
	v25 =	vor.u32 s10, v0  }
0x54: {  	v27 =	vadd.s32 v1, v25;
	v28 =	vand.u32 $0x188, v25;
	v25 =	vand.u32 v61, v25  }
0x55: {  	v27 =	vshll.u32 v27, $0x3;
	v29 =	vadd.s32 v4, v28;
	[tilespmem:v23+s15+$0x0] =	vst.idx.msk $0xffff, v21;
	v21 =	vadd.s32 v16, v19  }
0x56: {  	s10 =	sadd.s32 $0xFFFFFFA0, s26;
	v23 =	vor.u32 v5, v28;
	v19 =	vadd.s32 v17, v19;
	[tilespmem:v20+s15+$0x0] =	vst.idx.msk $0xffff, v21  }
0x57: {  	v20 =	vadd.s32 v18, v27;
	v21 =	vadd.s32 v6, v28;
	v28 =	vor.u32 s10, v0;
	[tilespmem:v22+s15+$0x0] =	vst.idx.msk $0xffff, v19  }
0x58: {  	v19 =	vadd.s32 v15, v27;
	v22 =	vand.u32 $0x198, v28;
	v30 =	vand.u32 v10, v28;
	[tilespmem:v24+s15+$0x0] =	vst.idx.msk $0xffff, v26  }
0x59: {  	v24 =	vadd.s32 v1, v28;
	[tilespmem:v25+s15+$0x0] =	vst.idx.msk $0xffff, v19;
	v19 =	vadd.s32 v16, v27  }
0x5a: {  	v25 =	vadd.s32 v4, v22;
	[tilespmem:v29+s15+$0x0] =	vst.idx.msk $0xffff, v19;
	v19 =	vadd.s32 v17, v27  }
0x5b: {  	s10 =	sadd.s32 $0xFFFFFFB0, s26;
	[tilespmem:v23+s15+$0x0] =	vst.idx.msk $0xffff, v19;
	v19 =	vshll.u32 v24, $0x3;
	v23 =	vor.u32 v5, v22;
	v22 =	vadd.s32 v6, v22  }
0x5c: {  	[tilespmem:v21+s15+$0x0] =	vst.idx.msk $0xffff, v20;
	v20 =	vadd.s32 v15, v19;
	v21 =	vor.u32 s10, v0  }
0x5d: {  	[tilespmem:v30+s15+$0x0] =	vst.idx.msk $0xffff, v20;
	v20 =	vadd.s32 v16, v19;
	v24 =	vand.u32 $0x1A8, v21;
	v26 =	vand.u32 v62, v21  }
0x5e: {  	v21 =	vadd.s32 v1, v21;
	v27 =	vadd.s32 v4, v24  }
0x5f: {  	s10 =	sadd.s32 $0xFFFFFFC0, s26;
	v21 =	vshll.u32 v21, $0x3;
	[tilespmem:v25+s15+$0x0] =	vst.idx.msk $0xffff, v20;
	v20 =	vadd.s32 v17, v19;
	v25 =	vor.u32 v5, v24  }
0x60: {  	v19 =	vadd.s32 v18, v19;
	[tilespmem:v23+s15+$0x0] =	vst.idx.msk $0xffff, v20;
	v20 =	vadd.s32 v6, v24;
	v23 =	vor.u32 s10, v0  }
0x61: {  	[tilespmem:v22+s15+$0x0] =	vst.idx.msk $0xffff, v19;
	v19 =	vadd.s32 v15, v21;
	v22 =	vand.u32 $0x1B8, v23;
	v24 =	vand.u32 v9, v23  }
0x62: {  	[tilespmem:v26+s15+$0x0] =	vst.idx.msk $0xffff, v19;
	v19 =	vadd.s32 v16, v21;
	v26 =	vor.u32 v5, v22  }
0x63: {  	[tilespmem:v27+s15+$0x0] =	vst.idx.msk $0xffff, v19;
	v19 =	vadd.s32 v17, v21;
	v27 =	vadd.s32 v4, v22  }
0x64: {  	s10 =	sadd.s32 $0xFFFFFFD0, s26;
	[tilespmem:v25+s15+$0x0] =	vst.idx.msk $0xffff, v19;
	v19 =	vadd.s32 v18, v21;
	v21 =	vadd.s32 v1, v23  }
0x65: {  	[tilespmem:v20+s15+$0x0] =	vst.idx.msk $0xffff, v19;
	v19 =	vshll.u32 v21, $0x3;
	v20 =	vadd.s32 v6, v22;
	v21 =	vor.u32 s10, v0  }
0x66: {  	v22 =	vadd.s32 v15, v19;
	v23 =	vand.u32 $0x1C8, v21;
	v25 =	vand.u32 v8, v21  }
0x67: {  	[tilespmem:v24+s15+$0x0] =	vst.idx.msk $0xffff, v22;
	v22 =	vadd.s32 v16, v19;
	v24 =	vor.u32 v5, v23  }
0x68: {  	[tilespmem:v27+s15+$0x0] =	vst.idx.msk $0xffff, v22;
	v22 =	vadd.s32 v17, v19;
	v27 =	vadd.s32 v4, v23  }
0x69: {  	s10 =	sadd.s32 $0xFFFFFFE0, s26;
	v21 =	vadd.s32 v1, v21;
	v19 =	vadd.s32 v18, v19;
	[tilespmem:v26+s15+$0x0] =	vst.idx.msk $0xffff, v22  }
0x6a: {  	[tilespmem:v20+s15+$0x0] =	vst.idx.msk $0xffff, v19;
	v19 =	vshll.u32 v21, $0x3;
	v20 =	vadd.s32 v6, v23;
	v21 =	vor.u32 s10, v0  }
0x6b: {  	v22 =	vadd.s32 v15, v19;
	v23 =	vand.u32 $0x1D8, v21;
	v26 =	vand.u32 v60, v21  }
0x6c: {  	[tilespmem:v25+s15+$0x0] =	vst.idx.msk $0xffff, v22;
	v22 =	vadd.s32 v16, v19;
	v25 =	vor.u32 v5, v23  }
0x6d: {  	[tilespmem:v27+s15+$0x0] =	vst.idx.msk $0xffff, v22;
	v22 =	vadd.s32 v17, v19;
	v27 =	vadd.s32 v4, v23  }
0x6e: {  	s10 =	sadd.s32 $0xFFFFFFF0, s26;
	v21 =	vadd.s32 v1, v21;
	v19 =	vadd.s32 v18, v19;
	[tilespmem:v24+s15+$0x0] =	vst.idx.msk $0xffff, v22  }
0x6f: {  	v22 =	vor.u32 s10, v0;
	[tilespmem:v20+s15+$0x0] =	vst.idx.msk $0xffff, v19;
	v19 =	vshll.u32 v21, $0x3;
	v21 =	vadd.s32 v6, v23  }
0x70: {  	v23 =	vand.u32 $0x1E8, v22;
	v24 =	vand.u32 v59, v22;
	v20 =	vadd.s32 v15, v19  }
0x71: {  	[tilespmem:v26+s15+$0x0] =	vst.idx.msk $0xffff, v20;
	v26 =	vadd.s32 v16, v19;
	v20 =	vor.u32 v5, v23  }
0x72: {  	[tilespmem:v27+s15+$0x0] =	vst.idx.msk $0xffff, v26;
	v26 =	vadd.s32 v17, v19;
	v27 =	vadd.s32 v4, v23  }
.Ltmp0:
0x73: {  	v22 =	vadd.s32 v1, v22;
	v19 =	vadd.s32 v18, v19;
	[tilespmem:v25+s15+$0x0] =	vst.idx.msk $0xffff, v26;
	(pc) =	sbr.rel @p0 .LBB2_2-.Ltmp0, $4  }
0x74: {  	v25 =	vshll.u32 v22, $0x3;
	[tilespmem:v21+s15+$0x0] =	vst.idx.msk $0xffff, v19;
	v21 =	vadd.s32 v6, v23;
	v23 =	vor.u32 s26, v0  }
0x75: {  	v19 =	vadd.s32 v15, v25;
	v22 =	vadd.s32 v18, v25;
	v26 =	vadd.s32 v1, v23  }
0x76: {  	v28 =	vadd.s32 v16, v25;
	[tilespmem:v24+s15+$0x0] =	vst.idx.msk $0xffff, v19;
	v19 =	vshll.u32 v26, $0x3;
	v24 =	vand.u32 $0x1F8, v23  }
0x77: {  	v25 =	vadd.s32 v17, v25;
	v23 =	vand.u32 v63, v23;
	[tilespmem:v27+s15+$0x0] =	vst.idx.msk $0xffff, v28  }
0x78: {  	_ =	sdelay $0x1  }
0x79: {  	v26 =	vadd.s32 v4, v24  }
0x7a: {  	v27 =	vor.u32 v5, v24  }
0x7b: {  	[tilespmem:v20+s15+$0x0] =	vst.idx.msk $0xffff, v25;
	v20 =	vadd.s32 v6, v24  }
0x7c: {  	[tilespmem:v21+s15+$0x0] =	vst.idx.msk $0xffff, v22;
	v21 =	vadd.s32 v15, v19  }
0x7d: {  	[tilespmem:v23+s15+$0x0] =	vst.idx.msk $0xffff, v21;
	v21 =	vadd.s32 v16, v19  }
0x7e: {  	[tilespmem:v26+s15+$0x0] =	vst.idx.msk $0xffff, v21;
	v21 =	vadd.s32 v17, v19  }
0x7f: {  	v19 =	vadd.s32 v18, v19;
	[tilespmem:v27+s15+$0x0] =	vst.idx.msk $0xffff, v21  }
0x80: {  	[tilespmem:v20+s15+$0x0] =	vst.idx.msk $0xffff, v19  }
0x81: {  	[tilespmem:s5], [sflag:$0x1] =	stream.indirect.gather [hbm4b:s1+s16], $0x10, s15, s16, $0xb8;
	[tilespmem:$0x1C120] =	vst v63  }
0x82: {  	s0 =	simm.s32 $0x12480;
	s3 =	simm.s32 $0x800  }
0x83: {  	[tilespmem:s3], [sflag:$0x1] =	stream.indirect.gather [hbm4b:s1+s16], $0x10, s0, s16, $0xb8;
	[tilespmem:$0x1C120] =	vst v63  }
0x84: {  	s31 =	simm.s32 $0x12500;
	s10 =	simm.s32 $0x1000  }
0x85: {  	[tilespmem:s10], [sflag:$0x1] =	stream.indirect.gather [hbm4b:s1+s16], $0x10, s31, s16, $0xb8;
	[tilespmem:$0x1C120] =	vst v63  }
0x86: {  	s10 =	simm.s32 $0x14B00  }
0x87: {  	[tilespmem:s22], [sflag:$0x1] =	stream.indirect.gather [hbm4b:s1+s16], $0x10, s10, s16, $0xb8;
	[tilespmem:$0x1C120] =	vst v63  }
0x88: {  	s19 =	simm.s32 $0x14B80;
	s26 =	simm.s32 $0x2000  }
0x89: {  	[tilespmem:s26], [sflag:$0x1] =	stream.indirect.gather [hbm4b:s1+s16], $0x10, s19, s16, $0xb8;
	[tilespmem:$0x1C120] =	vst v63  }
0x8a: {  	s28 =	simm.s32 $0x14C00;
	s31 =	simm.s32 $0x2800  }
0x8b: {  	[tilespmem:s31], [sflag:$0x1] =	stream.indirect.gather [hbm4b:s1+s16], $0x10, s28, s16, $0xb8;
	[tilespmem:$0x1C120] =	vst v63  }
0x8c: {  	s10 =	simm.s32 $0x17200  }
0x8d: {  	[tilespmem:s29], [sflag:$0x1] =	stream.indirect.gather [hbm4b:s1+s16], $0x10, s10, s16, $0xb8;
	[tilespmem:$0x1C120] =	vst v63  }
0x8e: {  	s19 =	simm.s32 $0x17280;
	s26 =	simm.s32 $0x3800  }
0x8f: {  	[tilespmem:s26], [sflag:$0x1] =	stream.indirect.gather [hbm4b:s1+s16], $0x10, s19, s16, $0xb8;
	[tilespmem:$0x1C120] =	vst v63  }
0x90: {  	s28 =	simm.s32 $0x17300;
	s31 =	simm.s32 $0x4000;
	s19 =	simm.s32 $0x180  }
0x91: {  	[tilespmem:s31], [sflag:$0x1] =	stream.indirect.gather [hbm4b:s1+s16], $0x10, s28, s16, $0xb8;
	[tilespmem:$0x1C120] =	vst v63  }
0x92: {  	s26 =	simm.s32 $0x19900;
	v19 =	vor.u32 s19, v0  }
0x93: {  	v20 =	vand.u32 $0x388, v19;
	v21 =	vand.u32 v61, v19;
	[tilespmem:s4], [sflag:$0x1] =	stream.indirect.gather [hbm4b:s1+s16], $0x10, s26, s16, $0xb8;
	[tilespmem:$0x1C120] =	vst v63  }
0x94: {  	s19 =	simm.s32 $0x190;
	s28 =	simm.s32 $0x19980;
	s31 =	simm.s32 $0x5000;
	v22 =	vadd.s32 v4, v20  }
0x95: {  	v19 =	vadd.s32 v1, v19;
	v23 =	vadd.s32 v5, v20;
	[tilespmem:s31], [sflag:$0x1] =	stream.indirect.gather [hbm4b:s1+s16], $0x10, s28, s16, $0xb8;
	[tilespmem:$0x1C120] =	vst v63  }
0x96: {  	v24 =	vor.u32 s19, v0;
	v19 =	vshll.u32 v19, $0x3;
	v20 =	vadd.s32 v6, v20;
	s26 =	simm.s32 $0x19A00;
	s28 =	simm.s32 $0x5800  }
0x97: {  	v26 =	vand.u32 v10, v24;
	v25 =	vadd.s32 v15, v19;
	[tilespmem:s28], [sflag:$0x1] =	stream.indirect.gather [hbm4b:s1+s16], $0x10, s26, s16, $0xb8;
	[tilespmem:$0x1C120] =	vst v63  }
0x98: {  	v27 =	vand.u32 $0x398, v24;
	v24 =	vadd.s32 v1, v24;
	[tilespmem:v21+s15+$0x0] =	vst.idx.msk $0xffff, v25;
	v21 =	vadd.s32 v16, v19  }
0x99: {  	[tilespmem:v22+s15+$0x0] =	vst.idx.msk $0xffff, v21;
	v21 =	vadd.s32 v17, v19;
	v22 =	vadd.s32 v4, v27  }
0x9a: {  	s31 =	simm.s32 $0x1A0;
	v19 =	vadd.s32 v18, v19;
	[tilespmem:v23+s15+$0x0] =	vst.idx.msk $0xffff, v21;
	v21 =	vshll.u32 v24, $0x3;
	v23 =	vadd.s32 v5, v27  }
0x9b: {  	v24 =	vadd.s32 v6, v27;
	[tilespmem:v20+s15+$0x0] =	vst.idx.msk $0xffff, v19;
	v19 =	vadd.s32 v15, v21;
	v20 =	vor.u32 s31, v0  }
0x9c: {  	[tilespmem:v26+s15+$0x0] =	vst.idx.msk $0xffff, v19;
	v19 =	vand.u32 $0x3A8, v20;
	v25 =	vand.u32 v62, v20  }
0x9d: {  	v26 =	vadd.s32 v16, v21;
	v20 =	vadd.s32 v1, v20;
	v27 =	vadd.s32 v4, v19  }
0x9e: {  	s10 =	simm.s32 $0x1B0;
	v20 =	vshll.u32 v20, $0x3;
	[tilespmem:v22+s15+$0x0] =	vst.idx.msk $0xffff, v26;
	v22 =	vadd.s32 v17, v21;
	v26 =	vadd.s32 v5, v19  }
0x9f: {  	v21 =	vadd.s32 v18, v21;
	v19 =	vadd.s32 v6, v19;
	[tilespmem:v23+s15+$0x0] =	vst.idx.msk $0xffff, v22;
	v22 =	vor.u32 s10, v0  }
0xa0: {  	[tilespmem:v24+s15+$0x0] =	vst.idx.msk $0xffff, v21;
	v21 =	vadd.s32 v15, v20;
	v24 =	vand.u32 v9, v22  }
0xa1: {  	v23 =	vand.u32 $0x3B8, v22;
	v22 =	vadd.s32 v1, v22;
	[tilespmem:v25+s15+$0x0] =	vst.idx.msk $0xffff, v21;
	v21 =	vadd.s32 v16, v20  }
0xa2: {  	v25 =	vadd.s32 v4, v23;
	[tilespmem:v27+s15+$0x0] =	vst.idx.msk $0xffff, v21;
	v21 =	vadd.s32 v17, v20  }
0xa3: {  	s19 =	simm.s32 $0x1C0;
	v27 =	vadd.s32 v5, v23;
	v20 =	vadd.s32 v18, v20;
	[tilespmem:v26+s15+$0x0] =	vst.idx.msk $0xffff, v21  }
0xa4: {  	v21 =	vshll.u32 v22, $0x3;
	[tilespmem:v19+s15+$0x0] =	vst.idx.msk $0xffff, v20;
	v19 =	vadd.s32 v6, v23;
	v20 =	vor.u32 s19, v0  }
0xa5: {  	v22 =	vadd.s32 v15, v21;
	v23 =	vand.u32 v8, v20  }
0xa6: {  	[tilespmem:v24+s15+$0x0] =	vst.idx.msk $0xffff, v22;
	v22 =	vadd.s32 v16, v21;
	v24 =	vand.u32 $0x3C8, v20;
	v20 =	vadd.s32 v1, v20  }
0xa7: {  	[tilespmem:v25+s15+$0x0] =	vst.idx.msk $0xffff, v22;
	v22 =	vadd.s32 v17, v21;
	v25 =	vadd.s32 v4, v24  }
0xa8: {  	s26 =	simm.s32 $0x1D0;
	v26 =	vadd.s32 v5, v24;
	v21 =	vadd.s32 v18, v21;
	[tilespmem:v27+s15+$0x0] =	vst.idx.msk $0xffff, v22  }
0xa9: {  	v20 =	vshll.u32 v20, $0x3;
	[tilespmem:v19+s15+$0x0] =	vst.idx.msk $0xffff, v21;
	v19 =	vadd.s32 v6, v24;
	v21 =	vor.u32 s26, v0  }
0xaa: {  	v22 =	vadd.s32 v15, v20;
	v27 =	vand.u32 v60, v21  }
0xab: {  	v24 =	vand.u32 $0x3D8, v21;
	[tilespmem:v23+s15+$0x0] =	vst.idx.msk $0xffff, v22;
	v22 =	vadd.s32 v16, v20;
	v21 =	vadd.s32 v1, v21  }
0xac: {  	v28 =	vadd.s32 v4, v24;
	[tilespmem:v25+s15+$0x0] =	vst.idx.msk $0xffff, v22;
	v22 =	vadd.s32 v17, v20  }
0xad: {  	s28 =	simm.s32 $0x1E0;
	v23 =	vadd.s32 v5, v24;
	v20 =	vadd.s32 v18, v20;
	[tilespmem:v26+s15+$0x0] =	vst.idx.msk $0xffff, v22  }
0xae: {  	v21 =	vshll.u32 v21, $0x3;
	v22 =	vadd.s32 v6, v24;
	[tilespmem:v19+s15+$0x0] =	vst.idx.msk $0xffff, v20;
	v19 =	vor.u32 s28, v0  }
0xaf: {  	v20 =	vadd.s32 v15, v21;
	v25 =	vand.u32 v59, v19  }
0xb0: {  	v24 =	vand.u32 $0x3E8, v19;
	[tilespmem:v27+s15+$0x0] =	vst.idx.msk $0xffff, v20;
	v20 =	vadd.s32 v16, v21;
	v19 =	vadd.s32 v1, v19  }
0xb1: {  	[tilespmem:v28+s15+$0x0] =	vst.idx.msk $0xffff, v20;
	v20 =	vadd.s32 v17, v21;
	v26 =	vadd.s32 v4, v24  }
0xb2: {  	s31 =	simm.s32 $0x1F0;
	v21 =	vadd.s32 v18, v21;
	[tilespmem:v23+s15+$0x0] =	vst.idx.msk $0xffff, v20;
	v20 =	vadd.s32 v5, v24  }
0xb3: {  	v27 =	vor.u32 s31, v0;
	v23 =	vshll.u32 v19, $0x3;
	[tilespmem:v22+s15+$0x0] =	vst.idx.msk $0xffff, v21;
	v21 =	vadd.s32 v6, v24  }
0xb4: {  	v19 =	vadd.s32 v15, v23;
	v24 =	vadd.s32 v1, v27  }
0xb5: {  	v22 =	vadd.s32 v18, v23;
	[tilespmem:v25+s15+$0x0] =	vst.idx.msk $0xffff, v19;
	v25 =	vadd.s32 v16, v23;
	v19 =	vshll.u32 v24, $0x3  }
0xb6: {  	s0 =	simm.s32 $0x270;
	v24 =	vand.u32 $0x3F8, v27;
	[tilespmem:v26+s15+$0x0] =	vst.idx.msk $0xffff, v25;
	v25 =	vadd.s32 v17, v23;
	v23 =	vand.u32 v63, v27  }
.LBB2_4:
0xb7: {  	p0 =	sne.s32 s0, $0x2F0;
	[tilespmem:v20+s15+$0x0] =	vst.idx.msk $0xffff, v25;
	v20 =	vadd.s32 v4, v24;
	s26 =	smov.u32 s0;
	s0 =	sadd.s32 $0x80, s0  }
0xb8: {  	s10 =	sadd.s32 $0xFFFFFF90, s26;
	[tilespmem:v21+s15+$0x0] =	vst.idx.msk $0xffff, v22;
	v21 =	vadd.s32 v15, v19;
	v22 =	vadd.s32 v5, v24  }
0xb9: {  	v26 =	vadd.s32 v18, v19;
	v24 =	vadd.s32 v6, v24;
	v25 =	vor.u32 s10, v0  }
0xba: {  	v27 =	vadd.s32 v1, v25;
	v28 =	vand.u32 $0x388, v25;
	v25 =	vand.u32 v61, v25  }
0xbb: {  	v27 =	vshll.u32 v27, $0x3;
	v29 =	vadd.s32 v4, v28;
	[tilespmem:v23+s15+$0x0] =	vst.idx.msk $0xffff, v21;
	v21 =	vadd.s32 v16, v19  }
0xbc: {  	s10 =	sadd.s32 $0xFFFFFFA0, s26;
	v23 =	vadd.s32 v5, v28;
	v19 =	vadd.s32 v17, v19;
	[tilespmem:v20+s15+$0x0] =	vst.idx.msk $0xffff, v21  }
0xbd: {  	v20 =	vadd.s32 v18, v27;
	v21 =	vadd.s32 v6, v28;
	v28 =	vor.u32 s10, v0;
	[tilespmem:v22+s15+$0x0] =	vst.idx.msk $0xffff, v19  }
0xbe: {  	v19 =	vadd.s32 v15, v27;
	v22 =	vand.u32 $0x398, v28;
	v30 =	vand.u32 v10, v28;
	[tilespmem:v24+s15+$0x0] =	vst.idx.msk $0xffff, v26  }
0xbf: {  	v24 =	vadd.s32 v1, v28;
	[tilespmem:v25+s15+$0x0] =	vst.idx.msk $0xffff, v19;
	v19 =	vadd.s32 v16, v27  }
0xc0: {  	v25 =	vadd.s32 v4, v22;
	[tilespmem:v29+s15+$0x0] =	vst.idx.msk $0xffff, v19;
	v19 =	vadd.s32 v17, v27  }
0xc1: {  	s10 =	sadd.s32 $0xFFFFFFB0, s26;
	[tilespmem:v23+s15+$0x0] =	vst.idx.msk $0xffff, v19;
	v19 =	vshll.u32 v24, $0x3;
	v23 =	vadd.s32 v5, v22;
	v22 =	vadd.s32 v6, v22  }
0xc2: {  	[tilespmem:v21+s15+$0x0] =	vst.idx.msk $0xffff, v20;
	v20 =	vadd.s32 v15, v19;
	v21 =	vor.u32 s10, v0  }
0xc3: {  	[tilespmem:v30+s15+$0x0] =	vst.idx.msk $0xffff, v20;
	v20 =	vadd.s32 v16, v19;
	v24 =	vand.u32 $0x3A8, v21;
	v26 =	vand.u32 v62, v21  }
0xc4: {  	v21 =	vadd.s32 v1, v21;
	v27 =	vadd.s32 v4, v24  }
0xc5: {  	s10 =	sadd.s32 $0xFFFFFFC0, s26;
	v21 =	vshll.u32 v21, $0x3;
	[tilespmem:v25+s15+$0x0] =	vst.idx.msk $0xffff, v20;
	v20 =	vadd.s32 v17, v19;
	v25 =	vadd.s32 v5, v24  }
0xc6: {  	v19 =	vadd.s32 v18, v19;
	[tilespmem:v23+s15+$0x0] =	vst.idx.msk $0xffff, v20;
	v20 =	vadd.s32 v6, v24;
	v23 =	vor.u32 s10, v0  }
0xc7: {  	[tilespmem:v22+s15+$0x0] =	vst.idx.msk $0xffff, v19;
	v19 =	vadd.s32 v15, v21;
	v22 =	vand.u32 $0x3B8, v23;
	v24 =	vand.u32 v9, v23  }
0xc8: {  	[tilespmem:v26+s15+$0x0] =	vst.idx.msk $0xffff, v19;
	v19 =	vadd.s32 v16, v21;
	v26 =	vadd.s32 v5, v22  }
0xc9: {  	[tilespmem:v27+s15+$0x0] =	vst.idx.msk $0xffff, v19;
	v19 =	vadd.s32 v17, v21;
	v27 =	vadd.s32 v4, v22  }
0xca: {  	s10 =	sadd.s32 $0xFFFFFFD0, s26;
	[tilespmem:v25+s15+$0x0] =	vst.idx.msk $0xffff, v19;
	v19 =	vadd.s32 v18, v21;
	v21 =	vadd.s32 v1, v23  }
0xcb: {  	[tilespmem:v20+s15+$0x0] =	vst.idx.msk $0xffff, v19;
	v19 =	vshll.u32 v21, $0x3;
	v20 =	vadd.s32 v6, v22;
	v21 =	vor.u32 s10, v0  }
0xcc: {  	v22 =	vadd.s32 v15, v19;
	v23 =	vand.u32 $0x3C8, v21;
	v25 =	vand.u32 v8, v21  }
0xcd: {  	[tilespmem:v24+s15+$0x0] =	vst.idx.msk $0xffff, v22;
	v22 =	vadd.s32 v16, v19;
	v24 =	vadd.s32 v5, v23  }
0xce: {  	[tilespmem:v27+s15+$0x0] =	vst.idx.msk $0xffff, v22;
	v22 =	vadd.s32 v17, v19;
	v27 =	vadd.s32 v4, v23  }
0xcf: {  	s10 =	sadd.s32 $0xFFFFFFE0, s26;
	v21 =	vadd.s32 v1, v21;
	v19 =	vadd.s32 v18, v19;
	[tilespmem:v26+s15+$0x0] =	vst.idx.msk $0xffff, v22  }
0xd0: {  	[tilespmem:v20+s15+$0x0] =	vst.idx.msk $0xffff, v19;
	v19 =	vshll.u32 v21, $0x3;
	v20 =	vadd.s32 v6, v23;
	v21 =	vor.u32 s10, v0  }
0xd1: {  	v22 =	vadd.s32 v15, v19;
	v23 =	vand.u32 $0x3D8, v21;
	v26 =	vand.u32 v60, v21  }
0xd2: {  	[tilespmem:v25+s15+$0x0] =	vst.idx.msk $0xffff, v22;
	v22 =	vadd.s32 v16, v19;
	v25 =	vadd.s32 v5, v23  }
0xd3: {  	[tilespmem:v27+s15+$0x0] =	vst.idx.msk $0xffff, v22;
	v22 =	vadd.s32 v17, v19;
	v27 =	vadd.s32 v4, v23  }
0xd4: {  	s10 =	sadd.s32 $0xFFFFFFF0, s26;
	v21 =	vadd.s32 v1, v21;
	v19 =	vadd.s32 v18, v19;
	[tilespmem:v24+s15+$0x0] =	vst.idx.msk $0xffff, v22  }
0xd5: {  	v22 =	vor.u32 s10, v0;
	[tilespmem:v20+s15+$0x0] =	vst.idx.msk $0xffff, v19;
	v19 =	vshll.u32 v21, $0x3;
	v21 =	vadd.s32 v6, v23  }
0xd6: {  	v23 =	vand.u32 $0x3E8, v22;
	v24 =	vand.u32 v59, v22;
	v20 =	vadd.s32 v15, v19  }
0xd7: {  	[tilespmem:v26+s15+$0x0] =	vst.idx.msk $0xffff, v20;
	v26 =	vadd.s32 v16, v19;
	v20 =	vadd.s32 v5, v23  }
0xd8: {  	[tilespmem:v27+s15+$0x0] =	vst.idx.msk $0xffff, v26;
	v26 =	vadd.s32 v17, v19;
	v27 =	vadd.s32 v4, v23  }
.Ltmp1:
0xd9: {  	v22 =	vadd.s32 v1, v22;
	v19 =	vadd.s32 v18, v19;
	[tilespmem:v25+s15+$0x0] =	vst.idx.msk $0xffff, v26;
	(pc) =	sbr.rel @p0 .LBB2_4-.Ltmp1, $4  }
0xda: {  	v25 =	vshll.u32 v22, $0x3;
	[tilespmem:v21+s15+$0x0] =	vst.idx.msk $0xffff, v19;
	v21 =	vadd.s32 v6, v23;
	v23 =	vor.u32 s26, v0  }
0xdb: {  	v19 =	vadd.s32 v15, v25;
	v22 =	vadd.s32 v18, v25;
	v26 =	vadd.s32 v1, v23  }
0xdc: {  	v28 =	vadd.s32 v16, v25;
	[tilespmem:v24+s15+$0x0] =	vst.idx.msk $0xffff, v19;
	v19 =	vshll.u32 v26, $0x3;
	v24 =	vand.u32 $0x3F8, v23  }
0xdd: {  	v25 =	vadd.s32 v17, v25;
	v23 =	vand.u32 v63, v23;
	[tilespmem:v27+s15+$0x0] =	vst.idx.msk $0xffff, v28  }
0xde: {  	_ =	sdelay $0x1  }
0xdf: {  	v26 =	vadd.s32 v4, v24  }
0xe0: {  	v27 =	vadd.s32 v5, v24  }
0xe1: {  	[tilespmem:v20+s15+$0x0] =	vst.idx.msk $0xffff, v25;
	v20 =	vadd.s32 v6, v24  }
0xe2: {  	[tilespmem:v21+s15+$0x0] =	vst.idx.msk $0xffff, v22;
	v21 =	vadd.s32 v15, v19  }
0xe3: {  	[tilespmem:v23+s15+$0x0] =	vst.idx.msk $0xffff, v21;
	v21 =	vadd.s32 v16, v19  }
0xe4: {  	[tilespmem:v26+s15+$0x0] =	vst.idx.msk $0xffff, v21;
	v21 =	vadd.s32 v17, v19  }
0xe5: {  	v19 =	vadd.s32 v18, v19;
	[tilespmem:v27+s15+$0x0] =	vst.idx.msk $0xffff, v21  }
0xe6: {  	s0 =	simm.s32 $0x12580;
	[tilespmem:v20+s15+$0x0] =	vst.idx.msk $0xffff, v19  }
0xe7: {  	[tilespmem:s23], [sflag:$0x2] =	stream.indirect.gather [hbm4b:s1+s16], $0x10, s0, s16, $0xb8;
	[tilespmem:$0x1C120] =	vst v63  }
0xe8: {  	s26 =	simm.s32 $0x12600;
	s10 =	simm.s32 $0x6800  }
0xe9: {  	[tilespmem:s10], [sflag:$0x2] =	stream.indirect.gather [hbm4b:s1+s16], $0x10, s26, s16, $0xb8;
	[tilespmem:$0x1C120] =	vst v63  }
0xea: {  	s28 =	simm.s32 $0x300;
	s31 =	simm.s32 $0x12680;
	s19 =	simm.s32 $0x7000  }
0xeb: {  	v19 =	vor.u32 s28, v0;
	[tilespmem:s19], [sflag:$0x2] =	stream.indirect.gather [hbm4b:s1+s16], $0x10, s31, s16, $0xb8;
	[tilespmem:$0x1C120] =	vst v63  }
0xec: {  	s28 =	simm.s32 $0x310;
	v20 =	vand.u32 $0x3F88, v19;
	v21 =	vand.u32 v61, v19;
	v19 =	vadd.s32 v1, v19;
	s26 =	simm.s32 $0x14C80  }
0xed: {  	v22 =	vadd.s32 v4, v20;
	v25 =	vadd.s32 v5, v20;
	v19 =	vshll.u32 v19, $0x3;
	[tilespmem:s8], [sflag:$0x2] =	stream.indirect.gather [hbm4b:s1+s16], $0x10, s26, s16, $0xb8;
	[tilespmem:$0x1C120] =	vst v63  }
0xee: {  	v27 =	vadd.s32 v6, v20;
	v20 =	vor.u32 s28, v0;
	v28 =	vadd.s32 v15, v19;
	s31 =	simm.s32 $0x14D00  }
0xef: {  	v30 =	vadd.s32 v16, v19;
	v23 =	vand.u32 $0x3F98, v20;
	v34 =	vadd.s32 v17, v19;
	[tilespmem:s21], [sflag:$0x2] =	stream.indirect.gather [hbm4b:s1+s16], $0x10, s31, s16, $0xb8;
	[tilespmem:$0x1C120] =	vst v63  }
0xf0: {  	v24 =	vadd.s32 v1, v20;
	s10 =	simm.s32 $0x320;
	v37 =	vadd.s32 v18, v19;
	v46 =	vand.u32 v10, v20;
	s19 =	simm.s32 $0x14D80  }
0xf1: {  	v38 =	vadd.s32 v6, v23;
	v24 =	vshll.u32 v24, $0x3;
	v26 =	vor.u32 s10, v0;
	[tilespmem:s30], [sflag:$0x2] =	stream.indirect.gather [hbm4b:s1+s16], $0x10, s19, s16, $0xb8;
	[tilespmem:$0x1C120] =	vst v63  }
0xf2: {  	v45 =	vadd.s32 v5, v23;
	v47 =	vadd.s32 v4, v23;
	v39 =	vadd.s32 v18, v24;
	s26 =	simm.s32 $0x17380  }
0xf3: {  	v19 =	vand.u32 $0x3FA8, v26;
	v41 =	vand.u32 v62, v26;
	v44 =	vadd.s32 v15, v24;
	[tilespmem:s17], [sflag:$0x2] =	stream.indirect.gather [hbm4b:s1+s16], $0x10, s26, s16, $0xb8;
	[tilespmem:$0x1C120] =	vst v63  }
0xf4: {  	s28 =	simm.s32 $0x330;
	v26 =	vadd.s32 v1, v26;
	v52 =	vadd.s32 v17, v24;
	v48 =	vadd.s32 v16, v24;
	s31 =	simm.s32 $0x17400  }
0xf5: {  	v49 =	vadd.s32 v5, v19;
	v50 =	vadd.s32 v4, v19;
	v20 =	vshll.u32 v26, $0x3;
	[tilespmem:s2], [sflag:$0x2] =	stream.indirect.gather [hbm4b:s1+s16], $0x10, s31, s16, $0xb8;
	[tilespmem:$0x1C120] =	vst v63  }
0xf6: {  	s10 =	simm.s32 $0x17480;
	v54 =	vadd.s32 v6, v19;
	v19 =	vor.u32 s28, v0;
	v53 =	vadd.s32 v15, v20  }
0xf7: {  	v55 =	vadd.s32 v16, v20;
	v26 =	vand.u32 $0x3FB8, v19;
	v56 =	vadd.s32 v17, v20;
	[tilespmem:s25], [sflag:$0x2] =	stream.indirect.gather [hbm4b:s1+s16], $0x10, s10, s16, $0xb8;
	[tilespmem:$0x1C120] =	vst v63  }
0xf8: {  	v23 =	vadd.s32 v1, v19;
	v57 =	vadd.s32 v18, v20;
	v33 =	vand.u32 v9, v19;
	s26 =	simm.s32 $0x19A80  }
0xf9: {  	v20 =	vadd.s32 v6, v26;
	v40 =	vshll.u32 v23, $0x3;
	v29 =	vadd.s32 v4, v26;
	[tilespmem:s11], [sflag:$0x2] =	stream.indirect.gather [hbm4b:s1+s16], $0x10, s26, s16, $0xb8;
	[tilespmem:$0x1C120] =	vst v63  }
0xfa: {  	s28 =	simm.s32 $0x19B00;
	v31 =	vadd.s32 v5, v26;
	v36 =	vadd.s32 v16, v40;
	v32 =	vadd.s32 v18, v40;
	s19 =	simm.s32 $0x340  }
0xfb: {  	v35 =	vadd.s32 v17, v40;
	v51 =	vadd.s32 v15, v40;
	v24 =	vor.u32 s19, v0;
	[tilespmem:s12], [sflag:$0x2] =	stream.indirect.gather [hbm4b:s1+s16], $0x10, s28, s16, $0xb8;
	[tilespmem:$0x1C120] =	vst v63  }
0xfc: {  	v13 =	vmovc v59;
	s19 =	simm.s32 $0x19B80;
	v42 =	vand.u32 $0x3FC8, v24;
	v23 =	vand.u32 v8, v24;
	v24 =	vadd.s32 v1, v24;
	s31 =	simm.s32 $0x350  }
0xfd: {  	v12 =	vmovc v60;
	v19 =	vadd.s32 v5, v42;
	v26 =	vadd.s32 v4, v42;
	v58 =	vshll.u32 v24, $0x3;
	[tilespmem:s13], [sflag:$0x2] =	stream.indirect.gather [hbm4b:s1+s16], $0x10, s19, s16, $0xb8;
	[tilespmem:$0x1C120] =	vst v63  }
0xfe: {  	v24 =	vadd.s32 v6, v42;
	v43 =	vadd.s32 v15, v58;
	v59 =	vor.u32 s31, v0;
	[tilespmem:v21+s15+$0x0] =	vst.idx.msk $0xffff, v28  }
0xff: {  	v42 =	vadd.s32 v16, v58;
	v40 =	vadd.s32 v17, v58;
	v60 =	vand.u32 $0x3FD8, v59;
	s26 =	simm.s32 $0x360;
	[tilespmem:v22+s15+$0x0] =	vst.idx.msk $0xffff, v30  }
0x100: {  	v21 =	vadd.s32 v5, v60;
	v28 =	vadd.s32 v4, v60;
	[tilespmem:v25+s15+$0x0] =	vst.idx.msk $0xffff, v34;
	v34 =	vor.u32 s26, v0  }
0x101: {  	v22 =	vadd.s32 v1, v59;
	[tilespmem:v27+s15+$0x0] =	vst.idx.msk $0xffff, v37;
	v37 =	vadd.s32 v18, v58;
	v58 =	vand.u32 $0x3FE8, v34  }
0x102: {  	v25 =	vadd.s32 v6, v60;
	v27 =	vshll.u32 v22, $0x3;
	[tilespmem:v46+s15+$0x0] =	vst.idx.msk $0xffff, v44;
	v22 =	vadd.s32 v5, v58  }
0x103: {  	v46 =	vadd.s32 v17, v27;
	v30 =	vadd.s32 v4, v58;
	[tilespmem:v47+s15+$0x0] =	vst.idx.msk $0xffff, v48  }
0x104: {  	v44 =	vand.u32 v13, v34;
	v47 =	vadd.s32 v15, v27;
	[tilespmem:v45+s15+$0x0] =	vst.idx.msk $0xffff, v52  }
0x105: {  	v48 =	vand.u32 v12, v59;
	v45 =	vadd.s32 v16, v27;
	[tilespmem:v38+s15+$0x0] =	vst.idx.msk $0xffff, v39  }
0x106: {  	s28 =	simm.s32 $0x370;
	[tilespmem:v41+s15+$0x0] =	vst.idx.msk $0xffff, v53;
	v41 =	vadd.s32 v18, v27;
	v27 =	vadd.s32 v1, v34  }
0x107: {  	v8 =	vmovc v9;
	v52 =	vor.u32 s28, v0;
	[tilespmem:v50+s15+$0x0] =	vst.idx.msk $0xffff, v55;
	v60 =	vshll.u32 v27, $0x3;
	v27 =	vadd.s32 v6, v58  }
0x108: {  	s31 =	simm.s32 $0x380;
	v38 =	vand.u32 $0x3FF8, v52;
	[tilespmem:v49+s15+$0x0] =	vst.idx.msk $0xffff, v56;
	v49 =	vadd.s32 v15, v60;
	v39 =	vadd.s32 v17, v60  }
0x109: {  	s0 =	simm.s32 $0x3F0;
	s26 =	simm.s32 $0x470;
	v53 =	vor.u32 s31, v0;
	v50 =	vadd.s32 v16, v60;
	v34 =	vadd.s32 v18, v60;
	[tilespmem:v54+s15+$0x0] =	vst.idx.msk $0xffff, v57  }
.LBB2_6:
0x10a: {  	v55 =	vand.u32 v61, v53  }
0x10b: {  	v54 =	vand.u32 $0x3F88, v53;
	[tilespmem:v33+s15+$0x0] =	vst.idx.msk $0xffff, v51;
	v51 =	vadd.s32 v1, v52;
	v60 =	vadd.s32 v1, v53  }
0x10c: {  	v56 =	vadd.s32 v4, v54;
	[tilespmem:v29+s15+$0x0] =	vst.idx.msk $0xffff, v36;
	v29 =	vshll.u32 v51, $0x3;
	v36 =	vand.u32 v63, v52  }
0x10d: {  	v52 =	vadd.s32 v5, v54;
	v53 =	vadd.s32 v6, v54;
	[tilespmem:v31+s15+$0x0] =	vst.idx.msk $0xffff, v35;
	v31 =	vshll.u32 v60, $0x3  }
0x10e: {  	v51 =	vadd.s32 v18, v29;
	[tilespmem:v20+s15+$0x0] =	vst.idx.msk $0xffff, v32;
	v54 =	vadd.s32 v15, v31  }
0x10f: {  	s10 =	sadd.s32 $0xFFFFFFA0, s0;
	v57 =	vadd.s32 v16, v31;
	v58 =	vadd.s32 v17, v31;
	[tilespmem:v23+s15+$0x0] =	vst.idx.msk $0xffff, v43  }
0x110: {  	v20 =	vor.u32 s10, v0;
	v60 =	vadd.s32 v18, v31;
	v32 =	vadd.s32 v4, v38;
	[tilespmem:v26+s15+$0x0] =	vst.idx.msk $0xffff, v42  }
0x111: {  	v43 =	vadd.s32 v17, v29;
	v23 =	vand.u32 $0x3F98, v20;
	v26 =	vadd.s32 v16, v29;
	[tilespmem:v19+s15+$0x0] =	vst.idx.msk $0xffff, v40  }
0x112: {  	s28 =	sadd.s32 $0xFFFFFFB0, s0;
	v59 =	vadd.s32 v6, v23;
	v19 =	vadd.s32 v1, v20;
	[tilespmem:v24+s15+$0x0] =	vst.idx.msk $0xffff, v37  }
0x113: {  	v19 =	vshll.u32 v19, $0x3;
	v24 =	vor.u32 s28, v0;
	v37 =	vadd.s32 v6, v38;
	[tilespmem:v48+s15+$0x0] =	vst.idx.msk $0xffff, v47  }
0x114: {  	v7 =	vadd.s32 v18, v19;
	v9 =	vand.u32 v62, v24;
	v47 =	vand.u32 v10, v20  }
0x115: {  	v31 =	vand.u32 $0x3FA8, v24;
	v20 =	vadd.s32 v1, v24;
	v24 =	vadd.s32 v15, v29;
	[tilespmem:v28+s15+$0x0] =	vst.idx.msk $0xffff, v45  }
0x116: {  	v45 =	vadd.s32 v15, v19;
	v11 =	vadd.s32 v5, v31;
	v2 =	vadd.s32 v4, v31  }
0x117: {  	v3 =	vadd.s32 v6, v31;
	[tilespmem:v21+s15+$0x0] =	vst.idx.msk $0xffff, v46;
	v46 =	vadd.s32 v5, v23  }
0x118: {  	s19 =	sadd.s32 $0xFFFFFFC0, s0;
	v20 =	vshll.u32 v20, $0x3;
	v21 =	vadd.s32 v5, v38;
	[tilespmem:v25+s15+$0x0] =	vst.idx.msk $0xffff, v41;
	v41 =	vadd.s32 v17, v19  }
0x119: {  	v25 =	vor.u32 s19, v0;
	[tilespmem:v44+s15+$0x0] =	vst.idx.msk $0xffff, v49;
	v44 =	vadd.s32 v15, v20;
	v49 =	vadd.s32 v16, v20  }
0x11a: {  	v28 =	vand.u32 $0x3FB8, v25;
	v33 =	vand.u32 v8, v25;
	[tilespmem:v30+s15+$0x0] =	vst.idx.msk $0xffff, v50;
	v30 =	vadd.s32 v4, v23  }
0x11b: {  	v50 =	vadd.s32 v18, v20;
	v29 =	vadd.s32 v4, v28;
	v31 =	vadd.s32 v5, v28  }
0x11c: {  	[tilespmem:v22+s15+$0x0] =	vst.idx.msk $0xffff, v39;
	v22 =	vadd.s32 v16, v19;
	v19 =	vadd.s32 v1, v25  }
0x11d: {  	s28 =	sadd.s32 $0xFFFFFFD0, s0;
	v39 =	vadd.s32 v17, v20;
	v20 =	vadd.s32 v6, v28;
	v38 =	vshll.u32 v19, $0x3;
	[tilespmem:v27+s15+$0x0] =	vst.idx.msk $0xffff, v34  }
0x11e: {  	v48 =	vor.u32 s28, v0;
	[tilespmem:v36+s15+$0x0] =	vst.idx.msk $0xffff, v24;
	v36 =	vadd.s32 v16, v38;
	v35 =	vadd.s32 v17, v38  }
0x11f: {  	v25 =	vand.u32 $0x3FC8, v48;
	v19 =	vld [tilespmem:$0x1FFF0];
	v24 =	vadd.s32 v1, v48;
	[tilespmem:v32+s15+$0x0] =	vst.idx.msk $0xffff, v26;
	v32 =	vadd.s32 v18, v38  }
0x120: {  	v26 =	vadd.s32 v4, v25;
	v27 =	vshll.u32 v24, $0x3;
	v24 =	vadd.s32 v6, v25;
	[tilespmem:v21+s15+$0x0] =	vst.idx.msk $0xffff, v43  }
0x121: {  	s19 =	sadd.s32 $0xFFFFFFE0, s0;
	v43 =	vadd.s32 v15, v27;
	v42 =	vadd.s32 v16, v27;
	[tilespmem:v37+s15+$0x0] =	vst.idx.msk $0xffff, v51  }
0x122: {  	v34 =	vor.u32 s19, v0;
	v40 =	vadd.s32 v17, v27;
	v51 =	vadd.s32 v15, v38;
	[tilespmem:v55+s15+$0x0] =	vst.idx.msk $0xffff, v54  }
0x123: {  	v37 =	vadd.s32 v18, v27;
	v27 =	vadd.s32 v1, v34;
	[tilespmem:v56+s15+$0x0] =	vst.idx.msk $0xffff, v57  }
0x124: {  	v23 =	vand.u32 v19, v48;
	v19 =	vadd.s32 v5, v25;
	[tilespmem:v52+s15+$0x0] =	vst.idx.msk $0xffff, v58  }
0x125: {  	s28 =	sadd.s32 $0xFFFFFFF0, s0;
	v25 =	vand.u32 $0x3FD8, v34;
	v27 =	vshll.u32 v27, $0x3;
	v48 =	vand.u32 v12, v34;
	[tilespmem:v53+s15+$0x0] =	vst.idx.msk $0xffff, v60  }
0x126: {  	v21 =	vadd.s32 v5, v25;
	v28 =	vadd.s32 v4, v25;
	v58 =	vor.u32 s28, v0;
	[tilespmem:v47+s15+$0x0] =	vst.idx.msk $0xffff, v45  }
0x127: {  	v25 =	vadd.s32 v6, v25;
	v60 =	vand.u32 $0x3FE8, v58;
	v47 =	vadd.s32 v15, v27;
	[tilespmem:v30+s15+$0x0] =	vst.idx.msk $0xffff, v22  }
0x128: {  	p0 =	sne.s32 s26, $0x26F0;
	v45 =	vadd.s32 v16, v27;
	v22 =	vadd.s32 v5, v60;
	[tilespmem:v46+s15+$0x0] =	vst.idx.msk $0xffff, v41  }
.Ltmp2:
0x129: {  	v30 =	vadd.s32 v4, v60;
	v46 =	vadd.s32 v17, v27;
	[tilespmem:v59+s15+$0x0] =	vst.idx.msk $0xffff, v7;
	(pc) =	sbr.rel @p0 .LBB2_6-.Ltmp2, $4  }
0x12a: {  	s31 =	smov.u32 s26;
	v52 =	vor.u32 s0, v0;
	v41 =	vadd.s32 v18, v27;
	v27 =	vadd.s32 v1, v58;
	[tilespmem:v9+s15+$0x0] =	vst.idx.msk $0xffff, v44  }
0x12b: {  	s0 =	smov.u32 s31;
	v44 =	vand.u32 v13, v58;
	[tilespmem:v2+s15+$0x0] =	vst.idx.msk $0xffff, v49;
	v2 =	vshll.u32 v27, $0x3;
	v27 =	vadd.s32 v6, v60  }
0x12c: {  	s31 =	sadd.s32 $0xFFFFFF90, s0;
	v38 =	vand.u32 $0x3FF8, v52;
	[tilespmem:v11+s15+$0x0] =	vst.idx.msk $0xffff, v39;
	v49 =	vadd.s32 v15, v2;
	v39 =	vadd.s32 v17, v2  }
0x12d: {  	s26 =	sadd.s32 $0x80, s26;
	v53 =	vor.u32 s31, v0;
	v34 =	vadd.s32 v18, v2;
	[tilespmem:v3+s15+$0x0] =	vst.idx.msk $0xffff, v50;
	v50 =	vadd.s32 v16, v2  }
0x12e: {  	_ =	sdelay $0x3  }
0x12f: {  	[tilespmem:v33+s15+$0x0] =	vst.idx.msk $0xffff, v51  }
0x130: {  	[tilespmem:v29+s15+$0x0] =	vst.idx.msk $0xffff, v36  }
0x131: {  	[tilespmem:v31+s15+$0x0] =	vst.idx.msk $0xffff, v35  }
0x132: {  	[tilespmem:v20+s15+$0x0] =	vst.idx.msk $0xffff, v32  }
0x133: {  	[tilespmem:v23+s15+$0x0] =	vst.idx.msk $0xffff, v43  }
0x134: {  	[tilespmem:v26+s15+$0x0] =	vst.idx.msk $0xffff, v42  }
0x135: {  	v3 =	vand.u32 v61, v53;
	v51 =	vadd.s32 v4, v38;
	[tilespmem:v19+s15+$0x0] =	vst.idx.msk $0xffff, v40  }
0x136: {  	v2 =	vand.u32 $0x3F88, v53;
	v54 =	vadd.s32 v5, v38;
	v29 =	vand.u32 v63, v52;
	[tilespmem:v24+s15+$0x0] =	vst.idx.msk $0xffff, v37  }
0x137: {  	v31 =	vadd.s32 v5, v2;
	v20 =	vadd.s32 v1, v52;
	[tilespmem:v48+s15+$0x0] =	vst.idx.msk $0xffff, v47  }
0x138: {  	v23 =	vadd.s32 v4, v2;
	v20 =	vshll.u32 v20, $0x3;
	v2 =	vadd.s32 v6, v2;
	[tilespmem:v28+s15+$0x0] =	vst.idx.msk $0xffff, v45  }
0x139: {  	v26 =	vadd.s32 v1, v53;
	v32 =	vadd.s32 v17, v20;
	[tilespmem:v21+s15+$0x0] =	vst.idx.msk $0xffff, v46  }
0x13a: {  	v58 =	vadd.s32 v16, v20;
	v19 =	vshll.u32 v26, $0x3;
	v26 =	vadd.s32 v18, v20;
	[tilespmem:v25+s15+$0x0] =	vst.idx.msk $0xffff, v41  }
0x13b: {  	s10 =	sadd.s32 $0xFFFFFFA0, s0;
	v20 =	vadd.s32 v15, v20;
	v24 =	vadd.s32 v15, v19;
	[tilespmem:v44+s15+$0x0] =	vst.idx.msk $0xffff, v49  }
0x13c: {  	v33 =	vor.u32 s10, v0;
	v35 =	vadd.s32 v16, v19;
	v37 =	vadd.s32 v17, v19;
	[tilespmem:v30+s15+$0x0] =	vst.idx.msk $0xffff, v50  }
0x13d: {  	v48 =	vadd.s32 v1, v33;
	v28 =	vand.u32 $0x3F98, v33;
	[tilespmem:v22+s15+$0x0] =	vst.idx.msk $0xffff, v39;
	v22 =	vadd.s32 v6, v38  }
0x13e: {  	s26 =	sadd.s32 $0xFFFFFFB0, s0;
	v19 =	vadd.s32 v18, v19;
	v40 =	vshll.u32 v48, $0x3;
	v21 =	vadd.s32 v6, v28;
	[tilespmem:v27+s15+$0x0] =	vst.idx.msk $0xffff, v34  }
0x13f: {  	v52 =	vadd.s32 v18, v40;
	v55 =	vadd.s32 v15, v40;
	v25 =	vor.u32 s26, v0;
	[tilespmem:v29+s15+$0x0] =	vst.idx.msk $0xffff, v20  }
0x140: {  	v41 =	vadd.s32 v16, v40;
	v53 =	vand.u32 v62, v25;
	v30 =	vand.u32 $0x3FA8, v25;
	[tilespmem:v51+s15+$0x0] =	vst.idx.msk $0xffff, v58  }
0x141: {  	v25 =	vadd.s32 v1, v25;
	v56 =	vadd.s32 v5, v30;
	[tilespmem:v54+s15+$0x0] =	vst.idx.msk $0xffff, v32  }
0x142: {  	v57 =	vadd.s32 v4, v30;
	v20 =	vand.u32 v10, v33;
	[tilespmem:v22+s15+$0x0] =	vst.idx.msk $0xffff, v26  }
0x143: {  	v9 =	vmov v8;
	v27 =	vadd.s32 v5, v28;
	v28 =	vadd.s32 v4, v28;
	[tilespmem:v3+s15+$0x0] =	vst.idx.msk $0xffff, v24  }
0x144: {  	s28 =	sadd.s32 $0xFFFFFFC0, s0;
	v25 =	vshll.u32 v25, $0x3;
	v29 =	vadd.s32 v6, v30;
	v30 =	vadd.s32 v17, v40;
	[tilespmem:v23+s15+$0x0] =	vst.idx.msk $0xffff, v35  }
0x145: {  	s19 =	sadd.s32 $0xFFFFFFD0, s0;
	v58 =	vadd.s32 v15, v25;
	v22 =	vor.u32 s28, v0;
	v26 =	vadd.s32 v16, v25;
	[tilespmem:v31+s15+$0x0] =	vst.idx.msk $0xffff, v37  }
0x146: {  	v47 =	vor.u32 s19, v0;
	v24 =	vadd.s32 v17, v25;
	v44 =	vadd.s32 v1, v22;
	[tilespmem:v2+s15+$0x0] =	vst.idx.msk $0xffff, v19  }
0x147: {  	v3 =	vand.u32 $0x3FB8, v22;
	v22 =	vand.u32 v8, v22;
	v8 =	vld [tilespmem:$0x1FFF0];
	v23 =	vadd.s32 v18, v25;
	[tilespmem:v20+s15+$0x0] =	vst.idx.msk $0xffff, v55  }
0x148: {  	v25 =	vadd.s32 v6, v3;
	v46 =	vshll.u32 v44, $0x3;
	v31 =	vadd.s32 v4, v3;
	[tilespmem:v28+s15+$0x0] =	vst.idx.msk $0xffff, v41  }
0x149: {  	v3 =	vadd.s32 v5, v3;
	v48 =	vadd.s32 v16, v46;
	v2 =	vand.u32 $0x3FC8, v47;
	[tilespmem:v27+s15+$0x0] =	vst.idx.msk $0xffff, v30  }
0x14a: {  	v50 =	vadd.s32 v15, v46;
	v20 =	vadd.s32 v5, v2;
	[tilespmem:v21+s15+$0x0] =	vst.idx.msk $0xffff, v52  }
0x14b: {  	v49 =	vadd.s32 v4, v2;
	v2 =	vadd.s32 v6, v2;
	[tilespmem:v53+s15+$0x0] =	vst.idx.msk $0xffff, v58  }
0x14c: {  	s26 =	sadd.s32 $0xFFFFFFE0, s0;
	v19 =	vand.u32 v8, v47;
	v30 =	vadd.s32 v1, v47;
	[tilespmem:v57+s15+$0x0] =	vst.idx.msk $0xffff, v26  }
0x14d: {  	v28 =	vadd.s32 v18, v46;
	v21 =	vshll.u32 v30, $0x3;
	v30 =	vor.u32 s26, v0;
	[tilespmem:v56+s15+$0x0] =	vst.idx.msk $0xffff, v24  }
0x14e: {  	v27 =	vadd.s32 v17, v46;
	v51 =	vadd.s32 v15, v21;
	v52 =	vand.u32 $0x3FD8, v30;
	[tilespmem:v29+s15+$0x0] =	vst.idx.msk $0xffff, v23  }
0x14f: {  	v26 =	vadd.s32 v16, v21;
	v53 =	vadd.s32 v5, v52;
	[tilespmem:v22+s15+$0x0] =	vst.idx.msk $0xffff, v50  }
0x150: {  	s28 =	sadd.s32 $0xFFFFFFF0, s0;
	v54 =	vadd.s32 v4, v52;
	v24 =	vadd.s32 v17, v21;
	[tilespmem:v31+s15+$0x0] =	vst.idx.msk $0xffff, v48  }
0x151: {  	v21 =	vadd.s32 v18, v21;
	v23 =	vadd.s32 v1, v30;
	v29 =	vor.u32 s28, v0;
	[tilespmem:v3+s15+$0x0] =	vst.idx.msk $0xffff, v27  }
0x152: {  	v30 =	vand.u32 v12, v30;
	v22 =	vshll.u32 v23, $0x3;
	v23 =	vadd.s32 v6, v52;
	[tilespmem:v25+s15+$0x0] =	vst.idx.msk $0xffff, v28  }
0x153: {  	v55 =	vand.u32 $0x3FE8, v29;
	v31 =	vadd.s32 v15, v22;
	v3 =	vadd.s32 v16, v22;
	[tilespmem:v19+s15+$0x0] =	vst.idx.msk $0xffff, v51  }
0x154: {  	v27 =	vadd.s32 v5, v55;
	v25 =	vadd.s32 v17, v22;
	[tilespmem:v49+s15+$0x0] =	vst.idx.msk $0xffff, v26  }
0x155: {  	v34 =	vimm.f32 $0.0e+00;
	v19 =	vadd.s32 v18, v22;
	v22 =	vadd.s32 v1, v29;
	[tilespmem:v20+s15+$0x0] =	vst.idx.msk $0xffff, v24  }
0x156: {  	v28 =	vadd.s32 v4, v55;
	v22 =	vshll.u32 v22, $0x3;
	v26 =	vand.u32 v13, v29;
	[tilespmem:v2+s15+$0x0] =	vst.idx.msk $0xffff, v21  }
0x157: {  	v33 =	vimm.f32 $0.0e+00;
	v29 =	vadd.s32 v6, v55;
	v24 =	vadd.s32 v15, v22;
	[tilespmem:v30+s15+$0x0] =	vst.idx.msk $0xffff, v31  }
0x158: {  	v20 =	vor.u32 s0, v0;
	v56 =	vadd.s32 v17, v22;
	v2 =	vadd.s32 v16, v22;
	[tilespmem:v54+s15+$0x0] =	vst.idx.msk $0xffff, v3  }
0x159: {  	s10 =	rddreg [dreg:$0x9];
	v32 =	vimm.f32 $0.0e+00;
	v21 =	vadd.s32 v1, v20;
	v22 =	vadd.s32 v18, v22;
	[tilespmem:v53+s15+$0x0] =	vst.idx.msk $0xffff, v25  }
0x15a: {  	s19 =	rddreg [dreg:$0xa];
	v21 =	vshll.u32 v21, $0x3;
	v30 =	vand.u32 v63, v20;
	v3 =	vand.u32 $0x3FF8, v20;
	[tilespmem:v23+s15+$0x0] =	vst.idx.msk $0xffff, v19  }
0x15b: {  	v35 =	vimm.f32 $0.0e+00;
	s0 =	sand.u32 $0xF, s10;
	s10 =	sand.u32 $0xF, s19;
	v57 =	vadd.s32 v18, v21;
	v31 =	vadd.s32 v4, v3;
	[tilespmem:v26+s15+$0x0] =	vst.idx.msk $0xffff, v24  }
0x15c: {  	s26 =	rddreg [dreg:$0x8];
	v58 =	vadd.s32 v17, v21;
	v18 =	vmov s10;
	v19 =	vadd.s32 v5, v3;
	[tilespmem:v28+s15+$0x0] =	vst.idx.msk $0xffff, v2  }
0x15d: {  	s28 =	rddreg [dreg:$0xb];
	v25 =	vadd.s32 v16, v21;
	v16 =	vmov s0;
	s0 =	sand.u32 $0xF, s26;
	v2 =	vadd.s32 v6, v3;
	[tilespmem:v27+s15+$0x0] =	vst.idx.msk $0xffff, v56  }
0x15e: {  	s10 =	sand.u32 $0xF, s28;
	v20 =	vimm.f32 $0.0e+00;
	v23 =	vadd.s32 v15, v21;
	v17 =	vmov s0;
	[tilespmem:v29+s15+$0x0] =	vst.idx.msk $0xffff, v22  }
0x15f: {  	v15 =	vmov s10;
	v21 =	vimm.f32 $0.0e+00;
	v24 =	vimm.f32 $0.0e+00;
	[tilespmem:v30+s15+$0x0] =	vst.idx.msk $0xffff, v23  }
0x160: {  	v26 =	vimm.f32 $0.0e+00;
	v28 =	vimm.f32 $0.0e+00;
	v27 =	vimm.f32 $0.0e+00;
	[tilespmem:v31+s15+$0x0] =	vst.idx.msk $0xffff, v25  }
0x161: {  	v22 =	vimm.f32 $0.0e+00;
	v29 =	vimm.f32 $0.0e+00;
	v30 =	vimm.f32 $0.0e+00;
	[tilespmem:v19+s15+$0x0] =	vst.idx.msk $0xffff, v58  }
0x162: {  	v60 =	vmovc v12;
	v59 =	vmovc v13;
	s31 =	simm.s32 $0x0;
	s26 =	simm.s32 $0x0;
	v23 =	vimm.f32 $0.0e+00;
	v31 =	vimm.f32 $0.0e+00;
	v25 =	vimm.f32 $0.0e+00;
	[tilespmem:v2+s15+$0x0] =	vst.idx.msk $0xffff, v57  }
.LBB2_8:
0x163: {  	s0 =	smul.u32 $0x1200, s31;
	_ =	sdelay $0x1  }
0x164: {  	s0 =	sshra.s32 s0, $0x2  }
0x165: {  	s10 =	sadd.s32 $0x12700, s0  }
0x166: {  	[tilespmem:s14], [sflag:$0x3] =	stream.indirect.gather [hbm4b:s1+s16], $0x10, s10, s16, $0xb8;
	[tilespmem:$0x1C120] =	vst v63  }
0x167: {  	s19 =	simm.s32 $0xC800;
	s28 =	sadd.s32 $0x12780, s0  }
0x168: {  	[tilespmem:s19], [sflag:$0x3] =	stream.indirect.gather [hbm4b:s1+s16], $0x10, s28, s16, $0xb8;
	[tilespmem:$0x1C120] =	vst v63  }
0x169: {  	s19 =	sadd.s32 $0x12800, s0;
	s28 =	simm.s32 $0xD000  }
0x16a: {  	[tilespmem:s28], [sflag:$0x3] =	stream.indirect.gather [hbm4b:s1+s16], $0x10, s19, s16, $0xb8;
	[tilespmem:$0x1C120] =	vst v63  }
0x16b: {  	s28 =	sadd.s32 $0x14E00, s0  }
0x16c: {  	[tilespmem:s9], [sflag:$0x3] =	stream.indirect.gather [hbm4b:s1+s16], $0x10, s28, s16, $0xb8;
	[tilespmem:$0x1C120] =	vst v63  }
0x16d: {  	s19 =	sadd.s32 $0x14E80, s0;
	s28 =	simm.s32 $0xE000  }
0x16e: {  	[tilespmem:s28], [sflag:$0x3] =	stream.indirect.gather [hbm4b:s1+s16], $0x10, s19, s16, $0xb8;
	[tilespmem:$0x1C120] =	vst v63  }
0x16f: {  	s19 =	sadd.s32 $0x14F00, s0;
	s28 =	simm.s32 $0xE800  }
0x170: {  	[tilespmem:s28], [sflag:$0x3] =	stream.indirect.gather [hbm4b:s1+s16], $0x10, s19, s16, $0xb8;
	[tilespmem:$0x1C120] =	vst v63  }
0x171: {  	s28 =	sadd.s32 $0x17500, s0  }
0x172: {  	[tilespmem:s6], [sflag:$0x3] =	stream.indirect.gather [hbm4b:s1+s16], $0x10, s28, s16, $0xb8;
	[tilespmem:$0x1C120] =	vst v63  }
0x173: {  	s19 =	sadd.s32 $0x17580, s0;
	s28 =	simm.s32 $0xF800  }
0x174: {  	[tilespmem:s28], [sflag:$0x3] =	stream.indirect.gather [hbm4b:s1+s16], $0x10, s19, s16, $0xb8;
	[tilespmem:$0x1C120] =	vst v63  }
0x175: {  	s19 =	sadd.s32 $0x17600, s0;
	s28 =	simm.s32 $0x10000  }
0x176: {  	[tilespmem:s28], [sflag:$0x3] =	stream.indirect.gather [hbm4b:s1+s16], $0x10, s19, s16, $0xb8;
	[tilespmem:$0x1C120] =	vst v63  }
0x177: {  	s28 =	sadd.s32 $0x19C00, s0  }
0x178: {  	[tilespmem:s7], [sflag:$0x3] =	stream.indirect.gather [hbm4b:s1+s16], $0x10, s28, s16, $0xb8;
	[tilespmem:$0x1C120] =	vst v63  }
0x179: {  	s19 =	sadd.s32 $0x19C80, s0;
	s28 =	simm.s32 $0x11000  }
0x17a: {  	[tilespmem:s28], [sflag:$0x3] =	stream.indirect.gather [hbm4b:s1+s16], $0x10, s19, s16, $0xb8;
	[tilespmem:$0x1C120] =	vst v63  }
0x17b: {  	s19 =	sadd.s32 $0x19D00, s0;
	s28 =	simm.s32 $0x11800  }
0x17c: {  	[tilespmem:s28], [sflag:$0x3] =	stream.indirect.gather [hbm4b:s1+s16], $0x10, s19, s16, $0xb8;
	[tilespmem:$0x1C120] =	vst v63  }
0x17d: {  	_ =	swait.ge [sflag:s18], $0x800  }
0x17e: {  	[sflag:s18] =	ssyncset.done $0x0  }
0x17f: {  	[sflag:s18] =	ssyncadd.s32 $0xFFFFF800  }
0x180: {  	_ =	swait.ge [sflag:s18], $0x800  }
0x181: {  	[sflag:s18] =	ssyncset.done $0x0  }
0x182: {  	[sflag:s18] =	ssyncadd.s32 $0xFFFFF800  }
0x183: {  	_ =	swait.ge [sflag:s18], $0x800  }
0x184: {  	[sflag:s18] =	ssyncset.done $0x0  }
0x185: {  	[sflag:s18] =	ssyncadd.s32 $0xFFFFF800  }
0x186: {  	_ =	swait.ge [sflag:s18], $0x800  }
0x187: {  	[sflag:s18] =	ssyncset.done $0x0  }
0x188: {  	[sflag:s18] =	ssyncadd.s32 $0xFFFFF800  }
0x189: {  	_ =	swait.ge [sflag:s18], $0x800  }
0x18a: {  	[sflag:s18] =	ssyncset.done $0x0  }
0x18b: {  	[sflag:s18] =	ssyncadd.s32 $0xFFFFF800  }
0x18c: {  	_ =	swait.ge [sflag:s18], $0x800  }
0x18d: {  	[sflag:s18] =	ssyncset.done $0x0  }
0x18e: {  	[sflag:s18] =	ssyncadd.s32 $0xFFFFF800  }
0x18f: {  	_ =	swait.ge [sflag:s18], $0x800  }
0x190: {  	[sflag:s18] =	ssyncset.done $0x0  }
0x191: {  	[sflag:s18] =	ssyncadd.s32 $0xFFFFF800  }
0x192: {  	_ =	swait.ge [sflag:s18], $0x800  }
0x193: {  	[sflag:s18] =	ssyncset.done $0x0  }
0x194: {  	[sflag:s18] =	ssyncadd.s32 $0xFFFFF800  }
0x195: {  	_ =	swait.ge [sflag:s18], $0x800  }
0x196: {  	[sflag:s18] =	ssyncset.done $0x0  }
0x197: {  	[sflag:s18] =	ssyncadd.s32 $0xFFFFF800  }
0x198: {  	_ =	swait.ge [sflag:s18], $0x800  }
0x199: {  	v2 =	vmov s26;
	v19 =	vmul.u32 $0x10, v0;
	[sflag:s18] =	ssyncset.done $0x0  }
0x19a: {  	v2 =	vshll.u32 v2, $0x4;
	[sflag:s18] =	ssyncadd.s32 $0xFFFFF800  }
0x19b: {  	v2 =	vor.u32 v19, v2;
	_ =	swait.ge [sflag:s18], $0x800  }
0x19c: {  	v3 =	vor.u32 v18, v2;
	[sflag:s18] =	ssyncset.done $0x0  }
0x19d: {  	v36 =	vor.u32 v17, v2;
	[sflag:s18] =	ssyncadd.s32 $0xFFFFF800  }
0x19e: {  	v37 =	vor.u32 v16, v2;
	_ =	swait.ge [sflag:s18], $0x800  }
0x19f: {  	[sflag:s18] =	ssyncset.done $0x0  }
0x1a0: {  	[sflag:s18] =	ssyncadd.s32 $0xFFFFF800  }
0x1a1: {  	v3 =	vld.idx.msk [tilespmem:v3+s22+$0x0], $0xffff  }
0x1a2: {  	v36 =	vld.idx.msk [tilespmem:v36+s29+$0x0], $0xffff  }
0x1a3: {  	v37 =	vld.idx.msk [tilespmem:v37+s5+$0x0], $0xffff;
	_ =	sdelay $0x1  }
0x1a4: {  	v2 =	vor.u32 v15, v2  }
0x1a5: {  	v3 =	vadd.f32 v3, v3;
	_ =	sdelay $0x1  }
0x1a6: {  	v36 =	vmul.f32 $4.000000000e+00, v36;
	v3 =	vadd.f32 v3, v37;
	_ =	sdelay $0x1  }
0x1a7: {  	s28 =	simm.s32 $0x10;
	v38 =	vadd.f32 v36, v3;
	v36 =	vld.idx.msk [tilespmem:v2+s4+$0x0], $0xffff  }
0x1a8: {  	v58 =	vmov s28  }
0x1a9: {  	v3 =	vshll.u32 v58, $0x4  }
0x1aa: {  	v41 =	vor.u32 v19, v3;
	vm1 =	veq.f32 v38, $0.0e+00;
	vm2 =	veq.f32 v38, $7.000000000e+00  }
0x1ab: {  	s10 =	simm.s32 $0x20;
	v39 =	vor.u32 v16, v41;
	v40 =	vor.u32 v18, v41;
	v37 =	vor.u32 v15, v41  }
.LBB2_9:
0x1ac: {  	p0 =	sne.s32 s10, $0x170;
	v2 =	vor.u32 v17, v41;
	v3 =	vnsel vm1, $0x0, v36;
	vm3 =	veq.f32 v38, $1.000000000e+00;
	s19 =	smov.u32 s10;
	s10 =	sadd.s32 $0x10, s10  }
0x1ad: {  	v41 =	vnsel vm2, $0x0, v36;
	v34 =	vadd.f32 v3, v34;
	v3 =	vnsel vm3, $0x0, v36  }
0x1ae: {  	vm4 =	veq.f32 v38, $2.000000000e+00;
	v35 =	vadd.f32 v3, v35;
	v3 =	vsel vm2, $0x3F800000, v14  }
0x1af: {  	v42 =	vsel vm3, $0x3F800000, v14;
	v43 =	vnsel vm4, $0x0, v36;
	v33 =	vadd.f32 v41, v33  }
0x1b0: {  	v41 =	vsel vm1, $0x3F800000, v14;
	vm1 =	veq.f32 v38, $5.000000000e+00;
	vm2 =	veq.f32 v38, $6.000000000e+00;
	v40 =	vld.idx.msk [tilespmem:v40+s22+$0x0], $0xffff  }
0x1b1: {  	vm3 =	veq.f32 v38, $3.000000000e+00;
	v31 =	vadd.f32 v41, v31;
	v27 =	vadd.f32 v3, v27;
	v2 =	vld.idx.msk [tilespmem:v2+s29+$0x0], $0xffff  }
0x1b2: {  	v3 =	vld.idx.msk [tilespmem:v39+s5+$0x0], $0xffff;
	v39 =	vsel vm4, $0x3F800000, v14;
	vm4 =	veq.f32 v38, $4.000000000e+00;
	v38 =	vnsel vm2, $0x0, v36  }
0x1b3: {  	v30 =	vadd.f32 v42, v30;
	v42 =	vsel vm2, $0x3F800000, v14;
	v41 =	vnsel vm4, $0x0, v36  }
0x1b4: {  	v44 =	vsel vm1, $0x3F800000, v14;
	v29 =	vadd.f32 v39, v29;
	v39 =	vnsel vm3, $0x0, v36  }
0x1b5: {  	v32 =	vadd.f32 v43, v32;
	v43 =	vnsel vm1, $0x0, v36;
	v25 =	vadd.f32 v38, v25  }
0x1b6: {  	v26 =	vadd.f32 v39, v26;
	v39 =	vsel vm3, $0x3F800000, v14;
	v38 =	vadd.f32 v40, v40  }
0x1b7: {  	v21 =	vadd.f32 v44, v21;
	v28 =	vadd.f32 v41, v28;
	v40 =	vsel vm4, $0x3F800000, v14  }
0x1b8: {  	v2 =	vmul.f32 $4.000000000e+00, v2;
	v24 =	vadd.f32 v40, v24;
	v3 =	vadd.f32 v38, v3;
	v36 =	vld.idx.msk [tilespmem:v37+s4+$0x0], $0xffff  }
.Ltmp3:
0x1b9: {  	v23 =	vadd.f32 v43, v23;
	v20 =	vadd.f32 v42, v20;
	(pc) =	sbr.rel @p0 .LBB2_9-.Ltmp3, $4  }
0x1ba: {  	v37 =	vmov s19;
	v38 =	vadd.f32 v2, v3  }
0x1bb: {  	v22 =	vadd.f32 v39, v22;
	v2 =	vshll.u32 v37, $0x4  }
0x1bc: {  	v41 =	vor.u32 v19, v2;
	vm1 =	veq.f32 v38, $0.0e+00;
	vm2 =	veq.f32 v38, $7.000000000e+00  }
0x1bd: {  	v39 =	vor.u32 v16, v41;
	v40 =	vor.u32 v18, v41;
	v37 =	vor.u32 v15, v41  }
0x1be: {  	_ =	sdelay $0x1  }
0x1bf: {  	v2 =	vor.u32 v17, v41;
	_ =	sdelay $0x1  }
0x1c0: {  	v3 =	vld.idx.msk [tilespmem:v40+s22+$0x0], $0xffff  }
0x1c1: {  	v39 =	vld.idx.msk [tilespmem:v39+s5+$0x0], $0xffff  }
0x1c2: {  	v37 =	vld.idx.msk [tilespmem:v37+s4+$0x0], $0xffff;
	s19 =	sadd.s32 $0x12880, s0;
	s10 =	simm.s32 $0x0  }
0x1c3: {  	v2 =	vld.idx.msk [tilespmem:v2+s29+$0x0], $0xffff;
	[tilespmem:s10], [sflag:$0x1] =	stream.indirect.gather [hbm4b:s1+s16], $0x10, s19, s16, $0xb8  }
0x1c4: {  	s28 =	sadd.s32 $0x12900, s0  }
0x1c5: {  	[tilespmem:s3], [sflag:$0x1] =	stream.indirect.gather [hbm4b:s1+s16], $0x10, s28, s16, $0xb8;
	[tilespmem:$0x1C120] =	vst v63  }
0x1c6: {  	s19 =	sadd.s32 $0x12980, s0;
	s28 =	simm.s32 $0x1000  }
0x1c7: {  	[tilespmem:s28], [sflag:$0x1] =	stream.indirect.gather [hbm4b:s1+s16], $0x10, s19, s16, $0xb8;
	[tilespmem:$0x1C120] =	vst v63  }
0x1c8: {  	s28 =	sadd.s32 $0x14F80, s0  }
0x1c9: {  	[tilespmem:s22], [sflag:$0x1] =	stream.indirect.gather [hbm4b:s1+s16], $0x10, s28, s16, $0xb8;
	[tilespmem:$0x1C120] =	vst v63  }
0x1ca: {  	s19 =	sadd.s32 $0x15000, s0;
	s28 =	simm.s32 $0x2000  }
0x1cb: {  	[tilespmem:s28], [sflag:$0x1] =	stream.indirect.gather [hbm4b:s1+s16], $0x10, s19, s16, $0xb8;
	[tilespmem:$0x1C120] =	vst v63  }
0x1cc: {  	s19 =	sadd.s32 $0x15080, s0;
	s28 =	simm.s32 $0x2800  }
0x1cd: {  	[tilespmem:s28], [sflag:$0x1] =	stream.indirect.gather [hbm4b:s1+s16], $0x10, s19, s16, $0xb8;
	[tilespmem:$0x1C120] =	vst v63  }
0x1ce: {  	s28 =	sadd.s32 $0x17680, s0  }
0x1cf: {  	[tilespmem:s29], [sflag:$0x1] =	stream.indirect.gather [hbm4b:s1+s16], $0x10, s28, s16, $0xb8;
	[tilespmem:$0x1C120] =	vst v63  }
0x1d0: {  	s19 =	sadd.s32 $0x17700, s0;
	s28 =	simm.s32 $0x3800  }
0x1d1: {  	[tilespmem:s28], [sflag:$0x1] =	stream.indirect.gather [hbm4b:s1+s16], $0x10, s19, s16, $0xb8;
	[tilespmem:$0x1C120] =	vst v63  }
0x1d2: {  	s19 =	sadd.s32 $0x17780, s0;
	s28 =	simm.s32 $0x4000  }
0x1d3: {  	[tilespmem:s28], [sflag:$0x1] =	stream.indirect.gather [hbm4b:s1+s16], $0x10, s19, s16, $0xb8;
	[tilespmem:$0x1C120] =	vst v63  }
0x1d4: {  	s28 =	sadd.s32 $0x19D80, s0  }
0x1d5: {  	[tilespmem:s4], [sflag:$0x1] =	stream.indirect.gather [hbm4b:s1+s16], $0x10, s28, s16, $0xb8;
	[tilespmem:$0x1C120] =	vst v63  }
0x1d6: {  	s19 =	sadd.s32 $0x19E00, s0;
	s28 =	simm.s32 $0x5000  }
0x1d7: {  	[tilespmem:s28], [sflag:$0x1] =	stream.indirect.gather [hbm4b:s1+s16], $0x10, s19, s16, $0xb8;
	[tilespmem:$0x1C120] =	vst v63  }
0x1d8: {  	s19 =	sadd.s32 $0x19E80, s0;
	s28 =	simm.s32 $0x5800  }
0x1d9: {  	[tilespmem:s28], [sflag:$0x1] =	stream.indirect.gather [hbm4b:s1+s16], $0x10, s19, s16, $0xb8;
	[tilespmem:$0x1C120] =	vst v63  }
0x1da: {  	_ =	swait.ge [sflag:s20], $0x800  }
0x1db: {  	[sflag:s20] =	ssyncset.done $0x0  }
0x1dc: {  	[sflag:s20] =	ssyncadd.s32 $0xFFFFF800  }
0x1dd: {  	_ =	swait.ge [sflag:s20], $0x800  }
0x1de: {  	[sflag:s20] =	ssyncset.done $0x0  }
0x1df: {  	[sflag:s20] =	ssyncadd.s32 $0xFFFFF800  }
0x1e0: {  	_ =	swait.ge [sflag:s20], $0x800  }
0x1e1: {  	[sflag:s20] =	ssyncset.done $0x0  }
0x1e2: {  	[sflag:s20] =	ssyncadd.s32 $0xFFFFF800  }
0x1e3: {  	_ =	swait.ge [sflag:s20], $0x800  }
0x1e4: {  	[sflag:s20] =	ssyncset.done $0x0  }
0x1e5: {  	[sflag:s20] =	ssyncadd.s32 $0xFFFFF800  }
0x1e6: {  	_ =	swait.ge [sflag:s20], $0x800  }
0x1e7: {  	[sflag:s20] =	ssyncset.done $0x0  }
0x1e8: {  	v46 =	vnsel vm1, $0x0, v36;
	vm3 =	veq.f32 v38, $1.000000000e+00;
	v48 =	vnsel vm2, $0x0, v36;
	[sflag:s20] =	ssyncadd.s32 $0xFFFFF800  }
0x1e9: {  	vm4 =	veq.f32 v38, $2.000000000e+00;
	v49 =	vsel vm2, $0x3F800000, v14;
	v50 =	vsel vm1, $0x3F800000, v14;
	_ =	swait.ge [sflag:s20], $0x800  }
0x1ea: {  	vm1 =	veq.f32 v38, $5.000000000e+00;
	vm2 =	veq.f32 v38, $6.000000000e+00;
	vm13 =	veq.f32 v38, $4.000000000e+00;
	[sflag:s20] =	ssyncset.done $0x0  }
0x1eb: {  	v34 =	vadd.f32 v46, v34;
	v47 =	vnsel vm3, $0x0, v36;
	v42 =	vsel vm3, $0x3F800000, v14;
	[sflag:s20] =	ssyncadd.s32 $0xFFFFF800  }
0x1ec: {  	v43 =	vnsel vm4, $0x0, v36;
	v33 =	vadd.f32 v48, v33;
	v31 =	vadd.f32 v50, v31;
	_ =	swait.ge [sflag:s20], $0x800  }
0x1ed: {  	vm3 =	veq.f32 v38, $3.000000000e+00;
	v27 =	vadd.f32 v49, v27;
	v51 =	vsel vm4, $0x3F800000, v14;
	[sflag:s20] =	ssyncset.done $0x0  }
0x1ee: {  	v52 =	vnsel vm2, $0x0, v36;
	v53 =	vnsel vm13, $0x0, v36;
	v35 =	vadd.f32 v47, v35;
	[sflag:s20] =	ssyncadd.s32 $0xFFFFF800  }
0x1ef: {  	v56 =	vsel vm13, $0x3F800000, v14;
	v30 =	vadd.f32 v42, v30;
	v29 =	vadd.f32 v51, v29;
	_ =	swait.ge [sflag:s20], $0x800  }
0x1f0: {  	v57 =	vnsel vm1, $0x0, v36;
	v32 =	vadd.f32 v43, v32;
	v3 =	vadd.f32 v3, v3;
	[sflag:s20] =	ssyncset.done $0x0  }
0x1f1: {  	v55 =	vnsel vm3, $0x0, v36;
	v38 =	vadd.f32 v52, v25;
	v28 =	vadd.f32 v53, v28;
	[sflag:s20] =	ssyncadd.s32 $0xFFFFF800  }
0x1f2: {  	v40 =	vadd.f32 v56, v24;
	v3 =	vadd.f32 v3, v39;
	v2 =	vmul.f32 $4.000000000e+00, v2;
	_ =	swait.ge [sflag:s20], $0x800  }
0x1f3: {  	v25 =	vsel vm1, $0x3F800000, v14;
	v36 =	vadd.f32 v57, v23;
	v26 =	vadd.f32 v55, v26;
	[sflag:s20] =	ssyncset.done $0x0  }
0x1f4: {  	v54 =	vsel vm2, $0x3F800000, v14;
	v58 =	vadd.f32 v25, v21;
	v2 =	vadd.f32 v2, v3;
	[sflag:s20] =	ssyncadd.s32 $0xFFFFF800  }
0x1f5: {  	v21 =	vsel vm3, $0x3F800000, v14;
	v3 =	vadd.f32 v54, v20;
	v20 =	vmov s10;
	_ =	swait.ge [sflag:s20], $0x800  }
0x1f6: {  	v48 =	vadd.f32 v21, v22;
	v22 =	vshll.u32 v20, $0x4;
	vm1 =	veq.f32 v2, $0.0e+00;
	[sflag:s20] =	ssyncset.done $0x0  }
0x1f7: {  	vm2 =	veq.f32 v2, $7.000000000e+00;
	vm3 =	veq.f32 v2, $1.000000000e+00;
	v49 =	vor.u32 v19, v22;
	[sflag:s20] =	ssyncadd.s32 $0xFFFFF800  }
0x1f8: {  	vm14 =	veq.f32 v2, $2.000000000e+00;
	vm15 =	veq.f32 v2, $4.000000000e+00;
	v21 =	vnsel vm1, $0x0, v37;
	_ =	swait.ge [sflag:s20], $0x800  }
0x1f9: {  	v22 =	vnsel vm2, $0x0, v37;
	v23 =	vor.u32 v18, v49;
	v50 =	vsel vm2, $0x3F800000, v14;
	[sflag:s20] =	ssyncset.done $0x0  }
0x1fa: {  	v51 =	vor.u32 v16, v49;
	v52 =	vsel vm3, $0x3F800000, v14;
	v44 =	vnsel vm14, $0x0, v37;
	[sflag:s20] =	ssyncadd.s32 $0xFFFFF800  }
0x1fb: {  	v45 =	vor.u32 v17, v49;
	vm2 =	veq.f32 v2, $6.000000000e+00;
	v53 =	vnsel vm15, $0x0, v37;
	_ =	swait.ge [sflag:s20], $0x800  }
0x1fc: {  	v56 =	vor.u32 v15, v49;
	v20 =	vadd.f32 v21, v34;
	v21 =	vnsel vm3, $0x0, v37;
	[sflag:s20] =	ssyncset.done $0x0  }
0x1fd: {  	v24 =	vadd.f32 v22, v33;
	vm3 =	veq.f32 v2, $3.000000000e+00;
	v22 =	vadd.f32 v50, v27;
	[sflag:s20] =	ssyncadd.s32 $0xFFFFF800  }
0x1fe: {  	v25 =	vadd.f32 v21, v35;
	v21 =	vsel vm1, $0x3F800000, v14;
	vm1 =	veq.f32 v2, $5.000000000e+00;
	v2 =	vld.idx.msk [tilespmem:v23+s8+$0x0], $0xffff  }
0x1ff: {  	v27 =	vsel vm14, $0x3F800000, v14;
	v30 =	vadd.f32 v52, v30;
	v34 =	vadd.f32 v44, v32;
	v35 =	vld.idx.msk [tilespmem:v51+s23+$0x0], $0xffff  }
0x200: {  	v54 =	vsel vm2, $0x3F800000, v14;
	v32 =	vadd.f32 v53, v28;
	v21 =	vadd.f32 v21, v31;
	v45 =	vld.idx.msk [tilespmem:v45+s17+$0x0], $0xffff  }
0x201: {  	v31 =	vadd.f32 v27, v29;
	v27 =	vnsel vm3, $0x0, v37;
	v46 =	vsel vm1, $0x3F800000, v14  }
0x202: {  	v29 =	vadd.f32 v27, v26;
	v27 =	vsel vm15, $0x3F800000, v14;
	v26 =	vadd.f32 v46, v58  }
0x203: {  	v55 =	vsel vm3, $0x3F800000, v14;
	v33 =	vadd.f32 v27, v40;
	s28 =	simm.s32 $0x10;
	v2 =	vadd.f32 v2, v2  }
0x204: {  	v27 =	vadd.f32 v54, v3;
	v58 =	vmov s28;
	v23 =	vnsel vm2, $0x0, v37  }
0x205: {  	v37 =	vnsel vm1, $0x0, v37;
	v57 =	vmul.f32 $4.000000000e+00, v45;
	v2 =	vadd.f32 v2, v35  }
0x206: {  	v3 =	vshll.u32 v58, $0x4;
	v23 =	vadd.f32 v23, v38;
	v28 =	vadd.f32 v37, v36;
	v35 =	vld.idx.msk [tilespmem:v56+s11+$0x0], $0xffff  }
0x207: {  	v36 =	vadd.f32 v55, v48;
	v38 =	vadd.f32 v57, v2;
	v2 =	vor.u32 v19, v3  }
0x208: {  	v39 =	vor.u32 v16, v2;
	v41 =	vor.u32 v18, v2;
	v37 =	vor.u32 v15, v2  }
0x209: {  	s10 =	simm.s32 $0x20;
	v40 =	vor.u32 v17, v2;
	vm1 =	veq.f32 v38, $0.0e+00;
	vm2 =	veq.f32 v38, $2.000000000e+00  }
.LBB2_11:
0x20a: {  	p0 =	sne.s32 s10, $0x170;
	vm5 =	veq.f32 v38, $1.000000000e+00;
	vm4 =	veq.f32 v38, $4.000000000e+00;
	vm3 =	veq.f32 v38, $7.000000000e+00;
	s19 =	smov.u32 s10;
	s10 =	sadd.s32 $0x10, s10  }
0x20b: {  	vm6 =	veq.f32 v38, $5.000000000e+00;
	v2 =	vnsel vm5, $0x0, v35;
	v3 =	vnsel vm3, $0x0, v35  }
0x20c: {  	v42 =	vsel vm1, $0x3F800000, v14;
	v25 =	vadd.f32 v2, v25;
	v2 =	vnsel vm2, $0x0, v35  }
0x20d: {  	v43 =	vsel vm5, $0x3F800000, v14;
	vm5 =	veq.f32 v38, $6.000000000e+00;
	v41 =	vld.idx.msk [tilespmem:v41+s8+$0x0], $0xffff;
	v34 =	vadd.f32 v2, v34  }
0x20e: {  	v30 =	vadd.f32 v43, v30;
	v2 =	vld.idx.msk [tilespmem:v39+s23+$0x0], $0xffff;
	v39 =	vsel vm2, $0x3F800000, v14;
	vm2 =	veq.f32 v38, $3.000000000e+00  }
0x20f: {  	v43 =	vnsel vm6, $0x0, v35;
	v24 =	vadd.f32 v3, v24;
	v38 =	vld.idx.msk [tilespmem:v40+s17+$0x0], $0xffff;
	v40 =	vnsel vm2, $0x0, v35  }
0x210: {  	v3 =	vnsel vm4, $0x0, v35;
	v31 =	vadd.f32 v39, v31;
	v39 =	vsel vm5, $0x3F800000, v14  }
0x211: {  	v32 =	vadd.f32 v3, v32;
	v3 =	vsel vm4, $0x3F800000, v14;
	v44 =	vsel vm2, $0x3F800000, v14  }
0x212: {  	v33 =	vadd.f32 v3, v33;
	v3 =	vsel vm6, $0x3F800000, v14;
	v36 =	vadd.f32 v44, v36  }
0x213: {  	v45 =	vsel vm3, $0x3F800000, v14;
	v44 =	vnsel vm5, $0x0, v35;
	v41 =	vadd.f32 v41, v41  }
0x214: {  	v22 =	vadd.f32 v45, v22;
	v35 =	vnsel vm1, $0x0, v35;
	v29 =	vadd.f32 v40, v29  }
0x215: {  	v20 =	vadd.f32 v35, v20;
	v2 =	vadd.f32 v41, v2;
	v38 =	vmul.f32 $4.000000000e+00, v38  }
.Ltmp4:
0x216: {  	v26 =	vadd.f32 v3, v26;
	v40 =	vmov s19;
	v23 =	vadd.f32 v44, v23;
	v35 =	vld.idx.msk [tilespmem:v37+s11+$0x0], $0xffff;
	(pc) =	sbr.rel @p0 .LBB2_11-.Ltmp4, $4  }
0x217: {  	v28 =	vadd.f32 v43, v28;
	v3 =	vshll.u32 v40, $0x4;
	v38 =	vadd.f32 v38, v2  }
0x218: {  	v21 =	vadd.f32 v42, v21;
	v27 =	vadd.f32 v39, v27;
	v2 =	vor.u32 v19, v3  }
0x219: {  	v39 =	vor.u32 v16, v2;
	v41 =	vor.u32 v18, v2;
	v37 =	vor.u32 v15, v2  }
0x21a: {  	v40 =	vor.u32 v17, v2;
	vm1 =	veq.f32 v38, $0.0e+00;
	vm2 =	veq.f32 v38, $2.000000000e+00  }
0x21b: {  	_ =	sdelay $0x3  }
0x21c: {  	v2 =	vld.idx.msk [tilespmem:v41+s8+$0x0], $0xffff  }
0x21d: {  	v3 =	vld.idx.msk [tilespmem:v39+s23+$0x0], $0xffff  }
0x21e: {  	v58 =	vld.idx.msk [tilespmem:v40+s17+$0x0], $0xffff;
	s10 =	sadd.s32 $0x12A00, s0  }
0x21f: {  	v37 =	vld.idx.msk [tilespmem:v37+s11+$0x0], $0xffff;
	[tilespmem:s23], [sflag:$0x2] =	stream.indirect.gather [hbm4b:s1+s16], $0x10, s10, s16, $0xb8  }
0x220: {  	s28 =	sadd.s32 $0x12A80, s0;
	s19 =	simm.s32 $0x6800  }
0x221: {  	[tilespmem:s19], [sflag:$0x2] =	stream.indirect.gather [hbm4b:s1+s16], $0x10, s28, s16, $0xb8;
	[tilespmem:$0x1C120] =	vst v63  }
0x222: {  	s19 =	sadd.s32 $0x12B00, s0;
	s28 =	simm.s32 $0x7000  }
0x223: {  	[tilespmem:s28], [sflag:$0x2] =	stream.indirect.gather [hbm4b:s1+s16], $0x10, s19, s16, $0xb8;
	[tilespmem:$0x1C120] =	vst v63  }
0x224: {  	s19 =	sadd.s32 $0x15100, s0  }
0x225: {  	[tilespmem:s8], [sflag:$0x2] =	stream.indirect.gather [hbm4b:s1+s16], $0x10, s19, s16, $0xb8;
	[tilespmem:$0x1C120] =	vst v63  }
0x226: {  	s28 =	sadd.s32 $0x15180, s0  }
0x227: {  	[tilespmem:s21], [sflag:$0x2] =	stream.indirect.gather [hbm4b:s1+s16], $0x10, s28, s16, $0xb8;
	[tilespmem:$0x1C120] =	vst v63  }
0x228: {  	s19 =	sadd.s32 $0x15200, s0  }
0x229: {  	[tilespmem:s30], [sflag:$0x2] =	stream.indirect.gather [hbm4b:s1+s16], $0x10, s19, s16, $0xb8;
	[tilespmem:$0x1C120] =	vst v63  }
0x22a: {  	s28 =	sadd.s32 $0x17800, s0  }
0x22b: {  	[tilespmem:s17], [sflag:$0x2] =	stream.indirect.gather [hbm4b:s1+s16], $0x10, s28, s16, $0xb8;
	[tilespmem:$0x1C120] =	vst v63  }
0x22c: {  	s19 =	sadd.s32 $0x17880, s0  }
0x22d: {  	[tilespmem:s2], [sflag:$0x2] =	stream.indirect.gather [hbm4b:s1+s16], $0x10, s19, s16, $0xb8;
	[tilespmem:$0x1C120] =	vst v63  }
0x22e: {  	s28 =	sadd.s32 $0x17900, s0  }
0x22f: {  	[tilespmem:s25], [sflag:$0x2] =	stream.indirect.gather [hbm4b:s1+s16], $0x10, s28, s16, $0xb8;
	[tilespmem:$0x1C120] =	vst v63  }
0x230: {  	s19 =	sadd.s32 $0x19F00, s0  }
0x231: {  	[tilespmem:s11], [sflag:$0x2] =	stream.indirect.gather [hbm4b:s1+s16], $0x10, s19, s16, $0xb8;
	[tilespmem:$0x1C120] =	vst v63  }
0x232: {  	s28 =	sadd.s32 $0x19F80, s0  }
0x233: {  	[tilespmem:s12], [sflag:$0x2] =	stream.indirect.gather [hbm4b:s1+s16], $0x10, s28, s16, $0xb8;
	[tilespmem:$0x1C120] =	vst v63  }
0x234: {  	s10 =	sadd.s32 $0x1A000, s0  }
0x235: {  	[tilespmem:s13], [sflag:$0x2] =	stream.indirect.gather [hbm4b:s1+s16], $0x10, s10, s16, $0xb8;
	[tilespmem:$0x1C120] =	vst v63  }
0x236: {  	_ =	swait.ge [sflag:s24], $0x800  }
0x237: {  	[sflag:s24] =	ssyncset.done $0x0  }
0x238: {  	[sflag:s24] =	ssyncadd.s32 $0xFFFFF800  }
0x239: {  	_ =	swait.ge [sflag:s24], $0x800  }
0x23a: {  	[sflag:s24] =	ssyncset.done $0x0  }
0x23b: {  	[sflag:s24] =	ssyncadd.s32 $0xFFFFF800  }
0x23c: {  	_ =	swait.ge [sflag:s24], $0x800  }
0x23d: {  	[sflag:s24] =	ssyncset.done $0x0  }
0x23e: {  	[sflag:s24] =	ssyncadd.s32 $0xFFFFF800  }
0x23f: {  	_ =	swait.ge [sflag:s24], $0x800  }
0x240: {  	[sflag:s24] =	ssyncset.done $0x0  }
0x241: {  	[sflag:s24] =	ssyncadd.s32 $0xFFFFF800  }
0x242: {  	_ =	swait.ge [sflag:s24], $0x800  }
0x243: {  	[sflag:s24] =	ssyncset.done $0x0  }
0x244: {  	[sflag:s24] =	ssyncadd.s32 $0xFFFFF800  }
0x245: {  	vm5 =	veq.f32 v38, $1.000000000e+00;
	vm6 =	veq.f32 v38, $4.000000000e+00;
	_ =	swait.ge [sflag:s24], $0x800  }
0x246: {  	vm4 =	veq.f32 v38, $7.000000000e+00;
	vm3 =	veq.f32 v38, $5.000000000e+00;
	v42 =	vsel vm1, $0x3F800000, v14;
	[sflag:s24] =	ssyncset.done $0x0  }
0x247: {  	v47 =	vnsel vm2, $0x0, v35;
	v48 =	vsel vm2, $0x3F800000, v14;
	vm2 =	veq.f32 v38, $3.000000000e+00;
	[sflag:s24] =	ssyncadd.s32 $0xFFFFF800  }
0x248: {  	vm10 =	veq.f32 v38, $6.000000000e+00;
	v44 =	vnsel vm1, $0x0, v35;
	v45 =	vnsel vm5, $0x0, v35;
	_ =	swait.ge [sflag:s24], $0x800  }
0x249: {  	v46 =	vnsel vm4, $0x0, v35;
	v43 =	vsel vm5, $0x3F800000, v14;
	v34 =	vadd.f32 v47, v34;
	[sflag:s24] =	ssyncset.done $0x0  }
0x24a: {  	v49 =	vnsel vm2, $0x0, v35;
	v31 =	vadd.f32 v48, v31;
	v50 =	vnsel vm6, $0x0, v35;
	[sflag:s24] =	ssyncadd.s32 $0xFFFFF800  }
0x24b: {  	v51 =	vsel vm2, $0x3F800000, v14;
	v52 =	vsel vm6, $0x3F800000, v14;
	v56 =	vadd.f32 v44, v20;
	_ =	swait.ge [sflag:s24], $0x800  }
0x24c: {  	v53 =	vsel vm3, $0x3F800000, v14;
	v41 =	vadd.f32 v42, v21;
	v25 =	vadd.f32 v45, v25;
	[sflag:s24] =	ssyncset.done $0x0  }
0x24d: {  	v54 =	vnsel vm10, $0x0, v35;
	v30 =	vadd.f32 v43, v30;
	v2 =	vadd.f32 v2, v2;
	[sflag:s24] =	ssyncadd.s32 $0xFFFFF800  }
0x24e: {  	v55 =	vsel vm4, $0x3F800000, v14;
	v24 =	vadd.f32 v46, v24;
	v32 =	vadd.f32 v50, v32;
	_ =	swait.ge [sflag:s24], $0x800  }
0x24f: {  	v33 =	vadd.f32 v52, v33;
	v2 =	vadd.f32 v2, v3;
	v3 =	vmul.f32 $4.000000000e+00, v58;
	[sflag:s24] =	ssyncset.done $0x0  }
0x250: {  	v20 =	vnsel vm3, $0x0, v35;
	v38 =	vadd.f32 v49, v29;
	v43 =	vadd.f32 v55, v22;
	[sflag:s24] =	ssyncadd.s32 $0xFFFFF800  }
0x251: {  	v57 =	vadd.f32 v53, v26;
	v22 =	vsel vm10, $0x3F800000, v14;
	v2 =	vadd.f32 v3, v2;
	s19 =	simm.s32 $0x0;
	_ =	swait.ge [sflag:s24], $0x800  }
0x252: {  	v52 =	vadd.f32 v22, v27;
	v3 =	vadd.f32 v20, v28;
	v20 =	vmov s19;
	[sflag:s24] =	ssyncset.done $0x0  }
0x253: {  	v58 =	vadd.f32 v54, v23;
	vm1 =	veq.f32 v2, $0.0e+00;
	v20 =	vshll.u32 v20, $0x4;
	[sflag:s24] =	ssyncadd.s32 $0xFFFFF800  }
0x254: {  	vm11 =	veq.f32 v2, $2.000000000e+00;
	vm12 =	veq.f32 v2, $1.000000000e+00;
	v53 =	vor.u32 v19, v20;
	_ =	swait.ge [sflag:s24], $0x800  }
0x255: {  	vm3 =	veq.f32 v2, $4.000000000e+00;
	v21 =	vnsel vm12, $0x0, v37;
	v26 =	vor.u32 v18, v53;
	[sflag:s24] =	ssyncset.done $0x0  }
0x256: {  	vm2 =	veq.f32 v2, $7.000000000e+00;
	v20 =	vadd.f32 v21, v25;
	v25 =	vor.u32 v16, v53;
	[sflag:s24] =	ssyncadd.s32 $0xFFFFF800  }
0x257: {  	vm13 =	veq.f32 v2, $5.000000000e+00;
	vm14 =	veq.f32 v2, $3.000000000e+00;
	v27 =	vor.u32 v17, v53;
	_ =	swait.ge [sflag:s24], $0x800  }
0x258: {  	vm15 =	veq.f32 v2, $6.000000000e+00;
	v23 =	vnsel vm2, $0x0, v37;
	v22 =	vsel vm12, $0x3F800000, v14;
	[sflag:s24] =	ssyncset.done $0x0  }
0x259: {  	v28 =	vsel vm11, $0x3F800000, v14;
	v2 =	vnsel vm14, $0x0, v37;
	v22 =	vadd.f32 v22, v30;
	[sflag:s24] =	ssyncadd.s32 $0xFFFFF800  }
0x25a: {  	v23 =	vadd.f32 v23, v24;
	v24 =	vadd.f32 v28, v31;
	v21 =	vnsel vm11, $0x0, v37;
	v47 =	vld.idx.msk [tilespmem:v26+s9+$0x0], $0xffff  }
0x25b: {  	v30 =	vadd.f32 v2, v38;
	v2 =	vnsel vm15, $0x0, v37;
	v21 =	vadd.f32 v21, v34;
	v49 =	vld.idx.msk [tilespmem:v25+s14+$0x0], $0xffff  }
0x25c: {  	v26 =	vnsel vm3, $0x0, v37;
	v25 =	vsel vm3, $0x3F800000, v14;
	v54 =	vld.idx.msk [tilespmem:v27+s6+$0x0], $0xffff;
	v27 =	vnsel vm1, $0x0, v37  }
0x25d: {  	v28 =	vadd.f32 v26, v32;
	v34 =	vadd.f32 v25, v33;
	v26 =	vsel vm2, $0x3F800000, v14  }
0x25e: {  	v25 =	vsel vm13, $0x3F800000, v14;
	v31 =	vadd.f32 v26, v43;
	v26 =	vadd.f32 v27, v56  }
0x25f: {  	v27 =	vadd.f32 v25, v57;
	v25 =	vadd.f32 v2, v58;
	v2 =	vor.u32 v15, v53  }
0x260: {  	v36 =	vadd.f32 v51, v36  }
0x261: {  	v45 =	vsel vm1, $0x3F800000, v14;
	v29 =	vsel vm14, $0x3F800000, v14;
	v55 =	vadd.f32 v47, v47  }
0x262: {  	v46 =	vnsel vm13, $0x0, v37;
	v48 =	vsel vm15, $0x3F800000, v14;
	v29 =	vadd.f32 v29, v36;
	s28 =	simm.s32 $0x10  }
0x263: {  	v58 =	vmov s28;
	v57 =	vmul.f32 $4.000000000e+00, v54;
	v56 =	vadd.f32 v55, v49  }
0x264: {  	v35 =	vadd.f32 v48, v52;
	v32 =	vadd.f32 v46, v3;
	v3 =	vshll.u32 v58, $0x4;
	v36 =	vld.idx.msk [tilespmem:v2+s7+$0x0], $0xffff  }
0x265: {  	v33 =	vadd.f32 v45, v41;
	v3 =	vor.u32 v19, v3;
	v38 =	vadd.f32 v57, v56  }
0x266: {  	v39 =	vor.u32 v16, v3;
	v41 =	vor.u32 v18, v3;
	v37 =	vor.u32 v15, v3  }
0x267: {  	s0 =	simm.s32 $0x20;
	v40 =	vor.u32 v17, v3;
	vm1 =	veq.f32 v38, $0.0e+00;
	vm2 =	veq.f32 v38, $2.000000000e+00  }
.LBB2_13:
0x268: {  	p0 =	sne.s32 s0, $0x170;
	vm5 =	veq.f32 v38, $1.000000000e+00;
	vm4 =	veq.f32 v38, $4.000000000e+00;
	vm3 =	veq.f32 v38, $7.000000000e+00;
	s10 =	smov.u32 s0;
	s0 =	sadd.s32 $0x10, s0  }
0x269: {  	vm6 =	veq.f32 v38, $5.000000000e+00;
	v2 =	vnsel vm5, $0x0, v36;
	v3 =	vnsel vm3, $0x0, v36  }
0x26a: {  	v42 =	vsel vm1, $0x3F800000, v14;
	v20 =	vadd.f32 v2, v20;
	v2 =	vnsel vm2, $0x0, v36  }
0x26b: {  	v43 =	vsel vm5, $0x3F800000, v14;
	vm5 =	veq.f32 v38, $6.000000000e+00;
	v41 =	vld.idx.msk [tilespmem:v41+s9+$0x0], $0xffff;
	v21 =	vadd.f32 v2, v21  }
0x26c: {  	v22 =	vadd.f32 v43, v22;
	v2 =	vld.idx.msk [tilespmem:v39+s14+$0x0], $0xffff;
	v39 =	vsel vm2, $0x3F800000, v14;
	vm2 =	veq.f32 v38, $3.000000000e+00  }
0x26d: {  	v43 =	vnsel vm6, $0x0, v36;
	v23 =	vadd.f32 v3, v23;
	v38 =	vld.idx.msk [tilespmem:v40+s6+$0x0], $0xffff;
	v40 =	vnsel vm2, $0x0, v36  }
0x26e: {  	v3 =	vnsel vm4, $0x0, v36;
	v24 =	vadd.f32 v39, v24;
	v39 =	vsel vm5, $0x3F800000, v14  }
0x26f: {  	v28 =	vadd.f32 v3, v28;
	v3 =	vsel vm4, $0x3F800000, v14;
	v44 =	vsel vm2, $0x3F800000, v14  }
0x270: {  	v34 =	vadd.f32 v3, v34;
	v3 =	vsel vm6, $0x3F800000, v14;
	v29 =	vadd.f32 v44, v29  }
0x271: {  	v45 =	vsel vm3, $0x3F800000, v14;
	v44 =	vnsel vm5, $0x0, v36;
	v41 =	vadd.f32 v41, v41  }
0x272: {  	v31 =	vadd.f32 v45, v31;
	v36 =	vnsel vm1, $0x0, v36;
	v30 =	vadd.f32 v40, v30  }
0x273: {  	v26 =	vadd.f32 v36, v26;
	v2 =	vadd.f32 v41, v2;
	v38 =	vmul.f32 $4.000000000e+00, v38  }
.Ltmp5:
0x274: {  	v27 =	vadd.f32 v3, v27;
	v40 =	vmov s10;
	v25 =	vadd.f32 v44, v25;
	v36 =	vld.idx.msk [tilespmem:v37+s7+$0x0], $0xffff;
	(pc) =	sbr.rel @p0 .LBB2_13-.Ltmp5, $4  }
0x275: {  	v32 =	vadd.f32 v43, v32;
	v3 =	vshll.u32 v40, $0x4;
	v38 =	vadd.f32 v38, v2  }
0x276: {  	v33 =	vadd.f32 v42, v33;
	v35 =	vadd.f32 v39, v35;
	v2 =	vor.u32 v19, v3  }
0x277: {  	v39 =	vor.u32 v16, v2;
	v41 =	vor.u32 v18, v2;
	v37 =	vor.u32 v15, v2  }
0x278: {  	v40 =	vor.u32 v17, v2;
	vm1 =	veq.f32 v38, $0.0e+00;
	vm2 =	veq.f32 v38, $2.000000000e+00  }
0x279: {  	_ = 	snop  }
0x27a: {  	vm4 =	veq.f32 v38, $1.000000000e+00;
	vm5 =	veq.f32 v38, $4.000000000e+00  }
0x27b: {  	vm6 =	veq.f32 v38, $7.000000000e+00;
	vm3 =	veq.f32 v38, $5.000000000e+00;
	v42 =	vsel vm1, $0x3F800000, v14  }
0x27c: {  	v43 =	vnsel vm2, $0x0, v36;
	vm12 =	veq.f32 v38, $6.000000000e+00;
	v2 =	vnsel vm4, $0x0, v36  }
0x27d: {  	v51 =	vsel vm2, $0x3F800000, v14;
	vm2 =	veq.f32 v38, $3.000000000e+00;
	v2 =	vadd.f32 v2, v20;
	v20 =	vld.idx.msk [tilespmem:v41+s9+$0x0], $0xffff  }
0x27e: {  	v39 =	vld.idx.msk [tilespmem:v39+s14+$0x0], $0xffff;
	v55 =	vnsel vm1, $0x0, v36;
	v3 =	vnsel vm6, $0x0, v36;
	v50 =	vsel vm4, $0x3F800000, v14  }
0x27f: {  	v52 =	vld.idx.msk [tilespmem:v40+s6+$0x0], $0xffff;
	v21 =	vadd.f32 v43, v21;
	v53 =	vnsel vm2, $0x0, v36;
	v56 =	vadd.f32 v55, v26  }
0x280: {  	v54 =	vsel vm2, $0x3F800000, v14;
	v42 =	vadd.f32 v42, v33;
	v22 =	vadd.f32 v50, v22  }
0x281: {  	v26 =	vnsel vm3, $0x0, v36;
	v3 =	vadd.f32 v3, v23;
	v23 =	vadd.f32 v51, v24  }
0x282: {  	v24 =	vnsel vm5, $0x0, v36;
	v41 =	vadd.f32 v54, v29;
	v20 =	vadd.f32 v20, v20  }
0x283: {  	v29 =	vsel vm6, $0x3F800000, v14;
	v40 =	vadd.f32 v53, v30;
	v30 =	vnsel vm12, $0x0, v36  }
0x284: {  	v31 =	vadd.f32 v29, v31;
	v29 =	vmul.f32 $4.000000000e+00, v52;
	v20 =	vadd.f32 v20, v39  }
0x285: {  	v37 =	vld.idx.msk [tilespmem:v37+s7+$0x0], $0xffff;
	v36 =	vadd.f32 v26, v32;
	v24 =	vadd.f32 v24, v28;
	v28 =	vsel vm5, $0x3F800000, v14  }
0x286: {  	v34 =	vadd.f32 v28, v34;
	v28 =	vsel vm3, $0x3F800000, v14;
	v20 =	vadd.f32 v29, v20  }
0x287: {  	v25 =	vadd.f32 v30, v25;
	v57 =	vadd.f32 v28, v27;
	v27 =	vsel vm12, $0x3F800000, v14  }
0x288: {  	v58 =	vadd.f32 v27, v35;
	vm1 =	veq.f32 v20, $0.0e+00;
	vm2 =	veq.f32 v20, $2.000000000e+00  }
0x289: {  	vm3 =	veq.f32 v20, $1.000000000e+00;
	vm13 =	veq.f32 v20, $4.000000000e+00;
	vm14 =	veq.f32 v20, $7.000000000e+00  }
0x28a: {  	vm15 =	veq.f32 v20, $5.000000000e+00;
	v26 =	vnsel vm3, $0x0, v37;
	v27 =	vnsel vm14, $0x0, v37  }
0x28b: {  	v44 =	vsel vm1, $0x3F800000, v14;
	v45 =	vnsel vm15, $0x0, v37;
	v35 =	vadd.f32 v26, v2  }
0x28c: {  	v2 =	vnsel vm2, $0x0, v37;
	v26 =	vsel vm3, $0x3F800000, v14;
	v33 =	vadd.f32 v27, v3  }
0x28d: {  	vm3 =	veq.f32 v20, $6.000000000e+00;
	v32 =	vadd.f32 v2, v21;
	v30 =	vadd.f32 v26, v22  }
0x28e: {  	v2 =	vsel vm2, $0x3F800000, v14;
	vm2 =	veq.f32 v20, $3.000000000e+00;
	v21 =	vnsel vm1, $0x0, v37  }
0x28f: {  	s31 =	sadd.s32 $0x1, s31;
	v20 =	vnsel vm2, $0x0, v37;
	v29 =	vadd.f32 v2, v23;
	v2 =	vnsel vm13, $0x0, v37  }
0x290: {  	p0 =	sne.s32 s31, $0x8;
	v3 =	vsel vm2, $0x3F800000, v14;
	v23 =	vadd.f32 v45, v36;
	v28 =	vadd.f32 v2, v24  }
.Ltmp6:
0x291: {  	v2 =	vsel vm13, $0x3F800000, v14;
	v22 =	vadd.f32 v3, v41;
	v3 =	vsel vm14, $0x3F800000, v14;
	(pc) =	sbr.rel @p0 .LBB2_8-.Ltmp6, $4  }
0x292: {  	v26 =	vadd.f32 v20, v40;
	v24 =	vadd.f32 v2, v34;
	v2 =	vsel vm15, $0x3F800000, v14  }
0x293: {  	v27 =	vadd.f32 v3, v31;
	v3 =	vnsel vm3, $0x0, v37;
	v34 =	vadd.f32 v21, v56  }
0x294: {  	v31 =	vadd.f32 v44, v42;
	v21 =	vadd.f32 v2, v57;
	v2 =	vsel vm3, $0x3F800000, v14  }
0x295: {  	v25 =	vadd.f32 v3, v25;
	v20 =	vadd.f32 v2, v58  }
0x296: {  	_ =	swait.ge [sflag:s18], $0x800  }
0x297: {  	[sflag:s18] =	ssyncset.done $0x0  }
0x298: {  	[sflag:s18] =	ssyncadd.s32 $0xFFFFF800  }
0x299: {  	_ =	swait.ge [sflag:s18], $0x800  }
0x29a: {  	[sflag:s18] =	ssyncset.done $0x0  }
0x29b: {  	[sflag:s18] =	ssyncadd.s32 $0xFFFFF800  }
0x29c: {  	_ =	swait.ge [sflag:s18], $0x800  }
0x29d: {  	[sflag:s18] =	ssyncset.done $0x0  }
0x29e: {  	[sflag:s18] =	ssyncadd.s32 $0xFFFFF800  }
0x29f: {  	_ =	swait.ge [sflag:s18], $0x800  }
0x2a0: {  	[sflag:s18] =	ssyncset.done $0x0  }
0x2a1: {  	[sflag:s18] =	ssyncadd.s32 $0xFFFFF800  }
0x2a2: {  	_ =	swait.ge [sflag:s18], $0x800  }
0x2a3: {  	[sflag:s18] =	ssyncset.done $0x0  }
0x2a4: {  	[sflag:s18] =	ssyncadd.s32 $0xFFFFF800  }
0x2a5: {  	_ =	swait.ge [sflag:s18], $0x800  }
0x2a6: {  	[sflag:s18] =	ssyncset.done $0x0  }
0x2a7: {  	[sflag:s18] =	ssyncadd.s32 $0xFFFFF800  }
0x2a8: {  	_ =	swait.ge [sflag:s18], $0x800  }
0x2a9: {  	[sflag:s18] =	ssyncset.done $0x0  }
0x2aa: {  	[sflag:s18] =	ssyncadd.s32 $0xFFFFF800  }
0x2ab: {  	_ =	swait.ge [sflag:s18], $0x800  }
0x2ac: {  	[sflag:s18] =	ssyncset.done $0x0  }
0x2ad: {  	[sflag:s18] =	ssyncadd.s32 $0xFFFFF800  }
0x2ae: {  	_ =	swait.ge [sflag:s18], $0x800  }
0x2af: {  	[sflag:s18] =	ssyncset.done $0x0  }
0x2b0: {  	[sflag:s18] =	ssyncadd.s32 $0xFFFFF800  }
0x2b1: {  	s0 =	simm.s32 $0x0;
	_ =	swait.ge [sflag:s18], $0x800  }
0x2b2: {  	v2 =	vmov s0;
	[sflag:s18] =	ssyncset.done $0x0  }
0x2b3: {  	v2 =	vshll.u32 v2, $0x4;
	[sflag:s18] =	ssyncadd.s32 $0xFFFFF800  }
0x2b4: {  	v2 =	vor.u32 v19, v2;
	_ =	swait.ge [sflag:s18], $0x800  }
0x2b5: {  	v3 =	vor.u32 v18, v2;
	[sflag:s18] =	ssyncset.done $0x0  }
0x2b6: {  	v36 =	vor.u32 v16, v2;
	[sflag:s18] =	ssyncadd.s32 $0xFFFFF800  }
0x2b7: {  	v37 =	vor.u32 v17, v2;
	_ =	swait.ge [sflag:s18], $0x800  }
0x2b8: {  	[sflag:s18] =	ssyncset.done $0x0  }
0x2b9: {  	[sflag:s18] =	ssyncadd.s32 $0xFFFFF800  }
0x2ba: {  	v3 =	vld.idx.msk [tilespmem:v3+s22+$0x0], $0xffff  }
0x2bb: {  	v36 =	vld.idx.msk [tilespmem:v36+s5+$0x0], $0xffff  }
0x2bc: {  	v37 =	vld.idx.msk [tilespmem:v37+s29+$0x0], $0xffff  }
0x2bd: {  	v2 =	vor.u32 v15, v2;
	_ =	sdelay $0x1  }
0x2be: {  	v3 =	vadd.f32 v3, v3  }
0x2bf: {  	s31 =	simm.s32 $0x10  }
0x2c0: {  	v58 =	vmov s31;
	v57 =	vmul.f32 $4.000000000e+00, v37;
	v3 =	vadd.f32 v3, v36  }
0x2c1: {  	v38 =	vshll.u32 v58, $0x4;
	v36 =	vld.idx.msk [tilespmem:v2+s4+$0x0], $0xffff  }
0x2c2: {  	v37 =	vadd.f32 v57, v3;
	v3 =	vor.u32 v19, v38  }
0x2c3: {  	v39 =	vor.u32 v16, v3;
	v41 =	vor.u32 v18, v3;
	v38 =	vor.u32 v15, v3  }
0x2c4: {  	s0 =	simm.s32 $0x20;
	v40 =	vor.u32 v17, v3;
	vm1 =	veq.f32 v37, $0.0e+00;
	vm2 =	veq.f32 v37, $2.000000000e+00  }
.LBB2_16:
0x2c5: {  	p0 =	sne.s32 s0, $0x170;
	vm5 =	veq.f32 v37, $1.000000000e+00;
	vm4 =	veq.f32 v37, $4.000000000e+00;
	vm3 =	veq.f32 v37, $7.000000000e+00;
	s10 =	smov.u32 s0;
	s0 =	sadd.s32 $0x10, s0  }
0x2c6: {  	vm6 =	veq.f32 v37, $5.000000000e+00;
	v2 =	vnsel vm5, $0x0, v36;
	v3 =	vnsel vm3, $0x0, v36  }
0x2c7: {  	v42 =	vsel vm1, $0x3F800000, v14;
	v35 =	vadd.f32 v2, v35;
	v2 =	vnsel vm2, $0x0, v36  }
0x2c8: {  	v43 =	vsel vm5, $0x3F800000, v14;
	vm5 =	veq.f32 v37, $6.000000000e+00;
	v41 =	vld.idx.msk [tilespmem:v41+s22+$0x0], $0xffff;
	v32 =	vadd.f32 v2, v32  }
0x2c9: {  	v30 =	vadd.f32 v43, v30;
	v2 =	vld.idx.msk [tilespmem:v39+s5+$0x0], $0xffff;
	v39 =	vsel vm2, $0x3F800000, v14;
	vm2 =	veq.f32 v37, $3.000000000e+00  }
0x2ca: {  	v43 =	vnsel vm6, $0x0, v36;
	v33 =	vadd.f32 v3, v33;
	v37 =	vld.idx.msk [tilespmem:v40+s29+$0x0], $0xffff;
	v40 =	vnsel vm2, $0x0, v36  }
0x2cb: {  	v3 =	vnsel vm4, $0x0, v36;
	v29 =	vadd.f32 v39, v29;
	v39 =	vsel vm5, $0x3F800000, v14  }
0x2cc: {  	v28 =	vadd.f32 v3, v28;
	v3 =	vsel vm4, $0x3F800000, v14;
	v44 =	vsel vm2, $0x3F800000, v14  }
0x2cd: {  	v24 =	vadd.f32 v3, v24;
	v3 =	vsel vm6, $0x3F800000, v14;
	v22 =	vadd.f32 v44, v22  }
0x2ce: {  	v45 =	vsel vm3, $0x3F800000, v14;
	v44 =	vnsel vm5, $0x0, v36;
	v41 =	vadd.f32 v41, v41  }
0x2cf: {  	v27 =	vadd.f32 v45, v27;
	v36 =	vnsel vm1, $0x0, v36;
	v26 =	vadd.f32 v40, v26  }
0x2d0: {  	v34 =	vadd.f32 v36, v34;
	v2 =	vadd.f32 v41, v2;
	v37 =	vmul.f32 $4.000000000e+00, v37  }
.Ltmp7:
0x2d1: {  	v21 =	vadd.f32 v3, v21;
	v40 =	vmov s10;
	v25 =	vadd.f32 v44, v25;
	v36 =	vld.idx.msk [tilespmem:v38+s4+$0x0], $0xffff;
	(pc) =	sbr.rel @p0 .LBB2_16-.Ltmp7, $4  }
0x2d2: {  	v23 =	vadd.f32 v43, v23;
	v3 =	vshll.u32 v40, $0x4;
	v37 =	vadd.f32 v37, v2  }
0x2d3: {  	v31 =	vadd.f32 v42, v31;
	v20 =	vadd.f32 v39, v20;
	v2 =	vor.u32 v19, v3  }
0x2d4: {  	v39 =	vor.u32 v16, v2;
	v41 =	vor.u32 v18, v2;
	v38 =	vor.u32 v15, v2  }
0x2d5: {  	v40 =	vor.u32 v17, v2;
	vm1 =	veq.f32 v37, $0.0e+00;
	vm2 =	veq.f32 v37, $2.000000000e+00  }
0x2d6: {  	_ =	sdelay $0x3  }
0x2d7: {  	v2 =	vld.idx.msk [tilespmem:v41+s22+$0x0], $0xffff  }
0x2d8: {  	v3 =	vld.idx.msk [tilespmem:v39+s5+$0x0], $0xffff  }
0x2d9: {  	v48 =	vld.idx.msk [tilespmem:v40+s29+$0x0], $0xffff  }
0x2da: {  	v38 =	vld.idx.msk [tilespmem:v38+s4+$0x0], $0xffff;
	_ =	swait.ge [sflag:s20], $0x800  }
0x2db: {  	[sflag:s20] =	ssyncset.done $0x0  }
0x2dc: {  	[sflag:s20] =	ssyncadd.s32 $0xFFFFF800  }
0x2dd: {  	_ =	swait.ge [sflag:s20], $0x800  }
0x2de: {  	[sflag:s20] =	ssyncset.done $0x0  }
0x2df: {  	[sflag:s20] =	ssyncadd.s32 $0xFFFFF800  }
0x2e0: {  	_ =	swait.ge [sflag:s20], $0x800  }
0x2e1: {  	[sflag:s20] =	ssyncset.done $0x0  }
0x2e2: {  	[sflag:s20] =	ssyncadd.s32 $0xFFFFF800  }
0x2e3: {  	_ =	swait.ge [sflag:s20], $0x800  }
0x2e4: {  	[sflag:s20] =	ssyncset.done $0x0  }
0x2e5: {  	[sflag:s20] =	ssyncadd.s32 $0xFFFFF800  }
0x2e6: {  	_ =	swait.ge [sflag:s20], $0x800  }
0x2e7: {  	[sflag:s20] =	ssyncset.done $0x0  }
0x2e8: {  	[sflag:s20] =	ssyncadd.s32 $0xFFFFF800  }
0x2e9: {  	_ =	swait.ge [sflag:s20], $0x800  }
0x2ea: {  	vm5 =	veq.f32 v37, $1.000000000e+00;
	vm6 =	veq.f32 v37, $4.000000000e+00;
	vm4 =	veq.f32 v37, $7.000000000e+00;
	[sflag:s20] =	ssyncset.done $0x0  }
0x2eb: {  	vm3 =	veq.f32 v37, $5.000000000e+00;
	v42 =	vsel vm1, $0x3F800000, v14;
	v51 =	vnsel vm2, $0x0, v36;
	[sflag:s20] =	ssyncadd.s32 $0xFFFFF800  }
0x2ec: {  	v52 =	vsel vm2, $0x3F800000, v14;
	vm2 =	veq.f32 v37, $3.000000000e+00;
	vm10 =	veq.f32 v37, $6.000000000e+00;
	_ =	swait.ge [sflag:s20], $0x800  }
0x2ed: {  	v44 =	vnsel vm1, $0x0, v36;
	v49 =	vnsel vm5, $0x0, v36;
	v50 =	vnsel vm4, $0x0, v36;
	[sflag:s20] =	ssyncset.done $0x0  }
0x2ee: {  	v43 =	vsel vm5, $0x3F800000, v14;
	v32 =	vadd.f32 v51, v32;
	v53 =	vnsel vm2, $0x0, v36;
	[sflag:s20] =	ssyncadd.s32 $0xFFFFF800  }
0x2ef: {  	v40 =	vadd.f32 v52, v29;
	v29 =	vnsel vm6, $0x0, v36;
	v57 =	vadd.f32 v44, v34;
	_ =	swait.ge [sflag:s20], $0x800  }
0x2f0: {  	v54 =	vsel vm2, $0x3F800000, v14;
	v35 =	vadd.f32 v49, v35;
	v30 =	vadd.f32 v43, v30;
	[sflag:s20] =	ssyncset.done $0x0  }
0x2f1: {  	v56 =	vsel vm4, $0x3F800000, v14;
	v33 =	vadd.f32 v50, v33;
	v28 =	vadd.f32 v29, v28;
	[sflag:s20] =	ssyncadd.s32 $0xFFFFF800  }
0x2f2: {  	v29 =	vsel vm6, $0x3F800000, v14;
	v22 =	vadd.f32 v54, v22;
	v26 =	vadd.f32 v53, v26;
	_ =	swait.ge [sflag:s20], $0x800  }
0x2f3: {  	v24 =	vadd.f32 v29, v24;
	v29 =	vsel vm3, $0x3F800000, v14;
	v2 =	vadd.f32 v2, v2;
	[sflag:s20] =	ssyncset.done $0x0  }
0x2f4: {  	v55 =	vnsel vm10, $0x0, v36;
	v37 =	vadd.f32 v56, v27;
	v58 =	vadd.f32 v29, v21;
	[sflag:s20] =	ssyncadd.s32 $0xFFFFF800  }
0x2f5: {  	s0 =	simm.s32 $0x0;
	v21 =	vsel vm10, $0x3F800000, v14;
	v2 =	vadd.f32 v2, v3;
	v3 =	vmul.f32 $4.000000000e+00, v48;
	_ =	swait.ge [sflag:s20], $0x800  }
0x2f6: {  	v27 =	vnsel vm3, $0x0, v36;
	v48 =	vadd.f32 v21, v20;
	v20 =	vmov s0;
	[sflag:s20] =	ssyncset.done $0x0  }
0x2f7: {  	v25 =	vadd.f32 v55, v25;
	v20 =	vshll.u32 v20, $0x4;
	v2 =	vadd.f32 v3, v2;
	[sflag:s20] =	ssyncadd.s32 $0xFFFFF800  }
0x2f8: {  	v3 =	vadd.f32 v27, v23;
	v23 =	vadd.f32 v42, v31;
	v49 =	vor.u32 v19, v20;
	_ =	swait.ge [sflag:s20], $0x800  }
0x2f9: {  	v50 =	vor.u32 v18, v49;
	v52 =	vor.u32 v17, v49;
	vm1 =	veq.f32 v2, $0.0e+00;
	[sflag:s20] =	ssyncset.done $0x0  }
0x2fa: {  	vm11 =	veq.f32 v2, $2.000000000e+00;
	vm12 =	veq.f32 v2, $1.000000000e+00;
	vm3 =	veq.f32 v2, $4.000000000e+00;
	[sflag:s20] =	ssyncadd.s32 $0xFFFFF800  }
0x2fb: {  	vm2 =	veq.f32 v2, $7.000000000e+00;
	vm13 =	veq.f32 v2, $5.000000000e+00;
	v21 =	vnsel vm12, $0x0, v38;
	_ =	swait.ge [sflag:s20], $0x800  }
0x2fc: {  	vm14 =	veq.f32 v2, $3.000000000e+00;
	v27 =	vadd.f32 v21, v35;
	v21 =	vor.u32 v16, v49;
	[sflag:s20] =	ssyncset.done $0x0  }
0x2fd: {  	vm15 =	veq.f32 v2, $6.000000000e+00;
	v20 =	vnsel vm2, $0x0, v38;
	v31 =	vsel vm12, $0x3F800000, v14;
	[sflag:s20] =	ssyncadd.s32 $0xFFFFF800  }
0x2fe: {  	v51 =	vsel vm1, $0x3F800000, v14;
	v30 =	vadd.f32 v31, v30;
	v31 =	vadd.f32 v20, v33;
	v20 =	vld.idx.msk [tilespmem:v50+s8+$0x0], $0xffff  }
0x2ff: {  	v29 =	vnsel vm11, $0x0, v38;
	v53 =	vsel vm11, $0x3F800000, v14;
	v2 =	vnsel vm14, $0x0, v38  }
0x300: {  	v45 =	vnsel vm13, $0x0, v38;
	v54 =	vnsel vm3, $0x0, v38;
	v55 =	vsel vm15, $0x3F800000, v14  }
0x301: {  	v56 =	vsel vm14, $0x3F800000, v14;
	v29 =	vadd.f32 v29, v32;
	v32 =	vadd.f32 v53, v40;
	v46 =	vld.idx.msk [tilespmem:v21+s23+$0x0], $0xffff  }
0x302: {  	v35 =	vadd.f32 v54, v28;
	v28 =	vadd.f32 v2, v26;
	v2 =	vnsel vm15, $0x0, v38;
	v44 =	vld.idx.msk [tilespmem:v52+s17+$0x0], $0xffff  }
0x303: {  	v26 =	vadd.f32 v20, v20;
	v20 =	vadd.f32 v2, v25;
	v2 =	vor.u32 v15, v49  }
0x304: {  	v33 =	vadd.f32 v56, v22;
	v22 =	vsel vm13, $0x3F800000, v14;
	v21 =	vsel vm3, $0x3F800000, v14  }
0x305: {  	v23 =	vadd.f32 v51, v23;
	v34 =	vadd.f32 v21, v24;
	v24 =	vnsel vm1, $0x0, v38  }
0x306: {  	s28 =	simm.s32 $0x10;
	v22 =	vadd.f32 v22, v58;
	v21 =	vsel vm2, $0x3F800000, v14;
	v24 =	vadd.f32 v24, v57  }
0x307: {  	v58 =	vmul.f32 $4.000000000e+00, v44;
	v57 =	vadd.f32 v26, v46;
	v26 =	vmov s28  }
0x308: {  	v21 =	vadd.f32 v21, v37;
	v25 =	vadd.f32 v45, v3;
	v3 =	vshll.u32 v26, $0x4;
	v36 =	vld.idx.msk [tilespmem:v2+s11+$0x0], $0xffff  }
0x309: {  	v26 =	vadd.f32 v55, v48;
	v38 =	vadd.f32 v58, v57;
	v3 =	vor.u32 v19, v3  }
0x30a: {  	v39 =	vor.u32 v16, v3;
	v41 =	vor.u32 v18, v3;
	v37 =	vor.u32 v15, v3  }
0x30b: {  	s19 =	simm.s32 $0x5;
	s31 =	simm.s32 $0x12000;
	s0 =	simm.s32 $0x20;
	v40 =	vor.u32 v17, v3;
	vm1 =	veq.f32 v38, $0.0e+00;
	vm2 =	veq.f32 v38, $2.000000000e+00  }
.LBB2_18:
0x30c: {  	p0 =	sne.s32 s0, $0x170;
	vm5 =	veq.f32 v38, $1.000000000e+00;
	vm4 =	veq.f32 v38, $4.000000000e+00;
	vm3 =	veq.f32 v38, $7.000000000e+00;
	s10 =	smov.u32 s0;
	s0 =	sadd.s32 $0x10, s0  }
0x30d: {  	vm6 =	veq.f32 v38, $5.000000000e+00;
	v2 =	vnsel vm5, $0x0, v36;
	v3 =	vnsel vm3, $0x0, v36  }
0x30e: {  	v42 =	vsel vm1, $0x3F800000, v14;
	v27 =	vadd.f32 v2, v27;
	v2 =	vnsel vm2, $0x0, v36  }
0x30f: {  	v43 =	vsel vm5, $0x3F800000, v14;
	vm5 =	veq.f32 v38, $6.000000000e+00;
	v41 =	vld.idx.msk [tilespmem:v41+s8+$0x0], $0xffff;
	v29 =	vadd.f32 v2, v29  }
0x310: {  	v30 =	vadd.f32 v43, v30;
	v2 =	vld.idx.msk [tilespmem:v39+s23+$0x0], $0xffff;
	v39 =	vsel vm2, $0x3F800000, v14;
	vm2 =	veq.f32 v38, $3.000000000e+00  }
0x311: {  	v43 =	vnsel vm6, $0x0, v36;
	v31 =	vadd.f32 v3, v31;
	v38 =	vld.idx.msk [tilespmem:v40+s17+$0x0], $0xffff;
	v40 =	vnsel vm2, $0x0, v36  }
0x312: {  	v3 =	vnsel vm4, $0x0, v36;
	v32 =	vadd.f32 v39, v32;
	v39 =	vsel vm5, $0x3F800000, v14  }
0x313: {  	v35 =	vadd.f32 v3, v35;
	v3 =	vsel vm4, $0x3F800000, v14;
	v44 =	vsel vm2, $0x3F800000, v14  }
0x314: {  	v34 =	vadd.f32 v3, v34;
	v3 =	vsel vm6, $0x3F800000, v14;
	v33 =	vadd.f32 v44, v33  }
0x315: {  	v45 =	vsel vm3, $0x3F800000, v14;
	v44 =	vnsel vm5, $0x0, v36;
	v41 =	vadd.f32 v41, v41  }
0x316: {  	v21 =	vadd.f32 v45, v21;
	v36 =	vnsel vm1, $0x0, v36;
	v28 =	vadd.f32 v40, v28  }
0x317: {  	v24 =	vadd.f32 v36, v24;
	v2 =	vadd.f32 v41, v2;
	v38 =	vmul.f32 $4.000000000e+00, v38  }
.Ltmp8:
0x318: {  	v22 =	vadd.f32 v3, v22;
	v40 =	vmov s10;
	v20 =	vadd.f32 v44, v20;
	v36 =	vld.idx.msk [tilespmem:v37+s11+$0x0], $0xffff;
	(pc) =	sbr.rel @p0 .LBB2_18-.Ltmp8, $4  }
0x319: {  	v25 =	vadd.f32 v43, v25;
	v3 =	vshll.u32 v40, $0x4;
	v38 =	vadd.f32 v38, v2  }
0x31a: {  	v23 =	vadd.f32 v42, v23;
	v26 =	vadd.f32 v39, v26;
	v2 =	vor.u32 v19, v3  }
0x31b: {  	v39 =	vor.u32 v16, v2;
	v41 =	vor.u32 v18, v2;
	v37 =	vor.u32 v15, v2  }
0x31c: {  	v40 =	vor.u32 v17, v2;
	vm1 =	veq.f32 v38, $0.0e+00;
	vm2 =	veq.f32 v38, $2.000000000e+00  }
0x31d: {  	_ =	sdelay $0x2  }
0x31e: {  	vm3 =	veq.f32 v38, $1.000000000e+00  }
0x31f: {  	v2 =	vld.idx.msk [tilespmem:v41+s8+$0x0], $0xffff;
	vm5 =	veq.f32 v38, $4.000000000e+00;
	vm4 =	veq.f32 v38, $7.000000000e+00;
	vm6 =	veq.f32 v38, $5.000000000e+00  }
0x320: {  	v39 =	vld.idx.msk [tilespmem:v39+s23+$0x0], $0xffff;
	v42 =	vsel vm1, $0x3F800000, v14;
	v50 =	vnsel vm2, $0x0, v36;
	vm7 =	veq.f32 v38, $3.000000000e+00  }
0x321: {  	v40 =	vld.idx.msk [tilespmem:v40+s17+$0x0], $0xffff;
	s0 =	simm.s32 $0x4;
	v51 =	vsel vm2, $0x3F800000, v14;
	v58 =	vnsel vm1, $0x0, v36;
	v18 =	vor.u32 v19, v18  }
0x322: {  	v37 =	vld.idx.msk [tilespmem:v37+s11+$0x0], $0xffff;
	v16 =	vor.u32 v19, v16;
	v17 =	vor.u32 v19, v17;
	v3 =	vnsel vm3, $0x0, v36;
	_ =	swait.ge [sflag:s0], $0x100  }
0x323: {  	v49 =	vnsel vm4, $0x0, v36;
	v43 =	vsel vm3, $0x3F800000, v14;
	vm3 =	veq.f32 v38, $6.000000000e+00;
	[sflag:s0] =	ssyncset.done $0x0  }
0x324: {  	v38 =	vnsel vm7, $0x0, v36;
	v52 =	vnsel vm5, $0x0, v36;
	v24 =	vadd.f32 v58, v24;
	[sflag:s0] =	ssyncadd.s32 $0xFFFFFF00  }
0x325: {  	v53 =	vsel vm7, $0x3F800000, v14;
	v23 =	vadd.f32 v42, v23;
	v3 =	vadd.f32 v3, v27;
	_ =	swait.ge [sflag:s0], $0x100  }
0x326: {  	v54 =	vsel vm5, $0x3F800000, v14;
	v27 =	vadd.f32 v50, v29;
	v29 =	vadd.f32 v43, v30;
	[sflag:s0] =	ssyncset.done $0x0  }
0x327: {  	v55 =	vnsel vm6, $0x0, v36;
	v31 =	vadd.f32 v49, v31;
	v30 =	vadd.f32 v51, v32;
	[sflag:s0] =	ssyncadd.s32 $0xFFFFFF00  }
0x328: {  	v56 =	vsel vm6, $0x3F800000, v14;
	v32 =	vadd.f32 v52, v35;
	v2 =	vadd.f32 v2, v2;
	_ =	swait.ge [sflag:s0], $0x100  }
0x329: {  	v44 =	vsel vm4, $0x3F800000, v14;
	v33 =	vadd.f32 v53, v33;
	v34 =	vadd.f32 v54, v34;
	[sflag:s0] =	ssyncset.done $0x0  }
0x32a: {  	v28 =	vadd.f32 v38, v28;
	v45 =	vmul.f32 $4.000000000e+00, v40;
	v2 =	vadd.f32 v2, v39;
	[sflag:s0] =	ssyncadd.s32 $0xFFFFFF00  }
0x32b: {  	v57 =	vnsel vm3, $0x0, v36;
	v21 =	vadd.f32 v44, v21;
	v22 =	vadd.f32 v56, v22;
	_ =	swait.ge [sflag:s0], $0x100  }
0x32c: {  	v46 =	vsel vm3, $0x3F800000, v14;
	v25 =	vadd.f32 v55, v25;
	v2 =	vadd.f32 v45, v2;
	[sflag:s0] =	ssyncset.done $0x0  }
0x32d: {  	s26 =	simm.s32 $0x12100;
	v15 =	vor.u32 v19, v15;
	v20 =	vadd.f32 v57, v20;
	v26 =	vadd.f32 v46, v26;
	[sflag:s0] =	ssyncadd.s32 $0xFFFFFF00  }
0x32e: {  	vm2 =	veq.f32 v2, $0.0e+00;
	vm3 =	veq.f32 v2, $2.000000000e+00;
	vm15 =	veq.f32 v2, $1.000000000e+00;
	v18 =	vld.idx.msk [tilespmem:v18+s26+$0x0], $0xffff  }
0x32f: {  	s28 =	simm.s32 $0x12200;
	vm9 =	veq.f32 v2, $4.000000000e+00;
	vm1 =	veq.f32 v2, $7.000000000e+00;
	vm10 =	veq.f32 v2, $5.000000000e+00;
	v16 =	vld.idx.msk [tilespmem:v16+s31+$0x0], $0xffff  }
0x330: {  	vm11 =	veq.f32 v2, $6.000000000e+00;
	v47 =	vnsel vm15, $0x0, v37;
	v48 =	vnsel vm1, $0x0, v37;
	v17 =	vld.idx.msk [tilespmem:v17+s28+$0x0], $0xffff  }
0x331: {  	v38 =	vsel vm2, $0x3F800000, v14;
	v49 =	vnsel vm3, $0x0, v37;
	v50 =	vsel vm15, $0x3F800000, v14  }
0x332: {  	v51 =	vsel vm3, $0x3F800000, v14;
	vm3 =	veq.f32 v2, $3.000000000e+00;
	v53 =	vnsel vm10, $0x0, v37  }
0x333: {  	v54 =	vnsel vm9, $0x0, v37;
	v57 =	vsel vm9, $0x3F800000, v14;
	v2 =	vadd.f32 v18, v18  }
0x334: {  	s3 =	simm.s32 $0x12300;
	v58 =	vsel vm10, $0x3F800000, v14;
	v41 =	vnsel vm11, $0x0, v37;
	v3 =	vadd.f32 v47, v3  }
0x335: {  	v19 =	vadd.f32 v49, v27;
	v15 =	vld.idx.msk [tilespmem:v15+s3+$0x0], $0xffff;
	v55 =	vmul.f32 $4.000000000e+00, v17;
	v2 =	vadd.f32 v2, v16  }
0x336: {  	v27 =	vadd.f32 v50, v29;
	v52 =	vnsel vm3, $0x0, v37;
	v31 =	vadd.f32 v48, v31  }
0x337: {  	v56 =	vsel vm3, $0x3F800000, v14;
	v32 =	vadd.f32 v54, v32;
	v2 =	vadd.f32 v55, v2  }
0x338: {  	v37 =	vnsel vm2, $0x0, v37;
	v42 =	vadd.f32 v53, v25;
	v51 =	vadd.f32 v51, v30  }
0x339: {  	v24 =	vadd.f32 v37, v24;
	v18 =	vadd.f32 v52, v28;
	vm12 =	veq.f32 v2, $0.0e+00  }
0x33a: {  	v16 =	vadd.f32 v41, v20;
	vm8 =	veq.f32 v2, $1.000000000e+00;
	v43 =	vnsel vm12, $0x0, v15  }
0x33b: {  	vm9 =	veq.f32 v2, $2.000000000e+00;
	v44 =	vnsel vm8, $0x0, v15;
	v24 =	vadd.f32 v43, v24  }
0x33c: {  	vm13 =	veq.f32 v2, $3.000000000e+00;
	v45 =	vnsel vm9, $0x0, v15;
	v3 =	vadd.f32 v44, v3  }
0x33d: {  	vm3 =	veq.f32 v2, $5.000000000e+00;
	v46 =	vnsel vm13, $0x0, v15;
	v19 =	vadd.f32 v45, v19;
	[tilespmem:$0x1C000] =	vst v24  }
0x33e: {  	vm14 =	veq.f32 v2, $6.000000000e+00;
	v48 =	vnsel vm3, $0x0, v15;
	v18 =	vadd.f32 v46, v18;
	[tilespmem:$0x1C010] =	vst v3  }
0x33f: {  	vm2 =	veq.f32 v2, $4.000000000e+00;
	v50 =	vnsel vm14, $0x0, v15;
	v49 =	vadd.f32 v48, v42;
	[tilespmem:$0x1C020] =	vst v19  }
0x340: {  	vm15 =	veq.f32 v2, $7.000000000e+00;
	v47 =	vnsel vm2, $0x0, v15;
	v16 =	vadd.f32 v50, v16;
	[tilespmem:$0x1C030] =	vst v18  }
0x341: {  	v54 =	vadd.f32 v57, v34;
	v15 =	vnsel vm15, $0x0, v15;
	v3 =	vadd.f32 v47, v32;
	[tilespmem:$0x1C050] =	vst v49  }
0x342: {  	v2 =	vadd.f32 v38, v23;
	v52 =	vsel vm8, $0x3F800000, v14;
	v15 =	vadd.f32 v15, v31;
	[tilespmem:$0x1C060] =	vst v16  }
0x343: {  	v53 =	vadd.f32 v56, v33;
	v19 =	vadd.f32 v52, v27;
	[tilespmem:$0x1C040] =	vst v3;
	v3 =	vsel vm12, $0x3F800000, v14  }
0x344: {  	v17 =	vsel vm11, $0x3F800000, v14;
	v55 =	vsel vm13, $0x3F800000, v14;
	[tilespmem:$0x1C070] =	vst v15;
	v2 =	vadd.f32 v3, v2  }
0x345: {  	v17 =	vadd.f32 v17, v26;
	v18 =	vadd.f32 v55, v53;
	[tilespmem:$0x1C090] =	vst v19;
	v3 =	vsel vm9, $0x3F800000, v14  }
0x346: {  	v56 =	vsel vm2, $0x3F800000, v14;
	v3 =	vadd.f32 v3, v51;
	[tilespmem:$0x1C080] =	vst v2;
	v2 =	vadd.f32 v58, v22  }
0x347: {  	v57 =	vsel vm3, $0x3F800000, v14;
	v15 =	vsel vm1, $0x3F800000, v14;
	v16 =	vadd.f32 v56, v54;
	[tilespmem:$0x1C0B0] =	vst v18  }
0x348: {  	[tilespmem:$0x1C0A0] =	vst v3;
	v3 =	vadd.f32 v15, v21;
	v15 =	vsel vm14, $0x3F800000, v14;
	v2 =	vadd.f32 v57, v2  }
0x349: {  	[tilespmem:$0x1C0C0] =	vst v16;
	v58 =	vsel vm15, $0x3F800000, v14;
	v15 =	vadd.f32 v15, v17  }
0x34a: {  	v3 =	vadd.f32 v58, v3;
	[tilespmem:$0x1C0D0] =	vst v2  }
0x34b: {  	[tilespmem:$0x1C0E0] =	vst v15  }
0x34c: {  	s10 =	rddreg [dreg:$0x5];
	s3 =	simm.s32 $0x1C000;
	[tilespmem:$0x1C0F0] =	vst v3  }
0x34d: {  	[hbm4b:s10+s5] =	stream.linear.scatter [tilespmem:s3], [sflag:$0x5], $0x100, $0x38;
	[tilespmem:$0x1C120] =	vst v63  }
0x34e: {  	_ =	swait.ge [sflag:s19], $0x100  }
0x34f: {  	s26 =	rddreg [dreg:$0x7]  }
0x350: {  	s28 =	rddreg [dreg:$0x6];
	s3 =	sadd.s32 $0x1, s26  }
0x351: {  	p0 =	sne.s32 s3, s28  }
.Ltmp9:
0x352: {  	_ = 	snop;
	(pc) =	sbr.rel @p0 .LBB2_1-.Ltmp9, $3  }
0x353: {  	_ =	sdelay $0x1  }
0x354: {  	[sflag:s19] =	ssyncset.done $0x0  }
0x355: {  	[sflag:s19] =	ssyncadd.s32 $0xFFFFFF00  }
0x356: {  	_ =	sfence.sel $0x180000  }
0x357: {  	[bflag:$0x0] =	sbarrier.arrive $0xFFFF  }
0x358: {  	_ =	strace $0x90000047  }
0x359: {  	s0 =	stileid.u32;
	[bflag:$0x2] =	sbarrier.arrive $0xFFFF  }
0x35a: {  	p0 =	sne.s32 s0, $0x0;
	s0 =	rddreg [dreg:$0x4]  }
0x35b: {  	s0 =	sadd.s32 @!p0 $0x100000, s0  }
0x35c: {  	[sflag:s0] =	ssyncadd.tile.s32 @!p0 $0x1;
	_ =	shalt  }
.Lfunc_end2:
_tile_overlayer_lowered:
.L_overlay_start_2:
0x35d: {  	(tag) =	ssettag $0x2  }
0x35e: {  	s0 =	rddreg [dreg:$0x0];
	s2 =	stileid.u32  }
0x35f: {  	s1 =	rddreg [dreg:$0x1];
	p0 =	sne.s32 s2, $0x0  }
0x360: {  	s3 =	rddreg [dreg:$0x2];
	[bflag:$0x3] =	sbarrier.arrive $0xFFFF;
	s2 =	simm.s32 @!p0 $0x1C05  }
0x361: {  	[timem:s3], [sflag:s2] =	dma.local @!p0 [hbm:s0], s1  }
0x362: {  	s0 =	simm.s32 @!p0 $0x5  }
0x363: {  	_ =	swait.ge @!p0 [sflag:s0], s1  }
0x364: {  	s1 =	ssub.s32 @!p0 $0x0, s1;
	[sflag:s0] =	ssyncset.done @!p0 $0x0  }
0x365: {  	[sflag:s0] =	ssyncadd.s32 @!p0 s1  }
0x366: {  	[bflag:$0x3] =	sbarrier.arrive $0xFFFF  }
0x367: {  	_ =	shalt  }

</sc_bundles>
